<compile_context>
chip_gen: v7x
topology: tpu7x:2x2x1
jax: 0.10.2.dev20260603
libtpu: 0.0.44.dev20260713+nightly
codegen_flags: <defaults>
</compile_context>

<pallas_src>
import dataclasses
import functools

import jax
import jax.numpy as jnp
from jax import lax
from jax.experimental import pallas as pl
from jax.experimental.pallas import tpu as pltpu
from jax.experimental.pallas import tpu_sc as plsc

_NODE = [100000, 65536, 16384, 4096, 1024, 128]
_CH = [1, 8, 16, 32, 64, 128]
_B = 8
_NSUB = 16
_NW = 2 * _NSUB
_CHUNK = 128
_TRASH = 128


def _prep_edges(src, dst, n_out, R):
    E = src.shape[0]
    per = E // _NW
    chunk = min(_CHUNK, max(8, 16384 // R))
    if per < 2 * chunk:
        chunk = max(8, per // 2)
    nbuf = 2
    nk = -(-per // chunk)
    if nk >= 4 and R >= 64:
        nbuf = 4
        nk = -(-nk // 4) * 4
    else:
        nk += nk % 2
    pad = nk * chunk - per
    s = src.reshape(_NW, per)
    d = dst.reshape(_NW, per)
    if pad:
        s = jnp.pad(s, ((0, 0), (0, pad)))
        trash = n_out + (jnp.arange(pad, dtype=jnp.int32) % _TRASH)
        d = jnp.concatenate(
            [d, jnp.broadcast_to(trash, (_NW, pad))], axis=1)
    return s.reshape(_NW, nk, chunk), d.reshape(_NW, nk, chunk), nk, chunk, nbuf


def _sc_gather_scatter(n_in, n_out, R, nk, chunk, nbuf, z, src_r, dst_r,
                       zeros):
    rows_pad = n_out + _TRASH
    rpt_zero = rows_pad // _NSUB
    rpt_out = n_out // _NSUB
    spmem_src = R == 8
    mesh = plsc.VectorSubcoreMesh(core_axis_name="c", subcore_axis_name="s")

    @functools.partial(
        pl.kernel,
        mesh=mesh,
        compiler_params=pltpu.CompilerParams(use_tc_tiling_on_sc=False),
        out_type=jax.ShapeDtypeStruct((2, n_out, R), jnp.float32),
        scratch_types=[
            pltpu.VMEM((nk, chunk), jnp.int32),
            pltpu.VMEM((nk, chunk), jnp.int32),
        ] + [pltpu.VMEM((chunk, R), jnp.float32)] * nbuf
          + [pltpu.VMEM_SHARED((rows_pad, R), jnp.float32)]
          + ([pltpu.VMEM_SHARED((n_in, R), jnp.float32)] if spmem_src else [])
          + [pltpu.SemaphoreType.DMA] * (2 * nbuf + 1),
    )
    def k(z_hbm, src_hbm, dst_hbm, zero_hbm, out_hbm, sidx, didx, *scr):
        sts = scr[:nbuf]
        agg = scr[nbuf]
        off = nbuf + 1
        if spmem_src:
            ztab = scr[off]
            off += 1
        sems = scr[off:off + nbuf]
        ssems = scr[off + nbuf:off + 2 * nbuf]
        zsem = scr[off + 2 * nbuf]
        c = lax.axis_index("c")
        s = lax.axis_index("s")
        w = c * _NSUB + s
        zcp = pltpu.make_async_copy(
            zero_hbm.at[pl.ds(s * rpt_zero, rpt_zero)],
            agg.at[pl.ds(s * rpt_zero, rpt_zero)], zsem)
        zcp.start()
        pltpu.sync_copy(src_hbm.at[w], sidx)
        pltpu.sync_copy(dst_hbm.at[w], didx)
        if spmem_src:
            zpt = n_in // _NSUB
            pltpu.sync_copy(z_hbm.at[pl.ds(s * zpt, zpt)],
                            ztab.at[pl.ds(s * zpt, zpt)])
        zcp.wait()
        plsc.subcore_barrier()
        zsrc = ztab if spmem_src else z_hbm

        def gather(kk, b):
            return pltpu.make_async_copy(zsrc.at[sidx.at[kk]],
                                         sts[b], sems[b])

        def scatter_start(kk, b):
            pltpu.async_copy(sts[b], agg.at[didx.at[kk]], ssems[b], add=True)

        def scatter_wait(kk, b):
            pltpu.make_async_copy(sts[b], agg.at[didx.at[kk]],
                                  ssems[b]).wait()

        for j in range(nbuf - 1):
            gather(j, j).start()

        @pl.loop(0, nk // nbuf)
        def _(i):
            for par in range(nbuf):
                kk = i * nbuf + par
                nxt_b = (par + nbuf - 1) % nbuf

                @pl.when((kk + nbuf - 1 < nk) & (kk > 0))
                def _():
                    scatter_wait(kk - 1, nxt_b)
                    gather(kk + nbuf - 1, nxt_b).start()

                @pl.when((kk + nbuf - 1 < nk) & (kk == 0))
                def _():
                    gather(kk + nbuf - 1, nxt_b).start()

                gather(kk, par).wait()
                scatter_start(kk, par)

        for par in range(nbuf):
            scatter_wait(nk - nbuf + par, par)
        plsc.subcore_barrier()
        pltpu.sync_copy(agg.at[pl.ds(s * rpt_out, rpt_out)],
                        out_hbm.at[c, pl.ds(s * rpt_out, rpt_out)])

    return k(z, src_r, dst_r, zeros)


def _sc_transpose_x(x):
    n0p = x.shape[1]
    per = n0p // _NW
    mesh = plsc.VectorSubcoreMesh(core_axis_name="c", subcore_axis_name="s")
    cp = pltpu.CompilerParams(use_tc_tiling_on_sc=False)
    if "needs_layout_passes" in pltpu.CompilerParams.__dataclass_fields__:
        cp = dataclasses.replace(cp, needs_layout_passes=False)

    @functools.partial(
        pl.kernel,
        mesh=mesh,
        compiler_params=cp,
        out_type=jax.ShapeDtypeStruct((n0p, _B), jnp.float32),
        scratch_types=[
            pltpu.VMEM((_B, per), jnp.float32),
            pltpu.VMEM((per, _B), jnp.float32),
        ],
    )
    def k(x_hbm, out_hbm, xin, xt):
        c = lax.axis_index("c")
        s = lax.axis_index("s")
        w = c * _NSUB + s
        base = w * per
        pltpu.sync_copy(x_hbm.at[:, pl.ds(base, per)], xin)

        @pl.loop(0, per // 16)
        def _(j):
            col0 = j * 16
            rows = col0 + lax.iota(jnp.int32, 16)
            for b in range(_B):
                v = xin[b, pl.ds(col0, 16)]
                plsc.store_scatter(
                    xt, [rows, jnp.full((16,), b, jnp.int32)], v)

        pltpu.sync_copy(xt, out_hbm.at[pl.ds(base, per)])

    return k(x)


def _mix(p, W, b, n_out):
    M = jnp.kron(jnp.eye(_B, dtype=jnp.float32), W.T)
    Rin, Rout = M.shape
    g = max(1, 128 // Rin)
    ki = max(1, Rin // 128)
    s = g * Rout // 128
    NR = n_out * Rin // (128 * ki)
    bnr = min(NR, 4096)
    Mfull = jnp.kron(jnp.eye(g, dtype=jnp.float32), M)
    bcat = jnp.tile(jnp.tile(b, _B), g)[None, :]
    def body(p_ref, m_ref, b_ref, o_ref):
        a = p_ref[0] + p_ref[1]
        res = b_ref[...]
        for r in range(ki):
            res = res + jnp.dot(a[:, r, :], m_ref[r * 128:(r + 1) * 128, :],
                                preferred_element_type=jnp.float32)
        for r in range(s):
            o_ref[:, r, :] = res[:, r * 128:(r + 1) * 128]

    z_w = pl.pallas_call(
        body,
        grid=(NR // bnr,),
        in_specs=[
            pl.BlockSpec((2, bnr, ki, 128), lambda i: (0, i, 0, 0)),
            pl.BlockSpec((ki * 128, g * Rout), lambda i: (0, 0)),
            pl.BlockSpec((1, g * Rout), lambda i: (0, 0)),
        ],
        out_specs=pl.BlockSpec((bnr, s, 128), lambda i: (i, 0, 0)),
        out_shape=jax.ShapeDtypeStruct((NR, s, 128), jnp.float32),
    )(p.reshape(2, NR, ki, 128), Mfull, bcat)
    return z_w.reshape(n_out, Rout)


def _final(p4, M4, bv4, W1T, b1, W2T, b2):

    def body(p_ref, m_ref, bv_ref, w1_ref, b1_ref, w2_ref, b2_ref, o_ref):
        a = p_ref[0] + p_ref[1]
        z5 = bv_ref[...]
        for r in range(4):
            z5 = z5 + jnp.dot(a[:, r, :], m_ref[r * 128:(r + 1) * 128, :],
                              preferred_element_type=jnp.float32)
        flat = z5.T.reshape(_B, 128 * 128)
        h = (jnp.dot(flat, w1_ref[...], preferred_element_type=jnp.float32)
             + b1_ref[...])
        o_ref[...] = (
            jnp.dot(h, w2_ref[...], preferred_element_type=jnp.float32)
            + b2_ref[...])

    return pl.pallas_call(
        body,
        out_shape=jax.ShapeDtypeStruct((_B, 10), jnp.float32),
    )(p4, M4, bv4, W1T, b1, W2T, b2)


def kernel(x, src0, dst0, W0, b0, src1, dst1, W1, b1, src2, dst2, W2, b2,
           src3, dst3, W3, b3, src4, dst4, W4, b4, W_fc1, b_fc1, W_fc2, b_fc2):
    srcs = [src0, src1, src2, src3, src4]
    dsts = [dst0, dst1, dst2, dst3, dst4]
    Ws = [W0, W1, W2, W3, W4]
    bs = [b0, b1, b2, b3, b4]

    eye = jnp.eye(_B, dtype=jnp.float32)
    n0p = 100352
    xp = jnp.pad(x, ((0, 0), (0, n0p - _NODE[0])))
    z = _sc_transpose_x(xp)
    partials = None
    for l in range(5):
        n_in, n_out = _NODE[l], _NODE[l + 1]
        R_in = _B * _CH[l]
        src_r, dst_r, nk, chunk, nbuf = _prep_edges(srcs[l], dsts[l],
                                                    n_out, R_in)
        zeros = jnp.zeros((n_out + _TRASH, R_in), jnp.float32)
        partials = _sc_gather_scatter(n_in, n_out, R_in, nk, chunk, nbuf,
                                      z, src_r, dst_r, zeros)
        if l < 4:
            z = _mix(partials, Ws[l], bs[l], n_out)

    M4 = jnp.kron(eye, W4.T)
    bv4 = jnp.tile(b4, _B)[None, :]
    out = _final(partials.reshape(2, 128, 4, 128), M4, bv4,
                 W_fc1.T, b_fc1[None, :], W_fc2.T, b_fc2[None, :])
    return out

# --- scband reference (transcript-rebuilt; emitter-appended) ---
"""Pipeline reference for scband-rclassifier0-58978490908736 (READ-ONLY COPY).

The authoritative reference and input builder live on the scoring server;
editing this copy changes nothing except your own understanding.
"""

import jax, jax.numpy as jnp
import numpy as np

NODE = [100000, 65536, 16384, 4096, 1024, 128]
CH = [1, 8, 16, 32, 64, 128]
B = 8
NCLS = 10


def setup_inputs(seed: int = 0) -> dict:
    key = jax.random.key(seed)
    ks = jax.random.split(key, 40)
    inp = {}
    inp["x"] = jax.random.normal(ks[0], (B, NODE[0]), dtype=jnp.float32)
    for l in range(5):
        n_in, n_out = NODE[l], NODE[l + 1]
        E = 2 * n_in
        inp[f"src{l}"] = jax.random.randint(ks[1 + 2 * l], (E,), 0, n_in, dtype=jnp.int32)
        inp[f"dst{l}"] = jnp.sort(jax.random.randint(ks[2 + 2 * l], (E,), 0, n_out, dtype=jnp.int32))
        inp[f"W{l}"] = jax.random.normal(ks[11 + 2 * l], (CH[l + 1], CH[l]), dtype=jnp.float32) * 0.1
        inp[f"b{l}"] = jnp.zeros((CH[l + 1],), dtype=jnp.float32)
    inp["W_fc1"] = jax.random.normal(ks[30], (CH[5], NODE[5] * CH[5]), dtype=jnp.float32) * 0.01
    inp["b_fc1"] = jnp.zeros((CH[5],), dtype=jnp.float32)
    inp["W_fc2"] = jax.random.normal(ks[31], (NCLS, CH[5]), dtype=jnp.float32) * 0.1
    inp["b_fc2"] = jnp.zeros((NCLS,), dtype=jnp.float32)
    return inp


def _region_fgl(z, src, dst, W, b, n_out):
    # RegionFGL with reduction='sum': gather input-node features along region
    # adjacency, scatter-add into output regions, then mix channels linearly.
    g = z[:, :, src]                                   # [B, C_in, E]
    agg = jnp.zeros((z.shape[0], z.shape[1], n_out), dtype=z.dtype).at[:, :, dst].add(g)
    return jnp.einsum('oc,bce->boe', W, agg) + b[None, :, None]


def reference(x,
              src0, dst0, W0, b0,
              src1, dst1, W1, b1,
              src2, dst2, W2, b2,
              src3, dst3, W3, b3,
              src4, dst4, W4, b4,
              W_fc1, b_fc1, W_fc2, b_fc2):
    srcs = [src0, src1, src2, src3, src4]
    dsts = [dst0, dst1, dst2, dst3, dst4]
    Ws = [W0, W1, W2, W3, W4]
    bs = [b0, b1, b2, b3, b4]
    z = x[:, None, :]                                  # [B, 1, n0]
    for l in range(5):
        z = _region_fgl(z, srcs[l], dsts[l], Ws[l], bs[l], NODE[l + 1])
        # activation{l} is nn.Dropout only -> identity at eval time
    flat = z.reshape(z.shape[0], -1)                   # [B, 128*128]
    h = flat @ W_fc1.T + b_fc1
    return h @ W_fc2.T + b_fc2

if __name__ == "__main__":
    import jax
    _d = setup_inputs()
    print(jax.jit(kernel)(*tuple(_d.values())))

</pallas_src>

<mosaic_0001>
#map = affine_map<(d0, d1) -> (0, 0)>
#map1 = affine_map<(d0, d1) -> (0, 0, 0)>
module attributes {stable_mosaic.version = 14 : i64} {
  func.func @k(%arg0: i32, %arg1: i32, %arg2: memref<16384x128xf32, #tpu.memory_space<hbm>>, %arg3: memref<32x8x128xi32, #tpu.memory_space<hbm>>, %arg4: memref<32x8x128xi32, #tpu.memory_space<hbm>>, %arg5: memref<4224x128xf32, #tpu.memory_space<hbm>>, %arg6: memref<2x4096x128xf32, #tpu.memory_space<hbm>>, %arg7: memref<8x128xi32, #tpu.memory_space<vmem>>, %arg8: memref<8x128xi32, #tpu.memory_space<vmem>>, %arg9: memref<128x128xf32, #tpu.memory_space<vmem>>, %arg10: memref<128x128xf32, #tpu.memory_space<vmem>>, %arg11: memref<128x128xf32, #tpu.memory_space<vmem>>, %arg12: memref<128x128xf32, #tpu.memory_space<vmem>>, %arg13: memref<4224x128xf32, #tpu.memory_space<vmem_shared>>, %arg14: memref<!tpu.dma_semaphore, #tpu.memory_space<semaphore_mem>>, %arg15: memref<!tpu.dma_semaphore, #tpu.memory_space<semaphore_mem>>, %arg16: memref<!tpu.dma_semaphore, #tpu.memory_space<semaphore_mem>>, %arg17: memref<!tpu.dma_semaphore, #tpu.memory_space<semaphore_mem>>, %arg18: memref<!tpu.dma_semaphore, #tpu.memory_space<semaphore_mem>>, %arg19: memref<!tpu.dma_semaphore, #tpu.memory_space<semaphore_mem>>, %arg20: memref<!tpu.dma_semaphore, #tpu.memory_space<semaphore_mem>>, %arg21: memref<!tpu.dma_semaphore, #tpu.memory_space<semaphore_mem>>, %arg22: memref<!tpu.dma_semaphore, #tpu.memory_space<semaphore_mem>>) attributes {dimension_semantics = [#tpu.dimension_semantics<core_parallel>, #tpu.dimension_semantics<subcore_parallel>], iteration_bounds = array<i64: 2, 16>, scalar_prefetch = 0 : i64, scratch_operands = 16 : i64, tpu.core_type = #tpu.core_type<sc_vector_subcore>, window_params = [{transform_indices = #map}, {transform_indices = #map1}, {transform_indices = #map1}, {transform_indices = #map}, {transform_indices = #map1}]} {
    %mul3A = arith.constant 16 : i32
    %mul3A_0 = arith.muli %arg0, %mul3A : i32
    %add3A = arith.addi %mul3A_0, %arg1 : i32
    %mul3A_1 = arith.constant 264 : i32
    %mul3A_2 = arith.muli %arg1, %mul3A_1 : i32
    %mul3A_3 = arith.constant 264 : i32
    %mul3A_4 = arith.muli %arg1, %mul3A_3 : i32
    %dma_start3A = arith.constant 0 : i32
    %dma_start3A_5 = tpu.memref_slice %arg13[%mul3A_4, %dma_start3A] : memref<4224x128xf32, #tpu.memory_space<vmem_shared>> -> memref<264x128xf32, #tpu.memory_space<vmem_shared>>
    %dma_start3A_6 = arith.constant 0 : i32
    %dma_start3A_7 = tpu.memref_slice %arg5[%mul3A_2, %dma_start3A_6] : memref<4224x128xf32, #tpu.memory_space<hbm>> -> memref<264x128xf32, #tpu.memory_space<hbm>>
    tpu.enqueue_dma source(%dma_start3A_7 : memref<264x128xf32, #tpu.memory_space<hbm>>) target(%dma_start3A_5 : memref<264x128xf32, #tpu.memory_space<vmem_shared>>) target_semaphore(%arg22 : memref<!tpu.dma_semaphore, #tpu.memory_space<semaphore_mem>>)
    "tpu.region"() ({
      %run_scoped3A = tpu.sem_alloc : memref<!tpu.dma_semaphore, #tpu.memory_space<semaphore_mem>>
      %dma_start3A_69 = arith.constant 0 : i32
      %dma_start3A_70 = arith.constant 0 : i32
      %dma_start3A_71 = tpu.memref_slice %arg3[%add3A, %dma_start3A_69, %dma_start3A_70] : memref<32x8x128xi32, #tpu.memory_space<hbm>> -> memref<1x8x128xi32, #tpu.memory_space<hbm>>
      %dma_start3A_72 = tpu.memref_squeeze %dma_start3A_71 : memref<1x8x128xi32, #tpu.memory_space<hbm>> -> memref<8x128xi32, #tpu.memory_space<hbm>>
      %dma_start3A_73 = arith.constant 0 : i32
      %dma_start3A_74 = arith.constant 0 : i32
      %dma_start3A_75 = tpu.memref_slice %arg3[%add3A, %dma_start3A_73, %dma_start3A_74] : memref<32x8x128xi32, #tpu.memory_space<hbm>> -> memref<1x8x128xi32, #tpu.memory_space<hbm>>
      %dma_start3A_76 = tpu.memref_squeeze %dma_start3A_75 : memref<1x8x128xi32, #tpu.memory_space<hbm>> -> memref<8x128xi32, #tpu.memory_space<hbm>>
      tpu.enqueue_dma source(%dma_start3A_76 : memref<8x128xi32, #tpu.memory_space<hbm>>) target(%arg7 : memref<8x128xi32, #tpu.memory_space<vmem>>) target_semaphore(%run_scoped3A : memref<!tpu.dma_semaphore, #tpu.memory_space<semaphore_mem>>)
      %dma_wait3A_77 = arith.constant 0 : i32
      %dma_wait3A_78 = arith.constant 0 : i32
      %dma_wait3A_79 = tpu.memref_slice %arg3[%add3A, %dma_wait3A_77, %dma_wait3A_78] : memref<32x8x128xi32, #tpu.memory_space<hbm>> -> memref<1x8x128xi32, #tpu.memory_space<hbm>>
      %dma_wait3A_80 = tpu.memref_squeeze %dma_wait3A_79 : memref<1x8x128xi32, #tpu.memory_space<hbm>> -> memref<8x128xi32, #tpu.memory_space<hbm>>
      %dma_wait3A_81 = arith.constant 0 : i32
      %dma_wait3A_82 = arith.constant 0 : i32
      %dma_wait3A_83 = tpu.memref_slice %arg3[%add3A, %dma_wait3A_81, %dma_wait3A_82] : memref<32x8x128xi32, #tpu.memory_space<hbm>> -> memref<1x8x128xi32, #tpu.memory_space<hbm>>
      %dma_wait3A_84 = tpu.memref_squeeze %dma_wait3A_83 : memref<1x8x128xi32, #tpu.memory_space<hbm>> -> memref<8x128xi32, #tpu.memory_space<hbm>>
      tpu.wait_dma2 semaphore(%run_scoped3A : memref<!tpu.dma_semaphore, #tpu.memory_space<semaphore_mem>>) src(%dma_wait3A_84 : memref<8x128xi32, #tpu.memory_space<hbm>>) dst(%arg7 : memref<8x128xi32, #tpu.memory_space<vmem>>)
      tpu.yield
    }) : () -> ()
    "tpu.region"() ({
      %run_scoped3A = tpu.sem_alloc : memref<!tpu.dma_semaphore, #tpu.memory_space<semaphore_mem>>
      %dma_start3A_69 = arith.constant 0 : i32
      %dma_start3A_70 = arith.constant 0 : i32
      %dma_start3A_71 = tpu.memref_slice %arg4[%add3A, %dma_start3A_69, %dma_start3A_70] : memref<32x8x128xi32, #tpu.memory_space<hbm>> -> memref<1x8x128xi32, #tpu.memory_space<hbm>>
      %dma_start3A_72 = tpu.memref_squeeze %dma_start3A_71 : memref<1x8x128xi32, #tpu.memory_space<hbm>> -> memref<8x128xi32, #tpu.memory_space<hbm>>
      %dma_start3A_73 = arith.constant 0 : i32
      %dma_start3A_74 = arith.constant 0 : i32
      %dma_start3A_75 = tpu.memref_slice %arg4[%add3A, %dma_start3A_73, %dma_start3A_74] : memref<32x8x128xi32, #tpu.memory_space<hbm>> -> memref<1x8x128xi32, #tpu.memory_space<hbm>>
      %dma_start3A_76 = tpu.memref_squeeze %dma_start3A_75 : memref<1x8x128xi32, #tpu.memory_space<hbm>> -> memref<8x128xi32, #tpu.memory_space<hbm>>
      tpu.enqueue_dma source(%dma_start3A_76 : memref<8x128xi32, #tpu.memory_space<hbm>>) target(%arg8 : memref<8x128xi32, #tpu.memory_space<vmem>>) target_semaphore(%run_scoped3A : memref<!tpu.dma_semaphore, #tpu.memory_space<semaphore_mem>>)
      %dma_wait3A_77 = arith.constant 0 : i32
      %dma_wait3A_78 = arith.constant 0 : i32
      %dma_wait3A_79 = tpu.memref_slice %arg4[%add3A, %dma_wait3A_77, %dma_wait3A_78] : memref<32x8x128xi32, #tpu.memory_space<hbm>> -> memref<1x8x128xi32, #tpu.memory_space<hbm>>
      %dma_wait3A_80 = tpu.memref_squeeze %dma_wait3A_79 : memref<1x8x128xi32, #tpu.memory_space<hbm>> -> memref<8x128xi32, #tpu.memory_space<hbm>>
      %dma_wait3A_81 = arith.constant 0 : i32
      %dma_wait3A_82 = arith.constant 0 : i32
      %dma_wait3A_83 = tpu.memref_slice %arg4[%add3A, %dma_wait3A_81, %dma_wait3A_82] : memref<32x8x128xi32, #tpu.memory_space<hbm>> -> memref<1x8x128xi32, #tpu.memory_space<hbm>>
      %dma_wait3A_84 = tpu.memref_squeeze %dma_wait3A_83 : memref<1x8x128xi32, #tpu.memory_space<hbm>> -> memref<8x128xi32, #tpu.memory_space<hbm>>
      tpu.wait_dma2 semaphore(%run_scoped3A : memref<!tpu.dma_semaphore, #tpu.memory_space<semaphore_mem>>) src(%dma_wait3A_84 : memref<8x128xi32, #tpu.memory_space<hbm>>) dst(%arg8 : memref<8x128xi32, #tpu.memory_space<vmem>>)
      tpu.yield
    }) : () -> ()
    %dma_wait3A = arith.constant 0 : i32
    %dma_wait3A_8 = tpu.memref_slice %arg13[%mul3A_4, %dma_wait3A] : memref<4224x128xf32, #tpu.memory_space<vmem_shared>> -> memref<264x128xf32, #tpu.memory_space<vmem_shared>>
    %dma_wait3A_9 = arith.constant 0 : i32
    %dma_wait3A_10 = tpu.memref_slice %arg5[%mul3A_2, %dma_wait3A_9] : memref<4224x128xf32, #tpu.memory_space<hbm>> -> memref<264x128xf32, #tpu.memory_space<hbm>>
    tpu.wait_dma2 semaphore(%arg22 : memref<!tpu.dma_semaphore, #tpu.memory_space<semaphore_mem>>) src(%dma_wait3A_10 : memref<264x128xf32, #tpu.memory_space<hbm>>) dst(%dma_wait3A_8 : memref<264x128xf32, #tpu.memory_space<vmem_shared>>)
    %barrier3A = arith.constant 0 : index
    tpu.barrier barrier_id(%barrier3A)
    %dma_start3A_11 = arith.constant 0 : i32
    %dma_start3A_12 = arith.constant 0 : i32
    %dma_start3A_13 = tpu.memref_slice %arg7[%dma_start3A_11, %dma_start3A_12] : memref<8x128xi32, #tpu.memory_space<vmem>> -> memref<1x128xi32, #tpu.memory_space<vmem>>
    %dma_start3A_14 = tpu.memref_squeeze %dma_start3A_13 : memref<1x128xi32, #tpu.memory_space<vmem>> -> memref<128xi32, #tpu.memory_space<vmem>>
    %dma_start3A_15 = arith.constant 0 : i32
    %dma_start3A_16 = arith.constant 0 : i32
    %dma_start3A_17 = tpu.memref_slice %arg2[%dma_start3A_15, %dma_start3A_16] : memref<16384x128xf32, #tpu.memory_space<hbm>> -> memref<16384x128xf32, #tpu.memory_space<hbm>>
    tpu.enqueue_indirect_dma source(%dma_start3A_17 : memref<16384x128xf32, #tpu.memory_space<hbm>>) target(%arg9 : memref<128x128xf32, #tpu.memory_space<vmem>>) offsets(%dma_start3A_14 : memref<128xi32, #tpu.memory_space<vmem>>) semaphore(%arg14 : memref<!tpu.dma_semaphore, #tpu.memory_space<semaphore_mem>>)
    %dma_start3A_18 = arith.constant 1 : i32
    %dma_start3A_19 = arith.constant 0 : i32
    %dma_start3A_20 = tpu.memref_slice %arg7[%dma_start3A_18, %dma_start3A_19] : memref<8x128xi32, #tpu.memory_space<vmem>> -> memref<1x128xi32, #tpu.memory_space<vmem>>
    %dma_start3A_21 = tpu.memref_squeeze %dma_start3A_20 : memref<1x128xi32, #tpu.memory_space<vmem>> -> memref<128xi32, #tpu.memory_space<vmem>>
    %dma_start3A_22 = arith.constant 0 : i32
    %dma_start3A_23 = arith.constant 0 : i32
    %dma_start3A_24 = tpu.memref_slice %arg2[%dma_start3A_22, %dma_start3A_23] : memref<16384x128xf32, #tpu.memory_space<hbm>> -> memref<16384x128xf32, #tpu.memory_space<hbm>>
    tpu.enqueue_indirect_dma source(%dma_start3A_24 : memref<16384x128xf32, #tpu.memory_space<hbm>>) target(%arg10 : memref<128x128xf32, #tpu.memory_space<vmem>>) offsets(%dma_start3A_21 : memref<128xi32, #tpu.memory_space<vmem>>) semaphore(%arg15 : memref<!tpu.dma_semaphore, #tpu.memory_space<semaphore_mem>>)
    %dma_start3A_25 = arith.constant 2 : i32
    %dma_start3A_26 = arith.constant 0 : i32
    %dma_start3A_27 = tpu.memref_slice %arg7[%dma_start3A_25, %dma_start3A_26] : memref<8x128xi32, #tpu.memory_space<vmem>> -> memref<1x128xi32, #tpu.memory_space<vmem>>
    %dma_start3A_28 = tpu.memref_squeeze %dma_start3A_27 : memref<1x128xi32, #tpu.memory_space<vmem>> -> memref<128xi32, #tpu.memory_space<vmem>>
    %dma_start3A_29 = arith.constant 0 : i32
    %dma_start3A_30 = arith.constant 0 : i32
    %dma_start3A_31 = tpu.memref_slice %arg2[%dma_start3A_29, %dma_start3A_30] : memref<16384x128xf32, #tpu.memory_space<hbm>> -> memref<16384x128xf32, #tpu.memory_space<hbm>>
    tpu.enqueue_indirect_dma source(%dma_start3A_31 : memref<16384x128xf32, #tpu.memory_space<hbm>>) target(%arg11 : memref<128x128xf32, #tpu.memory_space<vmem>>) offsets(%dma_start3A_28 : memref<128xi32, #tpu.memory_space<vmem>>) semaphore(%arg16 : memref<!tpu.dma_semaphore, #tpu.memory_space<semaphore_mem>>)
    %scan3A = arith.constant 0 : i32
    %scan3A_32 = arith.constant 2 : i32
    %scan3A_33 = arith.addi %scan3A, %scan3A_32 : i32
    %scan3A_34 = arith.constant 1 : i32
    scf.for %scan3A_69 = %scan3A to %scan3A_33 step %scan3A_34  : i32 {
      %mul3A_70 = arith.constant 1 : i32
      %mul3A_71 = arith.muli %scan3A_69, %mul3A_70 : i32
      %add3A_72 = arith.constant 0 : i32
      %add3A_73 = arith.addi %add3A_72, %mul3A_71 : i32
      %mul3A_74 = arith.constant 4 : i32
      %mul3A_75 = arith.muli %add3A_73, %mul3A_74 : i32
      %add3A_76 = arith.constant 0 : i32
      %add3A_77 = arith.addi %mul3A_75, %add3A_76 : i32
      %add3A_78 = arith.constant 4 : i32
      %add3A_79 = arith.addi %add3A_77, %add3A_78 : i32
      %sub3A = arith.constant 1 : i32
      %sub3A_80 = arith.subi %add3A_79, %sub3A : i32
      %lt3A = arith.constant 8 : i32
      %lt3A_81 = arith.cmpi slt, %sub3A_80, %lt3A : i32
      %gt3A = arith.constant 0 : i32
      %gt3A_82 = arith.cmpi sgt, %add3A_77, %gt3A : i32
      %and3A = arith.andi %lt3A_81, %gt3A_82 : i1
      %convert_element_type3A = arith.extui %and3A : i1 to i32
      %cond3A = arith.constant 0 : i32
      %cond3A_83 = arith.cmpi ne, %convert_element_type3A, %cond3A : i32
      scf.if %cond3A_83 {
        %sub3A_227 = arith.constant 1 : i32
        %sub3A_228 = arith.subi %add3A_77, %sub3A_227 : i32
        %dma_wait3A_229 = arith.constant 0 : i32
        %dma_wait3A_230 = tpu.memref_slice %arg8[%sub3A_228, %dma_wait3A_229] : memref<8x128xi32, #tpu.memory_space<vmem>> -> memref<1x128xi32, #tpu.memory_space<vmem>>
        %dma_wait3A_231 = tpu.memref_squeeze %dma_wait3A_230 : memref<1x128xi32, #tpu.memory_space<vmem>> -> memref<128xi32, #tpu.memory_space<vmem>>
        %dma_wait3A_232 = arith.constant 0 : i32
        %dma_wait3A_233 = arith.constant 0 : i32
        %dma_wait3A_234 = tpu.memref_slice %arg13[%dma_wait3A_232, %dma_wait3A_233] : memref<4224x128xf32, #tpu.memory_space<vmem_shared>> -> memref<4224x128xf32, #tpu.memory_space<vmem_shared>>
        tpu.wait_indirect_dma semaphore(%arg21 : memref<!tpu.dma_semaphore, #tpu.memory_space<semaphore_mem>>) src(%arg12 : memref<128x128xf32, #tpu.memory_space<vmem>>) dst(%dma_wait3A_234 : memref<4224x128xf32, #tpu.memory_space<vmem_shared>>)
        %add3A_235 = arith.constant 4 : i32
        %add3A_236 = arith.addi %add3A_77, %add3A_235 : i32
        %sub3A_237 = arith.constant 1 : i32
        %sub3A_238 = arith.subi %add3A_236, %sub3A_237 : i32
        %dma_start3A_239 = arith.constant 0 : i32
        %dma_start3A_240 = tpu.memref_slice %arg7[%sub3A_238, %dma_start3A_239] : memref<8x128xi32, #tpu.memory_space<vmem>> -> memref<1x128xi32, #tpu.memory_space<vmem>>
        %dma_start3A_241 = tpu.memref_squeeze %dma_start3A_240 : memref<1x128xi32, #tpu.memory_space<vmem>> -> memref<128xi32, #tpu.memory_space<vmem>>
        %dma_start3A_242 = arith.constant 0 : i32
        %dma_start3A_243 = arith.constant 0 : i32
        %dma_start3A_244 = tpu.memref_slice %arg2[%dma_start3A_242, %dma_start3A_243] : memref<16384x128xf32, #tpu.memory_space<hbm>> -> memref<16384x128xf32, #tpu.memory_space<hbm>>
        tpu.enqueue_indirect_dma source(%dma_start3A_244 : memref<16384x128xf32, #tpu.memory_space<hbm>>) target(%arg12 : memref<128x128xf32, #tpu.memory_space<vmem>>) offsets(%dma_start3A_241 : memref<128xi32, #tpu.memory_space<vmem>>) semaphore(%arg17 : memref<!tpu.dma_semaphore, #tpu.memory_space<semaphore_mem>>)
      } else {
      }
      %add3A_84 = arith.constant 4 : i32
      %add3A_85 = arith.addi %add3A_77, %add3A_84 : i32
      %sub3A_86 = arith.constant 1 : i32
      %sub3A_87 = arith.subi %add3A_85, %sub3A_86 : i32
      %lt3A_88 = arith.constant 8 : i32
      %lt3A_89 = arith.cmpi slt, %sub3A_87, %lt3A_88 : i32
      %eq3A = arith.constant 0 : i32
      %eq3A_90 = arith.cmpi eq, %add3A_77, %eq3A : i32
      %and3A_91 = arith.andi %lt3A_89, %eq3A_90 : i1
      %convert_element_type3A_92 = arith.extui %and3A_91 : i1 to i32
      %cond3A_93 = arith.constant 0 : i32
      %cond3A_94 = arith.cmpi ne, %convert_element_type3A_92, %cond3A_93 : i32
      scf.if %cond3A_94 {
        %add3A_227 = arith.constant 4 : i32
        %add3A_228 = arith.addi %add3A_77, %add3A_227 : i32
        %sub3A_229 = arith.constant 1 : i32
        %sub3A_230 = arith.subi %add3A_228, %sub3A_229 : i32
        %dma_start3A_231 = arith.constant 0 : i32
        %dma_start3A_232 = tpu.memref_slice %arg7[%sub3A_230, %dma_start3A_231] : memref<8x128xi32, #tpu.memory_space<vmem>> -> memref<1x128xi32, #tpu.memory_space<vmem>>
        %dma_start3A_233 = tpu.memref_squeeze %dma_start3A_232 : memref<1x128xi32, #tpu.memory_space<vmem>> -> memref<128xi32, #tpu.memory_space<vmem>>
        %dma_start3A_234 = arith.constant 0 : i32
        %dma_start3A_235 = arith.constant 0 : i32
        %dma_start3A_236 = tpu.memref_slice %arg2[%dma_start3A_234, %dma_start3A_235] : memref<16384x128xf32, #tpu.memory_space<hbm>> -> memref<16384x128xf32, #tpu.memory_space<hbm>>
        tpu.enqueue_indirect_dma source(%dma_start3A_236 : memref<16384x128xf32, #tpu.memory_space<hbm>>) target(%arg12 : memref<128x128xf32, #tpu.memory_space<vmem>>) offsets(%dma_start3A_233 : memref<128xi32, #tpu.memory_space<vmem>>) semaphore(%arg17 : memref<!tpu.dma_semaphore, #tpu.memory_space<semaphore_mem>>)
      } else {
      }
      %dma_wait3A_95 = arith.constant 0 : i32
      %dma_wait3A_96 = tpu.memref_slice %arg7[%add3A_77, %dma_wait3A_95] : memref<8x128xi32, #tpu.memory_space<vmem>> -> memref<1x128xi32, #tpu.memory_space<vmem>>
      %dma_wait3A_97 = tpu.memref_squeeze %dma_wait3A_96 : memref<1x128xi32, #tpu.memory_space<vmem>> -> memref<128xi32, #tpu.memory_space<vmem>>
      %dma_wait3A_98 = arith.constant 0 : i32
      %dma_wait3A_99 = arith.constant 0 : i32
      %dma_wait3A_100 = tpu.memref_slice %arg2[%dma_wait3A_98, %dma_wait3A_99] : memref<16384x128xf32, #tpu.memory_space<hbm>> -> memref<16384x128xf32, #tpu.memory_space<hbm>>
      tpu.wait_indirect_dma semaphore(%arg14 : memref<!tpu.dma_semaphore, #tpu.memory_space<semaphore_mem>>) src(%dma_wait3A_100 : memref<16384x128xf32, #tpu.memory_space<hbm>>) dst(%arg9 : memref<128x128xf32, #tpu.memory_space<vmem>>)
      %dma_start3A_101 = arith.constant 0 : i32
      %dma_start3A_102 = tpu.memref_slice %arg8[%add3A_77, %dma_start3A_101] : memref<8x128xi32, #tpu.memory_space<vmem>> -> memref<1x128xi32, #tpu.memory_space<vmem>>
      %dma_start3A_103 = tpu.memref_squeeze %dma_start3A_102 : memref<1x128xi32, #tpu.memory_space<vmem>> -> memref<128xi32, #tpu.memory_space<vmem>>
      %dma_start3A_104 = arith.constant 0 : i32
      %dma_start3A_105 = arith.constant 0 : i32
      %dma_start3A_106 = tpu.memref_slice %arg13[%dma_start3A_104, %dma_start3A_105] : memref<4224x128xf32, #tpu.memory_space<vmem_shared>> -> memref<4224x128xf32, #tpu.memory_space<vmem_shared>>
      tpu.enqueue_indirect_dma source(%arg9 : memref<128x128xf32, #tpu.memory_space<vmem>>) target(%dma_start3A_106 : memref<4224x128xf32, #tpu.memory_space<vmem_shared>>) offsets(%dma_start3A_103 : memref<128xi32, #tpu.memory_space<vmem>>) semaphore(%arg18 : memref<!tpu.dma_semaphore, #tpu.memory_space<semaphore_mem>>) {add = true}
      %mul3A_107 = arith.constant 4 : i32
      %mul3A_108 = arith.muli %add3A_73, %mul3A_107 : i32
      %add3A_109 = arith.constant 1 : i32
      %add3A_110 = arith.addi %mul3A_108, %add3A_109 : i32
      %add3A_111 = arith.constant 4 : i32
      %add3A_112 = arith.addi %add3A_110, %add3A_111 : i32
      %sub3A_113 = arith.constant 1 : i32
      %sub3A_114 = arith.subi %add3A_112, %sub3A_113 : i32
      %lt3A_115 = arith.constant 8 : i32
      %lt3A_116 = arith.cmpi slt, %sub3A_114, %lt3A_115 : i32
      %gt3A_117 = arith.constant 0 : i32
      %gt3A_118 = arith.cmpi sgt, %add3A_110, %gt3A_117 : i32
      %and3A_119 = arith.andi %lt3A_116, %gt3A_118 : i1
      %convert_element_type3A_120 = arith.extui %and3A_119 : i1 to i32
      %cond3A_121 = arith.constant 0 : i32
      %cond3A_122 = arith.cmpi ne, %convert_element_type3A_120, %cond3A_121 : i32
      scf.if %cond3A_122 {
        %sub3A_227 = arith.constant 1 : i32
        %sub3A_228 = arith.subi %add3A_110, %sub3A_227 : i32
        %dma_wait3A_229 = arith.constant 0 : i32
        %dma_wait3A_230 = tpu.memref_slice %arg8[%sub3A_228, %dma_wait3A_229] : memref<8x128xi32, #tpu.memory_space<vmem>> -> memref<1x128xi32, #tpu.memory_space<vmem>>
        %dma_wait3A_231 = tpu.memref_squeeze %dma_wait3A_230 : memref<1x128xi32, #tpu.memory_space<vmem>> -> memref<128xi32, #tpu.memory_space<vmem>>
        %dma_wait3A_232 = arith.constant 0 : i32
        %dma_wait3A_233 = arith.constant 0 : i32
        %dma_wait3A_234 = tpu.memref_slice %arg13[%dma_wait3A_232, %dma_wait3A_233] : memref<4224x128xf32, #tpu.memory_space<vmem_shared>> -> memref<4224x128xf32, #tpu.memory_space<vmem_shared>>
        tpu.wait_indirect_dma semaphore(%arg18 : memref<!tpu.dma_semaphore, #tpu.memory_space<semaphore_mem>>) src(%arg9 : memref<128x128xf32, #tpu.memory_space<vmem>>) dst(%dma_wait3A_234 : memref<4224x128xf32, #tpu.memory_space<vmem_shared>>)
        %add3A_235 = arith.constant 4 : i32
        %add3A_236 = arith.addi %add3A_110, %add3A_235 : i32
        %sub3A_237 = arith.constant 1 : i32
        %sub3A_238 = arith.subi %add3A_236, %sub3A_237 : i32
        %dma_start3A_239 = arith.constant 0 : i32
        %dma_start3A_240 = tpu.memref_slice %arg7[%sub3A_238, %dma_start3A_239] : memref<8x128xi32, #tpu.memory_space<vmem>> -> memref<1x128xi32, #tpu.memory_space<vmem>>
        %dma_start3A_241 = tpu.memref_squeeze %dma_start3A_240 : memref<1x128xi32, #tpu.memory_space<vmem>> -> memref<128xi32, #tpu.memory_space<vmem>>
        %dma_start3A_242 = arith.constant 0 : i32
        %dma_start3A_243 = arith.constant 0 : i32
        %dma_start3A_244 = tpu.memref_slice %arg2[%dma_start3A_242, %dma_start3A_243] : memref<16384x128xf32, #tpu.memory_space<hbm>> -> memref<16384x128xf32, #tpu.memory_space<hbm>>
        tpu.enqueue_indirect_dma source(%dma_start3A_244 : memref<16384x128xf32, #tpu.memory_space<hbm>>) target(%arg9 : memref<128x128xf32, #tpu.memory_space<vmem>>) offsets(%dma_start3A_241 : memref<128xi32, #tpu.memory_space<vmem>>) semaphore(%arg14 : memref<!tpu.dma_semaphore, #tpu.memory_space<semaphore_mem>>)
      } else {
      }
      %add3A_123 = arith.constant 4 : i32
      %add3A_124 = arith.addi %add3A_110, %add3A_123 : i32
      %sub3A_125 = arith.constant 1 : i32
      %sub3A_126 = arith.subi %add3A_124, %sub3A_125 : i32
      %lt3A_127 = arith.constant 8 : i32
      %lt3A_128 = arith.cmpi slt, %sub3A_126, %lt3A_127 : i32
      %eq3A_129 = arith.constant 0 : i32
      %eq3A_130 = arith.cmpi eq, %add3A_110, %eq3A_129 : i32
      %and3A_131 = arith.andi %lt3A_128, %eq3A_130 : i1
      %convert_element_type3A_132 = arith.extui %and3A_131 : i1 to i32
      %cond3A_133 = arith.constant 0 : i32
      %cond3A_134 = arith.cmpi ne, %convert_element_type3A_132, %cond3A_133 : i32
      scf.if %cond3A_134 {
        %add3A_227 = arith.constant 4 : i32
        %add3A_228 = arith.addi %add3A_110, %add3A_227 : i32
        %sub3A_229 = arith.constant 1 : i32
        %sub3A_230 = arith.subi %add3A_228, %sub3A_229 : i32
        %dma_start3A_231 = arith.constant 0 : i32
        %dma_start3A_232 = tpu.memref_slice %arg7[%sub3A_230, %dma_start3A_231] : memref<8x128xi32, #tpu.memory_space<vmem>> -> memref<1x128xi32, #tpu.memory_space<vmem>>
        %dma_start3A_233 = tpu.memref_squeeze %dma_start3A_232 : memref<1x128xi32, #tpu.memory_space<vmem>> -> memref<128xi32, #tpu.memory_space<vmem>>
        %dma_start3A_234 = arith.constant 0 : i32
        %dma_start3A_235 = arith.constant 0 : i32
        %dma_start3A_236 = tpu.memref_slice %arg2[%dma_start3A_234, %dma_start3A_235] : memref<16384x128xf32, #tpu.memory_space<hbm>> -> memref<16384x128xf32, #tpu.memory_space<hbm>>
        tpu.enqueue_indirect_dma source(%dma_start3A_236 : memref<16384x128xf32, #tpu.memory_space<hbm>>) target(%arg9 : memref<128x128xf32, #tpu.memory_space<vmem>>) offsets(%dma_start3A_233 : memref<128xi32, #tpu.memory_space<vmem>>) semaphore(%arg14 : memref<!tpu.dma_semaphore, #tpu.memory_space<semaphore_mem>>)
      } else {
      }
      %dma_wait3A_135 = arith.constant 0 : i32
      %dma_wait3A_136 = tpu.memref_slice %arg7[%add3A_110, %dma_wait3A_135] : memref<8x128xi32, #tpu.memory_space<vmem>> -> memref<1x128xi32, #tpu.memory_space<vmem>>
      %dma_wait3A_137 = tpu.memref_squeeze %dma_wait3A_136 : memref<1x128xi32, #tpu.memory_space<vmem>> -> memref<128xi32, #tpu.memory_space<vmem>>
      %dma_wait3A_138 = arith.constant 0 : i32
      %dma_wait3A_139 = arith.constant 0 : i32
      %dma_wait3A_140 = tpu.memref_slice %arg2[%dma_wait3A_138, %dma_wait3A_139] : memref<16384x128xf32, #tpu.memory_space<hbm>> -> memref<16384x128xf32, #tpu.memory_space<hbm>>
      tpu.wait_indirect_dma semaphore(%arg15 : memref<!tpu.dma_semaphore, #tpu.memory_space<semaphore_mem>>) src(%dma_wait3A_140 : memref<16384x128xf32, #tpu.memory_space<hbm>>) dst(%arg10 : memref<128x128xf32, #tpu.memory_space<vmem>>)
      %dma_start3A_141 = arith.constant 0 : i32
      %dma_start3A_142 = tpu.memref_slice %arg8[%add3A_110, %dma_start3A_141] : memref<8x128xi32, #tpu.memory_space<vmem>> -> memref<1x128xi32, #tpu.memory_space<vmem>>
      %dma_start3A_143 = tpu.memref_squeeze %dma_start3A_142 : memref<1x128xi32, #tpu.memory_space<vmem>> -> memref<128xi32, #tpu.memory_space<vmem>>
      %dma_start3A_144 = arith.constant 0 : i32
      %dma_start3A_145 = arith.constant 0 : i32
      %dma_start3A_146 = tpu.memref_slice %arg13[%dma_start3A_144, %dma_start3A_145] : memref<4224x128xf32, #tpu.memory_space<vmem_shared>> -> memref<4224x128xf32, #tpu.memory_space<vmem_shared>>
      tpu.enqueue_indirect_dma source(%arg10 : memref<128x128xf32, #tpu.memory_space<vmem>>) target(%dma_start3A_146 : memref<4224x128xf32, #tpu.memory_space<vmem_shared>>) offsets(%dma_start3A_143 : memref<128xi32, #tpu.memory_space<vmem>>) semaphore(%arg19 : memref<!tpu.dma_semaphore, #tpu.memory_space<semaphore_mem>>) {add = true}
      %mul3A_147 = arith.constant 4 : i32
      %mul3A_148 = arith.muli %add3A_73, %mul3A_147 : i32
      %add3A_149 = arith.constant 2 : i32
      %add3A_150 = arith.addi %mul3A_148, %add3A_149 : i32
      %add3A_151 = arith.constant 4 : i32
      %add3A_152 = arith.addi %add3A_150, %add3A_151 : i32
      %sub3A_153 = arith.constant 1 : i32
      %sub3A_154 = arith.subi %add3A_152, %sub3A_153 : i32
      %lt3A_155 = arith.constant 8 : i32
      %lt3A_156 = arith.cmpi slt, %sub3A_154, %lt3A_155 : i32
      %gt3A_157 = arith.constant 0 : i32
      %gt3A_158 = arith.cmpi sgt, %add3A_150, %gt3A_157 : i32
      %and3A_159 = arith.andi %lt3A_156, %gt3A_158 : i1
      %convert_element_type3A_160 = arith.extui %and3A_159 : i1 to i32
      %cond3A_161 = arith.constant 0 : i32
      %cond3A_162 = arith.cmpi ne, %convert_element_type3A_160, %cond3A_161 : i32
      scf.if %cond3A_162 {
        %sub3A_227 = arith.constant 1 : i32
        %sub3A_228 = arith.subi %add3A_150, %sub3A_227 : i32
        %dma_wait3A_229 = arith.constant 0 : i32
        %dma_wait3A_230 = tpu.memref_slice %arg8[%sub3A_228, %dma_wait3A_229] : memref<8x128xi32, #tpu.memory_space<vmem>> -> memref<1x128xi32, #tpu.memory_space<vmem>>
        %dma_wait3A_231 = tpu.memref_squeeze %dma_wait3A_230 : memref<1x128xi32, #tpu.memory_space<vmem>> -> memref<128xi32, #tpu.memory_space<vmem>>
        %dma_wait3A_232 = arith.constant 0 : i32
        %dma_wait3A_233 = arith.constant 0 : i32
        %dma_wait3A_234 = tpu.memref_slice %arg13[%dma_wait3A_232, %dma_wait3A_233] : memref<4224x128xf32, #tpu.memory_space<vmem_shared>> -> memref<4224x128xf32, #tpu.memory_space<vmem_shared>>
        tpu.wait_indirect_dma semaphore(%arg19 : memref<!tpu.dma_semaphore, #tpu.memory_space<semaphore_mem>>) src(%arg10 : memref<128x128xf32, #tpu.memory_space<vmem>>) dst(%dma_wait3A_234 : memref<4224x128xf32, #tpu.memory_space<vmem_shared>>)
        %add3A_235 = arith.constant 4 : i32
        %add3A_236 = arith.addi %add3A_150, %add3A_235 : i32
        %sub3A_237 = arith.constant 1 : i32
        %sub3A_238 = arith.subi %add3A_236, %sub3A_237 : i32
        %dma_start3A_239 = arith.constant 0 : i32
        %dma_start3A_240 = tpu.memref_slice %arg7[%sub3A_238, %dma_start3A_239] : memref<8x128xi32, #tpu.memory_space<vmem>> -> memref<1x128xi32, #tpu.memory_space<vmem>>
        %dma_start3A_241 = tpu.memref_squeeze %dma_start3A_240 : memref<1x128xi32, #tpu.memory_space<vmem>> -> memref<128xi32, #tpu.memory_space<vmem>>
        %dma_start3A_242 = arith.constant 0 : i32
        %dma_start3A_243 = arith.constant 0 : i32
        %dma_start3A_244 = tpu.memref_slice %arg2[%dma_start3A_242, %dma_start3A_243] : memref<16384x128xf32, #tpu.memory_space<hbm>> -> memref<16384x128xf32, #tpu.memory_space<hbm>>
        tpu.enqueue_indirect_dma source(%dma_start3A_244 : memref<16384x128xf32, #tpu.memory_space<hbm>>) target(%arg10 : memref<128x128xf32, #tpu.memory_space<vmem>>) offsets(%dma_start3A_241 : memref<128xi32, #tpu.memory_space<vmem>>) semaphore(%arg15 : memref<!tpu.dma_semaphore, #tpu.memory_space<semaphore_mem>>)
      } else {
      }
      %add3A_163 = arith.constant 4 : i32
      %add3A_164 = arith.addi %add3A_150, %add3A_163 : i32
      %sub3A_165 = arith.constant 1 : i32
      %sub3A_166 = arith.subi %add3A_164, %sub3A_165 : i32
      %lt3A_167 = arith.constant 8 : i32
      %lt3A_168 = arith.cmpi slt, %sub3A_166, %lt3A_167 : i32
      %eq3A_169 = arith.constant 0 : i32
      %eq3A_170 = arith.cmpi eq, %add3A_150, %eq3A_169 : i32
      %and3A_171 = arith.andi %lt3A_168, %eq3A_170 : i1
      %convert_element_type3A_172 = arith.extui %and3A_171 : i1 to i32
      %cond3A_173 = arith.constant 0 : i32
      %cond3A_174 = arith.cmpi ne, %convert_element_type3A_172, %cond3A_173 : i32
      scf.if %cond3A_174 {
        %add3A_227 = arith.constant 4 : i32
        %add3A_228 = arith.addi %add3A_150, %add3A_227 : i32
        %sub3A_229 = arith.constant 1 : i32
        %sub3A_230 = arith.subi %add3A_228, %sub3A_229 : i32
        %dma_start3A_231 = arith.constant 0 : i32
        %dma_start3A_232 = tpu.memref_slice %arg7[%sub3A_230, %dma_start3A_231] : memref<8x128xi32, #tpu.memory_space<vmem>> -> memref<1x128xi32, #tpu.memory_space<vmem>>
        %dma_start3A_233 = tpu.memref_squeeze %dma_start3A_232 : memref<1x128xi32, #tpu.memory_space<vmem>> -> memref<128xi32, #tpu.memory_space<vmem>>
        %dma_start3A_234 = arith.constant 0 : i32
        %dma_start3A_235 = arith.constant 0 : i32
        %dma_start3A_236 = tpu.memref_slice %arg2[%dma_start3A_234, %dma_start3A_235] : memref<16384x128xf32, #tpu.memory_space<hbm>> -> memref<16384x128xf32, #tpu.memory_space<hbm>>
        tpu.enqueue_indirect_dma source(%dma_start3A_236 : memref<16384x128xf32, #tpu.memory_space<hbm>>) target(%arg10 : memref<128x128xf32, #tpu.memory_space<vmem>>) offsets(%dma_start3A_233 : memref<128xi32, #tpu.memory_space<vmem>>) semaphore(%arg15 : memref<!tpu.dma_semaphore, #tpu.memory_space<semaphore_mem>>)
      } else {
      }
      %dma_wait3A_175 = arith.constant 0 : i32
      %dma_wait3A_176 = tpu.memref_slice %arg7[%add3A_150, %dma_wait3A_175] : memref<8x128xi32, #tpu.memory_space<vmem>> -> memref<1x128xi32, #tpu.memory_space<vmem>>
      %dma_wait3A_177 = tpu.memref_squeeze %dma_wait3A_176 : memref<1x128xi32, #tpu.memory_space<vmem>> -> memref<128xi32, #tpu.memory_space<vmem>>
      %dma_wait3A_178 = arith.constant 0 : i32
      %dma_wait3A_179 = arith.constant 0 : i32
      %dma_wait3A_180 = tpu.memref_slice %arg2[%dma_wait3A_178, %dma_wait3A_179] : memref<16384x128xf32, #tpu.memory_space<hbm>> -> memref<16384x128xf32, #tpu.memory_space<hbm>>
      tpu.wait_indirect_dma semaphore(%arg16 : memref<!tpu.dma_semaphore, #tpu.memory_space<semaphore_mem>>) src(%dma_wait3A_180 : memref<16384x128xf32, #tpu.memory_space<hbm>>) dst(%arg11 : memref<128x128xf32, #tpu.memory_space<vmem>>)
      %dma_start3A_181 = arith.constant 0 : i32
      %dma_start3A_182 = tpu.memref_slice %arg8[%add3A_150, %dma_start3A_181] : memref<8x128xi32, #tpu.memory_space<vmem>> -> memref<1x128xi32, #tpu.memory_space<vmem>>
      %dma_start3A_183 = tpu.memref_squeeze %dma_start3A_182 : memref<1x128xi32, #tpu.memory_space<vmem>> -> memref<128xi32, #tpu.memory_space<vmem>>
      %dma_start3A_184 = arith.constant 0 : i32
      %dma_start3A_185 = arith.constant 0 : i32
      %dma_start3A_186 = tpu.memref_slice %arg13[%dma_start3A_184, %dma_start3A_185] : memref<4224x128xf32, #tpu.memory_space<vmem_shared>> -> memref<4224x128xf32, #tpu.memory_space<vmem_shared>>
      tpu.enqueue_indirect_dma source(%arg11 : memref<128x128xf32, #tpu.memory_space<vmem>>) target(%dma_start3A_186 : memref<4224x128xf32, #tpu.memory_space<vmem_shared>>) offsets(%dma_start3A_183 : memref<128xi32, #tpu.memory_space<vmem>>) semaphore(%arg20 : memref<!tpu.dma_semaphore, #tpu.memory_space<semaphore_mem>>) {add = true}
      %mul3A_187 = arith.constant 4 : i32
      %mul3A_188 = arith.muli %add3A_73, %mul3A_187 : i32
      %add3A_189 = arith.constant 3 : i32
      %add3A_190 = arith.addi %mul3A_188, %add3A_189 : i32
      %add3A_191 = arith.constant 4 : i32
      %add3A_192 = arith.addi %add3A_190, %add3A_191 : i32
      %sub3A_193 = arith.constant 1 : i32
      %sub3A_194 = arith.subi %add3A_192, %sub3A_193 : i32
      %lt3A_195 = arith.constant 8 : i32
      %lt3A_196 = arith.cmpi slt, %sub3A_194, %lt3A_195 : i32
      %gt3A_197 = arith.constant 0 : i32
      %gt3A_198 = arith.cmpi sgt, %add3A_190, %gt3A_197 : i32
      %and3A_199 = arith.andi %lt3A_196, %gt3A_198 : i1
      %convert_element_type3A_200 = arith.extui %and3A_199 : i1 to i32
      %cond3A_201 = arith.constant 0 : i32
      %cond3A_202 = arith.cmpi ne, %convert_element_type3A_200, %cond3A_201 : i32
      scf.if %cond3A_202 {
        %sub3A_227 = arith.constant 1 : i32
        %sub3A_228 = arith.subi %add3A_190, %sub3A_227 : i32
        %dma_wait3A_229 = arith.constant 0 : i32
        %dma_wait3A_230 = tpu.memref_slice %arg8[%sub3A_228, %dma_wait3A_229] : memref<8x128xi32, #tpu.memory_space<vmem>> -> memref<1x128xi32, #tpu.memory_space<vmem>>
        %dma_wait3A_231 = tpu.memref_squeeze %dma_wait3A_230 : memref<1x128xi32, #tpu.memory_space<vmem>> -> memref<128xi32, #tpu.memory_space<vmem>>
        %dma_wait3A_232 = arith.constant 0 : i32
        %dma_wait3A_233 = arith.constant 0 : i32
        %dma_wait3A_234 = tpu.memref_slice %arg13[%dma_wait3A_232, %dma_wait3A_233] : memref<4224x128xf32, #tpu.memory_space<vmem_shared>> -> memref<4224x128xf32, #tpu.memory_space<vmem_shared>>
        tpu.wait_indirect_dma semaphore(%arg20 : memref<!tpu.dma_semaphore, #tpu.memory_space<semaphore_mem>>) src(%arg11 : memref<128x128xf32, #tpu.memory_space<vmem>>) dst(%dma_wait3A_234 : memref<4224x128xf32, #tpu.memory_space<vmem_shared>>)
        %add3A_235 = arith.constant 4 : i32
        %add3A_236 = arith.addi %add3A_190, %add3A_235 : i32
        %sub3A_237 = arith.constant 1 : i32
        %sub3A_238 = arith.subi %add3A_236, %sub3A_237 : i32
        %dma_start3A_239 = arith.constant 0 : i32
        %dma_start3A_240 = tpu.memref_slice %arg7[%sub3A_238, %dma_start3A_239] : memref<8x128xi32, #tpu.memory_space<vmem>> -> memref<1x128xi32, #tpu.memory_space<vmem>>
        %dma_start3A_241 = tpu.memref_squeeze %dma_start3A_240 : memref<1x128xi32, #tpu.memory_space<vmem>> -> memref<128xi32, #tpu.memory_space<vmem>>
        %dma_start3A_242 = arith.constant 0 : i32
        %dma_start3A_243 = arith.constant 0 : i32
        %dma_start3A_244 = tpu.memref_slice %arg2[%dma_start3A_242, %dma_start3A_243] : memref<16384x128xf32, #tpu.memory_space<hbm>> -> memref<16384x128xf32, #tpu.memory_space<hbm>>
        tpu.enqueue_indirect_dma source(%dma_start3A_244 : memref<16384x128xf32, #tpu.memory_space<hbm>>) target(%arg11 : memref<128x128xf32, #tpu.memory_space<vmem>>) offsets(%dma_start3A_241 : memref<128xi32, #tpu.memory_space<vmem>>) semaphore(%arg16 : memref<!tpu.dma_semaphore, #tpu.memory_space<semaphore_mem>>)
      } else {
      }
      %add3A_203 = arith.constant 4 : i32
      %add3A_204 = arith.addi %add3A_190, %add3A_203 : i32
      %sub3A_205 = arith.constant 1 : i32
      %sub3A_206 = arith.subi %add3A_204, %sub3A_205 : i32
      %lt3A_207 = arith.constant 8 : i32
      %lt3A_208 = arith.cmpi slt, %sub3A_206, %lt3A_207 : i32
      %eq3A_209 = arith.constant 0 : i32
      %eq3A_210 = arith.cmpi eq, %add3A_190, %eq3A_209 : i32
      %and3A_211 = arith.andi %lt3A_208, %eq3A_210 : i1
      %convert_element_type3A_212 = arith.extui %and3A_211 : i1 to i32
      %cond3A_213 = arith.constant 0 : i32
      %cond3A_214 = arith.cmpi ne, %convert_element_type3A_212, %cond3A_213 : i32
      scf.if %cond3A_214 {
        %add3A_227 = arith.constant 4 : i32
        %add3A_228 = arith.addi %add3A_190, %add3A_227 : i32
        %sub3A_229 = arith.constant 1 : i32
        %sub3A_230 = arith.subi %add3A_228, %sub3A_229 : i32
        %dma_start3A_231 = arith.constant 0 : i32
        %dma_start3A_232 = tpu.memref_slice %arg7[%sub3A_230, %dma_start3A_231] : memref<8x128xi32, #tpu.memory_space<vmem>> -> memref<1x128xi32, #tpu.memory_space<vmem>>
        %dma_start3A_233 = tpu.memref_squeeze %dma_start3A_232 : memref<1x128xi32, #tpu.memory_space<vmem>> -> memref<128xi32, #tpu.memory_space<vmem>>
        %dma_start3A_234 = arith.constant 0 : i32
        %dma_start3A_235 = arith.constant 0 : i32
        %dma_start3A_236 = tpu.memref_slice %arg2[%dma_start3A_234, %dma_start3A_235] : memref<16384x128xf32, #tpu.memory_space<hbm>> -> memref<16384x128xf32, #tpu.memory_space<hbm>>
        tpu.enqueue_indirect_dma source(%dma_start3A_236 : memref<16384x128xf32, #tpu.memory_space<hbm>>) target(%arg11 : memref<128x128xf32, #tpu.memory_space<vmem>>) offsets(%dma_start3A_233 : memref<128xi32, #tpu.memory_space<vmem>>) semaphore(%arg16 : memref<!tpu.dma_semaphore, #tpu.memory_space<semaphore_mem>>)
      } else {
      }
      %dma_wait3A_215 = arith.constant 0 : i32
      %dma_wait3A_216 = tpu.memref_slice %arg7[%add3A_190, %dma_wait3A_215] : memref<8x128xi32, #tpu.memory_space<vmem>> -> memref<1x128xi32, #tpu.memory_space<vmem>>
      %dma_wait3A_217 = tpu.memref_squeeze %dma_wait3A_216 : memref<1x128xi32, #tpu.memory_space<vmem>> -> memref<128xi32, #tpu.memory_space<vmem>>
      %dma_wait3A_218 = arith.constant 0 : i32
      %dma_wait3A_219 = arith.constant 0 : i32
      %dma_wait3A_220 = tpu.memref_slice %arg2[%dma_wait3A_218, %dma_wait3A_219] : memref<16384x128xf32, #tpu.memory_space<hbm>> -> memref<16384x128xf32, #tpu.memory_space<hbm>>
      tpu.wait_indirect_dma semaphore(%arg17 : memref<!tpu.dma_semaphore, #tpu.memory_space<semaphore_mem>>) src(%dma_wait3A_220 : memref<16384x128xf32, #tpu.memory_space<hbm>>) dst(%arg12 : memref<128x128xf32, #tpu.memory_space<vmem>>)
      %dma_start3A_221 = arith.constant 0 : i32
      %dma_start3A_222 = tpu.memref_slice %arg8[%add3A_190, %dma_start3A_221] : memref<8x128xi32, #tpu.memory_space<vmem>> -> memref<1x128xi32, #tpu.memory_space<vmem>>
      %dma_start3A_223 = tpu.memref_squeeze %dma_start3A_222 : memref<1x128xi32, #tpu.memory_space<vmem>> -> memref<128xi32, #tpu.memory_space<vmem>>
      %dma_start3A_224 = arith.constant 0 : i32
      %dma_start3A_225 = arith.constant 0 : i32
      %dma_start3A_226 = tpu.memref_slice %arg13[%dma_start3A_224, %dma_start3A_225] : memref<4224x128xf32, #tpu.memory_space<vmem_shared>> -> memref<4224x128xf32, #tpu.memory_space<vmem_shared>>
      tpu.enqueue_indirect_dma source(%arg12 : memref<128x128xf32, #tpu.memory_space<vmem>>) target(%dma_start3A_226 : memref<4224x128xf32, #tpu.memory_space<vmem_shared>>) offsets(%dma_start3A_223 : memref<128xi32, #tpu.memory_space<vmem>>) semaphore(%arg21 : memref<!tpu.dma_semaphore, #tpu.memory_space<semaphore_mem>>) {add = true}
    }
    %scan3A_35 = arith.constant 2 : i32
    %dma_wait3A_36 = arith.constant 4 : i32
    %dma_wait3A_37 = arith.constant 0 : i32
    %dma_wait3A_38 = tpu.memref_slice %arg8[%dma_wait3A_36, %dma_wait3A_37] : memref<8x128xi32, #tpu.memory_space<vmem>> -> memref<1x128xi32, #tpu.memory_space<vmem>>
    %dma_wait3A_39 = tpu.memref_squeeze %dma_wait3A_38 : memref<1x128xi32, #tpu.memory_space<vmem>> -> memref<128xi32, #tpu.memory_space<vmem>>
    %dma_wait3A_40 = arith.constant 0 : i32
    %dma_wait3A_41 = arith.constant 0 : i32
    %dma_wait3A_42 = tpu.memref_slice %arg13[%dma_wait3A_40, %dma_wait3A_41] : memref<4224x128xf32, #tpu.memory_space<vmem_shared>> -> memref<4224x128xf32, #tpu.memory_space<vmem_shared>>
    tpu.wait_indirect_dma semaphore(%arg18 : memref<!tpu.dma_semaphore, #tpu.memory_space<semaphore_mem>>) src(%arg9 : memref<128x128xf32, #tpu.memory_space<vmem>>) dst(%dma_wait3A_42 : memref<4224x128xf32, #tpu.memory_space<vmem_shared>>)
    %dma_wait3A_43 = arith.constant 5 : i32
    %dma_wait3A_44 = arith.constant 0 : i32
    %dma_wait3A_45 = tpu.memref_slice %arg8[%dma_wait3A_43, %dma_wait3A_44] : memref<8x128xi32, #tpu.memory_space<vmem>> -> memref<1x128xi32, #tpu.memory_space<vmem>>
    %dma_wait3A_46 = tpu.memref_squeeze %dma_wait3A_45 : memref<1x128xi32, #tpu.memory_space<vmem>> -> memref<128xi32, #tpu.memory_space<vmem>>
    %dma_wait3A_47 = arith.constant 0 : i32
    %dma_wait3A_48 = arith.constant 0 : i32
    %dma_wait3A_49 = tpu.memref_slice %arg13[%dma_wait3A_47, %dma_wait3A_48] : memref<4224x128xf32, #tpu.memory_space<vmem_shared>> -> memref<4224x128xf32, #tpu.memory_space<vmem_shared>>
    tpu.wait_indirect_dma semaphore(%arg19 : memref<!tpu.dma_semaphore, #tpu.memory_space<semaphore_mem>>) src(%arg10 : memref<128x128xf32, #tpu.memory_space<vmem>>) dst(%dma_wait3A_49 : memref<4224x128xf32, #tpu.memory_space<vmem_shared>>)
    %dma_wait3A_50 = arith.constant 6 : i32
    %dma_wait3A_51 = arith.constant 0 : i32
    %dma_wait3A_52 = tpu.memref_slice %arg8[%dma_wait3A_50, %dma_wait3A_51] : memref<8x128xi32, #tpu.memory_space<vmem>> -> memref<1x128xi32, #tpu.memory_space<vmem>>
    %dma_wait3A_53 = tpu.memref_squeeze %dma_wait3A_52 : memref<1x128xi32, #tpu.memory_space<vmem>> -> memref<128xi32, #tpu.memory_space<vmem>>
    %dma_wait3A_54 = arith.constant 0 : i32
    %dma_wait3A_55 = arith.constant 0 : i32
    %dma_wait3A_56 = tpu.memref_slice %arg13[%dma_wait3A_54, %dma_wait3A_55] : memref<4224x128xf32, #tpu.memory_space<vmem_shared>> -> memref<4224x128xf32, #tpu.memory_space<vmem_shared>>
    tpu.wait_indirect_dma semaphore(%arg20 : memref<!tpu.dma_semaphore, #tpu.memory_space<semaphore_mem>>) src(%arg11 : memref<128x128xf32, #tpu.memory_space<vmem>>) dst(%dma_wait3A_56 : memref<4224x128xf32, #tpu.memory_space<vmem_shared>>)
    %dma_wait3A_57 = arith.constant 7 : i32
    %dma_wait3A_58 = arith.constant 0 : i32
    %dma_wait3A_59 = tpu.memref_slice %arg8[%dma_wait3A_57, %dma_wait3A_58] : memref<8x128xi32, #tpu.memory_space<vmem>> -> memref<1x128xi32, #tpu.memory_space<vmem>>
    %dma_wait3A_60 = tpu.memref_squeeze %dma_wait3A_59 : memref<1x128xi32, #tpu.memory_space<vmem>> -> memref<128xi32, #tpu.memory_space<vmem>>
    %dma_wait3A_61 = arith.constant 0 : i32
    %dma_wait3A_62 = arith.constant 0 : i32
    %dma_wait3A_63 = tpu.memref_slice %arg13[%dma_wait3A_61, %dma_wait3A_62] : memref<4224x128xf32, #tpu.memory_space<vmem_shared>> -> memref<4224x128xf32, #tpu.memory_space<vmem_shared>>
    tpu.wait_indirect_dma semaphore(%arg21 : memref<!tpu.dma_semaphore, #tpu.memory_space<semaphore_mem>>) src(%arg12 : memref<128x128xf32, #tpu.memory_space<vmem>>) dst(%dma_wait3A_63 : memref<4224x128xf32, #tpu.memory_space<vmem_shared>>)
    %barrier3A_64 = arith.constant 0 : index
    tpu.barrier barrier_id(%barrier3A_64)
    %mul3A_65 = arith.constant 256 : i32
    %mul3A_66 = arith.muli %arg1, %mul3A_65 : i32
    %mul3A_67 = arith.constant 256 : i32
    %mul3A_68 = arith.muli %arg1, %mul3A_67 : i32
    "tpu.region"() ({
      %run_scoped3A = tpu.sem_alloc : memref<!tpu.dma_semaphore, #tpu.memory_space<semaphore_mem>>
      %dma_start3A_69 = arith.constant 0 : i32
      %dma_start3A_70 = tpu.memref_slice %arg6[%arg0, %mul3A_68, %dma_start3A_69] : memref<2x4096x128xf32, #tpu.memory_space<hbm>> -> memref<1x256x128xf32, #tpu.memory_space<hbm>>
      %dma_start3A_71 = tpu.memref_squeeze %dma_start3A_70 : memref<1x256x128xf32, #tpu.memory_space<hbm>> -> memref<256x128xf32, #tpu.memory_space<hbm>>
      %dma_start3A_72 = arith.constant 0 : i32
      %dma_start3A_73 = tpu.memref_slice %arg13[%mul3A_66, %dma_start3A_72] : memref<4224x128xf32, #tpu.memory_space<vmem_shared>> -> memref<256x128xf32, #tpu.memory_space<vmem_shared>>
      tpu.enqueue_dma source(%dma_start3A_73 : memref<256x128xf32, #tpu.memory_space<vmem_shared>>) target(%dma_start3A_71 : memref<256x128xf32, #tpu.memory_space<hbm>>) target_semaphore(%run_scoped3A : memref<!tpu.dma_semaphore, #tpu.memory_space<semaphore_mem>>)
      %dma_wait3A_74 = arith.constant 0 : i32
      %dma_wait3A_75 = tpu.memref_slice %arg6[%arg0, %mul3A_68, %dma_wait3A_74] : memref<2x4096x128xf32, #tpu.memory_space<hbm>> -> memref<1x256x128xf32, #tpu.memory_space<hbm>>
      %dma_wait3A_76 = tpu.memref_squeeze %dma_wait3A_75 : memref<1x256x128xf32, #tpu.memory_space<hbm>> -> memref<256x128xf32, #tpu.memory_space<hbm>>
      %dma_wait3A_77 = arith.constant 0 : i32
      %dma_wait3A_78 = tpu.memref_slice %arg13[%mul3A_66, %dma_wait3A_77] : memref<4224x128xf32, #tpu.memory_space<vmem_shared>> -> memref<256x128xf32, #tpu.memory_space<vmem_shared>>
      tpu.wait_dma2 semaphore(%run_scoped3A : memref<!tpu.dma_semaphore, #tpu.memory_space<semaphore_mem>>) src(%dma_wait3A_78 : memref<256x128xf32, #tpu.memory_space<vmem_shared>>) dst(%dma_wait3A_76 : memref<256x128xf32, #tpu.memory_space<hbm>>)
      tpu.yield
    }) : () -> ()
    return
  }
}

#map = affine_map<(d0, d1) -> (0, 0)>
module attributes {stable_mosaic.version = 14 : i64} {
  func.func @k(%arg0: i32, %arg1: i32, %arg2: memref<8x100352xf32, #tpu.memory_space<hbm>>, %arg3: memref<100352x8xf32, #tpu.memory_space<hbm>>, %arg4: memref<8x3136xf32, #tpu.memory_space<vmem>>, %arg5: memref<3136x8xf32, #tpu.memory_space<vmem>>) attributes {dimension_semantics = [#tpu.dimension_semantics<core_parallel>, #tpu.dimension_semantics<subcore_parallel>], iteration_bounds = array<i64: 2, 16>, scalar_prefetch = 0 : i64, scratch_operands = 2 : i64, tpu.core_type = #tpu.core_type<sc_vector_subcore>, window_params = [{transform_indices = #map}, {transform_indices = #map}]} {
    %mul3A = arith.constant 16 : i32
    %mul3A_0 = arith.muli %arg0, %mul3A : i32
    %add3A = arith.addi %mul3A_0, %arg1 : i32
    %mul3A_1 = arith.constant 3136 : i32
    %mul3A_2 = arith.muli %add3A, %mul3A_1 : i32
    "tpu.region"() ({
      %run_scoped3A = tpu.sem_alloc : memref<!tpu.dma_semaphore, #tpu.memory_space<semaphore_mem>>
      %dma_start3A = arith.constant 0 : i32
      %dma_start3A_7 = tpu.memref_slice %arg2[%dma_start3A, %mul3A_2] : memref<8x100352xf32, #tpu.memory_space<hbm>> -> memref<8x3136xf32, #tpu.memory_space<hbm>>
      %dma_start3A_8 = arith.constant 0 : i32
      %dma_start3A_9 = tpu.memref_slice %arg2[%dma_start3A_8, %mul3A_2] : memref<8x100352xf32, #tpu.memory_space<hbm>> -> memref<8x3136xf32, #tpu.memory_space<hbm>>
      tpu.enqueue_dma source(%dma_start3A_9 : memref<8x3136xf32, #tpu.memory_space<hbm>>) target(%arg4 : memref<8x3136xf32, #tpu.memory_space<vmem>>) target_semaphore(%run_scoped3A : memref<!tpu.dma_semaphore, #tpu.memory_space<semaphore_mem>>)
      %dma_wait3A = arith.constant 0 : i32
      %dma_wait3A_10 = tpu.memref_slice %arg2[%dma_wait3A, %mul3A_2] : memref<8x100352xf32, #tpu.memory_space<hbm>> -> memref<8x3136xf32, #tpu.memory_space<hbm>>
      %dma_wait3A_11 = arith.constant 0 : i32
      %dma_wait3A_12 = tpu.memref_slice %arg2[%dma_wait3A_11, %mul3A_2] : memref<8x100352xf32, #tpu.memory_space<hbm>> -> memref<8x3136xf32, #tpu.memory_space<hbm>>
      tpu.wait_dma2 semaphore(%run_scoped3A : memref<!tpu.dma_semaphore, #tpu.memory_space<semaphore_mem>>) src(%dma_wait3A_12 : memref<8x3136xf32, #tpu.memory_space<hbm>>) dst(%arg4 : memref<8x3136xf32, #tpu.memory_space<vmem>>)
      tpu.yield
    }) : () -> ()
    %scan3A = arith.constant 0 : i32
    %scan3A_3 = arith.constant 196 : i32
    %scan3A_4 = arith.addi %scan3A, %scan3A_3 : i32
    %scan3A_5 = arith.constant 1 : i32
    scf.for %scan3A_7 = %scan3A to %scan3A_4 step %scan3A_5  : i32 {
      %mul3A_8 = arith.constant 1 : i32
      %mul3A_9 = arith.muli %scan3A_7, %mul3A_8 : i32
      %add3A_10 = arith.constant 0 : i32
      %add3A_11 = arith.addi %add3A_10, %mul3A_9 : i32
      %mul3A_12 = arith.constant 16 : i32
      %mul3A_13 = arith.muli %add3A_11, %mul3A_12 : i32
      %iota3A = tpu.iota {dimensions = array<i32: 0>} : vector<16xi32>
      %add3A_14 = vector.broadcast %mul3A_13 : i32 to vector<16xi32>
      %add3A_15 = arith.addi %add3A_14, %iota3A : vector<16xi32>
      %get3A = arith.constant 0 : i32
      %get3A_16 = arith.index_cast %get3A : i32 to index
      %get3A_17 = arith.index_cast %mul3A_13 : i32 to index
      %get3A_18 = tpu.vector_load %arg4[%get3A_16, %get3A_17] {strides = array<i32>} : memref<8x3136xf32, #tpu.memory_space<vmem>>, vector<16xf32>,
      %broadcast_in_dim3A = arith.constant 0 : i32
      %broadcast_in_dim3A_19 = vector.broadcast %broadcast_in_dim3A : i32 to vector<16xi32>
      tpu.vector_store_idx %arg5[%add3A_15, %broadcast_in_dim3A_19], %get3A_18 : memref<3136x8xf32, #tpu.memory_space<vmem>>[vector<16xi32>, vector<16xi32>], vector<16xf32>,
      %get3A_20 = arith.constant 1 : i32
      %get3A_21 = arith.index_cast %get3A_20 : i32 to index
      %get3A_22 = arith.index_cast %mul3A_13 : i32 to index
      %get3A_23 = tpu.vector_load %arg4[%get3A_21, %get3A_22] {strides = array<i32>} : memref<8x3136xf32, #tpu.memory_space<vmem>>, vector<16xf32>,
      %broadcast_in_dim3A_24 = arith.constant 1 : i32
      %broadcast_in_dim3A_25 = vector.broadcast %broadcast_in_dim3A_24 : i32 to vector<16xi32>
      tpu.vector_store_idx %arg5[%add3A_15, %broadcast_in_dim3A_25], %get3A_23 : memref<3136x8xf32, #tpu.memory_space<vmem>>[vector<16xi32>, vector<16xi32>], vector<16xf32>,
      %get3A_26 = arith.constant 2 : i32
      %get3A_27 = arith.index_cast %get3A_26 : i32 to index
      %get3A_28 = arith.index_cast %mul3A_13 : i32 to index
      %get3A_29 = tpu.vector_load %arg4[%get3A_27, %get3A_28] {strides = array<i32>} : memref<8x3136xf32, #tpu.memory_space<vmem>>, vector<16xf32>,
      %broadcast_in_dim3A_30 = arith.constant 2 : i32
      %broadcast_in_dim3A_31 = vector.broadcast %broadcast_in_dim3A_30 : i32 to vector<16xi32>
      tpu.vector_store_idx %arg5[%add3A_15, %broadcast_in_dim3A_31], %get3A_29 : memref<3136x8xf32, #tpu.memory_space<vmem>>[vector<16xi32>, vector<16xi32>], vector<16xf32>,
      %get3A_32 = arith.constant 3 : i32
      %get3A_33 = arith.index_cast %get3A_32 : i32 to index
      %get3A_34 = arith.index_cast %mul3A_13 : i32 to index
      %get3A_35 = tpu.vector_load %arg4[%get3A_33, %get3A_34] {strides = array<i32>} : memref<8x3136xf32, #tpu.memory_space<vmem>>, vector<16xf32>,
      %broadcast_in_dim3A_36 = arith.constant 3 : i32
      %broadcast_in_dim3A_37 = vector.broadcast %broadcast_in_dim3A_36 : i32 to vector<16xi32>
      tpu.vector_store_idx %arg5[%add3A_15, %broadcast_in_dim3A_37], %get3A_35 : memref<3136x8xf32, #tpu.memory_space<vmem>>[vector<16xi32>, vector<16xi32>], vector<16xf32>,
      %get3A_38 = arith.constant 4 : i32
      %get3A_39 = arith.index_cast %get3A_38 : i32 to index
      %get3A_40 = arith.index_cast %mul3A_13 : i32 to index
      %get3A_41 = tpu.vector_load %arg4[%get3A_39, %get3A_40] {strides = array<i32>} : memref<8x3136xf32, #tpu.memory_space<vmem>>, vector<16xf32>,
      %broadcast_in_dim3A_42 = arith.constant 4 : i32
      %broadcast_in_dim3A_43 = vector.broadcast %broadcast_in_dim3A_42 : i32 to vector<16xi32>
      tpu.vector_store_idx %arg5[%add3A_15, %broadcast_in_dim3A_43], %get3A_41 : memref<3136x8xf32, #tpu.memory_space<vmem>>[vector<16xi32>, vector<16xi32>], vector<16xf32>,
      %get3A_44 = arith.constant 5 : i32
      %get3A_45 = arith.index_cast %get3A_44 : i32 to index
      %get3A_46 = arith.index_cast %mul3A_13 : i32 to index
      %get3A_47 = tpu.vector_load %arg4[%get3A_45, %get3A_46] {strides = array<i32>} : memref<8x3136xf32, #tpu.memory_space<vmem>>, vector<16xf32>,
      %broadcast_in_dim3A_48 = arith.constant 5 : i32
      %broadcast_in_dim3A_49 = vector.broadcast %broadcast_in_dim3A_48 : i32 to vector<16xi32>
      tpu.vector_store_idx %arg5[%add3A_15, %broadcast_in_dim3A_49], %get3A_47 : memref<3136x8xf32, #tpu.memory_space<vmem>>[vector<16xi32>, vector<16xi32>], vector<16xf32>,
      %get3A_50 = arith.constant 6 : i32
      %get3A_51 = arith.index_cast %get3A_50 : i32 to index
      %get3A_52 = arith.index_cast %mul3A_13 : i32 to index
      %get3A_53 = tpu.vector_load %arg4[%get3A_51, %get3A_52] {strides = array<i32>} : memref<8x3136xf32, #tpu.memory_space<vmem>>, vector<16xf32>,
      %broadcast_in_dim3A_54 = arith.constant 6 : i32
      %broadcast_in_dim3A_55 = vector.broadcast %broadcast_in_dim3A_54 : i32 to vector<16xi32>
      tpu.vector_store_idx %arg5[%add3A_15, %broadcast_in_dim3A_55], %get3A_53 : memref<3136x8xf32, #tpu.memory_space<vmem>>[vector<16xi32>, vector<16xi32>], vector<16xf32>,
      %get3A_56 = arith.constant 7 : i32
      %get3A_57 = arith.index_cast %get3A_56 : i32 to index
      %get3A_58 = arith.index_cast %mul3A_13 : i32 to index
      %get3A_59 = tpu.vector_load %arg4[%get3A_57, %get3A_58] {strides = array<i32>} : memref<8x3136xf32, #tpu.memory_space<vmem>>, vector<16xf32>,
      %broadcast_in_dim3A_60 = arith.constant 7 : i32
      %broadcast_in_dim3A_61 = vector.broadcast %broadcast_in_dim3A_60 : i32 to vector<16xi32>
      tpu.vector_store_idx %arg5[%add3A_15, %broadcast_in_dim3A_61], %get3A_59 : memref<3136x8xf32, #tpu.memory_space<vmem>>[vector<16xi32>, vector<16xi32>], vector<16xf32>,
    }
    %scan3A_6 = arith.constant 196 : i32
    "tpu.region"() ({
      %run_scoped3A = tpu.sem_alloc : memref<!tpu.dma_semaphore, #tpu.memory_space<semaphore_mem>>
      %dma_start3A = arith.constant 0 : i32
      %dma_start3A_7 = tpu.memref_slice %arg3[%mul3A_2, %dma_start3A] : memref<100352x8xf32, #tpu.memory_space<hbm>> -> memref<3136x8xf32, #tpu.memory_space<hbm>>
      %dma_start3A_8 = arith.constant 0 : i32
      %dma_start3A_9 = tpu.memref_slice %arg3[%mul3A_2, %dma_start3A_8] : memref<100352x8xf32, #tpu.memory_space<hbm>> -> memref<3136x8xf32, #tpu.memory_space<hbm>>
      tpu.enqueue_dma source(%arg5 : memref<3136x8xf32, #tpu.memory_space<vmem>>) target(%dma_start3A_9 : memref<3136x8xf32, #tpu.memory_space<hbm>>) target_semaphore(%run_scoped3A : memref<!tpu.dma_semaphore, #tpu.memory_space<semaphore_mem>>)
      %dma_wait3A = arith.constant 0 : i32
      %dma_wait3A_10 = tpu.memref_slice %arg3[%mul3A_2, %dma_wait3A] : memref<100352x8xf32, #tpu.memory_space<hbm>> -> memref<3136x8xf32, #tpu.memory_space<hbm>>
      %dma_wait3A_11 = arith.constant 0 : i32
      %dma_wait3A_12 = tpu.memref_slice %arg3[%mul3A_2, %dma_wait3A_11] : memref<100352x8xf32, #tpu.memory_space<hbm>> -> memref<3136x8xf32, #tpu.memory_space<hbm>>
      tpu.wait_dma2 semaphore(%run_scoped3A : memref<!tpu.dma_semaphore, #tpu.memory_space<semaphore_mem>>) src(%arg5 : memref<3136x8xf32, #tpu.memory_space<vmem>>) dst(%dma_wait3A_12 : memref<3136x8xf32, #tpu.memory_space<hbm>>)
      tpu.yield
    }) : () -> ()
    return
  }
}

#map = affine_map<(d0, d1) -> (0, 0)>
#map1 = affine_map<(d0, d1) -> (0, 0, 0)>
module attributes {stable_mosaic.version = 14 : i64} {
  func.func @k(%arg0: i32, %arg1: i32, %arg2: memref<100352x8xf32, #tpu.memory_space<hbm>>, %arg3: memref<32x50x128xi32, #tpu.memory_space<hbm>>, %arg4: memref<32x50x128xi32, #tpu.memory_space<hbm>>, %arg5: memref<65664x8xf32, #tpu.memory_space<hbm>>, %arg6: memref<2x65536x8xf32, #tpu.memory_space<hbm>>, %arg7: memref<50x128xi32, #tpu.memory_space<vmem>>, %arg8: memref<50x128xi32, #tpu.memory_space<vmem>>, %arg9: memref<128x8xf32, #tpu.memory_space<vmem>>, %arg10: memref<128x8xf32, #tpu.memory_space<vmem>>, %arg11: memref<65664x8xf32, #tpu.memory_space<vmem_shared>>, %arg12: memref<100000x8xf32, #tpu.memory_space<vmem_shared>>, %arg13: memref<!tpu.dma_semaphore, #tpu.memory_space<semaphore_mem>>, %arg14: memref<!tpu.dma_semaphore, #tpu.memory_space<semaphore_mem>>, %arg15: memref<!tpu.dma_semaphore, #tpu.memory_space<semaphore_mem>>, %arg16: memref<!tpu.dma_semaphore, #tpu.memory_space<semaphore_mem>>, %arg17: memref<!tpu.dma_semaphore, #tpu.memory_space<semaphore_mem>>) attributes {dimension_semantics = [#tpu.dimension_semantics<core_parallel>, #tpu.dimension_semantics<subcore_parallel>], iteration_bounds = array<i64: 2, 16>, scalar_prefetch = 0 : i64, scratch_operands = 11 : i64, tpu.core_type = #tpu.core_type<sc_vector_subcore>, window_params = [{transform_indices = #map}, {transform_indices = #map1}, {transform_indices = #map1}, {transform_indices = #map}, {transform_indices = #map1}]} {
    %mul3A = arith.constant 16 : i32
    %mul3A_0 = arith.muli %arg0, %mul3A : i32
    %add3A = arith.addi %mul3A_0, %arg1 : i32
    %mul3A_1 = arith.constant 4104 : i32
    %mul3A_2 = arith.muli %arg1, %mul3A_1 : i32
    %mul3A_3 = arith.constant 4104 : i32
    %mul3A_4 = arith.muli %arg1, %mul3A_3 : i32
    %dma_start3A = arith.constant 0 : i32
    %dma_start3A_5 = tpu.memref_slice %arg11[%mul3A_4, %dma_start3A] : memref<65664x8xf32, #tpu.memory_space<vmem_shared>> -> memref<4104x8xf32, #tpu.memory_space<vmem_shared>>
    %dma_start3A_6 = arith.constant 0 : i32
    %dma_start3A_7 = tpu.memref_slice %arg5[%mul3A_2, %dma_start3A_6] : memref<65664x8xf32, #tpu.memory_space<hbm>> -> memref<4104x8xf32, #tpu.memory_space<hbm>>
    tpu.enqueue_dma source(%dma_start3A_7 : memref<4104x8xf32, #tpu.memory_space<hbm>>) target(%dma_start3A_5 : memref<4104x8xf32, #tpu.memory_space<vmem_shared>>) target_semaphore(%arg17 : memref<!tpu.dma_semaphore, #tpu.memory_space<semaphore_mem>>)
    "tpu.region"() ({
      %run_scoped3A = tpu.sem_alloc : memref<!tpu.dma_semaphore, #tpu.memory_space<semaphore_mem>>
      %dma_start3A_45 = arith.constant 0 : i32
      %dma_start3A_46 = arith.constant 0 : i32
      %dma_start3A_47 = tpu.memref_slice %arg3[%add3A, %dma_start3A_45, %dma_start3A_46] : memref<32x50x128xi32, #tpu.memory_space<hbm>> -> memref<1x50x128xi32, #tpu.memory_space<hbm>>
      %dma_start3A_48 = tpu.memref_squeeze %dma_start3A_47 : memref<1x50x128xi32, #tpu.memory_space<hbm>> -> memref<50x128xi32, #tpu.memory_space<hbm>>
      %dma_start3A_49 = arith.constant 0 : i32
      %dma_start3A_50 = arith.constant 0 : i32
      %dma_start3A_51 = tpu.memref_slice %arg3[%add3A, %dma_start3A_49, %dma_start3A_50] : memref<32x50x128xi32, #tpu.memory_space<hbm>> -> memref<1x50x128xi32, #tpu.memory_space<hbm>>
      %dma_start3A_52 = tpu.memref_squeeze %dma_start3A_51 : memref<1x50x128xi32, #tpu.memory_space<hbm>> -> memref<50x128xi32, #tpu.memory_space<hbm>>
      tpu.enqueue_dma source(%dma_start3A_52 : memref<50x128xi32, #tpu.memory_space<hbm>>) target(%arg7 : memref<50x128xi32, #tpu.memory_space<vmem>>) target_semaphore(%run_scoped3A : memref<!tpu.dma_semaphore, #tpu.memory_space<semaphore_mem>>)
      %dma_wait3A_53 = arith.constant 0 : i32
      %dma_wait3A_54 = arith.constant 0 : i32
      %dma_wait3A_55 = tpu.memref_slice %arg3[%add3A, %dma_wait3A_53, %dma_wait3A_54] : memref<32x50x128xi32, #tpu.memory_space<hbm>> -> memref<1x50x128xi32, #tpu.memory_space<hbm>>
      %dma_wait3A_56 = tpu.memref_squeeze %dma_wait3A_55 : memref<1x50x128xi32, #tpu.memory_space<hbm>> -> memref<50x128xi32, #tpu.memory_space<hbm>>
      %dma_wait3A_57 = arith.constant 0 : i32
      %dma_wait3A_58 = arith.constant 0 : i32
      %dma_wait3A_59 = tpu.memref_slice %arg3[%add3A, %dma_wait3A_57, %dma_wait3A_58] : memref<32x50x128xi32, #tpu.memory_space<hbm>> -> memref<1x50x128xi32, #tpu.memory_space<hbm>>
      %dma_wait3A_60 = tpu.memref_squeeze %dma_wait3A_59 : memref<1x50x128xi32, #tpu.memory_space<hbm>> -> memref<50x128xi32, #tpu.memory_space<hbm>>
      tpu.wait_dma2 semaphore(%run_scoped3A : memref<!tpu.dma_semaphore, #tpu.memory_space<semaphore_mem>>) src(%dma_wait3A_60 : memref<50x128xi32, #tpu.memory_space<hbm>>) dst(%arg7 : memref<50x128xi32, #tpu.memory_space<vmem>>)
      tpu.yield
    }) : () -> ()
    "tpu.region"() ({
      %run_scoped3A = tpu.sem_alloc : memref<!tpu.dma_semaphore, #tpu.memory_space<semaphore_mem>>
      %dma_start3A_45 = arith.constant 0 : i32
      %dma_start3A_46 = arith.constant 0 : i32
      %dma_start3A_47 = tpu.memref_slice %arg4[%add3A, %dma_start3A_45, %dma_start3A_46] : memref<32x50x128xi32, #tpu.memory_space<hbm>> -> memref<1x50x128xi32, #tpu.memory_space<hbm>>
      %dma_start3A_48 = tpu.memref_squeeze %dma_start3A_47 : memref<1x50x128xi32, #tpu.memory_space<hbm>> -> memref<50x128xi32, #tpu.memory_space<hbm>>
      %dma_start3A_49 = arith.constant 0 : i32
      %dma_start3A_50 = arith.constant 0 : i32
      %dma_start3A_51 = tpu.memref_slice %arg4[%add3A, %dma_start3A_49, %dma_start3A_50] : memref<32x50x128xi32, #tpu.memory_space<hbm>> -> memref<1x50x128xi32, #tpu.memory_space<hbm>>
      %dma_start3A_52 = tpu.memref_squeeze %dma_start3A_51 : memref<1x50x128xi32, #tpu.memory_space<hbm>> -> memref<50x128xi32, #tpu.memory_space<hbm>>
      tpu.enqueue_dma source(%dma_start3A_52 : memref<50x128xi32, #tpu.memory_space<hbm>>) target(%arg8 : memref<50x128xi32, #tpu.memory_space<vmem>>) target_semaphore(%run_scoped3A : memref<!tpu.dma_semaphore, #tpu.memory_space<semaphore_mem>>)
      %dma_wait3A_53 = arith.constant 0 : i32
      %dma_wait3A_54 = arith.constant 0 : i32
      %dma_wait3A_55 = tpu.memref_slice %arg4[%add3A, %dma_wait3A_53, %dma_wait3A_54] : memref<32x50x128xi32, #tpu.memory_space<hbm>> -> memref<1x50x128xi32, #tpu.memory_space<hbm>>
      %dma_wait3A_56 = tpu.memref_squeeze %dma_wait3A_55 : memref<1x50x128xi32, #tpu.memory_space<hbm>> -> memref<50x128xi32, #tpu.memory_space<hbm>>
      %dma_wait3A_57 = arith.constant 0 : i32
      %dma_wait3A_58 = arith.constant 0 : i32
      %dma_wait3A_59 = tpu.memref_slice %arg4[%add3A, %dma_wait3A_57, %dma_wait3A_58] : memref<32x50x128xi32, #tpu.memory_space<hbm>> -> memref<1x50x128xi32, #tpu.memory_space<hbm>>
      %dma_wait3A_60 = tpu.memref_squeeze %dma_wait3A_59 : memref<1x50x128xi32, #tpu.memory_space<hbm>> -> memref<50x128xi32, #tpu.memory_space<hbm>>
      tpu.wait_dma2 semaphore(%run_scoped3A : memref<!tpu.dma_semaphore, #tpu.memory_space<semaphore_mem>>) src(%dma_wait3A_60 : memref<50x128xi32, #tpu.memory_space<hbm>>) dst(%arg8 : memref<50x128xi32, #tpu.memory_space<vmem>>)
      tpu.yield
    }) : () -> ()
    %mul3A_8 = arith.constant 6250 : i32
    %mul3A_9 = arith.muli %arg1, %mul3A_8 : i32
    %mul3A_10 = arith.constant 6250 : i32
    %mul3A_11 = arith.muli %arg1, %mul3A_10 : i32
    "tpu.region"() ({
      %run_scoped3A = tpu.sem_alloc : memref<!tpu.dma_semaphore, #tpu.memory_space<semaphore_mem>>
      %dma_start3A_45 = arith.constant 0 : i32
      %dma_start3A_46 = tpu.memref_slice %arg12[%mul3A_11, %dma_start3A_45] : memref<100000x8xf32, #tpu.memory_space<vmem_shared>> -> memref<6250x8xf32, #tpu.memory_space<vmem_shared>>
      %dma_start3A_47 = arith.constant 0 : i32
      %dma_start3A_48 = tpu.memref_slice %arg2[%mul3A_9, %dma_start3A_47] : memref<100352x8xf32, #tpu.memory_space<hbm>> -> memref<6250x8xf32, #tpu.memory_space<hbm>>
      tpu.enqueue_dma source(%dma_start3A_48 : memref<6250x8xf32, #tpu.memory_space<hbm>>) target(%dma_start3A_46 : memref<6250x8xf32, #tpu.memory_space<vmem_shared>>) target_semaphore(%run_scoped3A : memref<!tpu.dma_semaphore, #tpu.memory_space<semaphore_mem>>)
      %dma_wait3A_49 = arith.constant 0 : i32
      %dma_wait3A_50 = tpu.memref_slice %arg12[%mul3A_11, %dma_wait3A_49] : memref<100000x8xf32, #tpu.memory_space<vmem_shared>> -> memref<6250x8xf32, #tpu.memory_space<vmem_shared>>
      %dma_wait3A_51 = arith.constant 0 : i32
      %dma_wait3A_52 = tpu.memref_slice %arg2[%mul3A_9, %dma_wait3A_51] : memref<100352x8xf32, #tpu.memory_space<hbm>> -> memref<6250x8xf32, #tpu.memory_space<hbm>>
      tpu.wait_dma2 semaphore(%run_scoped3A : memref<!tpu.dma_semaphore, #tpu.memory_space<semaphore_mem>>) src(%dma_wait3A_52 : memref<6250x8xf32, #tpu.memory_space<hbm>>) dst(%dma_wait3A_50 : memref<6250x8xf32, #tpu.memory_space<vmem_shared>>)
      tpu.yield
    }) : () -> ()
    %dma_wait3A = arith.constant 0 : i32
    %dma_wait3A_12 = tpu.memref_slice %arg11[%mul3A_4, %dma_wait3A] : memref<65664x8xf32, #tpu.memory_space<vmem_shared>> -> memref<4104x8xf32, #tpu.memory_space<vmem_shared>>
    %dma_wait3A_13 = arith.constant 0 : i32
    %dma_wait3A_14 = tpu.memref_slice %arg5[%mul3A_2, %dma_wait3A_13] : memref<65664x8xf32, #tpu.memory_space<hbm>> -> memref<4104x8xf32, #tpu.memory_space<hbm>>
    tpu.wait_dma2 semaphore(%arg17 : memref<!tpu.dma_semaphore, #tpu.memory_space<semaphore_mem>>) src(%dma_wait3A_14 : memref<4104x8xf32, #tpu.memory_space<hbm>>) dst(%dma_wait3A_12 : memref<4104x8xf32, #tpu.memory_space<vmem_shared>>)
    %barrier3A = arith.constant 0 : index
    tpu.barrier barrier_id(%barrier3A)
    %dma_start3A_15 = arith.constant 0 : i32
    %dma_start3A_16 = arith.constant 0 : i32
    %dma_start3A_17 = tpu.memref_slice %arg7[%dma_start3A_15, %dma_start3A_16] : memref<50x128xi32, #tpu.memory_space<vmem>> -> memref<1x128xi32, #tpu.memory_space<vmem>>
    %dma_start3A_18 = tpu.memref_squeeze %dma_start3A_17 : memref<1x128xi32, #tpu.memory_space<vmem>> -> memref<128xi32, #tpu.memory_space<vmem>>
    %dma_start3A_19 = arith.constant 0 : i32
    %dma_start3A_20 = arith.constant 0 : i32
    %dma_start3A_21 = tpu.memref_slice %arg12[%dma_start3A_19, %dma_start3A_20] : memref<100000x8xf32, #tpu.memory_space<vmem_shared>> -> memref<100000x8xf32, #tpu.memory_space<vmem_shared>>
    tpu.enqueue_indirect_dma source(%dma_start3A_21 : memref<100000x8xf32, #tpu.memory_space<vmem_shared>>) target(%arg9 : memref<128x8xf32, #tpu.memory_space<vmem>>) offsets(%dma_start3A_18 : memref<128xi32, #tpu.memory_space<vmem>>) semaphore(%arg13 : memref<!tpu.dma_semaphore, #tpu.memory_space<semaphore_mem>>)
    %scan3A = arith.constant 0 : i32
    %scan3A_22 = arith.constant 25 : i32
    %scan3A_23 = arith.addi %scan3A, %scan3A_22 : i32
    %scan3A_24 = arith.constant 1 : i32
    scf.for %scan3A_45 = %scan3A to %scan3A_23 step %scan3A_24  : i32 {
      %mul3A_46 = arith.constant 1 : i32
      %mul3A_47 = arith.muli %scan3A_45, %mul3A_46 : i32
      %add3A_48 = arith.constant 0 : i32
      %add3A_49 = arith.addi %add3A_48, %mul3A_47 : i32
      %mul3A_50 = arith.constant 2 : i32
      %mul3A_51 = arith.muli %add3A_49, %mul3A_50 : i32
      %add3A_52 = arith.constant 0 : i32
      %add3A_53 = arith.addi %mul3A_51, %add3A_52 : i32
      %add3A_54 = arith.constant 2 : i32
      %add3A_55 = arith.addi %add3A_53, %add3A_54 : i32
      %sub3A = arith.constant 1 : i32
      %sub3A_56 = arith.subi %add3A_55, %sub3A : i32
      %lt3A = arith.constant 50 : i32
      %lt3A_57 = arith.cmpi slt, %sub3A_56, %lt3A : i32
      %gt3A = arith.constant 0 : i32
      %gt3A_58 = arith.cmpi sgt, %add3A_53, %gt3A : i32
      %and3A = arith.andi %lt3A_57, %gt3A_58 : i1
      %convert_element_type3A = arith.extui %and3A : i1 to i32
      %cond3A = arith.constant 0 : i32
      %cond3A_59 = arith.cmpi ne, %convert_element_type3A, %cond3A : i32
      scf.if %cond3A_59 {
        %sub3A_123 = arith.constant 1 : i32
        %sub3A_124 = arith.subi %add3A_53, %sub3A_123 : i32
        %dma_wait3A_125 = arith.constant 0 : i32
        %dma_wait3A_126 = tpu.memref_slice %arg8[%sub3A_124, %dma_wait3A_125] : memref<50x128xi32, #tpu.memory_space<vmem>> -> memref<1x128xi32, #tpu.memory_space<vmem>>
        %dma_wait3A_127 = tpu.memref_squeeze %dma_wait3A_126 : memref<1x128xi32, #tpu.memory_space<vmem>> -> memref<128xi32, #tpu.memory_space<vmem>>
        %dma_wait3A_128 = arith.constant 0 : i32
        %dma_wait3A_129 = arith.constant 0 : i32
        %dma_wait3A_130 = tpu.memref_slice %arg11[%dma_wait3A_128, %dma_wait3A_129] : memref<65664x8xf32, #tpu.memory_space<vmem_shared>> -> memref<65664x8xf32, #tpu.memory_space<vmem_shared>>
        tpu.wait_indirect_dma semaphore(%arg16 : memref<!tpu.dma_semaphore, #tpu.memory_space<semaphore_mem>>) src(%arg10 : memref<128x8xf32, #tpu.memory_space<vmem>>) dst(%dma_wait3A_130 : memref<65664x8xf32, #tpu.memory_space<vmem_shared>>)
        %add3A_131 = arith.constant 2 : i32
        %add3A_132 = arith.addi %add3A_53, %add3A_131 : i32
        %sub3A_133 = arith.constant 1 : i32
        %sub3A_134 = arith.subi %add3A_132, %sub3A_133 : i32
        %dma_start3A_135 = arith.constant 0 : i32
        %dma_start3A_136 = tpu.memref_slice %arg7[%sub3A_134, %dma_start3A_135] : memref<50x128xi32, #tpu.memory_space<vmem>> -> memref<1x128xi32, #tpu.memory_space<vmem>>
        %dma_start3A_137 = tpu.memref_squeeze %dma_start3A_136 : memref<1x128xi32, #tpu.memory_space<vmem>> -> memref<128xi32, #tpu.memory_space<vmem>>
        %dma_start3A_138 = arith.constant 0 : i32
        %dma_start3A_139 = arith.constant 0 : i32
        %dma_start3A_140 = tpu.memref_slice %arg12[%dma_start3A_138, %dma_start3A_139] : memref<100000x8xf32, #tpu.memory_space<vmem_shared>> -> memref<100000x8xf32, #tpu.memory_space<vmem_shared>>
        tpu.enqueue_indirect_dma source(%dma_start3A_140 : memref<100000x8xf32, #tpu.memory_space<vmem_shared>>) target(%arg10 : memref<128x8xf32, #tpu.memory_space<vmem>>) offsets(%dma_start3A_137 : memref<128xi32, #tpu.memory_space<vmem>>) semaphore(%arg14 : memref<!tpu.dma_semaphore, #tpu.memory_space<semaphore_mem>>)
      } else {
      }
      %add3A_60 = arith.constant 2 : i32
      %add3A_61 = arith.addi %add3A_53, %add3A_60 : i32
      %sub3A_62 = arith.constant 1 : i32
      %sub3A_63 = arith.subi %add3A_61, %sub3A_62 : i32
      %lt3A_64 = arith.constant 50 : i32
      %lt3A_65 = arith.cmpi slt, %sub3A_63, %lt3A_64 : i32
      %eq3A = arith.constant 0 : i32
      %eq3A_66 = arith.cmpi eq, %add3A_53, %eq3A : i32
      %and3A_67 = arith.andi %lt3A_65, %eq3A_66 : i1
      %convert_element_type3A_68 = arith.extui %and3A_67 : i1 to i32
      %cond3A_69 = arith.constant 0 : i32
      %cond3A_70 = arith.cmpi ne, %convert_element_type3A_68, %cond3A_69 : i32
      scf.if %cond3A_70 {
        %add3A_123 = arith.constant 2 : i32
        %add3A_124 = arith.addi %add3A_53, %add3A_123 : i32
        %sub3A_125 = arith.constant 1 : i32
        %sub3A_126 = arith.subi %add3A_124, %sub3A_125 : i32
        %dma_start3A_127 = arith.constant 0 : i32
        %dma_start3A_128 = tpu.memref_slice %arg7[%sub3A_126, %dma_start3A_127] : memref<50x128xi32, #tpu.memory_space<vmem>> -> memref<1x128xi32, #tpu.memory_space<vmem>>
        %dma_start3A_129 = tpu.memref_squeeze %dma_start3A_128 : memref<1x128xi32, #tpu.memory_space<vmem>> -> memref<128xi32, #tpu.memory_space<vmem>>
        %dma_start3A_130 = arith.constant 0 : i32
        %dma_start3A_131 = arith.constant 0 : i32
        %dma_start3A_132 = tpu.memref_slice %arg12[%dma_start3A_130, %dma_start3A_131] : memref<100000x8xf32, #tpu.memory_space<vmem_shared>> -> memref<100000x8xf32, #tpu.memory_space<vmem_shared>>
        tpu.enqueue_indirect_dma source(%dma_start3A_132 : memref<100000x8xf32, #tpu.memory_space<vmem_shared>>) target(%arg10 : memref<128x8xf32, #tpu.memory_space<vmem>>) offsets(%dma_start3A_129 : memref<128xi32, #tpu.memory_space<vmem>>) semaphore(%arg14 : memref<!tpu.dma_semaphore, #tpu.memory_space<semaphore_mem>>)
      } else {
      }
      %dma_wait3A_71 = arith.constant 0 : i32
      %dma_wait3A_72 = tpu.memref_slice %arg7[%add3A_53, %dma_wait3A_71] : memref<50x128xi32, #tpu.memory_space<vmem>> -> memref<1x128xi32, #tpu.memory_space<vmem>>
      %dma_wait3A_73 = tpu.memref_squeeze %dma_wait3A_72 : memref<1x128xi32, #tpu.memory_space<vmem>> -> memref<128xi32, #tpu.memory_space<vmem>>
      %dma_wait3A_74 = arith.constant 0 : i32
      %dma_wait3A_75 = arith.constant 0 : i32
      %dma_wait3A_76 = tpu.memref_slice %arg12[%dma_wait3A_74, %dma_wait3A_75] : memref<100000x8xf32, #tpu.memory_space<vmem_shared>> -> memref<100000x8xf32, #tpu.memory_space<vmem_shared>>
      tpu.wait_indirect_dma semaphore(%arg13 : memref<!tpu.dma_semaphore, #tpu.memory_space<semaphore_mem>>) src(%dma_wait3A_76 : memref<100000x8xf32, #tpu.memory_space<vmem_shared>>) dst(%arg9 : memref<128x8xf32, #tpu.memory_space<vmem>>)
      %dma_start3A_77 = arith.constant 0 : i32
      %dma_start3A_78 = tpu.memref_slice %arg8[%add3A_53, %dma_start3A_77] : memref<50x128xi32, #tpu.memory_space<vmem>> -> memref<1x128xi32, #tpu.memory_space<vmem>>
      %dma_start3A_79 = tpu.memref_squeeze %dma_start3A_78 : memref<1x128xi32, #tpu.memory_space<vmem>> -> memref<128xi32, #tpu.memory_space<vmem>>
      %dma_start3A_80 = arith.constant 0 : i32
      %dma_start3A_81 = arith.constant 0 : i32
      %dma_start3A_82 = tpu.memref_slice %arg11[%dma_start3A_80, %dma_start3A_81] : memref<65664x8xf32, #tpu.memory_space<vmem_shared>> -> memref<65664x8xf32, #tpu.memory_space<vmem_shared>>
      tpu.enqueue_indirect_dma source(%arg9 : memref<128x8xf32, #tpu.memory_space<vmem>>) target(%dma_start3A_82 : memref<65664x8xf32, #tpu.memory_space<vmem_shared>>) offsets(%dma_start3A_79 : memref<128xi32, #tpu.memory_space<vmem>>) semaphore(%arg15 : memref<!tpu.dma_semaphore, #tpu.memory_space<semaphore_mem>>) {add = true}
      %mul3A_83 = arith.constant 2 : i32
      %mul3A_84 = arith.muli %add3A_49, %mul3A_83 : i32
      %add3A_85 = arith.constant 1 : i32
      %add3A_86 = arith.addi %mul3A_84, %add3A_85 : i32
      %add3A_87 = arith.constant 2 : i32
      %add3A_88 = arith.addi %add3A_86, %add3A_87 : i32
      %sub3A_89 = arith.constant 1 : i32
      %sub3A_90 = arith.subi %add3A_88, %sub3A_89 : i32
      %lt3A_91 = arith.constant 50 : i32
      %lt3A_92 = arith.cmpi slt, %sub3A_90, %lt3A_91 : i32
      %gt3A_93 = arith.constant 0 : i32
      %gt3A_94 = arith.cmpi sgt, %add3A_86, %gt3A_93 : i32
      %and3A_95 = arith.andi %lt3A_92, %gt3A_94 : i1
      %convert_element_type3A_96 = arith.extui %and3A_95 : i1 to i32
      %cond3A_97 = arith.constant 0 : i32
      %cond3A_98 = arith.cmpi ne, %convert_element_type3A_96, %cond3A_97 : i32
      scf.if %cond3A_98 {
        %sub3A_123 = arith.constant 1 : i32
        %sub3A_124 = arith.subi %add3A_86, %sub3A_123 : i32
        %dma_wait3A_125 = arith.constant 0 : i32
        %dma_wait3A_126 = tpu.memref_slice %arg8[%sub3A_124, %dma_wait3A_125] : memref<50x128xi32, #tpu.memory_space<vmem>> -> memref<1x128xi32, #tpu.memory_space<vmem>>
        %dma_wait3A_127 = tpu.memref_squeeze %dma_wait3A_126 : memref<1x128xi32, #tpu.memory_space<vmem>> -> memref<128xi32, #tpu.memory_space<vmem>>
        %dma_wait3A_128 = arith.constant 0 : i32
        %dma_wait3A_129 = arith.constant 0 : i32
        %dma_wait3A_130 = tpu.memref_slice %arg11[%dma_wait3A_128, %dma_wait3A_129] : memref<65664x8xf32, #tpu.memory_space<vmem_shared>> -> memref<65664x8xf32, #tpu.memory_space<vmem_shared>>
        tpu.wait_indirect_dma semaphore(%arg15 : memref<!tpu.dma_semaphore, #tpu.memory_space<semaphore_mem>>) src(%arg9 : memref<128x8xf32, #tpu.memory_space<vmem>>) dst(%dma_wait3A_130 : memref<65664x8xf32, #tpu.memory_space<vmem_shared>>)
        %add3A_131 = arith.constant 2 : i32
        %add3A_132 = arith.addi %add3A_86, %add3A_131 : i32
        %sub3A_133 = arith.constant 1 : i32
        %sub3A_134 = arith.subi %add3A_132, %sub3A_133 : i32
        %dma_start3A_135 = arith.constant 0 : i32
        %dma_start3A_136 = tpu.memref_slice %arg7[%sub3A_134, %dma_start3A_135] : memref<50x128xi32, #tpu.memory_space<vmem>> -> memref<1x128xi32, #tpu.memory_space<vmem>>
        %dma_start3A_137 = tpu.memref_squeeze %dma_start3A_136 : memref<1x128xi32, #tpu.memory_space<vmem>> -> memref<128xi32, #tpu.memory_space<vmem>>
        %dma_start3A_138 = arith.constant 0 : i32
        %dma_start3A_139 = arith.constant 0 : i32
        %dma_start3A_140 = tpu.memref_slice %arg12[%dma_start3A_138, %dma_start3A_139] : memref<100000x8xf32, #tpu.memory_space<vmem_shared>> -> memref<100000x8xf32, #tpu.memory_space<vmem_shared>>
        tpu.enqueue_indirect_dma source(%dma_start3A_140 : memref<100000x8xf32, #tpu.memory_space<vmem_shared>>) target(%arg9 : memref<128x8xf32, #tpu.memory_space<vmem>>) offsets(%dma_start3A_137 : memref<128xi32, #tpu.memory_space<vmem>>) semaphore(%arg13 : memref<!tpu.dma_semaphore, #tpu.memory_space<semaphore_mem>>)
      } else {
      }
      %add3A_99 = arith.constant 2 : i32
      %add3A_100 = arith.addi %add3A_86, %add3A_99 : i32
      %sub3A_101 = arith.constant 1 : i32
      %sub3A_102 = arith.subi %add3A_100, %sub3A_101 : i32
      %lt3A_103 = arith.constant 50 : i32
      %lt3A_104 = arith.cmpi slt, %sub3A_102, %lt3A_103 : i32
      %eq3A_105 = arith.constant 0 : i32
      %eq3A_106 = arith.cmpi eq, %add3A_86, %eq3A_105 : i32
      %and3A_107 = arith.andi %lt3A_104, %eq3A_106 : i1
      %convert_element_type3A_108 = arith.extui %and3A_107 : i1 to i32
      %cond3A_109 = arith.constant 0 : i32
      %cond3A_110 = arith.cmpi ne, %convert_element_type3A_108, %cond3A_109 : i32
      scf.if %cond3A_110 {
        %add3A_123 = arith.constant 2 : i32
        %add3A_124 = arith.addi %add3A_86, %add3A_123 : i32
        %sub3A_125 = arith.constant 1 : i32
        %sub3A_126 = arith.subi %add3A_124, %sub3A_125 : i32
        %dma_start3A_127 = arith.constant 0 : i32
        %dma_start3A_128 = tpu.memref_slice %arg7[%sub3A_126, %dma_start3A_127] : memref<50x128xi32, #tpu.memory_space<vmem>> -> memref<1x128xi32, #tpu.memory_space<vmem>>
        %dma_start3A_129 = tpu.memref_squeeze %dma_start3A_128 : memref<1x128xi32, #tpu.memory_space<vmem>> -> memref<128xi32, #tpu.memory_space<vmem>>
        %dma_start3A_130 = arith.constant 0 : i32
        %dma_start3A_131 = arith.constant 0 : i32
        %dma_start3A_132 = tpu.memref_slice %arg12[%dma_start3A_130, %dma_start3A_131] : memref<100000x8xf32, #tpu.memory_space<vmem_shared>> -> memref<100000x8xf32, #tpu.memory_space<vmem_shared>>
        tpu.enqueue_indirect_dma source(%dma_start3A_132 : memref<100000x8xf32, #tpu.memory_space<vmem_shared>>) target(%arg9 : memref<128x8xf32, #tpu.memory_space<vmem>>) offsets(%dma_start3A_129 : memref<128xi32, #tpu.memory_space<vmem>>) semaphore(%arg13 : memref<!tpu.dma_semaphore, #tpu.memory_space<semaphore_mem>>)
      } else {
      }
      %dma_wait3A_111 = arith.constant 0 : i32
      %dma_wait3A_112 = tpu.memref_slice %arg7[%add3A_86, %dma_wait3A_111] : memref<50x128xi32, #tpu.memory_space<vmem>> -> memref<1x128xi32, #tpu.memory_space<vmem>>
      %dma_wait3A_113 = tpu.memref_squeeze %dma_wait3A_112 : memref<1x128xi32, #tpu.memory_space<vmem>> -> memref<128xi32, #tpu.memory_space<vmem>>
      %dma_wait3A_114 = arith.constant 0 : i32
      %dma_wait3A_115 = arith.constant 0 : i32
      %dma_wait3A_116 = tpu.memref_slice %arg12[%dma_wait3A_114, %dma_wait3A_115] : memref<100000x8xf32, #tpu.memory_space<vmem_shared>> -> memref<100000x8xf32, #tpu.memory_space<vmem_shared>>
      tpu.wait_indirect_dma semaphore(%arg14 : memref<!tpu.dma_semaphore, #tpu.memory_space<semaphore_mem>>) src(%dma_wait3A_116 : memref<100000x8xf32, #tpu.memory_space<vmem_shared>>) dst(%arg10 : memref<128x8xf32, #tpu.memory_space<vmem>>)
      %dma_start3A_117 = arith.constant 0 : i32
      %dma_start3A_118 = tpu.memref_slice %arg8[%add3A_86, %dma_start3A_117] : memref<50x128xi32, #tpu.memory_space<vmem>> -> memref<1x128xi32, #tpu.memory_space<vmem>>
      %dma_start3A_119 = tpu.memref_squeeze %dma_start3A_118 : memref<1x128xi32, #tpu.memory_space<vmem>> -> memref<128xi32, #tpu.memory_space<vmem>>
      %dma_start3A_120 = arith.constant 0 : i32
      %dma_start3A_121 = arith.constant 0 : i32
      %dma_start3A_122 = tpu.memref_slice %arg11[%dma_start3A_120, %dma_start3A_121] : memref<65664x8xf32, #tpu.memory_space<vmem_shared>> -> memref<65664x8xf32, #tpu.memory_space<vmem_shared>>
      tpu.enqueue_indirect_dma source(%arg10 : memref<128x8xf32, #tpu.memory_space<vmem>>) target(%dma_start3A_122 : memref<65664x8xf32, #tpu.memory_space<vmem_shared>>) offsets(%dma_start3A_119 : memref<128xi32, #tpu.memory_space<vmem>>) semaphore(%arg16 : memref<!tpu.dma_semaphore, #tpu.memory_space<semaphore_mem>>) {add = true}
    }
    %scan3A_25 = arith.constant 25 : i32
    %dma_wait3A_26 = arith.constant 48 : i32
    %dma_wait3A_27 = arith.constant 0 : i32
    %dma_wait3A_28 = tpu.memref_slice %arg8[%dma_wait3A_26, %dma_wait3A_27] : memref<50x128xi32, #tpu.memory_space<vmem>> -> memref<1x128xi32, #tpu.memory_space<vmem>>
    %dma_wait3A_29 = tpu.memref_squeeze %dma_wait3A_28 : memref<1x128xi32, #tpu.memory_space<vmem>> -> memref<128xi32, #tpu.memory_space<vmem>>
    %dma_wait3A_30 = arith.constant 0 : i32
    %dma_wait3A_31 = arith.constant 0 : i32
    %dma_wait3A_32 = tpu.memref_slice %arg11[%dma_wait3A_30, %dma_wait3A_31] : memref<65664x8xf32, #tpu.memory_space<vmem_shared>> -> memref<65664x8xf32, #tpu.memory_space<vmem_shared>>
    tpu.wait_indirect_dma semaphore(%arg15 : memref<!tpu.dma_semaphore, #tpu.memory_space<semaphore_mem>>) src(%arg9 : memref<128x8xf32, #tpu.memory_space<vmem>>) dst(%dma_wait3A_32 : memref<65664x8xf32, #tpu.memory_space<vmem_shared>>)
    %dma_wait3A_33 = arith.constant 49 : i32
    %dma_wait3A_34 = arith.constant 0 : i32
    %dma_wait3A_35 = tpu.memref_slice %arg8[%dma_wait3A_33, %dma_wait3A_34] : memref<50x128xi32, #tpu.memory_space<vmem>> -> memref<1x128xi32, #tpu.memory_space<vmem>>
    %dma_wait3A_36 = tpu.memref_squeeze %dma_wait3A_35 : memref<1x128xi32, #tpu.memory_space<vmem>> -> memref<128xi32, #tpu.memory_space<vmem>>
    %dma_wait3A_37 = arith.constant 0 : i32
    %dma_wait3A_38 = arith.constant 0 : i32
    %dma_wait3A_39 = tpu.memref_slice %arg11[%dma_wait3A_37, %dma_wait3A_38] : memref<65664x8xf32, #tpu.memory_space<vmem_shared>> -> memref<65664x8xf32, #tpu.memory_space<vmem_shared>>
    tpu.wait_indirect_dma semaphore(%arg16 : memref<!tpu.dma_semaphore, #tpu.memory_space<semaphore_mem>>) src(%arg10 : memref<128x8xf32, #tpu.memory_space<vmem>>) dst(%dma_wait3A_39 : memref<65664x8xf32, #tpu.memory_space<vmem_shared>>)
    %barrier3A_40 = arith.constant 0 : index
    tpu.barrier barrier_id(%barrier3A_40)
    %mul3A_41 = arith.constant 4096 : i32
    %mul3A_42 = arith.muli %arg1, %mul3A_41 : i32
    %mul3A_43 = arith.constant 4096 : i32
    %mul3A_44 = arith.muli %arg1, %mul3A_43 : i32
    "tpu.region"() ({
      %run_scoped3A = tpu.sem_alloc : memref<!tpu.dma_semaphore, #tpu.memory_space<semaphore_mem>>
      %dma_start3A_45 = arith.constant 0 : i32
      %dma_start3A_46 = tpu.memref_slice %arg6[%arg0, %mul3A_44, %dma_start3A_45] : memref<2x65536x8xf32, #tpu.memory_space<hbm>> -> memref<1x4096x8xf32, #tpu.memory_space<hbm>>
      %dma_start3A_47 = tpu.memref_squeeze %dma_start3A_46 : memref<1x4096x8xf32, #tpu.memory_space<hbm>> -> memref<4096x8xf32, #tpu.memory_space<hbm>>
      %dma_start3A_48 = arith.constant 0 : i32
      %dma_start3A_49 = tpu.memref_slice %arg11[%mul3A_42, %dma_start3A_48] : memref<65664x8xf32, #tpu.memory_space<vmem_shared>> -> memref<4096x8xf32, #tpu.memory_space<vmem_shared>>
      tpu.enqueue_dma source(%dma_start3A_49 : memref<4096x8xf32, #tpu.memory_space<vmem_shared>>) target(%dma_start3A_47 : memref<4096x8xf32, #tpu.memory_space<hbm>>) target_semaphore(%run_scoped3A : memref<!tpu.dma_semaphore, #tpu.memory_space<semaphore_mem>>)
      %dma_wait3A_50 = arith.constant 0 : i32
      %dma_wait3A_51 = tpu.memref_slice %arg6[%arg0, %mul3A_44, %dma_wait3A_50] : memref<2x65536x8xf32, #tpu.memory_space<hbm>> -> memref<1x4096x8xf32, #tpu.memory_space<hbm>>
      %dma_wait3A_52 = tpu.memref_squeeze %dma_wait3A_51 : memref<1x4096x8xf32, #tpu.memory_space<hbm>> -> memref<4096x8xf32, #tpu.memory_space<hbm>>
      %dma_wait3A_53 = arith.constant 0 : i32
      %dma_wait3A_54 = tpu.memref_slice %arg11[%mul3A_42, %dma_wait3A_53] : memref<65664x8xf32, #tpu.memory_space<vmem_shared>> -> memref<4096x8xf32, #tpu.memory_space<vmem_shared>>
      tpu.wait_dma2 semaphore(%run_scoped3A : memref<!tpu.dma_semaphore, #tpu.memory_space<semaphore_mem>>) src(%dma_wait3A_54 : memref<4096x8xf32, #tpu.memory_space<vmem_shared>>) dst(%dma_wait3A_52 : memref<4096x8xf32, #tpu.memory_space<hbm>>)
      tpu.yield
    }) : () -> ()
    return
  }
}

#map = affine_map<(d0, d1) -> (0, 0)>
#map1 = affine_map<(d0, d1) -> (0, 0, 0)>
module attributes {stable_mosaic.version = 14 : i64} {
  func.func @k(%arg0: i32, %arg1: i32, %arg2: memref<65536x64xf32, #tpu.memory_space<hbm>>, %arg3: memref<32x32x128xi32, #tpu.memory_space<hbm>>, %arg4: memref<32x32x128xi32, #tpu.memory_space<hbm>>, %arg5: memref<16512x64xf32, #tpu.memory_space<hbm>>, %arg6: memref<2x16384x64xf32, #tpu.memory_space<hbm>>, %arg7: memref<32x128xi32, #tpu.memory_space<vmem>>, %arg8: memref<32x128xi32, #tpu.memory_space<vmem>>, %arg9: memref<128x64xf32, #tpu.memory_space<vmem>>, %arg10: memref<128x64xf32, #tpu.memory_space<vmem>>, %arg11: memref<128x64xf32, #tpu.memory_space<vmem>>, %arg12: memref<128x64xf32, #tpu.memory_space<vmem>>, %arg13: memref<16512x64xf32, #tpu.memory_space<vmem_shared>>, %arg14: memref<!tpu.dma_semaphore, #tpu.memory_space<semaphore_mem>>, %arg15: memref<!tpu.dma_semaphore, #tpu.memory_space<semaphore_mem>>, %arg16: memref<!tpu.dma_semaphore, #tpu.memory_space<semaphore_mem>>, %arg17: memref<!tpu.dma_semaphore, #tpu.memory_space<semaphore_mem>>, %arg18: memref<!tpu.dma_semaphore, #tpu.memory_space<semaphore_mem>>, %arg19: memref<!tpu.dma_semaphore, #tpu.memory_space<semaphore_mem>>, %arg20: memref<!tpu.dma_semaphore, #tpu.memory_space<semaphore_mem>>, %arg21: memref<!tpu.dma_semaphore, #tpu.memory_space<semaphore_mem>>, %arg22: memref<!tpu.dma_semaphore, #tpu.memory_space<semaphore_mem>>) attributes {dimension_semantics = [#tpu.dimension_semantics<core_parallel>, #tpu.dimension_semantics<subcore_parallel>], iteration_bounds = array<i64: 2, 16>, scalar_prefetch = 0 : i64, scratch_operands = 16 : i64, tpu.core_type = #tpu.core_type<sc_vector_subcore>, window_params = [{transform_indices = #map}, {transform_indices = #map1}, {transform_indices = #map1}, {transform_indices = #map}, {transform_indices = #map1}]} {
    %mul3A = arith.constant 16 : i32
    %mul3A_0 = arith.muli %arg0, %mul3A : i32
    %add3A = arith.addi %mul3A_0, %arg1 : i32
    %mul3A_1 = arith.constant 1032 : i32
    %mul3A_2 = arith.muli %arg1, %mul3A_1 : i32
    %mul3A_3 = arith.constant 1032 : i32
    %mul3A_4 = arith.muli %arg1, %mul3A_3 : i32
    %dma_start3A = arith.constant 0 : i32
    %dma_start3A_5 = tpu.memref_slice %arg13[%mul3A_4, %dma_start3A] : memref<16512x64xf32, #tpu.memory_space<vmem_shared>> -> memref<1032x64xf32, #tpu.memory_space<vmem_shared>>
    %dma_start3A_6 = arith.constant 0 : i32
    %dma_start3A_7 = tpu.memref_slice %arg5[%mul3A_2, %dma_start3A_6] : memref<16512x64xf32, #tpu.memory_space<hbm>> -> memref<1032x64xf32, #tpu.memory_space<hbm>>
    tpu.enqueue_dma source(%dma_start3A_7 : memref<1032x64xf32, #tpu.memory_space<hbm>>) target(%dma_start3A_5 : memref<1032x64xf32, #tpu.memory_space<vmem_shared>>) target_semaphore(%arg22 : memref<!tpu.dma_semaphore, #tpu.memory_space<semaphore_mem>>)
    "tpu.region"() ({
      %run_scoped3A = tpu.sem_alloc : memref<!tpu.dma_semaphore, #tpu.memory_space<semaphore_mem>>
      %dma_start3A_69 = arith.constant 0 : i32
      %dma_start3A_70 = arith.constant 0 : i32
      %dma_start3A_71 = tpu.memref_slice %arg3[%add3A, %dma_start3A_69, %dma_start3A_70] : memref<32x32x128xi32, #tpu.memory_space<hbm>> -> memref<1x32x128xi32, #tpu.memory_space<hbm>>
      %dma_start3A_72 = tpu.memref_squeeze %dma_start3A_71 : memref<1x32x128xi32, #tpu.memory_space<hbm>> -> memref<32x128xi32, #tpu.memory_space<hbm>>
      %dma_start3A_73 = arith.constant 0 : i32
      %dma_start3A_74 = arith.constant 0 : i32
      %dma_start3A_75 = tpu.memref_slice %arg3[%add3A, %dma_start3A_73, %dma_start3A_74] : memref<32x32x128xi32, #tpu.memory_space<hbm>> -> memref<1x32x128xi32, #tpu.memory_space<hbm>>
      %dma_start3A_76 = tpu.memref_squeeze %dma_start3A_75 : memref<1x32x128xi32, #tpu.memory_space<hbm>> -> memref<32x128xi32, #tpu.memory_space<hbm>>
      tpu.enqueue_dma source(%dma_start3A_76 : memref<32x128xi32, #tpu.memory_space<hbm>>) target(%arg7 : memref<32x128xi32, #tpu.memory_space<vmem>>) target_semaphore(%run_scoped3A : memref<!tpu.dma_semaphore, #tpu.memory_space<semaphore_mem>>)
      %dma_wait3A_77 = arith.constant 0 : i32
      %dma_wait3A_78 = arith.constant 0 : i32
      %dma_wait3A_79 = tpu.memref_slice %arg3[%add3A, %dma_wait3A_77, %dma_wait3A_78] : memref<32x32x128xi32, #tpu.memory_space<hbm>> -> memref<1x32x128xi32, #tpu.memory_space<hbm>>
      %dma_wait3A_80 = tpu.memref_squeeze %dma_wait3A_79 : memref<1x32x128xi32, #tpu.memory_space<hbm>> -> memref<32x128xi32, #tpu.memory_space<hbm>>
      %dma_wait3A_81 = arith.constant 0 : i32
      %dma_wait3A_82 = arith.constant 0 : i32
      %dma_wait3A_83 = tpu.memref_slice %arg3[%add3A, %dma_wait3A_81, %dma_wait3A_82] : memref<32x32x128xi32, #tpu.memory_space<hbm>> -> memref<1x32x128xi32, #tpu.memory_space<hbm>>
      %dma_wait3A_84 = tpu.memref_squeeze %dma_wait3A_83 : memref<1x32x128xi32, #tpu.memory_space<hbm>> -> memref<32x128xi32, #tpu.memory_space<hbm>>
      tpu.wait_dma2 semaphore(%run_scoped3A : memref<!tpu.dma_semaphore, #tpu.memory_space<semaphore_mem>>) src(%dma_wait3A_84 : memref<32x128xi32, #tpu.memory_space<hbm>>) dst(%arg7 : memref<32x128xi32, #tpu.memory_space<vmem>>)
      tpu.yield
    }) : () -> ()
    "tpu.region"() ({
      %run_scoped3A = tpu.sem_alloc : memref<!tpu.dma_semaphore, #tpu.memory_space<semaphore_mem>>
      %dma_start3A_69 = arith.constant 0 : i32
      %dma_start3A_70 = arith.constant 0 : i32
      %dma_start3A_71 = tpu.memref_slice %arg4[%add3A, %dma_start3A_69, %dma_start3A_70] : memref<32x32x128xi32, #tpu.memory_space<hbm>> -> memref<1x32x128xi32, #tpu.memory_space<hbm>>
      %dma_start3A_72 = tpu.memref_squeeze %dma_start3A_71 : memref<1x32x128xi32, #tpu.memory_space<hbm>> -> memref<32x128xi32, #tpu.memory_space<hbm>>
      %dma_start3A_73 = arith.constant 0 : i32
      %dma_start3A_74 = arith.constant 0 : i32
      %dma_start3A_75 = tpu.memref_slice %arg4[%add3A, %dma_start3A_73, %dma_start3A_74] : memref<32x32x128xi32, #tpu.memory_space<hbm>> -> memref<1x32x128xi32, #tpu.memory_space<hbm>>
      %dma_start3A_76 = tpu.memref_squeeze %dma_start3A_75 : memref<1x32x128xi32, #tpu.memory_space<hbm>> -> memref<32x128xi32, #tpu.memory_space<hbm>>
      tpu.enqueue_dma source(%dma_start3A_76 : memref<32x128xi32, #tpu.memory_space<hbm>>) target(%arg8 : memref<32x128xi32, #tpu.memory_space<vmem>>) target_semaphore(%run_scoped3A : memref<!tpu.dma_semaphore, #tpu.memory_space<semaphore_mem>>)
      %dma_wait3A_77 = arith.constant 0 : i32
      %dma_wait3A_78 = arith.constant 0 : i32
      %dma_wait3A_79 = tpu.memref_slice %arg4[%add3A, %dma_wait3A_77, %dma_wait3A_78] : memref<32x32x128xi32, #tpu.memory_space<hbm>> -> memref<1x32x128xi32, #tpu.memory_space<hbm>>
      %dma_wait3A_80 = tpu.memref_squeeze %dma_wait3A_79 : memref<1x32x128xi32, #tpu.memory_space<hbm>> -> memref<32x128xi32, #tpu.memory_space<hbm>>
      %dma_wait3A_81 = arith.constant 0 : i32
      %dma_wait3A_82 = arith.constant 0 : i32
      %dma_wait3A_83 = tpu.memref_slice %arg4[%add3A, %dma_wait3A_81, %dma_wait3A_82] : memref<32x32x128xi32, #tpu.memory_space<hbm>> -> memref<1x32x128xi32, #tpu.memory_space<hbm>>
      %dma_wait3A_84 = tpu.memref_squeeze %dma_wait3A_83 : memref<1x32x128xi32, #tpu.memory_space<hbm>> -> memref<32x128xi32, #tpu.memory_space<hbm>>
      tpu.wait_dma2 semaphore(%run_scoped3A : memref<!tpu.dma_semaphore, #tpu.memory_space<semaphore_mem>>) src(%dma_wait3A_84 : memref<32x128xi32, #tpu.memory_space<hbm>>) dst(%arg8 : memref<32x128xi32, #tpu.memory_space<vmem>>)
      tpu.yield
    }) : () -> ()
    %dma_wait3A = arith.constant 0 : i32
    %dma_wait3A_8 = tpu.memref_slice %arg13[%mul3A_4, %dma_wait3A] : memref<16512x64xf32, #tpu.memory_space<vmem_shared>> -> memref<1032x64xf32, #tpu.memory_space<vmem_shared>>
    %dma_wait3A_9 = arith.constant 0 : i32
    %dma_wait3A_10 = tpu.memref_slice %arg5[%mul3A_2, %dma_wait3A_9] : memref<16512x64xf32, #tpu.memory_space<hbm>> -> memref<1032x64xf32, #tpu.memory_space<hbm>>
    tpu.wait_dma2 semaphore(%arg22 : memref<!tpu.dma_semaphore, #tpu.memory_space<semaphore_mem>>) src(%dma_wait3A_10 : memref<1032x64xf32, #tpu.memory_space<hbm>>) dst(%dma_wait3A_8 : memref<1032x64xf32, #tpu.memory_space<vmem_shared>>)
    %barrier3A = arith.constant 0 : index
    tpu.barrier barrier_id(%barrier3A)
    %dma_start3A_11 = arith.constant 0 : i32
    %dma_start3A_12 = arith.constant 0 : i32
    %dma_start3A_13 = tpu.memref_slice %arg7[%dma_start3A_11, %dma_start3A_12] : memref<32x128xi32, #tpu.memory_space<vmem>> -> memref<1x128xi32, #tpu.memory_space<vmem>>
    %dma_start3A_14 = tpu.memref_squeeze %dma_start3A_13 : memref<1x128xi32, #tpu.memory_space<vmem>> -> memref<128xi32, #tpu.memory_space<vmem>>
    %dma_start3A_15 = arith.constant 0 : i32
    %dma_start3A_16 = arith.constant 0 : i32
    %dma_start3A_17 = tpu.memref_slice %arg2[%dma_start3A_15, %dma_start3A_16] : memref<65536x64xf32, #tpu.memory_space<hbm>> -> memref<65536x64xf32, #tpu.memory_space<hbm>>
    tpu.enqueue_indirect_dma source(%dma_start3A_17 : memref<65536x64xf32, #tpu.memory_space<hbm>>) target(%arg9 : memref<128x64xf32, #tpu.memory_space<vmem>>) offsets(%dma_start3A_14 : memref<128xi32, #tpu.memory_space<vmem>>) semaphore(%arg14 : memref<!tpu.dma_semaphore, #tpu.memory_space<semaphore_mem>>)
    %dma_start3A_18 = arith.constant 1 : i32
    %dma_start3A_19 = arith.constant 0 : i32
    %dma_start3A_20 = tpu.memref_slice %arg7[%dma_start3A_18, %dma_start3A_19] : memref<32x128xi32, #tpu.memory_space<vmem>> -> memref<1x128xi32, #tpu.memory_space<vmem>>
    %dma_start3A_21 = tpu.memref_squeeze %dma_start3A_20 : memref<1x128xi32, #tpu.memory_space<vmem>> -> memref<128xi32, #tpu.memory_space<vmem>>
    %dma_start3A_22 = arith.constant 0 : i32
    %dma_start3A_23 = arith.constant 0 : i32
    %dma_start3A_24 = tpu.memref_slice %arg2[%dma_start3A_22, %dma_start3A_23] : memref<65536x64xf32, #tpu.memory_space<hbm>> -> memref<65536x64xf32, #tpu.memory_space<hbm>>
    tpu.enqueue_indirect_dma source(%dma_start3A_24 : memref<65536x64xf32, #tpu.memory_space<hbm>>) target(%arg10 : memref<128x64xf32, #tpu.memory_space<vmem>>) offsets(%dma_start3A_21 : memref<128xi32, #tpu.memory_space<vmem>>) semaphore(%arg15 : memref<!tpu.dma_semaphore, #tpu.memory_space<semaphore_mem>>)
    %dma_start3A_25 = arith.constant 2 : i32
    %dma_start3A_26 = arith.constant 0 : i32
    %dma_start3A_27 = tpu.memref_slice %arg7[%dma_start3A_25, %dma_start3A_26] : memref<32x128xi32, #tpu.memory_space<vmem>> -> memref<1x128xi32, #tpu.memory_space<vmem>>
    %dma_start3A_28 = tpu.memref_squeeze %dma_start3A_27 : memref<1x128xi32, #tpu.memory_space<vmem>> -> memref<128xi32, #tpu.memory_space<vmem>>
    %dma_start3A_29 = arith.constant 0 : i32
    %dma_start3A_30 = arith.constant 0 : i32
    %dma_start3A_31 = tpu.memref_slice %arg2[%dma_start3A_29, %dma_start3A_30] : memref<65536x64xf32, #tpu.memory_space<hbm>> -> memref<65536x64xf32, #tpu.memory_space<hbm>>
    tpu.enqueue_indirect_dma source(%dma_start3A_31 : memref<65536x64xf32, #tpu.memory_space<hbm>>) target(%arg11 : memref<128x64xf32, #tpu.memory_space<vmem>>) offsets(%dma_start3A_28 : memref<128xi32, #tpu.memory_space<vmem>>) semaphore(%arg16 : memref<!tpu.dma_semaphore, #tpu.memory_space<semaphore_mem>>)
    %scan3A = arith.constant 0 : i32
    %scan3A_32 = arith.constant 8 : i32
    %scan3A_33 = arith.addi %scan3A, %scan3A_32 : i32
    %scan3A_34 = arith.constant 1 : i32
    scf.for %scan3A_69 = %scan3A to %scan3A_33 step %scan3A_34  : i32 {
      %mul3A_70 = arith.constant 1 : i32
      %mul3A_71 = arith.muli %scan3A_69, %mul3A_70 : i32
      %add3A_72 = arith.constant 0 : i32
      %add3A_73 = arith.addi %add3A_72, %mul3A_71 : i32
      %mul3A_74 = arith.constant 4 : i32
      %mul3A_75 = arith.muli %add3A_73, %mul3A_74 : i32
      %add3A_76 = arith.constant 0 : i32
      %add3A_77 = arith.addi %mul3A_75, %add3A_76 : i32
      %add3A_78 = arith.constant 4 : i32
      %add3A_79 = arith.addi %add3A_77, %add3A_78 : i32
      %sub3A = arith.constant 1 : i32
      %sub3A_80 = arith.subi %add3A_79, %sub3A : i32
      %lt3A = arith.constant 32 : i32
      %lt3A_81 = arith.cmpi slt, %sub3A_80, %lt3A : i32
      %gt3A = arith.constant 0 : i32
      %gt3A_82 = arith.cmpi sgt, %add3A_77, %gt3A : i32
      %and3A = arith.andi %lt3A_81, %gt3A_82 : i1
      %convert_element_type3A = arith.extui %and3A : i1 to i32
      %cond3A = arith.constant 0 : i32
      %cond3A_83 = arith.cmpi ne, %convert_element_type3A, %cond3A : i32
      scf.if %cond3A_83 {
        %sub3A_227 = arith.constant 1 : i32
        %sub3A_228 = arith.subi %add3A_77, %sub3A_227 : i32
        %dma_wait3A_229 = arith.constant 0 : i32
        %dma_wait3A_230 = tpu.memref_slice %arg8[%sub3A_228, %dma_wait3A_229] : memref<32x128xi32, #tpu.memory_space<vmem>> -> memref<1x128xi32, #tpu.memory_space<vmem>>
        %dma_wait3A_231 = tpu.memref_squeeze %dma_wait3A_230 : memref<1x128xi32, #tpu.memory_space<vmem>> -> memref<128xi32, #tpu.memory_space<vmem>>
        %dma_wait3A_232 = arith.constant 0 : i32
        %dma_wait3A_233 = arith.constant 0 : i32
        %dma_wait3A_234 = tpu.memref_slice %arg13[%dma_wait3A_232, %dma_wait3A_233] : memref<16512x64xf32, #tpu.memory_space<vmem_shared>> -> memref<16512x64xf32, #tpu.memory_space<vmem_shared>>
        tpu.wait_indirect_dma semaphore(%arg21 : memref<!tpu.dma_semaphore, #tpu.memory_space<semaphore_mem>>) src(%arg12 : memref<128x64xf32, #tpu.memory_space<vmem>>) dst(%dma_wait3A_234 : memref<16512x64xf32, #tpu.memory_space<vmem_shared>>)
        %add3A_235 = arith.constant 4 : i32
        %add3A_236 = arith.addi %add3A_77, %add3A_235 : i32
        %sub3A_237 = arith.constant 1 : i32
        %sub3A_238 = arith.subi %add3A_236, %sub3A_237 : i32
        %dma_start3A_239 = arith.constant 0 : i32
        %dma_start3A_240 = tpu.memref_slice %arg7[%sub3A_238, %dma_start3A_239] : memref<32x128xi32, #tpu.memory_space<vmem>> -> memref<1x128xi32, #tpu.memory_space<vmem>>
        %dma_start3A_241 = tpu.memref_squeeze %dma_start3A_240 : memref<1x128xi32, #tpu.memory_space<vmem>> -> memref<128xi32, #tpu.memory_space<vmem>>
        %dma_start3A_242 = arith.constant 0 : i32
        %dma_start3A_243 = arith.constant 0 : i32
        %dma_start3A_244 = tpu.memref_slice %arg2[%dma_start3A_242, %dma_start3A_243] : memref<65536x64xf32, #tpu.memory_space<hbm>> -> memref<65536x64xf32, #tpu.memory_space<hbm>>
        tpu.enqueue_indirect_dma source(%dma_start3A_244 : memref<65536x64xf32, #tpu.memory_space<hbm>>) target(%arg12 : memref<128x64xf32, #tpu.memory_space<vmem>>) offsets(%dma_start3A_241 : memref<128xi32, #tpu.memory_space<vmem>>) semaphore(%arg17 : memref<!tpu.dma_semaphore, #tpu.memory_space<semaphore_mem>>)
      } else {
      }
      %add3A_84 = arith.constant 4 : i32
      %add3A_85 = arith.addi %add3A_77, %add3A_84 : i32
      %sub3A_86 = arith.constant 1 : i32
      %sub3A_87 = arith.subi %add3A_85, %sub3A_86 : i32
      %lt3A_88 = arith.constant 32 : i32
      %lt3A_89 = arith.cmpi slt, %sub3A_87, %lt3A_88 : i32
      %eq3A = arith.constant 0 : i32
      %eq3A_90 = arith.cmpi eq, %add3A_77, %eq3A : i32
      %and3A_91 = arith.andi %lt3A_89, %eq3A_90 : i1
      %convert_element_type3A_92 = arith.extui %and3A_91 : i1 to i32
      %cond3A_93 = arith.constant 0 : i32
      %cond3A_94 = arith.cmpi ne, %convert_element_type3A_92, %cond3A_93 : i32
      scf.if %cond3A_94 {
        %add3A_227 = arith.constant 4 : i32
        %add3A_228 = arith.addi %add3A_77, %add3A_227 : i32
        %sub3A_229 = arith.constant 1 : i32
        %sub3A_230 = arith.subi %add3A_228, %sub3A_229 : i32
        %dma_start3A_231 = arith.constant 0 : i32
        %dma_start3A_232 = tpu.memref_slice %arg7[%sub3A_230, %dma_start3A_231] : memref<32x128xi32, #tpu.memory_space<vmem>> -> memref<1x128xi32, #tpu.memory_space<vmem>>
        %dma_start3A_233 = tpu.memref_squeeze %dma_start3A_232 : memref<1x128xi32, #tpu.memory_space<vmem>> -> memref<128xi32, #tpu.memory_space<vmem>>
        %dma_start3A_234 = arith.constant 0 : i32
        %dma_start3A_235 = arith.constant 0 : i32
        %dma_start3A_236 = tpu.memref_slice %arg2[%dma_start3A_234, %dma_start3A_235] : memref<65536x64xf32, #tpu.memory_space<hbm>> -> memref<65536x64xf32, #tpu.memory_space<hbm>>
        tpu.enqueue_indirect_dma source(%dma_start3A_236 : memref<65536x64xf32, #tpu.memory_space<hbm>>) target(%arg12 : memref<128x64xf32, #tpu.memory_space<vmem>>) offsets(%dma_start3A_233 : memref<128xi32, #tpu.memory_space<vmem>>) semaphore(%arg17 : memref<!tpu.dma_semaphore, #tpu.memory_space<semaphore_mem>>)
      } else {
      }
      %dma_wait3A_95 = arith.constant 0 : i32
      %dma_wait3A_96 = tpu.memref_slice %arg7[%add3A_77, %dma_wait3A_95] : memref<32x128xi32, #tpu.memory_space<vmem>> -> memref<1x128xi32, #tpu.memory_space<vmem>>
      %dma_wait3A_97 = tpu.memref_squeeze %dma_wait3A_96 : memref<1x128xi32, #tpu.memory_space<vmem>> -> memref<128xi32, #tpu.memory_space<vmem>>
      %dma_wait3A_98 = arith.constant 0 : i32
      %dma_wait3A_99 = arith.constant 0 : i32
      %dma_wait3A_100 = tpu.memref_slice %arg2[%dma_wait3A_98, %dma_wait3A_99] : memref<65536x64xf32, #tpu.memory_space<hbm>> -> memref<65536x64xf32, #tpu.memory_space<hbm>>
      tpu.wait_indirect_dma semaphore(%arg14 : memref<!tpu.dma_semaphore, #tpu.memory_space<semaphore_mem>>) src(%dma_wait3A_100 : memref<65536x64xf32, #tpu.memory_space<hbm>>) dst(%arg9 : memref<128x64xf32, #tpu.memory_space<vmem>>)
      %dma_start3A_101 = arith.constant 0 : i32
      %dma_start3A_102 = tpu.memref_slice %arg8[%add3A_77, %dma_start3A_101] : memref<32x128xi32, #tpu.memory_space<vmem>> -> memref<1x128xi32, #tpu.memory_space<vmem>>
      %dma_start3A_103 = tpu.memref_squeeze %dma_start3A_102 : memref<1x128xi32, #tpu.memory_space<vmem>> -> memref<128xi32, #tpu.memory_space<vmem>>
      %dma_start3A_104 = arith.constant 0 : i32
      %dma_start3A_105 = arith.constant 0 : i32
      %dma_start3A_106 = tpu.memref_slice %arg13[%dma_start3A_104, %dma_start3A_105] : memref<16512x64xf32, #tpu.memory_space<vmem_shared>> -> memref<16512x64xf32, #tpu.memory_space<vmem_shared>>
      tpu.enqueue_indirect_dma source(%arg9 : memref<128x64xf32, #tpu.memory_space<vmem>>) target(%dma_start3A_106 : memref<16512x64xf32, #tpu.memory_space<vmem_shared>>) offsets(%dma_start3A_103 : memref<128xi32, #tpu.memory_space<vmem>>) semaphore(%arg18 : memref<!tpu.dma_semaphore, #tpu.memory_space<semaphore_mem>>) {add = true}
      %mul3A_107 = arith.constant 4 : i32
      %mul3A_108 = arith.muli %add3A_73, %mul3A_107 : i32
      %add3A_109 = arith.constant 1 : i32
      %add3A_110 = arith.addi %mul3A_108, %add3A_109 : i32
      %add3A_111 = arith.constant 4 : i32
      %add3A_112 = arith.addi %add3A_110, %add3A_111 : i32
      %sub3A_113 = arith.constant 1 : i32
      %sub3A_114 = arith.subi %add3A_112, %sub3A_113 : i32
      %lt3A_115 = arith.constant 32 : i32
      %lt3A_116 = arith.cmpi slt, %sub3A_114, %lt3A_115 : i32
      %gt3A_117 = arith.constant 0 : i32
      %gt3A_118 = arith.cmpi sgt, %add3A_110, %gt3A_117 : i32
      %and3A_119 = arith.andi %lt3A_116, %gt3A_118 : i1
      %convert_element_type3A_120 = arith.extui %and3A_119 : i1 to i32
      %cond3A_121 = arith.constant 0 : i32
      %cond3A_122 = arith.cmpi ne, %convert_element_type3A_120, %cond3A_121 : i32
      scf.if %cond3A_122 {
        %sub3A_227 = arith.constant 1 : i32
        %sub3A_228 = arith.subi %add3A_110, %sub3A_227 : i32
        %dma_wait3A_229 = arith.constant 0 : i32
        %dma_wait3A_230 = tpu.memref_slice %arg8[%sub3A_228, %dma_wait3A_229] : memref<32x128xi32, #tpu.memory_space<vmem>> -> memref<1x128xi32, #tpu.memory_space<vmem>>
        %dma_wait3A_231 = tpu.memref_squeeze %dma_wait3A_230 : memref<1x128xi32, #tpu.memory_space<vmem>> -> memref<128xi32, #tpu.memory_space<vmem>>
        %dma_wait3A_232 = arith.constant 0 : i32
        %dma_wait3A_233 = arith.constant 0 : i32
        %dma_wait3A_234 = tpu.memref_slice %arg13[%dma_wait3A_232, %dma_wait3A_233] : memref<16512x64xf32, #tpu.memory_space<vmem_shared>> -> memref<16512x64xf32, #tpu.memory_space<vmem_shared>>
        tpu.wait_indirect_dma semaphore(%arg18 : memref<!tpu.dma_semaphore, #tpu.memory_space<semaphore_mem>>) src(%arg9 : memref<128x64xf32, #tpu.memory_space<vmem>>) dst(%dma_wait3A_234 : memref<16512x64xf32, #tpu.memory_space<vmem_shared>>)
        %add3A_235 = arith.constant 4 : i32
        %add3A_236 = arith.addi %add3A_110, %add3A_235 : i32
        %sub3A_237 = arith.constant 1 : i32
        %sub3A_238 = arith.subi %add3A_236, %sub3A_237 : i32
        %dma_start3A_239 = arith.constant 0 : i32
        %dma_start3A_240 = tpu.memref_slice %arg7[%sub3A_238, %dma_start3A_239] : memref<32x128xi32, #tpu.memory_space<vmem>> -> memref<1x128xi32, #tpu.memory_space<vmem>>
        %dma_start3A_241 = tpu.memref_squeeze %dma_start3A_240 : memref<1x128xi32, #tpu.memory_space<vmem>> -> memref<128xi32, #tpu.memory_space<vmem>>
        %dma_start3A_242 = arith.constant 0 : i32
        %dma_start3A_243 = arith.constant 0 : i32
        %dma_start3A_244 = tpu.memref_slice %arg2[%dma_start3A_242, %dma_start3A_243] : memref<65536x64xf32, #tpu.memory_space<hbm>> -> memref<65536x64xf32, #tpu.memory_space<hbm>>
        tpu.enqueue_indirect_dma source(%dma_start3A_244 : memref<65536x64xf32, #tpu.memory_space<hbm>>) target(%arg9 : memref<128x64xf32, #tpu.memory_space<vmem>>) offsets(%dma_start3A_241 : memref<128xi32, #tpu.memory_space<vmem>>) semaphore(%arg14 : memref<!tpu.dma_semaphore, #tpu.memory_space<semaphore_mem>>)
      } else {
      }
      %add3A_123 = arith.constant 4 : i32
      %add3A_124 = arith.addi %add3A_110, %add3A_123 : i32
      %sub3A_125 = arith.constant 1 : i32
      %sub3A_126 = arith.subi %add3A_124, %sub3A_125 : i32
      %lt3A_127 = arith.constant 32 : i32
      %lt3A_128 = arith.cmpi slt, %sub3A_126, %lt3A_127 : i32
      %eq3A_129 = arith.constant 0 : i32
      %eq3A_130 = arith.cmpi eq, %add3A_110, %eq3A_129 : i32
      %and3A_131 = arith.andi %lt3A_128, %eq3A_130 : i1
      %convert_element_type3A_132 = arith.extui %and3A_131 : i1 to i32
      %cond3A_133 = arith.constant 0 : i32
      %cond3A_134 = arith.cmpi ne, %convert_element_type3A_132, %cond3A_133 : i32
      scf.if %cond3A_134 {
        %add3A_227 = arith.constant 4 : i32
        %add3A_228 = arith.addi %add3A_110, %add3A_227 : i32
        %sub3A_229 = arith.constant 1 : i32
        %sub3A_230 = arith.subi %add3A_228, %sub3A_229 : i32
        %dma_start3A_231 = arith.constant 0 : i32
        %dma_start3A_232 = tpu.memref_slice %arg7[%sub3A_230, %dma_start3A_231] : memref<32x128xi32, #tpu.memory_space<vmem>> -> memref<1x128xi32, #tpu.memory_space<vmem>>
        %dma_start3A_233 = tpu.memref_squeeze %dma_start3A_232 : memref<1x128xi32, #tpu.memory_space<vmem>> -> memref<128xi32, #tpu.memory_space<vmem>>
        %dma_start3A_234 = arith.constant 0 : i32
        %dma_start3A_235 = arith.constant 0 : i32
        %dma_start3A_236 = tpu.memref_slice %arg2[%dma_start3A_234, %dma_start3A_235] : memref<65536x64xf32, #tpu.memory_space<hbm>> -> memref<65536x64xf32, #tpu.memory_space<hbm>>
        tpu.enqueue_indirect_dma source(%dma_start3A_236 : memref<65536x64xf32, #tpu.memory_space<hbm>>) target(%arg9 : memref<128x64xf32, #tpu.memory_space<vmem>>) offsets(%dma_start3A_233 : memref<128xi32, #tpu.memory_space<vmem>>) semaphore(%arg14 : memref<!tpu.dma_semaphore, #tpu.memory_space<semaphore_mem>>)
      } else {
      }
      %dma_wait3A_135 = arith.constant 0 : i32
      %dma_wait3A_136 = tpu.memref_slice %arg7[%add3A_110, %dma_wait3A_135] : memref<32x128xi32, #tpu.memory_space<vmem>> -> memref<1x128xi32, #tpu.memory_space<vmem>>
      %dma_wait3A_137 = tpu.memref_squeeze %dma_wait3A_136 : memref<1x128xi32, #tpu.memory_space<vmem>> -> memref<128xi32, #tpu.memory_space<vmem>>
      %dma_wait3A_138 = arith.constant 0 : i32
      %dma_wait3A_139 = arith.constant 0 : i32
      %dma_wait3A_140 = tpu.memref_slice %arg2[%dma_wait3A_138, %dma_wait3A_139] : memref<65536x64xf32, #tpu.memory_space<hbm>> -> memref<65536x64xf32, #tpu.memory_space<hbm>>
      tpu.wait_indirect_dma semaphore(%arg15 : memref<!tpu.dma_semaphore, #tpu.memory_space<semaphore_mem>>) src(%dma_wait3A_140 : memref<65536x64xf32, #tpu.memory_space<hbm>>) dst(%arg10 : memref<128x64xf32, #tpu.memory_space<vmem>>)
      %dma_start3A_141 = arith.constant 0 : i32
      %dma_start3A_142 = tpu.memref_slice %arg8[%add3A_110, %dma_start3A_141] : memref<32x128xi32, #tpu.memory_space<vmem>> -> memref<1x128xi32, #tpu.memory_space<vmem>>
      %dma_start3A_143 = tpu.memref_squeeze %dma_start3A_142 : memref<1x128xi32, #tpu.memory_space<vmem>> -> memref<128xi32, #tpu.memory_space<vmem>>
      %dma_start3A_144 = arith.constant 0 : i32
      %dma_start3A_145 = arith.constant 0 : i32
      %dma_start3A_146 = tpu.memref_slice %arg13[%dma_start3A_144, %dma_start3A_145] : memref<16512x64xf32, #tpu.memory_space<vmem_shared>> -> memref<16512x64xf32, #tpu.memory_space<vmem_shared>>
      tpu.enqueue_indirect_dma source(%arg10 : memref<128x64xf32, #tpu.memory_space<vmem>>) target(%dma_start3A_146 : memref<16512x64xf32, #tpu.memory_space<vmem_shared>>) offsets(%dma_start3A_143 : memref<128xi32, #tpu.memory_space<vmem>>) semaphore(%arg19 : memref<!tpu.dma_semaphore, #tpu.memory_space<semaphore_mem>>) {add = true}
      %mul3A_147 = arith.constant 4 : i32
      %mul3A_148 = arith.muli %add3A_73, %mul3A_147 : i32
      %add3A_149 = arith.constant 2 : i32
      %add3A_150 = arith.addi %mul3A_148, %add3A_149 : i32
      %add3A_151 = arith.constant 4 : i32
      %add3A_152 = arith.addi %add3A_150, %add3A_151 : i32
      %sub3A_153 = arith.constant 1 : i32
      %sub3A_154 = arith.subi %add3A_152, %sub3A_153 : i32
      %lt3A_155 = arith.constant 32 : i32
      %lt3A_156 = arith.cmpi slt, %sub3A_154, %lt3A_155 : i32
      %gt3A_157 = arith.constant 0 : i32
      %gt3A_158 = arith.cmpi sgt, %add3A_150, %gt3A_157 : i32
      %and3A_159 = arith.andi %lt3A_156, %gt3A_158 : i1
      %convert_element_type3A_160 = arith.extui %and3A_159 : i1 to i32
      %cond3A_161 = arith.constant 0 : i32
      %cond3A_162 = arith.cmpi ne, %convert_element_type3A_160, %cond3A_161 : i32
      scf.if %cond3A_162 {
        %sub3A_227 = arith.constant 1 : i32
        %sub3A_228 = arith.subi %add3A_150, %sub3A_227 : i32
        %dma_wait3A_229 = arith.constant 0 : i32
        %dma_wait3A_230 = tpu.memref_slice %arg8[%sub3A_228, %dma_wait3A_229] : memref<32x128xi32, #tpu.memory_space<vmem>> -> memref<1x128xi32, #tpu.memory_space<vmem>>
        %dma_wait3A_231 = tpu.memref_squeeze %dma_wait3A_230 : memref<1x128xi32, #tpu.memory_space<vmem>> -> memref<128xi32, #tpu.memory_space<vmem>>
        %dma_wait3A_232 = arith.constant 0 : i32
        %dma_wait3A_233 = arith.constant 0 : i32
        %dma_wait3A_234 = tpu.memref_slice %arg13[%dma_wait3A_232, %dma_wait3A_233] : memref<16512x64xf32, #tpu.memory_space<vmem_shared>> -> memref<16512x64xf32, #tpu.memory_space<vmem_shared>>
        tpu.wait_indirect_dma semaphore(%arg19 : memref<!tpu.dma_semaphore, #tpu.memory_space<semaphore_mem>>) src(%arg10 : memref<128x64xf32, #tpu.memory_space<vmem>>) dst(%dma_wait3A_234 : memref<16512x64xf32, #tpu.memory_space<vmem_shared>>)
        %add3A_235 = arith.constant 4 : i32
        %add3A_236 = arith.addi %add3A_150, %add3A_235 : i32
        %sub3A_237 = arith.constant 1 : i32
        %sub3A_238 = arith.subi %add3A_236, %sub3A_237 : i32
        %dma_start3A_239 = arith.constant 0 : i32
        %dma_start3A_240 = tpu.memref_slice %arg7[%sub3A_238, %dma_start3A_239] : memref<32x128xi32, #tpu.memory_space<vmem>> -> memref<1x128xi32, #tpu.memory_space<vmem>>
        %dma_start3A_241 = tpu.memref_squeeze %dma_start3A_240 : memref<1x128xi32, #tpu.memory_space<vmem>> -> memref<128xi32, #tpu.memory_space<vmem>>
        %dma_start3A_242 = arith.constant 0 : i32
        %dma_start3A_243 = arith.constant 0 : i32
        %dma_start3A_244 = tpu.memref_slice %arg2[%dma_start3A_242, %dma_start3A_243] : memref<65536x64xf32, #tpu.memory_space<hbm>> -> memref<65536x64xf32, #tpu.memory_space<hbm>>
        tpu.enqueue_indirect_dma source(%dma_start3A_244 : memref<65536x64xf32, #tpu.memory_space<hbm>>) target(%arg10 : memref<128x64xf32, #tpu.memory_space<vmem>>) offsets(%dma_start3A_241 : memref<128xi32, #tpu.memory_space<vmem>>) semaphore(%arg15 : memref<!tpu.dma_semaphore, #tpu.memory_space<semaphore_mem>>)
      } else {
      }
      %add3A_163 = arith.constant 4 : i32
      %add3A_164 = arith.addi %add3A_150, %add3A_163 : i32
      %sub3A_165 = arith.constant 1 : i32
      %sub3A_166 = arith.subi %add3A_164, %sub3A_165 : i32
      %lt3A_167 = arith.constant 32 : i32
      %lt3A_168 = arith.cmpi slt, %sub3A_166, %lt3A_167 : i32
      %eq3A_169 = arith.constant 0 : i32
      %eq3A_170 = arith.cmpi eq, %add3A_150, %eq3A_169 : i32
      %and3A_171 = arith.andi %lt3A_168, %eq3A_170 : i1
      %convert_element_type3A_172 = arith.extui %and3A_171 : i1 to i32
      %cond3A_173 = arith.constant 0 : i32
      %cond3A_174 = arith.cmpi ne, %convert_element_type3A_172, %cond3A_173 : i32
      scf.if %cond3A_174 {
        %add3A_227 = arith.constant 4 : i32
        %add3A_228 = arith.addi %add3A_150, %add3A_227 : i32
        %sub3A_229 = arith.constant 1 : i32
        %sub3A_230 = arith.subi %add3A_228, %sub3A_229 : i32
        %dma_start3A_231 = arith.constant 0 : i32
        %dma_start3A_232 = tpu.memref_slice %arg7[%sub3A_230, %dma_start3A_231] : memref<32x128xi32, #tpu.memory_space<vmem>> -> memref<1x128xi32, #tpu.memory_space<vmem>>
        %dma_start3A_233 = tpu.memref_squeeze %dma_start3A_232 : memref<1x128xi32, #tpu.memory_space<vmem>> -> memref<128xi32, #tpu.memory_space<vmem>>
        %dma_start3A_234 = arith.constant 0 : i32
        %dma_start3A_235 = arith.constant 0 : i32
        %dma_start3A_236 = tpu.memref_slice %arg2[%dma_start3A_234, %dma_start3A_235] : memref<65536x64xf32, #tpu.memory_space<hbm>> -> memref<65536x64xf32, #tpu.memory_space<hbm>>
        tpu.enqueue_indirect_dma source(%dma_start3A_236 : memref<65536x64xf32, #tpu.memory_space<hbm>>) target(%arg10 : memref<128x64xf32, #tpu.memory_space<vmem>>) offsets(%dma_start3A_233 : memref<128xi32, #tpu.memory_space<vmem>>) semaphore(%arg15 : memref<!tpu.dma_semaphore, #tpu.memory_space<semaphore_mem>>)
      } else {
      }
      %dma_wait3A_175 = arith.constant 0 : i32
      %dma_wait3A_176 = tpu.memref_slice %arg7[%add3A_150, %dma_wait3A_175] : memref<32x128xi32, #tpu.memory_space<vmem>> -> memref<1x128xi32, #tpu.memory_space<vmem>>
      %dma_wait3A_177 = tpu.memref_squeeze %dma_wait3A_176 : memref<1x128xi32, #tpu.memory_space<vmem>> -> memref<128xi32, #tpu.memory_space<vmem>>
      %dma_wait3A_178 = arith.constant 0 : i32
      %dma_wait3A_179 = arith.constant 0 : i32
      %dma_wait3A_180 = tpu.memref_slice %arg2[%dma_wait3A_178, %dma_wait3A_179] : memref<65536x64xf32, #tpu.memory_space<hbm>> -> memref<65536x64xf32, #tpu.memory_space<hbm>>
      tpu.wait_indirect_dma semaphore(%arg16 : memref<!tpu.dma_semaphore, #tpu.memory_space<semaphore_mem>>) src(%dma_wait3A_180 : memref<65536x64xf32, #tpu.memory_space<hbm>>) dst(%arg11 : memref<128x64xf32, #tpu.memory_space<vmem>>)
      %dma_start3A_181 = arith.constant 0 : i32
      %dma_start3A_182 = tpu.memref_slice %arg8[%add3A_150, %dma_start3A_181] : memref<32x128xi32, #tpu.memory_space<vmem>> -> memref<1x128xi32, #tpu.memory_space<vmem>>
      %dma_start3A_183 = tpu.memref_squeeze %dma_start3A_182 : memref<1x128xi32, #tpu.memory_space<vmem>> -> memref<128xi32, #tpu.memory_space<vmem>>
      %dma_start3A_184 = arith.constant 0 : i32
      %dma_start3A_185 = arith.constant 0 : i32
      %dma_start3A_186 = tpu.memref_slice %arg13[%dma_start3A_184, %dma_start3A_185] : memref<16512x64xf32, #tpu.memory_space<vmem_shared>> -> memref<16512x64xf32, #tpu.memory_space<vmem_shared>>
      tpu.enqueue_indirect_dma source(%arg11 : memref<128x64xf32, #tpu.memory_space<vmem>>) target(%dma_start3A_186 : memref<16512x64xf32, #tpu.memory_space<vmem_shared>>) offsets(%dma_start3A_183 : memref<128xi32, #tpu.memory_space<vmem>>) semaphore(%arg20 : memref<!tpu.dma_semaphore, #tpu.memory_space<semaphore_mem>>) {add = true}
      %mul3A_187 = arith.constant 4 : i32
      %mul3A_188 = arith.muli %add3A_73, %mul3A_187 : i32
      %add3A_189 = arith.constant 3 : i32
      %add3A_190 = arith.addi %mul3A_188, %add3A_189 : i32
      %add3A_191 = arith.constant 4 : i32
      %add3A_192 = arith.addi %add3A_190, %add3A_191 : i32
      %sub3A_193 = arith.constant 1 : i32
      %sub3A_194 = arith.subi %add3A_192, %sub3A_193 : i32
      %lt3A_195 = arith.constant 32 : i32
      %lt3A_196 = arith.cmpi slt, %sub3A_194, %lt3A_195 : i32
      %gt3A_197 = arith.constant 0 : i32
      %gt3A_198 = arith.cmpi sgt, %add3A_190, %gt3A_197 : i32
      %and3A_199 = arith.andi %lt3A_196, %gt3A_198 : i1
      %convert_element_type3A_200 = arith.extui %and3A_199 : i1 to i32
      %cond3A_201 = arith.constant 0 : i32
      %cond3A_202 = arith.cmpi ne, %convert_element_type3A_200, %cond3A_201 : i32
      scf.if %cond3A_202 {
        %sub3A_227 = arith.constant 1 : i32
        %sub3A_228 = arith.subi %add3A_190, %sub3A_227 : i32
        %dma_wait3A_229 = arith.constant 0 : i32
        %dma_wait3A_230 = tpu.memref_slice %arg8[%sub3A_228, %dma_wait3A_229] : memref<32x128xi32, #tpu.memory_space<vmem>> -> memref<1x128xi32, #tpu.memory_space<vmem>>
        %dma_wait3A_231 = tpu.memref_squeeze %dma_wait3A_230 : memref<1x128xi32, #tpu.memory_space<vmem>> -> memref<128xi32, #tpu.memory_space<vmem>>
        %dma_wait3A_232 = arith.constant 0 : i32
        %dma_wait3A_233 = arith.constant 0 : i32
        %dma_wait3A_234 = tpu.memref_slice %arg13[%dma_wait3A_232, %dma_wait3A_233] : memref<16512x64xf32, #tpu.memory_space<vmem_shared>> -> memref<16512x64xf32, #tpu.memory_space<vmem_shared>>
        tpu.wait_indirect_dma semaphore(%arg20 : memref<!tpu.dma_semaphore, #tpu.memory_space<semaphore_mem>>) src(%arg11 : memref<128x64xf32, #tpu.memory_space<vmem>>) dst(%dma_wait3A_234 : memref<16512x64xf32, #tpu.memory_space<vmem_shared>>)
        %add3A_235 = arith.constant 4 : i32
        %add3A_236 = arith.addi %add3A_190, %add3A_235 : i32
        %sub3A_237 = arith.constant 1 : i32
        %sub3A_238 = arith.subi %add3A_236, %sub3A_237 : i32
        %dma_start3A_239 = arith.constant 0 : i32
        %dma_start3A_240 = tpu.memref_slice %arg7[%sub3A_238, %dma_start3A_239] : memref<32x128xi32, #tpu.memory_space<vmem>> -> memref<1x128xi32, #tpu.memory_space<vmem>>
        %dma_start3A_241 = tpu.memref_squeeze %dma_start3A_240 : memref<1x128xi32, #tpu.memory_space<vmem>> -> memref<128xi32, #tpu.memory_space<vmem>>
        %dma_start3A_242 = arith.constant 0 : i32
        %dma_start3A_243 = arith.constant 0 : i32
        %dma_start3A_244 = tpu.memref_slice %arg2[%dma_start3A_242, %dma_start3A_243] : memref<65536x64xf32, #tpu.memory_space<hbm>> -> memref<65536x64xf32, #tpu.memory_space<hbm>>
        tpu.enqueue_indirect_dma source(%dma_start3A_244 : memref<65536x64xf32, #tpu.memory_space<hbm>>) target(%arg11 : memref<128x64xf32, #tpu.memory_space<vmem>>) offsets(%dma_start3A_241 : memref<128xi32, #tpu.memory_space<vmem>>) semaphore(%arg16 : memref<!tpu.dma_semaphore, #tpu.memory_space<semaphore_mem>>)
      } else {
      }
      %add3A_203 = arith.constant 4 : i32
      %add3A_204 = arith.addi %add3A_190, %add3A_203 : i32
      %sub3A_205 = arith.constant 1 : i32
      %sub3A_206 = arith.subi %add3A_204, %sub3A_205 : i32
      %lt3A_207 = arith.constant 32 : i32
      %lt3A_208 = arith.cmpi slt, %sub3A_206, %lt3A_207 : i32
      %eq3A_209 = arith.constant 0 : i32
      %eq3A_210 = arith.cmpi eq, %add3A_190, %eq3A_209 : i32
      %and3A_211 = arith.andi %lt3A_208, %eq3A_210 : i1
      %convert_element_type3A_212 = arith.extui %and3A_211 : i1 to i32
      %cond3A_213 = arith.constant 0 : i32
      %cond3A_214 = arith.cmpi ne, %convert_element_type3A_212, %cond3A_213 : i32
      scf.if %cond3A_214 {
        %add3A_227 = arith.constant 4 : i32
        %add3A_228 = arith.addi %add3A_190, %add3A_227 : i32
        %sub3A_229 = arith.constant 1 : i32
        %sub3A_230 = arith.subi %add3A_228, %sub3A_229 : i32
        %dma_start3A_231 = arith.constant 0 : i32
        %dma_start3A_232 = tpu.memref_slice %arg7[%sub3A_230, %dma_start3A_231] : memref<32x128xi32, #tpu.memory_space<vmem>> -> memref<1x128xi32, #tpu.memory_space<vmem>>
        %dma_start3A_233 = tpu.memref_squeeze %dma_start3A_232 : memref<1x128xi32, #tpu.memory_space<vmem>> -> memref<128xi32, #tpu.memory_space<vmem>>
        %dma_start3A_234 = arith.constant 0 : i32
        %dma_start3A_235 = arith.constant 0 : i32
        %dma_start3A_236 = tpu.memref_slice %arg2[%dma_start3A_234, %dma_start3A_235] : memref<65536x64xf32, #tpu.memory_space<hbm>> -> memref<65536x64xf32, #tpu.memory_space<hbm>>
        tpu.enqueue_indirect_dma source(%dma_start3A_236 : memref<65536x64xf32, #tpu.memory_space<hbm>>) target(%arg11 : memref<128x64xf32, #tpu.memory_space<vmem>>) offsets(%dma_start3A_233 : memref<128xi32, #tpu.memory_space<vmem>>) semaphore(%arg16 : memref<!tpu.dma_semaphore, #tpu.memory_space<semaphore_mem>>)
      } else {
      }
      %dma_wait3A_215 = arith.constant 0 : i32
      %dma_wait3A_216 = tpu.memref_slice %arg7[%add3A_190, %dma_wait3A_215] : memref<32x128xi32, #tpu.memory_space<vmem>> -> memref<1x128xi32, #tpu.memory_space<vmem>>
      %dma_wait3A_217 = tpu.memref_squeeze %dma_wait3A_216 : memref<1x128xi32, #tpu.memory_space<vmem>> -> memref<128xi32, #tpu.memory_space<vmem>>
      %dma_wait3A_218 = arith.constant 0 : i32
      %dma_wait3A_219 = arith.constant 0 : i32
      %dma_wait3A_220 = tpu.memref_slice %arg2[%dma_wait3A_218, %dma_wait3A_219] : memref<65536x64xf32, #tpu.memory_space<hbm>> -> memref<65536x64xf32, #tpu.memory_space<hbm>>
      tpu.wait_indirect_dma semaphore(%arg17 : memref<!tpu.dma_semaphore, #tpu.memory_space<semaphore_mem>>) src(%dma_wait3A_220 : memref<65536x64xf32, #tpu.memory_space<hbm>>) dst(%arg12 : memref<128x64xf32, #tpu.memory_space<vmem>>)
      %dma_start3A_221 = arith.constant 0 : i32
      %dma_start3A_222 = tpu.memref_slice %arg8[%add3A_190, %dma_start3A_221] : memref<32x128xi32, #tpu.memory_space<vmem>> -> memref<1x128xi32, #tpu.memory_space<vmem>>
      %dma_start3A_223 = tpu.memref_squeeze %dma_start3A_222 : memref<1x128xi32, #tpu.memory_space<vmem>> -> memref<128xi32, #tpu.memory_space<vmem>>
      %dma_start3A_224 = arith.constant 0 : i32
      %dma_start3A_225 = arith.constant 0 : i32
      %dma_start3A_226 = tpu.memref_slice %arg13[%dma_start3A_224, %dma_start3A_225] : memref<16512x64xf32, #tpu.memory_space<vmem_shared>> -> memref<16512x64xf32, #tpu.memory_space<vmem_shared>>
      tpu.enqueue_indirect_dma source(%arg12 : memref<128x64xf32, #tpu.memory_space<vmem>>) target(%dma_start3A_226 : memref<16512x64xf32, #tpu.memory_space<vmem_shared>>) offsets(%dma_start3A_223 : memref<128xi32, #tpu.memory_space<vmem>>) semaphore(%arg21 : memref<!tpu.dma_semaphore, #tpu.memory_space<semaphore_mem>>) {add = true}
    }
    %scan3A_35 = arith.constant 8 : i32
    %dma_wait3A_36 = arith.constant 28 : i32
    %dma_wait3A_37 = arith.constant 0 : i32
    %dma_wait3A_38 = tpu.memref_slice %arg8[%dma_wait3A_36, %dma_wait3A_37] : memref<32x128xi32, #tpu.memory_space<vmem>> -> memref<1x128xi32, #tpu.memory_space<vmem>>
    %dma_wait3A_39 = tpu.memref_squeeze %dma_wait3A_38 : memref<1x128xi32, #tpu.memory_space<vmem>> -> memref<128xi32, #tpu.memory_space<vmem>>
    %dma_wait3A_40 = arith.constant 0 : i32
    %dma_wait3A_41 = arith.constant 0 : i32
    %dma_wait3A_42 = tpu.memref_slice %arg13[%dma_wait3A_40, %dma_wait3A_41] : memref<16512x64xf32, #tpu.memory_space<vmem_shared>> -> memref<16512x64xf32, #tpu.memory_space<vmem_shared>>
    tpu.wait_indirect_dma semaphore(%arg18 : memref<!tpu.dma_semaphore, #tpu.memory_space<semaphore_mem>>) src(%arg9 : memref<128x64xf32, #tpu.memory_space<vmem>>) dst(%dma_wait3A_42 : memref<16512x64xf32, #tpu.memory_space<vmem_shared>>)
    %dma_wait3A_43 = arith.constant 29 : i32
    %dma_wait3A_44 = arith.constant 0 : i32
    %dma_wait3A_45 = tpu.memref_slice %arg8[%dma_wait3A_43, %dma_wait3A_44] : memref<32x128xi32, #tpu.memory_space<vmem>> -> memref<1x128xi32, #tpu.memory_space<vmem>>
    %dma_wait3A_46 = tpu.memref_squeeze %dma_wait3A_45 : memref<1x128xi32, #tpu.memory_space<vmem>> -> memref<128xi32, #tpu.memory_space<vmem>>
    %dma_wait3A_47 = arith.constant 0 : i32
    %dma_wait3A_48 = arith.constant 0 : i32
    %dma_wait3A_49 = tpu.memref_slice %arg13[%dma_wait3A_47, %dma_wait3A_48] : memref<16512x64xf32, #tpu.memory_space<vmem_shared>> -> memref<16512x64xf32, #tpu.memory_space<vmem_shared>>
    tpu.wait_indirect_dma semaphore(%arg19 : memref<!tpu.dma_semaphore, #tpu.memory_space<semaphore_mem>>) src(%arg10 : memref<128x64xf32, #tpu.memory_space<vmem>>) dst(%dma_wait3A_49 : memref<16512x64xf32, #tpu.memory_space<vmem_shared>>)
    %dma_wait3A_50 = arith.constant 30 : i32
    %dma_wait3A_51 = arith.constant 0 : i32
    %dma_wait3A_52 = tpu.memref_slice %arg8[%dma_wait3A_50, %dma_wait3A_51] : memref<32x128xi32, #tpu.memory_space<vmem>> -> memref<1x128xi32, #tpu.memory_space<vmem>>
    %dma_wait3A_53 = tpu.memref_squeeze %dma_wait3A_52 : memref<1x128xi32, #tpu.memory_space<vmem>> -> memref<128xi32, #tpu.memory_space<vmem>>
    %dma_wait3A_54 = arith.constant 0 : i32
    %dma_wait3A_55 = arith.constant 0 : i32
    %dma_wait3A_56 = tpu.memref_slice %arg13[%dma_wait3A_54, %dma_wait3A_55] : memref<16512x64xf32, #tpu.memory_space<vmem_shared>> -> memref<16512x64xf32, #tpu.memory_space<vmem_shared>>
    tpu.wait_indirect_dma semaphore(%arg20 : memref<!tpu.dma_semaphore, #tpu.memory_space<semaphore_mem>>) src(%arg11 : memref<128x64xf32, #tpu.memory_space<vmem>>) dst(%dma_wait3A_56 : memref<16512x64xf32, #tpu.memory_space<vmem_shared>>)
    %dma_wait3A_57 = arith.constant 31 : i32
    %dma_wait3A_58 = arith.constant 0 : i32
    %dma_wait3A_59 = tpu.memref_slice %arg8[%dma_wait3A_57, %dma_wait3A_58] : memref<32x128xi32, #tpu.memory_space<vmem>> -> memref<1x128xi32, #tpu.memory_space<vmem>>
    %dma_wait3A_60 = tpu.memref_squeeze %dma_wait3A_59 : memref<1x128xi32, #tpu.memory_space<vmem>> -> memref<128xi32, #tpu.memory_space<vmem>>
    %dma_wait3A_61 = arith.constant 0 : i32
    %dma_wait3A_62 = arith.constant 0 : i32
    %dma_wait3A_63 = tpu.memref_slice %arg13[%dma_wait3A_61, %dma_wait3A_62] : memref<16512x64xf32, #tpu.memory_space<vmem_shared>> -> memref<16512x64xf32, #tpu.memory_space<vmem_shared>>
    tpu.wait_indirect_dma semaphore(%arg21 : memref<!tpu.dma_semaphore, #tpu.memory_space<semaphore_mem>>) src(%arg12 : memref<128x64xf32, #tpu.memory_space<vmem>>) dst(%dma_wait3A_63 : memref<16512x64xf32, #tpu.memory_space<vmem_shared>>)
    %barrier3A_64 = arith.constant 0 : index
    tpu.barrier barrier_id(%barrier3A_64)
    %mul3A_65 = arith.constant 1024 : i32
    %mul3A_66 = arith.muli %arg1, %mul3A_65 : i32
    %mul3A_67 = arith.constant 1024 : i32
    %mul3A_68 = arith.muli %arg1, %mul3A_67 : i32
    "tpu.region"() ({
      %run_scoped3A = tpu.sem_alloc : memref<!tpu.dma_semaphore, #tpu.memory_space<semaphore_mem>>
      %dma_start3A_69 = arith.constant 0 : i32
      %dma_start3A_70 = tpu.memref_slice %arg6[%arg0, %mul3A_68, %dma_start3A_69] : memref<2x16384x64xf32, #tpu.memory_space<hbm>> -> memref<1x1024x64xf32, #tpu.memory_space<hbm>>
      %dma_start3A_71 = tpu.memref_squeeze %dma_start3A_70 : memref<1x1024x64xf32, #tpu.memory_space<hbm>> -> memref<1024x64xf32, #tpu.memory_space<hbm>>
      %dma_start3A_72 = arith.constant 0 : i32
      %dma_start3A_73 = tpu.memref_slice %arg13[%mul3A_66, %dma_start3A_72] : memref<16512x64xf32, #tpu.memory_space<vmem_shared>> -> memref<1024x64xf32, #tpu.memory_space<vmem_shared>>
      tpu.enqueue_dma source(%dma_start3A_73 : memref<1024x64xf32, #tpu.memory_space<vmem_shared>>) target(%dma_start3A_71 : memref<1024x64xf32, #tpu.memory_space<hbm>>) target_semaphore(%run_scoped3A : memref<!tpu.dma_semaphore, #tpu.memory_space<semaphore_mem>>)
      %dma_wait3A_74 = arith.constant 0 : i32
      %dma_wait3A_75 = tpu.memref_slice %arg6[%arg0, %mul3A_68, %dma_wait3A_74] : memref<2x16384x64xf32, #tpu.memory_space<hbm>> -> memref<1x1024x64xf32, #tpu.memory_space<hbm>>
      %dma_wait3A_76 = tpu.memref_squeeze %dma_wait3A_75 : memref<1x1024x64xf32, #tpu.memory_space<hbm>> -> memref<1024x64xf32, #tpu.memory_space<hbm>>
      %dma_wait3A_77 = arith.constant 0 : i32
      %dma_wait3A_78 = tpu.memref_slice %arg13[%mul3A_66, %dma_wait3A_77] : memref<16512x64xf32, #tpu.memory_space<vmem_shared>> -> memref<1024x64xf32, #tpu.memory_space<vmem_shared>>
      tpu.wait_dma2 semaphore(%run_scoped3A : memref<!tpu.dma_semaphore, #tpu.memory_space<semaphore_mem>>) src(%dma_wait3A_78 : memref<1024x64xf32, #tpu.memory_space<vmem_shared>>) dst(%dma_wait3A_76 : memref<1024x64xf32, #tpu.memory_space<hbm>>)
      tpu.yield
    }) : () -> ()
    return
  }
}

#map = affine_map<(d0, d1) -> (0, 0)>
#map1 = affine_map<(d0, d1) -> (0, 0, 0)>
module attributes {stable_mosaic.version = 14 : i64} {
  func.func @k(%arg0: i32, %arg1: i32, %arg2: memref<4096x256xf32, #tpu.memory_space<hbm>>, %arg3: memref<32x4x64xi32, #tpu.memory_space<hbm>>, %arg4: memref<32x4x64xi32, #tpu.memory_space<hbm>>, %arg5: memref<1152x256xf32, #tpu.memory_space<hbm>>, %arg6: memref<2x1024x256xf32, #tpu.memory_space<hbm>>, %arg7: memref<4x64xi32, #tpu.memory_space<vmem>>, %arg8: memref<4x64xi32, #tpu.memory_space<vmem>>, %arg9: memref<64x256xf32, #tpu.memory_space<vmem>>, %arg10: memref<64x256xf32, #tpu.memory_space<vmem>>, %arg11: memref<64x256xf32, #tpu.memory_space<vmem>>, %arg12: memref<64x256xf32, #tpu.memory_space<vmem>>, %arg13: memref<1152x256xf32, #tpu.memory_space<vmem_shared>>, %arg14: memref<!tpu.dma_semaphore, #tpu.memory_space<semaphore_mem>>, %arg15: memref<!tpu.dma_semaphore, #tpu.memory_space<semaphore_mem>>, %arg16: memref<!tpu.dma_semaphore, #tpu.memory_space<semaphore_mem>>, %arg17: memref<!tpu.dma_semaphore, #tpu.memory_space<semaphore_mem>>, %arg18: memref<!tpu.dma_semaphore, #tpu.memory_space<semaphore_mem>>, %arg19: memref<!tpu.dma_semaphore, #tpu.memory_space<semaphore_mem>>, %arg20: memref<!tpu.dma_semaphore, #tpu.memory_space<semaphore_mem>>, %arg21: memref<!tpu.dma_semaphore, #tpu.memory_space<semaphore_mem>>, %arg22: memref<!tpu.dma_semaphore, #tpu.memory_space<semaphore_mem>>) attributes {dimension_semantics = [#tpu.dimension_semantics<core_parallel>, #tpu.dimension_semantics<subcore_parallel>], iteration_bounds = array<i64: 2, 16>, scalar_prefetch = 0 : i64, scratch_operands = 16 : i64, tpu.core_type = #tpu.core_type<sc_vector_subcore>, window_params = [{transform_indices = #map}, {transform_indices = #map1}, {transform_indices = #map1}, {transform_indices = #map}, {transform_indices = #map1}]} {
    %mul3A = arith.constant 16 : i32
    %mul3A_0 = arith.muli %arg0, %mul3A : i32
    %add3A = arith.addi %mul3A_0, %arg1 : i32
    %mul3A_1 = arith.constant 72 : i32
    %mul3A_2 = arith.muli %arg1, %mul3A_1 : i32
    %mul3A_3 = arith.constant 72 : i32
    %mul3A_4 = arith.muli %arg1, %mul3A_3 : i32
    %dma_start3A = arith.constant 0 : i32
    %dma_start3A_5 = tpu.memref_slice %arg13[%mul3A_4, %dma_start3A] : memref<1152x256xf32, #tpu.memory_space<vmem_shared>> -> memref<72x256xf32, #tpu.memory_space<vmem_shared>>
    %dma_start3A_6 = arith.constant 0 : i32
    %dma_start3A_7 = tpu.memref_slice %arg5[%mul3A_2, %dma_start3A_6] : memref<1152x256xf32, #tpu.memory_space<hbm>> -> memref<72x256xf32, #tpu.memory_space<hbm>>
    tpu.enqueue_dma source(%dma_start3A_7 : memref<72x256xf32, #tpu.memory_space<hbm>>) target(%dma_start3A_5 : memref<72x256xf32, #tpu.memory_space<vmem_shared>>) target_semaphore(%arg22 : memref<!tpu.dma_semaphore, #tpu.memory_space<semaphore_mem>>)
    "tpu.region"() ({
      %run_scoped3A = tpu.sem_alloc : memref<!tpu.dma_semaphore, #tpu.memory_space<semaphore_mem>>
      %dma_start3A_223 = arith.constant 0 : i32
      %dma_start3A_224 = arith.constant 0 : i32
      %dma_start3A_225 = tpu.memref_slice %arg3[%add3A, %dma_start3A_223, %dma_start3A_224] : memref<32x4x64xi32, #tpu.memory_space<hbm>> -> memref<1x4x64xi32, #tpu.memory_space<hbm>>
      %dma_start3A_226 = tpu.memref_squeeze %dma_start3A_225 : memref<1x4x64xi32, #tpu.memory_space<hbm>> -> memref<4x64xi32, #tpu.memory_space<hbm>>
      %dma_start3A_227 = arith.constant 0 : i32
      %dma_start3A_228 = arith.constant 0 : i32
      %dma_start3A_229 = tpu.memref_slice %arg3[%add3A, %dma_start3A_227, %dma_start3A_228] : memref<32x4x64xi32, #tpu.memory_space<hbm>> -> memref<1x4x64xi32, #tpu.memory_space<hbm>>
      %dma_start3A_230 = tpu.memref_squeeze %dma_start3A_229 : memref<1x4x64xi32, #tpu.memory_space<hbm>> -> memref<4x64xi32, #tpu.memory_space<hbm>>
      tpu.enqueue_dma source(%dma_start3A_230 : memref<4x64xi32, #tpu.memory_space<hbm>>) target(%arg7 : memref<4x64xi32, #tpu.memory_space<vmem>>) target_semaphore(%run_scoped3A : memref<!tpu.dma_semaphore, #tpu.memory_space<semaphore_mem>>)
      %dma_wait3A_231 = arith.constant 0 : i32
      %dma_wait3A_232 = arith.constant 0 : i32
      %dma_wait3A_233 = tpu.memref_slice %arg3[%add3A, %dma_wait3A_231, %dma_wait3A_232] : memref<32x4x64xi32, #tpu.memory_space<hbm>> -> memref<1x4x64xi32, #tpu.memory_space<hbm>>
      %dma_wait3A_234 = tpu.memref_squeeze %dma_wait3A_233 : memref<1x4x64xi32, #tpu.memory_space<hbm>> -> memref<4x64xi32, #tpu.memory_space<hbm>>
      %dma_wait3A_235 = arith.constant 0 : i32
      %dma_wait3A_236 = arith.constant 0 : i32
      %dma_wait3A_237 = tpu.memref_slice %arg3[%add3A, %dma_wait3A_235, %dma_wait3A_236] : memref<32x4x64xi32, #tpu.memory_space<hbm>> -> memref<1x4x64xi32, #tpu.memory_space<hbm>>
      %dma_wait3A_238 = tpu.memref_squeeze %dma_wait3A_237 : memref<1x4x64xi32, #tpu.memory_space<hbm>> -> memref<4x64xi32, #tpu.memory_space<hbm>>
      tpu.wait_dma2 semaphore(%run_scoped3A : memref<!tpu.dma_semaphore, #tpu.memory_space<semaphore_mem>>) src(%dma_wait3A_238 : memref<4x64xi32, #tpu.memory_space<hbm>>) dst(%arg7 : memref<4x64xi32, #tpu.memory_space<vmem>>)
      tpu.yield
    }) : () -> ()
    "tpu.region"() ({
      %run_scoped3A = tpu.sem_alloc : memref<!tpu.dma_semaphore, #tpu.memory_space<semaphore_mem>>
      %dma_start3A_223 = arith.constant 0 : i32
      %dma_start3A_224 = arith.constant 0 : i32
      %dma_start3A_225 = tpu.memref_slice %arg4[%add3A, %dma_start3A_223, %dma_start3A_224] : memref<32x4x64xi32, #tpu.memory_space<hbm>> -> memref<1x4x64xi32, #tpu.memory_space<hbm>>
      %dma_start3A_226 = tpu.memref_squeeze %dma_start3A_225 : memref<1x4x64xi32, #tpu.memory_space<hbm>> -> memref<4x64xi32, #tpu.memory_space<hbm>>
      %dma_start3A_227 = arith.constant 0 : i32
      %dma_start3A_228 = arith.constant 0 : i32
      %dma_start3A_229 = tpu.memref_slice %arg4[%add3A, %dma_start3A_227, %dma_start3A_228] : memref<32x4x64xi32, #tpu.memory_space<hbm>> -> memref<1x4x64xi32, #tpu.memory_space<hbm>>
      %dma_start3A_230 = tpu.memref_squeeze %dma_start3A_229 : memref<1x4x64xi32, #tpu.memory_space<hbm>> -> memref<4x64xi32, #tpu.memory_space<hbm>>
      tpu.enqueue_dma source(%dma_start3A_230 : memref<4x64xi32, #tpu.memory_space<hbm>>) target(%arg8 : memref<4x64xi32, #tpu.memory_space<vmem>>) target_semaphore(%run_scoped3A : memref<!tpu.dma_semaphore, #tpu.memory_space<semaphore_mem>>)
      %dma_wait3A_231 = arith.constant 0 : i32
      %dma_wait3A_232 = arith.constant 0 : i32
      %dma_wait3A_233 = tpu.memref_slice %arg4[%add3A, %dma_wait3A_231, %dma_wait3A_232] : memref<32x4x64xi32, #tpu.memory_space<hbm>> -> memref<1x4x64xi32, #tpu.memory_space<hbm>>
      %dma_wait3A_234 = tpu.memref_squeeze %dma_wait3A_233 : memref<1x4x64xi32, #tpu.memory_space<hbm>> -> memref<4x64xi32, #tpu.memory_space<hbm>>
      %dma_wait3A_235 = arith.constant 0 : i32
      %dma_wait3A_236 = arith.constant 0 : i32
      %dma_wait3A_237 = tpu.memref_slice %arg4[%add3A, %dma_wait3A_235, %dma_wait3A_236] : memref<32x4x64xi32, #tpu.memory_space<hbm>> -> memref<1x4x64xi32, #tpu.memory_space<hbm>>
      %dma_wait3A_238 = tpu.memref_squeeze %dma_wait3A_237 : memref<1x4x64xi32, #tpu.memory_space<hbm>> -> memref<4x64xi32, #tpu.memory_space<hbm>>
      tpu.wait_dma2 semaphore(%run_scoped3A : memref<!tpu.dma_semaphore, #tpu.memory_space<semaphore_mem>>) src(%dma_wait3A_238 : memref<4x64xi32, #tpu.memory_space<hbm>>) dst(%arg8 : memref<4x64xi32, #tpu.memory_space<vmem>>)
      tpu.yield
    }) : () -> ()
    %dma_wait3A = arith.constant 0 : i32
    %dma_wait3A_8 = tpu.memref_slice %arg13[%mul3A_4, %dma_wait3A] : memref<1152x256xf32, #tpu.memory_space<vmem_shared>> -> memref<72x256xf32, #tpu.memory_space<vmem_shared>>
    %dma_wait3A_9 = arith.constant 0 : i32
    %dma_wait3A_10 = tpu.memref_slice %arg5[%mul3A_2, %dma_wait3A_9] : memref<1152x256xf32, #tpu.memory_space<hbm>> -> memref<72x256xf32, #tpu.memory_space<hbm>>
    tpu.wait_dma2 semaphore(%arg22 : memref<!tpu.dma_semaphore, #tpu.memory_space<semaphore_mem>>) src(%dma_wait3A_10 : memref<72x256xf32, #tpu.memory_space<hbm>>) dst(%dma_wait3A_8 : memref<72x256xf32, #tpu.memory_space<vmem_shared>>)
    %barrier3A = arith.constant 0 : index
    tpu.barrier barrier_id(%barrier3A)
    %dma_start3A_11 = arith.constant 0 : i32
    %dma_start3A_12 = arith.constant 0 : i32
    %dma_start3A_13 = tpu.memref_slice %arg7[%dma_start3A_11, %dma_start3A_12] : memref<4x64xi32, #tpu.memory_space<vmem>> -> memref<1x64xi32, #tpu.memory_space<vmem>>
    %dma_start3A_14 = tpu.memref_squeeze %dma_start3A_13 : memref<1x64xi32, #tpu.memory_space<vmem>> -> memref<64xi32, #tpu.memory_space<vmem>>
    %dma_start3A_15 = arith.constant 0 : i32
    %dma_start3A_16 = arith.constant 0 : i32
    %dma_start3A_17 = tpu.memref_slice %arg2[%dma_start3A_15, %dma_start3A_16] : memref<4096x256xf32, #tpu.memory_space<hbm>> -> memref<4096x256xf32, #tpu.memory_space<hbm>>
    tpu.enqueue_indirect_dma source(%dma_start3A_17 : memref<4096x256xf32, #tpu.memory_space<hbm>>) target(%arg9 : memref<64x256xf32, #tpu.memory_space<vmem>>) offsets(%dma_start3A_14 : memref<64xi32, #tpu.memory_space<vmem>>) semaphore(%arg14 : memref<!tpu.dma_semaphore, #tpu.memory_space<semaphore_mem>>)
    %dma_start3A_18 = arith.constant 1 : i32
    %dma_start3A_19 = arith.constant 0 : i32
    %dma_start3A_20 = tpu.memref_slice %arg7[%dma_start3A_18, %dma_start3A_19] : memref<4x64xi32, #tpu.memory_space<vmem>> -> memref<1x64xi32, #tpu.memory_space<vmem>>
    %dma_start3A_21 = tpu.memref_squeeze %dma_start3A_20 : memref<1x64xi32, #tpu.memory_space<vmem>> -> memref<64xi32, #tpu.memory_space<vmem>>
    %dma_start3A_22 = arith.constant 0 : i32
    %dma_start3A_23 = arith.constant 0 : i32
    %dma_start3A_24 = tpu.memref_slice %arg2[%dma_start3A_22, %dma_start3A_23] : memref<4096x256xf32, #tpu.memory_space<hbm>> -> memref<4096x256xf32, #tpu.memory_space<hbm>>
    tpu.enqueue_indirect_dma source(%dma_start3A_24 : memref<4096x256xf32, #tpu.memory_space<hbm>>) target(%arg10 : memref<64x256xf32, #tpu.memory_space<vmem>>) offsets(%dma_start3A_21 : memref<64xi32, #tpu.memory_space<vmem>>) semaphore(%arg15 : memref<!tpu.dma_semaphore, #tpu.memory_space<semaphore_mem>>)
    %dma_start3A_25 = arith.constant 2 : i32
    %dma_start3A_26 = arith.constant 0 : i32
    %dma_start3A_27 = tpu.memref_slice %arg7[%dma_start3A_25, %dma_start3A_26] : memref<4x64xi32, #tpu.memory_space<vmem>> -> memref<1x64xi32, #tpu.memory_space<vmem>>
    %dma_start3A_28 = tpu.memref_squeeze %dma_start3A_27 : memref<1x64xi32, #tpu.memory_space<vmem>> -> memref<64xi32, #tpu.memory_space<vmem>>
    %dma_start3A_29 = arith.constant 0 : i32
    %dma_start3A_30 = arith.constant 0 : i32
    %dma_start3A_31 = tpu.memref_slice %arg2[%dma_start3A_29, %dma_start3A_30] : memref<4096x256xf32, #tpu.memory_space<hbm>> -> memref<4096x256xf32, #tpu.memory_space<hbm>>
    tpu.enqueue_indirect_dma source(%dma_start3A_31 : memref<4096x256xf32, #tpu.memory_space<hbm>>) target(%arg11 : memref<64x256xf32, #tpu.memory_space<vmem>>) offsets(%dma_start3A_28 : memref<64xi32, #tpu.memory_space<vmem>>) semaphore(%arg16 : memref<!tpu.dma_semaphore, #tpu.memory_space<semaphore_mem>>)
    %scan3A = arith.constant 0 : i32
    %mul3A_32 = arith.constant 1 : i32
    %mul3A_33 = arith.muli %scan3A, %mul3A_32 : i32
    %add3A_34 = arith.constant 0 : i32
    %add3A_35 = arith.addi %add3A_34, %mul3A_33 : i32
    %mul3A_36 = arith.constant 4 : i32
    %mul3A_37 = arith.muli %add3A_35, %mul3A_36 : i32
    %add3A_38 = arith.constant 0 : i32
    %add3A_39 = arith.addi %mul3A_37, %add3A_38 : i32
    %add3A_40 = arith.constant 4 : i32
    %add3A_41 = arith.addi %add3A_39, %add3A_40 : i32
    %sub3A = arith.constant 1 : i32
    %sub3A_42 = arith.subi %add3A_41, %sub3A : i32
    %lt3A = arith.constant 4 : i32
    %lt3A_43 = arith.cmpi slt, %sub3A_42, %lt3A : i32
    %gt3A = arith.constant 0 : i32
    %gt3A_44 = arith.cmpi sgt, %add3A_39, %gt3A : i32
    %and3A = arith.andi %lt3A_43, %gt3A_44 : i1
    %convert_element_type3A = arith.extui %and3A : i1 to i32
    %cond3A = arith.constant 0 : i32
    %cond3A_45 = arith.cmpi ne, %convert_element_type3A, %cond3A : i32
    scf.if %cond3A_45 {
      %sub3A_223 = arith.constant 1 : i32
      %sub3A_224 = arith.subi %add3A_39, %sub3A_223 : i32
      %dma_wait3A_225 = arith.constant 0 : i32
      %dma_wait3A_226 = tpu.memref_slice %arg8[%sub3A_224, %dma_wait3A_225] : memref<4x64xi32, #tpu.memory_space<vmem>> -> memref<1x64xi32, #tpu.memory_space<vmem>>
      %dma_wait3A_227 = tpu.memref_squeeze %dma_wait3A_226 : memref<1x64xi32, #tpu.memory_space<vmem>> -> memref<64xi32, #tpu.memory_space<vmem>>
      %dma_wait3A_228 = arith.constant 0 : i32
      %dma_wait3A_229 = arith.constant 0 : i32
      %dma_wait3A_230 = tpu.memref_slice %arg13[%dma_wait3A_228, %dma_wait3A_229] : memref<1152x256xf32, #tpu.memory_space<vmem_shared>> -> memref<1152x256xf32, #tpu.memory_space<vmem_shared>>
      tpu.wait_indirect_dma semaphore(%arg21 : memref<!tpu.dma_semaphore, #tpu.memory_space<semaphore_mem>>) src(%arg12 : memref<64x256xf32, #tpu.memory_space<vmem>>) dst(%dma_wait3A_230 : memref<1152x256xf32, #tpu.memory_space<vmem_shared>>)
      %add3A_231 = arith.constant 4 : i32
      %add3A_232 = arith.addi %add3A_39, %add3A_231 : i32
      %sub3A_233 = arith.constant 1 : i32
      %sub3A_234 = arith.subi %add3A_232, %sub3A_233 : i32
      %dma_start3A_235 = arith.constant 0 : i32
      %dma_start3A_236 = tpu.memref_slice %arg7[%sub3A_234, %dma_start3A_235] : memref<4x64xi32, #tpu.memory_space<vmem>> -> memref<1x64xi32, #tpu.memory_space<vmem>>
      %dma_start3A_237 = tpu.memref_squeeze %dma_start3A_236 : memref<1x64xi32, #tpu.memory_space<vmem>> -> memref<64xi32, #tpu.memory_space<vmem>>
      %dma_start3A_238 = arith.constant 0 : i32
      %dma_start3A_239 = arith.constant 0 : i32
      %dma_start3A_240 = tpu.memref_slice %arg2[%dma_start3A_238, %dma_start3A_239] : memref<4096x256xf32, #tpu.memory_space<hbm>> -> memref<4096x256xf32, #tpu.memory_space<hbm>>
      tpu.enqueue_indirect_dma source(%dma_start3A_240 : memref<4096x256xf32, #tpu.memory_space<hbm>>) target(%arg12 : memref<64x256xf32, #tpu.memory_space<vmem>>) offsets(%dma_start3A_237 : memref<64xi32, #tpu.memory_space<vmem>>) semaphore(%arg17 : memref<!tpu.dma_semaphore, #tpu.memory_space<semaphore_mem>>)
    } else {
    }
    %add3A_46 = arith.constant 4 : i32
    %add3A_47 = arith.addi %add3A_39, %add3A_46 : i32
    %sub3A_48 = arith.constant 1 : i32
    %sub3A_49 = arith.subi %add3A_47, %sub3A_48 : i32
    %lt3A_50 = arith.constant 4 : i32
    %lt3A_51 = arith.cmpi slt, %sub3A_49, %lt3A_50 : i32
    %eq3A = arith.constant 0 : i32
    %eq3A_52 = arith.cmpi eq, %add3A_39, %eq3A : i32
    %and3A_53 = arith.andi %lt3A_51, %eq3A_52 : i1
    %convert_element_type3A_54 = arith.extui %and3A_53 : i1 to i32
    %cond3A_55 = arith.constant 0 : i32
    %cond3A_56 = arith.cmpi ne, %convert_element_type3A_54, %cond3A_55 : i32
    scf.if %cond3A_56 {
      %add3A_223 = arith.constant 4 : i32
      %add3A_224 = arith.addi %add3A_39, %add3A_223 : i32
      %sub3A_225 = arith.constant 1 : i32
      %sub3A_226 = arith.subi %add3A_224, %sub3A_225 : i32
      %dma_start3A_227 = arith.constant 0 : i32
      %dma_start3A_228 = tpu.memref_slice %arg7[%sub3A_226, %dma_start3A_227] : memref<4x64xi32, #tpu.memory_space<vmem>> -> memref<1x64xi32, #tpu.memory_space<vmem>>
      %dma_start3A_229 = tpu.memref_squeeze %dma_start3A_228 : memref<1x64xi32, #tpu.memory_space<vmem>> -> memref<64xi32, #tpu.memory_space<vmem>>
      %dma_start3A_230 = arith.constant 0 : i32
      %dma_start3A_231 = arith.constant 0 : i32
      %dma_start3A_232 = tpu.memref_slice %arg2[%dma_start3A_230, %dma_start3A_231] : memref<4096x256xf32, #tpu.memory_space<hbm>> -> memref<4096x256xf32, #tpu.memory_space<hbm>>
      tpu.enqueue_indirect_dma source(%dma_start3A_232 : memref<4096x256xf32, #tpu.memory_space<hbm>>) target(%arg12 : memref<64x256xf32, #tpu.memory_space<vmem>>) offsets(%dma_start3A_229 : memref<64xi32, #tpu.memory_space<vmem>>) semaphore(%arg17 : memref<!tpu.dma_semaphore, #tpu.memory_space<semaphore_mem>>)
    } else {
    }
    %dma_wait3A_57 = arith.constant 0 : i32
    %dma_wait3A_58 = tpu.memref_slice %arg7[%add3A_39, %dma_wait3A_57] : memref<4x64xi32, #tpu.memory_space<vmem>> -> memref<1x64xi32, #tpu.memory_space<vmem>>
    %dma_wait3A_59 = tpu.memref_squeeze %dma_wait3A_58 : memref<1x64xi32, #tpu.memory_space<vmem>> -> memref<64xi32, #tpu.memory_space<vmem>>
    %dma_wait3A_60 = arith.constant 0 : i32
    %dma_wait3A_61 = arith.constant 0 : i32
    %dma_wait3A_62 = tpu.memref_slice %arg2[%dma_wait3A_60, %dma_wait3A_61] : memref<4096x256xf32, #tpu.memory_space<hbm>> -> memref<4096x256xf32, #tpu.memory_space<hbm>>
    tpu.wait_indirect_dma semaphore(%arg14 : memref<!tpu.dma_semaphore, #tpu.memory_space<semaphore_mem>>) src(%dma_wait3A_62 : memref<4096x256xf32, #tpu.memory_space<hbm>>) dst(%arg9 : memref<64x256xf32, #tpu.memory_space<vmem>>)
    %dma_start3A_63 = arith.constant 0 : i32
    %dma_start3A_64 = tpu.memref_slice %arg8[%add3A_39, %dma_start3A_63] : memref<4x64xi32, #tpu.memory_space<vmem>> -> memref<1x64xi32, #tpu.memory_space<vmem>>
    %dma_start3A_65 = tpu.memref_squeeze %dma_start3A_64 : memref<1x64xi32, #tpu.memory_space<vmem>> -> memref<64xi32, #tpu.memory_space<vmem>>
    %dma_start3A_66 = arith.constant 0 : i32
    %dma_start3A_67 = arith.constant 0 : i32
    %dma_start3A_68 = tpu.memref_slice %arg13[%dma_start3A_66, %dma_start3A_67] : memref<1152x256xf32, #tpu.memory_space<vmem_shared>> -> memref<1152x256xf32, #tpu.memory_space<vmem_shared>>
    tpu.enqueue_indirect_dma source(%arg9 : memref<64x256xf32, #tpu.memory_space<vmem>>) target(%dma_start3A_68 : memref<1152x256xf32, #tpu.memory_space<vmem_shared>>) offsets(%dma_start3A_65 : memref<64xi32, #tpu.memory_space<vmem>>) semaphore(%arg18 : memref<!tpu.dma_semaphore, #tpu.memory_space<semaphore_mem>>) {add = true}
    %mul3A_69 = arith.constant 4 : i32
    %mul3A_70 = arith.muli %add3A_35, %mul3A_69 : i32
    %add3A_71 = arith.constant 1 : i32
    %add3A_72 = arith.addi %mul3A_70, %add3A_71 : i32
    %add3A_73 = arith.constant 4 : i32
    %add3A_74 = arith.addi %add3A_72, %add3A_73 : i32
    %sub3A_75 = arith.constant 1 : i32
    %sub3A_76 = arith.subi %add3A_74, %sub3A_75 : i32
    %lt3A_77 = arith.constant 4 : i32
    %lt3A_78 = arith.cmpi slt, %sub3A_76, %lt3A_77 : i32
    %gt3A_79 = arith.constant 0 : i32
    %gt3A_80 = arith.cmpi sgt, %add3A_72, %gt3A_79 : i32
    %and3A_81 = arith.andi %lt3A_78, %gt3A_80 : i1
    %convert_element_type3A_82 = arith.extui %and3A_81 : i1 to i32
    %cond3A_83 = arith.constant 0 : i32
    %cond3A_84 = arith.cmpi ne, %convert_element_type3A_82, %cond3A_83 : i32
    scf.if %cond3A_84 {
      %sub3A_223 = arith.constant 1 : i32
      %sub3A_224 = arith.subi %add3A_72, %sub3A_223 : i32
      %dma_wait3A_225 = arith.constant 0 : i32
      %dma_wait3A_226 = tpu.memref_slice %arg8[%sub3A_224, %dma_wait3A_225] : memref<4x64xi32, #tpu.memory_space<vmem>> -> memref<1x64xi32, #tpu.memory_space<vmem>>
      %dma_wait3A_227 = tpu.memref_squeeze %dma_wait3A_226 : memref<1x64xi32, #tpu.memory_space<vmem>> -> memref<64xi32, #tpu.memory_space<vmem>>
      %dma_wait3A_228 = arith.constant 0 : i32
      %dma_wait3A_229 = arith.constant 0 : i32
      %dma_wait3A_230 = tpu.memref_slice %arg13[%dma_wait3A_228, %dma_wait3A_229] : memref<1152x256xf32, #tpu.memory_space<vmem_shared>> -> memref<1152x256xf32, #tpu.memory_space<vmem_shared>>
      tpu.wait_indirect_dma semaphore(%arg18 : memref<!tpu.dma_semaphore, #tpu.memory_space<semaphore_mem>>) src(%arg9 : memref<64x256xf32, #tpu.memory_space<vmem>>) dst(%dma_wait3A_230 : memref<1152x256xf32, #tpu.memory_space<vmem_shared>>)
      %add3A_231 = arith.constant 4 : i32
      %add3A_232 = arith.addi %add3A_72, %add3A_231 : i32
      %sub3A_233 = arith.constant 1 : i32
      %sub3A_234 = arith.subi %add3A_232, %sub3A_233 : i32
      %dma_start3A_235 = arith.constant 0 : i32
      %dma_start3A_236 = tpu.memref_slice %arg7[%sub3A_234, %dma_start3A_235] : memref<4x64xi32, #tpu.memory_space<vmem>> -> memref<1x64xi32, #tpu.memory_space<vmem>>
      %dma_start3A_237 = tpu.memref_squeeze %dma_start3A_236 : memref<1x64xi32, #tpu.memory_space<vmem>> -> memref<64xi32, #tpu.memory_space<vmem>>
      %dma_start3A_238 = arith.constant 0 : i32
      %dma_start3A_239 = arith.constant 0 : i32
      %dma_start3A_240 = tpu.memref_slice %arg2[%dma_start3A_238, %dma_start3A_239] : memref<4096x256xf32, #tpu.memory_space<hbm>> -> memref<4096x256xf32, #tpu.memory_space<hbm>>
      tpu.enqueue_indirect_dma source(%dma_start3A_240 : memref<4096x256xf32, #tpu.memory_space<hbm>>) target(%arg9 : memref<64x256xf32, #tpu.memory_space<vmem>>) offsets(%dma_start3A_237 : memref<64xi32, #tpu.memory_space<vmem>>) semaphore(%arg14 : memref<!tpu.dma_semaphore, #tpu.memory_space<semaphore_mem>>)
    } else {
    }
    %add3A_85 = arith.constant 4 : i32
    %add3A_86 = arith.addi %add3A_72, %add3A_85 : i32
    %sub3A_87 = arith.constant 1 : i32
    %sub3A_88 = arith.subi %add3A_86, %sub3A_87 : i32
    %lt3A_89 = arith.constant 4 : i32
    %lt3A_90 = arith.cmpi slt, %sub3A_88, %lt3A_89 : i32
    %eq3A_91 = arith.constant 0 : i32
    %eq3A_92 = arith.cmpi eq, %add3A_72, %eq3A_91 : i32
    %and3A_93 = arith.andi %lt3A_90, %eq3A_92 : i1
    %convert_element_type3A_94 = arith.extui %and3A_93 : i1 to i32
    %cond3A_95 = arith.constant 0 : i32
    %cond3A_96 = arith.cmpi ne, %convert_element_type3A_94, %cond3A_95 : i32
    scf.if %cond3A_96 {
      %add3A_223 = arith.constant 4 : i32
      %add3A_224 = arith.addi %add3A_72, %add3A_223 : i32
      %sub3A_225 = arith.constant 1 : i32
      %sub3A_226 = arith.subi %add3A_224, %sub3A_225 : i32
      %dma_start3A_227 = arith.constant 0 : i32
      %dma_start3A_228 = tpu.memref_slice %arg7[%sub3A_226, %dma_start3A_227] : memref<4x64xi32, #tpu.memory_space<vmem>> -> memref<1x64xi32, #tpu.memory_space<vmem>>
      %dma_start3A_229 = tpu.memref_squeeze %dma_start3A_228 : memref<1x64xi32, #tpu.memory_space<vmem>> -> memref<64xi32, #tpu.memory_space<vmem>>
      %dma_start3A_230 = arith.constant 0 : i32
      %dma_start3A_231 = arith.constant 0 : i32
      %dma_start3A_232 = tpu.memref_slice %arg2[%dma_start3A_230, %dma_start3A_231] : memref<4096x256xf32, #tpu.memory_space<hbm>> -> memref<4096x256xf32, #tpu.memory_space<hbm>>
      tpu.enqueue_indirect_dma source(%dma_start3A_232 : memref<4096x256xf32, #tpu.memory_space<hbm>>) target(%arg9 : memref<64x256xf32, #tpu.memory_space<vmem>>) offsets(%dma_start3A_229 : memref<64xi32, #tpu.memory_space<vmem>>) semaphore(%arg14 : memref<!tpu.dma_semaphore, #tpu.memory_space<semaphore_mem>>)
    } else {
    }
    %dma_wait3A_97 = arith.constant 0 : i32
    %dma_wait3A_98 = tpu.memref_slice %arg7[%add3A_72, %dma_wait3A_97] : memref<4x64xi32, #tpu.memory_space<vmem>> -> memref<1x64xi32, #tpu.memory_space<vmem>>
    %dma_wait3A_99 = tpu.memref_squeeze %dma_wait3A_98 : memref<1x64xi32, #tpu.memory_space<vmem>> -> memref<64xi32, #tpu.memory_space<vmem>>
    %dma_wait3A_100 = arith.constant 0 : i32
    %dma_wait3A_101 = arith.constant 0 : i32
    %dma_wait3A_102 = tpu.memref_slice %arg2[%dma_wait3A_100, %dma_wait3A_101] : memref<4096x256xf32, #tpu.memory_space<hbm>> -> memref<4096x256xf32, #tpu.memory_space<hbm>>
    tpu.wait_indirect_dma semaphore(%arg15 : memref<!tpu.dma_semaphore, #tpu.memory_space<semaphore_mem>>) src(%dma_wait3A_102 : memref<4096x256xf32, #tpu.memory_space<hbm>>) dst(%arg10 : memref<64x256xf32, #tpu.memory_space<vmem>>)
    %dma_start3A_103 = arith.constant 0 : i32
    %dma_start3A_104 = tpu.memref_slice %arg8[%add3A_72, %dma_start3A_103] : memref<4x64xi32, #tpu.memory_space<vmem>> -> memref<1x64xi32, #tpu.memory_space<vmem>>
    %dma_start3A_105 = tpu.memref_squeeze %dma_start3A_104 : memref<1x64xi32, #tpu.memory_space<vmem>> -> memref<64xi32, #tpu.memory_space<vmem>>
    %dma_start3A_106 = arith.constant 0 : i32
    %dma_start3A_107 = arith.constant 0 : i32
    %dma_start3A_108 = tpu.memref_slice %arg13[%dma_start3A_106, %dma_start3A_107] : memref<1152x256xf32, #tpu.memory_space<vmem_shared>> -> memref<1152x256xf32, #tpu.memory_space<vmem_shared>>
    tpu.enqueue_indirect_dma source(%arg10 : memref<64x256xf32, #tpu.memory_space<vmem>>) target(%dma_start3A_108 : memref<1152x256xf32, #tpu.memory_space<vmem_shared>>) offsets(%dma_start3A_105 : memref<64xi32, #tpu.memory_space<vmem>>) semaphore(%arg19 : memref<!tpu.dma_semaphore, #tpu.memory_space<semaphore_mem>>) {add = true}
    %mul3A_109 = arith.constant 4 : i32
    %mul3A_110 = arith.muli %add3A_35, %mul3A_109 : i32
    %add3A_111 = arith.constant 2 : i32
    %add3A_112 = arith.addi %mul3A_110, %add3A_111 : i32
    %add3A_113 = arith.constant 4 : i32
    %add3A_114 = arith.addi %add3A_112, %add3A_113 : i32
    %sub3A_115 = arith.constant 1 : i32
    %sub3A_116 = arith.subi %add3A_114, %sub3A_115 : i32
    %lt3A_117 = arith.constant 4 : i32
    %lt3A_118 = arith.cmpi slt, %sub3A_116, %lt3A_117 : i32
    %gt3A_119 = arith.constant 0 : i32
    %gt3A_120 = arith.cmpi sgt, %add3A_112, %gt3A_119 : i32
    %and3A_121 = arith.andi %lt3A_118, %gt3A_120 : i1
    %convert_element_type3A_122 = arith.extui %and3A_121 : i1 to i32
    %cond3A_123 = arith.constant 0 : i32
    %cond3A_124 = arith.cmpi ne, %convert_element_type3A_122, %cond3A_123 : i32
    scf.if %cond3A_124 {
      %sub3A_223 = arith.constant 1 : i32
      %sub3A_224 = arith.subi %add3A_112, %sub3A_223 : i32
      %dma_wait3A_225 = arith.constant 0 : i32
      %dma_wait3A_226 = tpu.memref_slice %arg8[%sub3A_224, %dma_wait3A_225] : memref<4x64xi32, #tpu.memory_space<vmem>> -> memref<1x64xi32, #tpu.memory_space<vmem>>
      %dma_wait3A_227 = tpu.memref_squeeze %dma_wait3A_226 : memref<1x64xi32, #tpu.memory_space<vmem>> -> memref<64xi32, #tpu.memory_space<vmem>>
      %dma_wait3A_228 = arith.constant 0 : i32
      %dma_wait3A_229 = arith.constant 0 : i32
      %dma_wait3A_230 = tpu.memref_slice %arg13[%dma_wait3A_228, %dma_wait3A_229] : memref<1152x256xf32, #tpu.memory_space<vmem_shared>> -> memref<1152x256xf32, #tpu.memory_space<vmem_shared>>
      tpu.wait_indirect_dma semaphore(%arg19 : memref<!tpu.dma_semaphore, #tpu.memory_space<semaphore_mem>>) src(%arg10 : memref<64x256xf32, #tpu.memory_space<vmem>>) dst(%dma_wait3A_230 : memref<1152x256xf32, #tpu.memory_space<vmem_shared>>)
      %add3A_231 = arith.constant 4 : i32
      %add3A_232 = arith.addi %add3A_112, %add3A_231 : i32
      %sub3A_233 = arith.constant 1 : i32
      %sub3A_234 = arith.subi %add3A_232, %sub3A_233 : i32
      %dma_start3A_235 = arith.constant 0 : i32
      %dma_start3A_236 = tpu.memref_slice %arg7[%sub3A_234, %dma_start3A_235] : memref<4x64xi32, #tpu.memory_space<vmem>> -> memref<1x64xi32, #tpu.memory_space<vmem>>
      %dma_start3A_237 = tpu.memref_squeeze %dma_start3A_236 : memref<1x64xi32, #tpu.memory_space<vmem>> -> memref<64xi32, #tpu.memory_space<vmem>>
      %dma_start3A_238 = arith.constant 0 : i32
      %dma_start3A_239 = arith.constant 0 : i32
      %dma_start3A_240 = tpu.memref_slice %arg2[%dma_start3A_238, %dma_start3A_239] : memref<4096x256xf32, #tpu.memory_space<hbm>> -> memref<4096x256xf32, #tpu.memory_space<hbm>>
      tpu.enqueue_indirect_dma source(%dma_start3A_240 : memref<4096x256xf32, #tpu.memory_space<hbm>>) target(%arg10 : memref<64x256xf32, #tpu.memory_space<vmem>>) offsets(%dma_start3A_237 : memref<64xi32, #tpu.memory_space<vmem>>) semaphore(%arg15 : memref<!tpu.dma_semaphore, #tpu.memory_space<semaphore_mem>>)
    } else {
    }
    %add3A_125 = arith.constant 4 : i32
    %add3A_126 = arith.addi %add3A_112, %add3A_125 : i32
    %sub3A_127 = arith.constant 1 : i32
    %sub3A_128 = arith.subi %add3A_126, %sub3A_127 : i32
    %lt3A_129 = arith.constant 4 : i32
    %lt3A_130 = arith.cmpi slt, %sub3A_128, %lt3A_129 : i32
    %eq3A_131 = arith.constant 0 : i32
    %eq3A_132 = arith.cmpi eq, %add3A_112, %eq3A_131 : i32
    %and3A_133 = arith.andi %lt3A_130, %eq3A_132 : i1
    %convert_element_type3A_134 = arith.extui %and3A_133 : i1 to i32
    %cond3A_135 = arith.constant 0 : i32
    %cond3A_136 = arith.cmpi ne, %convert_element_type3A_134, %cond3A_135 : i32
    scf.if %cond3A_136 {
      %add3A_223 = arith.constant 4 : i32
      %add3A_224 = arith.addi %add3A_112, %add3A_223 : i32
      %sub3A_225 = arith.constant 1 : i32
      %sub3A_226 = arith.subi %add3A_224, %sub3A_225 : i32
      %dma_start3A_227 = arith.constant 0 : i32
      %dma_start3A_228 = tpu.memref_slice %arg7[%sub3A_226, %dma_start3A_227] : memref<4x64xi32, #tpu.memory_space<vmem>> -> memref<1x64xi32, #tpu.memory_space<vmem>>
      %dma_start3A_229 = tpu.memref_squeeze %dma_start3A_228 : memref<1x64xi32, #tpu.memory_space<vmem>> -> memref<64xi32, #tpu.memory_space<vmem>>
      %dma_start3A_230 = arith.constant 0 : i32
      %dma_start3A_231 = arith.constant 0 : i32
      %dma_start3A_232 = tpu.memref_slice %arg2[%dma_start3A_230, %dma_start3A_231] : memref<4096x256xf32, #tpu.memory_space<hbm>> -> memref<4096x256xf32, #tpu.memory_space<hbm>>
      tpu.enqueue_indirect_dma source(%dma_start3A_232 : memref<4096x256xf32, #tpu.memory_space<hbm>>) target(%arg10 : memref<64x256xf32, #tpu.memory_space<vmem>>) offsets(%dma_start3A_229 : memref<64xi32, #tpu.memory_space<vmem>>) semaphore(%arg15 : memref<!tpu.dma_semaphore, #tpu.memory_space<semaphore_mem>>)
    } else {
    }
    %dma_wait3A_137 = arith.constant 0 : i32
    %dma_wait3A_138 = tpu.memref_slice %arg7[%add3A_112, %dma_wait3A_137] : memref<4x64xi32, #tpu.memory_space<vmem>> -> memref<1x64xi32, #tpu.memory_space<vmem>>
    %dma_wait3A_139 = tpu.memref_squeeze %dma_wait3A_138 : memref<1x64xi32, #tpu.memory_space<vmem>> -> memref<64xi32, #tpu.memory_space<vmem>>
    %dma_wait3A_140 = arith.constant 0 : i32
    %dma_wait3A_141 = arith.constant 0 : i32
    %dma_wait3A_142 = tpu.memref_slice %arg2[%dma_wait3A_140, %dma_wait3A_141] : memref<4096x256xf32, #tpu.memory_space<hbm>> -> memref<4096x256xf32, #tpu.memory_space<hbm>>
    tpu.wait_indirect_dma semaphore(%arg16 : memref<!tpu.dma_semaphore, #tpu.memory_space<semaphore_mem>>) src(%dma_wait3A_142 : memref<4096x256xf32, #tpu.memory_space<hbm>>) dst(%arg11 : memref<64x256xf32, #tpu.memory_space<vmem>>)
    %dma_start3A_143 = arith.constant 0 : i32
    %dma_start3A_144 = tpu.memref_slice %arg8[%add3A_112, %dma_start3A_143] : memref<4x64xi32, #tpu.memory_space<vmem>> -> memref<1x64xi32, #tpu.memory_space<vmem>>
    %dma_start3A_145 = tpu.memref_squeeze %dma_start3A_144 : memref<1x64xi32, #tpu.memory_space<vmem>> -> memref<64xi32, #tpu.memory_space<vmem>>
    %dma_start3A_146 = arith.constant 0 : i32
    %dma_start3A_147 = arith.constant 0 : i32
    %dma_start3A_148 = tpu.memref_slice %arg13[%dma_start3A_146, %dma_start3A_147] : memref<1152x256xf32, #tpu.memory_space<vmem_shared>> -> memref<1152x256xf32, #tpu.memory_space<vmem_shared>>
    tpu.enqueue_indirect_dma source(%arg11 : memref<64x256xf32, #tpu.memory_space<vmem>>) target(%dma_start3A_148 : memref<1152x256xf32, #tpu.memory_space<vmem_shared>>) offsets(%dma_start3A_145 : memref<64xi32, #tpu.memory_space<vmem>>) semaphore(%arg20 : memref<!tpu.dma_semaphore, #tpu.memory_space<semaphore_mem>>) {add = true}
    %mul3A_149 = arith.constant 4 : i32
    %mul3A_150 = arith.muli %add3A_35, %mul3A_149 : i32
    %add3A_151 = arith.constant 3 : i32
    %add3A_152 = arith.addi %mul3A_150, %add3A_151 : i32
    %add3A_153 = arith.constant 4 : i32
    %add3A_154 = arith.addi %add3A_152, %add3A_153 : i32
    %sub3A_155 = arith.constant 1 : i32
    %sub3A_156 = arith.subi %add3A_154, %sub3A_155 : i32
    %lt3A_157 = arith.constant 4 : i32
    %lt3A_158 = arith.cmpi slt, %sub3A_156, %lt3A_157 : i32
    %gt3A_159 = arith.constant 0 : i32
    %gt3A_160 = arith.cmpi sgt, %add3A_152, %gt3A_159 : i32
    %and3A_161 = arith.andi %lt3A_158, %gt3A_160 : i1
    %convert_element_type3A_162 = arith.extui %and3A_161 : i1 to i32
    %cond3A_163 = arith.constant 0 : i32
    %cond3A_164 = arith.cmpi ne, %convert_element_type3A_162, %cond3A_163 : i32
    scf.if %cond3A_164 {
      %sub3A_223 = arith.constant 1 : i32
      %sub3A_224 = arith.subi %add3A_152, %sub3A_223 : i32
      %dma_wait3A_225 = arith.constant 0 : i32
      %dma_wait3A_226 = tpu.memref_slice %arg8[%sub3A_224, %dma_wait3A_225] : memref<4x64xi32, #tpu.memory_space<vmem>> -> memref<1x64xi32, #tpu.memory_space<vmem>>
      %dma_wait3A_227 = tpu.memref_squeeze %dma_wait3A_226 : memref<1x64xi32, #tpu.memory_space<vmem>> -> memref<64xi32, #tpu.memory_space<vmem>>
      %dma_wait3A_228 = arith.constant 0 : i32
      %dma_wait3A_229 = arith.constant 0 : i32
      %dma_wait3A_230 = tpu.memref_slice %arg13[%dma_wait3A_228, %dma_wait3A_229] : memref<1152x256xf32, #tpu.memory_space<vmem_shared>> -> memref<1152x256xf32, #tpu.memory_space<vmem_shared>>
      tpu.wait_indirect_dma semaphore(%arg20 : memref<!tpu.dma_semaphore, #tpu.memory_space<semaphore_mem>>) src(%arg11 : memref<64x256xf32, #tpu.memory_space<vmem>>) dst(%dma_wait3A_230 : memref<1152x256xf32, #tpu.memory_space<vmem_shared>>)
      %add3A_231 = arith.constant 4 : i32
      %add3A_232 = arith.addi %add3A_152, %add3A_231 : i32
      %sub3A_233 = arith.constant 1 : i32
      %sub3A_234 = arith.subi %add3A_232, %sub3A_233 : i32
      %dma_start3A_235 = arith.constant 0 : i32
      %dma_start3A_236 = tpu.memref_slice %arg7[%sub3A_234, %dma_start3A_235] : memref<4x64xi32, #tpu.memory_space<vmem>> -> memref<1x64xi32, #tpu.memory_space<vmem>>
      %dma_start3A_237 = tpu.memref_squeeze %dma_start3A_236 : memref<1x64xi32, #tpu.memory_space<vmem>> -> memref<64xi32, #tpu.memory_space<vmem>>
      %dma_start3A_238 = arith.constant 0 : i32
      %dma_start3A_239 = arith.constant 0 : i32
      %dma_start3A_240 = tpu.memref_slice %arg2[%dma_start3A_238, %dma_start3A_239] : memref<4096x256xf32, #tpu.memory_space<hbm>> -> memref<4096x256xf32, #tpu.memory_space<hbm>>
      tpu.enqueue_indirect_dma source(%dma_start3A_240 : memref<4096x256xf32, #tpu.memory_space<hbm>>) target(%arg11 : memref<64x256xf32, #tpu.memory_space<vmem>>) offsets(%dma_start3A_237 : memref<64xi32, #tpu.memory_space<vmem>>) semaphore(%arg16 : memref<!tpu.dma_semaphore, #tpu.memory_space<semaphore_mem>>)
    } else {
    }
    %add3A_165 = arith.constant 4 : i32
    %add3A_166 = arith.addi %add3A_152, %add3A_165 : i32
    %sub3A_167 = arith.constant 1 : i32
    %sub3A_168 = arith.subi %add3A_166, %sub3A_167 : i32
    %lt3A_169 = arith.constant 4 : i32
    %lt3A_170 = arith.cmpi slt, %sub3A_168, %lt3A_169 : i32
    %eq3A_171 = arith.constant 0 : i32
    %eq3A_172 = arith.cmpi eq, %add3A_152, %eq3A_171 : i32
    %and3A_173 = arith.andi %lt3A_170, %eq3A_172 : i1
    %convert_element_type3A_174 = arith.extui %and3A_173 : i1 to i32
    %cond3A_175 = arith.constant 0 : i32
    %cond3A_176 = arith.cmpi ne, %convert_element_type3A_174, %cond3A_175 : i32
    scf.if %cond3A_176 {
      %add3A_223 = arith.constant 4 : i32
      %add3A_224 = arith.addi %add3A_152, %add3A_223 : i32
      %sub3A_225 = arith.constant 1 : i32
      %sub3A_226 = arith.subi %add3A_224, %sub3A_225 : i32
      %dma_start3A_227 = arith.constant 0 : i32
      %dma_start3A_228 = tpu.memref_slice %arg7[%sub3A_226, %dma_start3A_227] : memref<4x64xi32, #tpu.memory_space<vmem>> -> memref<1x64xi32, #tpu.memory_space<vmem>>
      %dma_start3A_229 = tpu.memref_squeeze %dma_start3A_228 : memref<1x64xi32, #tpu.memory_space<vmem>> -> memref<64xi32, #tpu.memory_space<vmem>>
      %dma_start3A_230 = arith.constant 0 : i32
      %dma_start3A_231 = arith.constant 0 : i32
      %dma_start3A_232 = tpu.memref_slice %arg2[%dma_start3A_230, %dma_start3A_231] : memref<4096x256xf32, #tpu.memory_space<hbm>> -> memref<4096x256xf32, #tpu.memory_space<hbm>>
      tpu.enqueue_indirect_dma source(%dma_start3A_232 : memref<4096x256xf32, #tpu.memory_space<hbm>>) target(%arg11 : memref<64x256xf32, #tpu.memory_space<vmem>>) offsets(%dma_start3A_229 : memref<64xi32, #tpu.memory_space<vmem>>) semaphore(%arg16 : memref<!tpu.dma_semaphore, #tpu.memory_space<semaphore_mem>>)
    } else {
    }
    %dma_wait3A_177 = arith.constant 0 : i32
    %dma_wait3A_178 = tpu.memref_slice %arg7[%add3A_152, %dma_wait3A_177] : memref<4x64xi32, #tpu.memory_space<vmem>> -> memref<1x64xi32, #tpu.memory_space<vmem>>
    %dma_wait3A_179 = tpu.memref_squeeze %dma_wait3A_178 : memref<1x64xi32, #tpu.memory_space<vmem>> -> memref<64xi32, #tpu.memory_space<vmem>>
    %dma_wait3A_180 = arith.constant 0 : i32
    %dma_wait3A_181 = arith.constant 0 : i32
    %dma_wait3A_182 = tpu.memref_slice %arg2[%dma_wait3A_180, %dma_wait3A_181] : memref<4096x256xf32, #tpu.memory_space<hbm>> -> memref<4096x256xf32, #tpu.memory_space<hbm>>
    tpu.wait_indirect_dma semaphore(%arg17 : memref<!tpu.dma_semaphore, #tpu.memory_space<semaphore_mem>>) src(%dma_wait3A_182 : memref<4096x256xf32, #tpu.memory_space<hbm>>) dst(%arg12 : memref<64x256xf32, #tpu.memory_space<vmem>>)
    %dma_start3A_183 = arith.constant 0 : i32
    %dma_start3A_184 = tpu.memref_slice %arg8[%add3A_152, %dma_start3A_183] : memref<4x64xi32, #tpu.memory_space<vmem>> -> memref<1x64xi32, #tpu.memory_space<vmem>>
    %dma_start3A_185 = tpu.memref_squeeze %dma_start3A_184 : memref<1x64xi32, #tpu.memory_space<vmem>> -> memref<64xi32, #tpu.memory_space<vmem>>
    %dma_start3A_186 = arith.constant 0 : i32
    %dma_start3A_187 = arith.constant 0 : i32
    %dma_start3A_188 = tpu.memref_slice %arg13[%dma_start3A_186, %dma_start3A_187] : memref<1152x256xf32, #tpu.memory_space<vmem_shared>> -> memref<1152x256xf32, #tpu.memory_space<vmem_shared>>
    tpu.enqueue_indirect_dma source(%arg12 : memref<64x256xf32, #tpu.memory_space<vmem>>) target(%dma_start3A_188 : memref<1152x256xf32, #tpu.memory_space<vmem_shared>>) offsets(%dma_start3A_185 : memref<64xi32, #tpu.memory_space<vmem>>) semaphore(%arg21 : memref<!tpu.dma_semaphore, #tpu.memory_space<semaphore_mem>>) {add = true}
    %scan3A_189 = arith.constant 1 : i32
    %dma_wait3A_190 = arith.constant 0 : i32
    %dma_wait3A_191 = arith.constant 0 : i32
    %dma_wait3A_192 = tpu.memref_slice %arg8[%dma_wait3A_190, %dma_wait3A_191] : memref<4x64xi32, #tpu.memory_space<vmem>> -> memref<1x64xi32, #tpu.memory_space<vmem>>
    %dma_wait3A_193 = tpu.memref_squeeze %dma_wait3A_192 : memref<1x64xi32, #tpu.memory_space<vmem>> -> memref<64xi32, #tpu.memory_space<vmem>>
    %dma_wait3A_194 = arith.constant 0 : i32
    %dma_wait3A_195 = arith.constant 0 : i32
    %dma_wait3A_196 = tpu.memref_slice %arg13[%dma_wait3A_194, %dma_wait3A_195] : memref<1152x256xf32, #tpu.memory_space<vmem_shared>> -> memref<1152x256xf32, #tpu.memory_space<vmem_shared>>
    tpu.wait_indirect_dma semaphore(%arg18 : memref<!tpu.dma_semaphore, #tpu.memory_space<semaphore_mem>>) src(%arg9 : memref<64x256xf32, #tpu.memory_space<vmem>>) dst(%dma_wait3A_196 : memref<1152x256xf32, #tpu.memory_space<vmem_shared>>)
    %dma_wait3A_197 = arith.constant 1 : i32
    %dma_wait3A_198 = arith.constant 0 : i32
    %dma_wait3A_199 = tpu.memref_slice %arg8[%dma_wait3A_197, %dma_wait3A_198] : memref<4x64xi32, #tpu.memory_space<vmem>> -> memref<1x64xi32, #tpu.memory_space<vmem>>
    %dma_wait3A_200 = tpu.memref_squeeze %dma_wait3A_199 : memref<1x64xi32, #tpu.memory_space<vmem>> -> memref<64xi32, #tpu.memory_space<vmem>>
    %dma_wait3A_201 = arith.constant 0 : i32
    %dma_wait3A_202 = arith.constant 0 : i32
    %dma_wait3A_203 = tpu.memref_slice %arg13[%dma_wait3A_201, %dma_wait3A_202] : memref<1152x256xf32, #tpu.memory_space<vmem_shared>> -> memref<1152x256xf32, #tpu.memory_space<vmem_shared>>
    tpu.wait_indirect_dma semaphore(%arg19 : memref<!tpu.dma_semaphore, #tpu.memory_space<semaphore_mem>>) src(%arg10 : memref<64x256xf32, #tpu.memory_space<vmem>>) dst(%dma_wait3A_203 : memref<1152x256xf32, #tpu.memory_space<vmem_shared>>)
    %dma_wait3A_204 = arith.constant 2 : i32
    %dma_wait3A_205 = arith.constant 0 : i32
    %dma_wait3A_206 = tpu.memref_slice %arg8[%dma_wait3A_204, %dma_wait3A_205] : memref<4x64xi32, #tpu.memory_space<vmem>> -> memref<1x64xi32, #tpu.memory_space<vmem>>
    %dma_wait3A_207 = tpu.memref_squeeze %dma_wait3A_206 : memref<1x64xi32, #tpu.memory_space<vmem>> -> memref<64xi32, #tpu.memory_space<vmem>>
    %dma_wait3A_208 = arith.constant 0 : i32
    %dma_wait3A_209 = arith.constant 0 : i32
    %dma_wait3A_210 = tpu.memref_slice %arg13[%dma_wait3A_208, %dma_wait3A_209] : memref<1152x256xf32, #tpu.memory_space<vmem_shared>> -> memref<1152x256xf32, #tpu.memory_space<vmem_shared>>
    tpu.wait_indirect_dma semaphore(%arg20 : memref<!tpu.dma_semaphore, #tpu.memory_space<semaphore_mem>>) src(%arg11 : memref<64x256xf32, #tpu.memory_space<vmem>>) dst(%dma_wait3A_210 : memref<1152x256xf32, #tpu.memory_space<vmem_shared>>)
    %dma_wait3A_211 = arith.constant 3 : i32
    %dma_wait3A_212 = arith.constant 0 : i32
    %dma_wait3A_213 = tpu.memref_slice %arg8[%dma_wait3A_211, %dma_wait3A_212] : memref<4x64xi32, #tpu.memory_space<vmem>> -> memref<1x64xi32, #tpu.memory_space<vmem>>
    %dma_wait3A_214 = tpu.memref_squeeze %dma_wait3A_213 : memref<1x64xi32, #tpu.memory_space<vmem>> -> memref<64xi32, #tpu.memory_space<vmem>>
    %dma_wait3A_215 = arith.constant 0 : i32
    %dma_wait3A_216 = arith.constant 0 : i32
    %dma_wait3A_217 = tpu.memref_slice %arg13[%dma_wait3A_215, %dma_wait3A_216] : memref<1152x256xf32, #tpu.memory_space<vmem_shared>> -> memref<1152x256xf32, #tpu.memory_space<vmem_shared>>
    tpu.wait_indirect_dma semaphore(%arg21 : memref<!tpu.dma_semaphore, #tpu.memory_space<semaphore_mem>>) src(%arg12 : memref<64x256xf32, #tpu.memory_space<vmem>>) dst(%dma_wait3A_217 : memref<1152x256xf32, #tpu.memory_space<vmem_shared>>)
    %barrier3A_218 = arith.constant 0 : index
    tpu.barrier barrier_id(%barrier3A_218)
    %mul3A_219 = arith.constant 64 : i32
    %mul3A_220 = arith.muli %arg1, %mul3A_219 : i32
    %mul3A_221 = arith.constant 64 : i32
    %mul3A_222 = arith.muli %arg1, %mul3A_221 : i32
    "tpu.region"() ({
      %run_scoped3A = tpu.sem_alloc : memref<!tpu.dma_semaphore, #tpu.memory_space<semaphore_mem>>
      %dma_start3A_223 = arith.constant 0 : i32
      %dma_start3A_224 = tpu.memref_slice %arg6[%arg0, %mul3A_222, %dma_start3A_223] : memref<2x1024x256xf32, #tpu.memory_space<hbm>> -> memref<1x64x256xf32, #tpu.memory_space<hbm>>
      %dma_start3A_225 = tpu.memref_squeeze %dma_start3A_224 : memref<1x64x256xf32, #tpu.memory_space<hbm>> -> memref<64x256xf32, #tpu.memory_space<hbm>>
      %dma_start3A_226 = arith.constant 0 : i32
      %dma_start3A_227 = tpu.memref_slice %arg13[%mul3A_220, %dma_start3A_226] : memref<1152x256xf32, #tpu.memory_space<vmem_shared>> -> memref<64x256xf32, #tpu.memory_space<vmem_shared>>
      tpu.enqueue_dma source(%dma_start3A_227 : memref<64x256xf32, #tpu.memory_space<vmem_shared>>) target(%dma_start3A_225 : memref<64x256xf32, #tpu.memory_space<hbm>>) target_semaphore(%run_scoped3A : memref<!tpu.dma_semaphore, #tpu.memory_space<semaphore_mem>>)
      %dma_wait3A_228 = arith.constant 0 : i32
      %dma_wait3A_229 = tpu.memref_slice %arg6[%arg0, %mul3A_222, %dma_wait3A_228] : memref<2x1024x256xf32, #tpu.memory_space<hbm>> -> memref<1x64x256xf32, #tpu.memory_space<hbm>>
      %dma_wait3A_230 = tpu.memref_squeeze %dma_wait3A_229 : memref<1x64x256xf32, #tpu.memory_space<hbm>> -> memref<64x256xf32, #tpu.memory_space<hbm>>
      %dma_wait3A_231 = arith.constant 0 : i32
      %dma_wait3A_232 = tpu.memref_slice %arg13[%mul3A_220, %dma_wait3A_231] : memref<1152x256xf32, #tpu.memory_space<vmem_shared>> -> memref<64x256xf32, #tpu.memory_space<vmem_shared>>
      tpu.wait_dma2 semaphore(%run_scoped3A : memref<!tpu.dma_semaphore, #tpu.memory_space<semaphore_mem>>) src(%dma_wait3A_232 : memref<64x256xf32, #tpu.memory_space<vmem_shared>>) dst(%dma_wait3A_230 : memref<64x256xf32, #tpu.memory_space<hbm>>)
      tpu.yield
    }) : () -> ()
    return
  }
}

#map = affine_map<(d0, d1) -> (0, 0)>
#map1 = affine_map<(d0, d1) -> (0, 0, 0)>
module attributes {stable_mosaic.version = 14 : i64} {
  func.func @k(%arg0: i32, %arg1: i32, %arg2: memref<1024x512xf32, #tpu.memory_space<hbm>>, %arg3: memref<32x2x32xi32, #tpu.memory_space<hbm>>, %arg4: memref<32x2x32xi32, #tpu.memory_space<hbm>>, %arg5: memref<256x512xf32, #tpu.memory_space<hbm>>, %arg6: memref<2x128x512xf32, #tpu.memory_space<hbm>>, %arg7: memref<2x32xi32, #tpu.memory_space<vmem>>, %arg8: memref<2x32xi32, #tpu.memory_space<vmem>>, %arg9: memref<32x512xf32, #tpu.memory_space<vmem>>, %arg10: memref<32x512xf32, #tpu.memory_space<vmem>>, %arg11: memref<256x512xf32, #tpu.memory_space<vmem_shared>>, %arg12: memref<!tpu.dma_semaphore, #tpu.memory_space<semaphore_mem>>, %arg13: memref<!tpu.dma_semaphore, #tpu.memory_space<semaphore_mem>>, %arg14: memref<!tpu.dma_semaphore, #tpu.memory_space<semaphore_mem>>, %arg15: memref<!tpu.dma_semaphore, #tpu.memory_space<semaphore_mem>>, %arg16: memref<!tpu.dma_semaphore, #tpu.memory_space<semaphore_mem>>) attributes {dimension_semantics = [#tpu.dimension_semantics<core_parallel>, #tpu.dimension_semantics<subcore_parallel>], iteration_bounds = array<i64: 2, 16>, scalar_prefetch = 0 : i64, scratch_operands = 10 : i64, tpu.core_type = #tpu.core_type<sc_vector_subcore>, window_params = [{transform_indices = #map}, {transform_indices = #map1}, {transform_indices = #map1}, {transform_indices = #map}, {transform_indices = #map1}]} {
    %mul3A = arith.constant 16 : i32
    %mul3A_0 = arith.muli %arg0, %mul3A : i32
    %add3A = arith.addi %mul3A_0, %arg1 : i32
    %mul3A_1 = arith.constant 16 : i32
    %mul3A_2 = arith.muli %arg1, %mul3A_1 : i32
    %mul3A_3 = arith.constant 16 : i32
    %mul3A_4 = arith.muli %arg1, %mul3A_3 : i32
    %dma_start3A = arith.constant 0 : i32
    %dma_start3A_5 = tpu.memref_slice %arg11[%mul3A_4, %dma_start3A] : memref<256x512xf32, #tpu.memory_space<vmem_shared>> -> memref<16x512xf32, #tpu.memory_space<vmem_shared>>
    %dma_start3A_6 = arith.constant 0 : i32
    %dma_start3A_7 = tpu.memref_slice %arg5[%mul3A_2, %dma_start3A_6] : memref<256x512xf32, #tpu.memory_space<hbm>> -> memref<16x512xf32, #tpu.memory_space<hbm>>
    tpu.enqueue_dma source(%dma_start3A_7 : memref<16x512xf32, #tpu.memory_space<hbm>>) target(%dma_start3A_5 : memref<16x512xf32, #tpu.memory_space<vmem_shared>>) target_semaphore(%arg16 : memref<!tpu.dma_semaphore, #tpu.memory_space<semaphore_mem>>)
    "tpu.region"() ({
      %run_scoped3A = tpu.sem_alloc : memref<!tpu.dma_semaphore, #tpu.memory_space<semaphore_mem>>
      %dma_start3A_115 = arith.constant 0 : i32
      %dma_start3A_116 = arith.constant 0 : i32
      %dma_start3A_117 = tpu.memref_slice %arg3[%add3A, %dma_start3A_115, %dma_start3A_116] : memref<32x2x32xi32, #tpu.memory_space<hbm>> -> memref<1x2x32xi32, #tpu.memory_space<hbm>>
      %dma_start3A_118 = tpu.memref_squeeze %dma_start3A_117 : memref<1x2x32xi32, #tpu.memory_space<hbm>> -> memref<2x32xi32, #tpu.memory_space<hbm>>
      %dma_start3A_119 = arith.constant 0 : i32
      %dma_start3A_120 = arith.constant 0 : i32
      %dma_start3A_121 = tpu.memref_slice %arg3[%add3A, %dma_start3A_119, %dma_start3A_120] : memref<32x2x32xi32, #tpu.memory_space<hbm>> -> memref<1x2x32xi32, #tpu.memory_space<hbm>>
      %dma_start3A_122 = tpu.memref_squeeze %dma_start3A_121 : memref<1x2x32xi32, #tpu.memory_space<hbm>> -> memref<2x32xi32, #tpu.memory_space<hbm>>
      tpu.enqueue_dma source(%dma_start3A_122 : memref<2x32xi32, #tpu.memory_space<hbm>>) target(%arg7 : memref<2x32xi32, #tpu.memory_space<vmem>>) target_semaphore(%run_scoped3A : memref<!tpu.dma_semaphore, #tpu.memory_space<semaphore_mem>>)
      %dma_wait3A_123 = arith.constant 0 : i32
      %dma_wait3A_124 = arith.constant 0 : i32
      %dma_wait3A_125 = tpu.memref_slice %arg3[%add3A, %dma_wait3A_123, %dma_wait3A_124] : memref<32x2x32xi32, #tpu.memory_space<hbm>> -> memref<1x2x32xi32, #tpu.memory_space<hbm>>
      %dma_wait3A_126 = tpu.memref_squeeze %dma_wait3A_125 : memref<1x2x32xi32, #tpu.memory_space<hbm>> -> memref<2x32xi32, #tpu.memory_space<hbm>>
      %dma_wait3A_127 = arith.constant 0 : i32
      %dma_wait3A_128 = arith.constant 0 : i32
      %dma_wait3A_129 = tpu.memref_slice %arg3[%add3A, %dma_wait3A_127, %dma_wait3A_128] : memref<32x2x32xi32, #tpu.memory_space<hbm>> -> memref<1x2x32xi32, #tpu.memory_space<hbm>>
      %dma_wait3A_130 = tpu.memref_squeeze %dma_wait3A_129 : memref<1x2x32xi32, #tpu.memory_space<hbm>> -> memref<2x32xi32, #tpu.memory_space<hbm>>
      tpu.wait_dma2 semaphore(%run_scoped3A : memref<!tpu.dma_semaphore, #tpu.memory_space<semaphore_mem>>) src(%dma_wait3A_130 : memref<2x32xi32, #tpu.memory_space<hbm>>) dst(%arg7 : memref<2x32xi32, #tpu.memory_space<vmem>>)
      tpu.yield
    }) : () -> ()
    "tpu.region"() ({
      %run_scoped3A = tpu.sem_alloc : memref<!tpu.dma_semaphore, #tpu.memory_space<semaphore_mem>>
      %dma_start3A_115 = arith.constant 0 : i32
      %dma_start3A_116 = arith.constant 0 : i32
      %dma_start3A_117 = tpu.memref_slice %arg4[%add3A, %dma_start3A_115, %dma_start3A_116] : memref<32x2x32xi32, #tpu.memory_space<hbm>> -> memref<1x2x32xi32, #tpu.memory_space<hbm>>
      %dma_start3A_118 = tpu.memref_squeeze %dma_start3A_117 : memref<1x2x32xi32, #tpu.memory_space<hbm>> -> memref<2x32xi32, #tpu.memory_space<hbm>>
      %dma_start3A_119 = arith.constant 0 : i32
      %dma_start3A_120 = arith.constant 0 : i32
      %dma_start3A_121 = tpu.memref_slice %arg4[%add3A, %dma_start3A_119, %dma_start3A_120] : memref<32x2x32xi32, #tpu.memory_space<hbm>> -> memref<1x2x32xi32, #tpu.memory_space<hbm>>
      %dma_start3A_122 = tpu.memref_squeeze %dma_start3A_121 : memref<1x2x32xi32, #tpu.memory_space<hbm>> -> memref<2x32xi32, #tpu.memory_space<hbm>>
      tpu.enqueue_dma source(%dma_start3A_122 : memref<2x32xi32, #tpu.memory_space<hbm>>) target(%arg8 : memref<2x32xi32, #tpu.memory_space<vmem>>) target_semaphore(%run_scoped3A : memref<!tpu.dma_semaphore, #tpu.memory_space<semaphore_mem>>)
      %dma_wait3A_123 = arith.constant 0 : i32
      %dma_wait3A_124 = arith.constant 0 : i32
      %dma_wait3A_125 = tpu.memref_slice %arg4[%add3A, %dma_wait3A_123, %dma_wait3A_124] : memref<32x2x32xi32, #tpu.memory_space<hbm>> -> memref<1x2x32xi32, #tpu.memory_space<hbm>>
      %dma_wait3A_126 = tpu.memref_squeeze %dma_wait3A_125 : memref<1x2x32xi32, #tpu.memory_space<hbm>> -> memref<2x32xi32, #tpu.memory_space<hbm>>
      %dma_wait3A_127 = arith.constant 0 : i32
      %dma_wait3A_128 = arith.constant 0 : i32
      %dma_wait3A_129 = tpu.memref_slice %arg4[%add3A, %dma_wait3A_127, %dma_wait3A_128] : memref<32x2x32xi32, #tpu.memory_space<hbm>> -> memref<1x2x32xi32, #tpu.memory_space<hbm>>
      %dma_wait3A_130 = tpu.memref_squeeze %dma_wait3A_129 : memref<1x2x32xi32, #tpu.memory_space<hbm>> -> memref<2x32xi32, #tpu.memory_space<hbm>>
      tpu.wait_dma2 semaphore(%run_scoped3A : memref<!tpu.dma_semaphore, #tpu.memory_space<semaphore_mem>>) src(%dma_wait3A_130 : memref<2x32xi32, #tpu.memory_space<hbm>>) dst(%arg8 : memref<2x32xi32, #tpu.memory_space<vmem>>)
      tpu.yield
    }) : () -> ()
    %dma_wait3A = arith.constant 0 : i32
    %dma_wait3A_8 = tpu.memref_slice %arg11[%mul3A_4, %dma_wait3A] : memref<256x512xf32, #tpu.memory_space<vmem_shared>> -> memref<16x512xf32, #tpu.memory_space<vmem_shared>>
    %dma_wait3A_9 = arith.constant 0 : i32
    %dma_wait3A_10 = tpu.memref_slice %arg5[%mul3A_2, %dma_wait3A_9] : memref<256x512xf32, #tpu.memory_space<hbm>> -> memref<16x512xf32, #tpu.memory_space<hbm>>
    tpu.wait_dma2 semaphore(%arg16 : memref<!tpu.dma_semaphore, #tpu.memory_space<semaphore_mem>>) src(%dma_wait3A_10 : memref<16x512xf32, #tpu.memory_space<hbm>>) dst(%dma_wait3A_8 : memref<16x512xf32, #tpu.memory_space<vmem_shared>>)
    %barrier3A = arith.constant 0 : index
    tpu.barrier barrier_id(%barrier3A)
    %dma_start3A_11 = arith.constant 0 : i32
    %dma_start3A_12 = arith.constant 0 : i32
    %dma_start3A_13 = tpu.memref_slice %arg7[%dma_start3A_11, %dma_start3A_12] : memref<2x32xi32, #tpu.memory_space<vmem>> -> memref<1x32xi32, #tpu.memory_space<vmem>>
    %dma_start3A_14 = tpu.memref_squeeze %dma_start3A_13 : memref<1x32xi32, #tpu.memory_space<vmem>> -> memref<32xi32, #tpu.memory_space<vmem>>
    %dma_start3A_15 = arith.constant 0 : i32
    %dma_start3A_16 = arith.constant 0 : i32
    %dma_start3A_17 = tpu.memref_slice %arg2[%dma_start3A_15, %dma_start3A_16] : memref<1024x512xf32, #tpu.memory_space<hbm>> -> memref<1024x512xf32, #tpu.memory_space<hbm>>
    tpu.enqueue_indirect_dma source(%dma_start3A_17 : memref<1024x512xf32, #tpu.memory_space<hbm>>) target(%arg9 : memref<32x512xf32, #tpu.memory_space<vmem>>) offsets(%dma_start3A_14 : memref<32xi32, #tpu.memory_space<vmem>>) semaphore(%arg12 : memref<!tpu.dma_semaphore, #tpu.memory_space<semaphore_mem>>)
    %scan3A = arith.constant 0 : i32
    %mul3A_18 = arith.constant 1 : i32
    %mul3A_19 = arith.muli %scan3A, %mul3A_18 : i32
    %add3A_20 = arith.constant 0 : i32
    %add3A_21 = arith.addi %add3A_20, %mul3A_19 : i32
    %mul3A_22 = arith.constant 2 : i32
    %mul3A_23 = arith.muli %add3A_21, %mul3A_22 : i32
    %add3A_24 = arith.constant 0 : i32
    %add3A_25 = arith.addi %mul3A_23, %add3A_24 : i32
    %add3A_26 = arith.constant 2 : i32
    %add3A_27 = arith.addi %add3A_25, %add3A_26 : i32
    %sub3A = arith.constant 1 : i32
    %sub3A_28 = arith.subi %add3A_27, %sub3A : i32
    %lt3A = arith.constant 2 : i32
    %lt3A_29 = arith.cmpi slt, %sub3A_28, %lt3A : i32
    %gt3A = arith.constant 0 : i32
    %gt3A_30 = arith.cmpi sgt, %add3A_25, %gt3A : i32
    %and3A = arith.andi %lt3A_29, %gt3A_30 : i1
    %convert_element_type3A = arith.extui %and3A : i1 to i32
    %cond3A = arith.constant 0 : i32
    %cond3A_31 = arith.cmpi ne, %convert_element_type3A, %cond3A : i32
    scf.if %cond3A_31 {
      %sub3A_115 = arith.constant 1 : i32
      %sub3A_116 = arith.subi %add3A_25, %sub3A_115 : i32
      %dma_wait3A_117 = arith.constant 0 : i32
      %dma_wait3A_118 = tpu.memref_slice %arg8[%sub3A_116, %dma_wait3A_117] : memref<2x32xi32, #tpu.memory_space<vmem>> -> memref<1x32xi32, #tpu.memory_space<vmem>>
      %dma_wait3A_119 = tpu.memref_squeeze %dma_wait3A_118 : memref<1x32xi32, #tpu.memory_space<vmem>> -> memref<32xi32, #tpu.memory_space<vmem>>
      %dma_wait3A_120 = arith.constant 0 : i32
      %dma_wait3A_121 = arith.constant 0 : i32
      %dma_wait3A_122 = tpu.memref_slice %arg11[%dma_wait3A_120, %dma_wait3A_121] : memref<256x512xf32, #tpu.memory_space<vmem_shared>> -> memref<256x512xf32, #tpu.memory_space<vmem_shared>>
      tpu.wait_indirect_dma semaphore(%arg15 : memref<!tpu.dma_semaphore, #tpu.memory_space<semaphore_mem>>) src(%arg10 : memref<32x512xf32, #tpu.memory_space<vmem>>) dst(%dma_wait3A_122 : memref<256x512xf32, #tpu.memory_space<vmem_shared>>)
      %add3A_123 = arith.constant 2 : i32
      %add3A_124 = arith.addi %add3A_25, %add3A_123 : i32
      %sub3A_125 = arith.constant 1 : i32
      %sub3A_126 = arith.subi %add3A_124, %sub3A_125 : i32
      %dma_start3A_127 = arith.constant 0 : i32
      %dma_start3A_128 = tpu.memref_slice %arg7[%sub3A_126, %dma_start3A_127] : memref<2x32xi32, #tpu.memory_space<vmem>> -> memref<1x32xi32, #tpu.memory_space<vmem>>
      %dma_start3A_129 = tpu.memref_squeeze %dma_start3A_128 : memref<1x32xi32, #tpu.memory_space<vmem>> -> memref<32xi32, #tpu.memory_space<vmem>>
      %dma_start3A_130 = arith.constant 0 : i32
      %dma_start3A_131 = arith.constant 0 : i32
      %dma_start3A_132 = tpu.memref_slice %arg2[%dma_start3A_130, %dma_start3A_131] : memref<1024x512xf32, #tpu.memory_space<hbm>> -> memref<1024x512xf32, #tpu.memory_space<hbm>>
      tpu.enqueue_indirect_dma source(%dma_start3A_132 : memref<1024x512xf32, #tpu.memory_space<hbm>>) target(%arg10 : memref<32x512xf32, #tpu.memory_space<vmem>>) offsets(%dma_start3A_129 : memref<32xi32, #tpu.memory_space<vmem>>) semaphore(%arg13 : memref<!tpu.dma_semaphore, #tpu.memory_space<semaphore_mem>>)
    } else {
    }
    %add3A_32 = arith.constant 2 : i32
    %add3A_33 = arith.addi %add3A_25, %add3A_32 : i32
    %sub3A_34 = arith.constant 1 : i32
    %sub3A_35 = arith.subi %add3A_33, %sub3A_34 : i32
    %lt3A_36 = arith.constant 2 : i32
    %lt3A_37 = arith.cmpi slt, %sub3A_35, %lt3A_36 : i32
    %eq3A = arith.constant 0 : i32
    %eq3A_38 = arith.cmpi eq, %add3A_25, %eq3A : i32
    %and3A_39 = arith.andi %lt3A_37, %eq3A_38 : i1
    %convert_element_type3A_40 = arith.extui %and3A_39 : i1 to i32
    %cond3A_41 = arith.constant 0 : i32
    %cond3A_42 = arith.cmpi ne, %convert_element_type3A_40, %cond3A_41 : i32
    scf.if %cond3A_42 {
      %add3A_115 = arith.constant 2 : i32
      %add3A_116 = arith.addi %add3A_25, %add3A_115 : i32
      %sub3A_117 = arith.constant 1 : i32
      %sub3A_118 = arith.subi %add3A_116, %sub3A_117 : i32
      %dma_start3A_119 = arith.constant 0 : i32
      %dma_start3A_120 = tpu.memref_slice %arg7[%sub3A_118, %dma_start3A_119] : memref<2x32xi32, #tpu.memory_space<vmem>> -> memref<1x32xi32, #tpu.memory_space<vmem>>
      %dma_start3A_121 = tpu.memref_squeeze %dma_start3A_120 : memref<1x32xi32, #tpu.memory_space<vmem>> -> memref<32xi32, #tpu.memory_space<vmem>>
      %dma_start3A_122 = arith.constant 0 : i32
      %dma_start3A_123 = arith.constant 0 : i32
      %dma_start3A_124 = tpu.memref_slice %arg2[%dma_start3A_122, %dma_start3A_123] : memref<1024x512xf32, #tpu.memory_space<hbm>> -> memref<1024x512xf32, #tpu.memory_space<hbm>>
      tpu.enqueue_indirect_dma source(%dma_start3A_124 : memref<1024x512xf32, #tpu.memory_space<hbm>>) target(%arg10 : memref<32x512xf32, #tpu.memory_space<vmem>>) offsets(%dma_start3A_121 : memref<32xi32, #tpu.memory_space<vmem>>) semaphore(%arg13 : memref<!tpu.dma_semaphore, #tpu.memory_space<semaphore_mem>>)
    } else {
    }
    %dma_wait3A_43 = arith.constant 0 : i32
    %dma_wait3A_44 = tpu.memref_slice %arg7[%add3A_25, %dma_wait3A_43] : memref<2x32xi32, #tpu.memory_space<vmem>> -> memref<1x32xi32, #tpu.memory_space<vmem>>
    %dma_wait3A_45 = tpu.memref_squeeze %dma_wait3A_44 : memref<1x32xi32, #tpu.memory_space<vmem>> -> memref<32xi32, #tpu.memory_space<vmem>>
    %dma_wait3A_46 = arith.constant 0 : i32
    %dma_wait3A_47 = arith.constant 0 : i32
    %dma_wait3A_48 = tpu.memref_slice %arg2[%dma_wait3A_46, %dma_wait3A_47] : memref<1024x512xf32, #tpu.memory_space<hbm>> -> memref<1024x512xf32, #tpu.memory_space<hbm>>
    tpu.wait_indirect_dma semaphore(%arg12 : memref<!tpu.dma_semaphore, #tpu.memory_space<semaphore_mem>>) src(%dma_wait3A_48 : memref<1024x512xf32, #tpu.memory_space<hbm>>) dst(%arg9 : memref<32x512xf32, #tpu.memory_space<vmem>>)
    %dma_start3A_49 = arith.constant 0 : i32
    %dma_start3A_50 = tpu.memref_slice %arg8[%add3A_25, %dma_start3A_49] : memref<2x32xi32, #tpu.memory_space<vmem>> -> memref<1x32xi32, #tpu.memory_space<vmem>>
    %dma_start3A_51 = tpu.memref_squeeze %dma_start3A_50 : memref<1x32xi32, #tpu.memory_space<vmem>> -> memref<32xi32, #tpu.memory_space<vmem>>
    %dma_start3A_52 = arith.constant 0 : i32
    %dma_start3A_53 = arith.constant 0 : i32
    %dma_start3A_54 = tpu.memref_slice %arg11[%dma_start3A_52, %dma_start3A_53] : memref<256x512xf32, #tpu.memory_space<vmem_shared>> -> memref<256x512xf32, #tpu.memory_space<vmem_shared>>
    tpu.enqueue_indirect_dma source(%arg9 : memref<32x512xf32, #tpu.memory_space<vmem>>) target(%dma_start3A_54 : memref<256x512xf32, #tpu.memory_space<vmem_shared>>) offsets(%dma_start3A_51 : memref<32xi32, #tpu.memory_space<vmem>>) semaphore(%arg14 : memref<!tpu.dma_semaphore, #tpu.memory_space<semaphore_mem>>) {add = true}
    %mul3A_55 = arith.constant 2 : i32
    %mul3A_56 = arith.muli %add3A_21, %mul3A_55 : i32
    %add3A_57 = arith.constant 1 : i32
    %add3A_58 = arith.addi %mul3A_56, %add3A_57 : i32
    %add3A_59 = arith.constant 2 : i32
    %add3A_60 = arith.addi %add3A_58, %add3A_59 : i32
    %sub3A_61 = arith.constant 1 : i32
    %sub3A_62 = arith.subi %add3A_60, %sub3A_61 : i32
    %lt3A_63 = arith.constant 2 : i32
    %lt3A_64 = arith.cmpi slt, %sub3A_62, %lt3A_63 : i32
    %gt3A_65 = arith.constant 0 : i32
    %gt3A_66 = arith.cmpi sgt, %add3A_58, %gt3A_65 : i32
    %and3A_67 = arith.andi %lt3A_64, %gt3A_66 : i1
    %convert_element_type3A_68 = arith.extui %and3A_67 : i1 to i32
    %cond3A_69 = arith.constant 0 : i32
    %cond3A_70 = arith.cmpi ne, %convert_element_type3A_68, %cond3A_69 : i32
    scf.if %cond3A_70 {
      %sub3A_115 = arith.constant 1 : i32
      %sub3A_116 = arith.subi %add3A_58, %sub3A_115 : i32
      %dma_wait3A_117 = arith.constant 0 : i32
      %dma_wait3A_118 = tpu.memref_slice %arg8[%sub3A_116, %dma_wait3A_117] : memref<2x32xi32, #tpu.memory_space<vmem>> -> memref<1x32xi32, #tpu.memory_space<vmem>>
      %dma_wait3A_119 = tpu.memref_squeeze %dma_wait3A_118 : memref<1x32xi32, #tpu.memory_space<vmem>> -> memref<32xi32, #tpu.memory_space<vmem>>
      %dma_wait3A_120 = arith.constant 0 : i32
      %dma_wait3A_121 = arith.constant 0 : i32
      %dma_wait3A_122 = tpu.memref_slice %arg11[%dma_wait3A_120, %dma_wait3A_121] : memref<256x512xf32, #tpu.memory_space<vmem_shared>> -> memref<256x512xf32, #tpu.memory_space<vmem_shared>>
      tpu.wait_indirect_dma semaphore(%arg14 : memref<!tpu.dma_semaphore, #tpu.memory_space<semaphore_mem>>) src(%arg9 : memref<32x512xf32, #tpu.memory_space<vmem>>) dst(%dma_wait3A_122 : memref<256x512xf32, #tpu.memory_space<vmem_shared>>)
      %add3A_123 = arith.constant 2 : i32
      %add3A_124 = arith.addi %add3A_58, %add3A_123 : i32
      %sub3A_125 = arith.constant 1 : i32
      %sub3A_126 = arith.subi %add3A_124, %sub3A_125 : i32
      %dma_start3A_127 = arith.constant 0 : i32
      %dma_start3A_128 = tpu.memref_slice %arg7[%sub3A_126, %dma_start3A_127] : memref<2x32xi32, #tpu.memory_space<vmem>> -> memref<1x32xi32, #tpu.memory_space<vmem>>
      %dma_start3A_129 = tpu.memref_squeeze %dma_start3A_128 : memref<1x32xi32, #tpu.memory_space<vmem>> -> memref<32xi32, #tpu.memory_space<vmem>>
      %dma_start3A_130 = arith.constant 0 : i32
      %dma_start3A_131 = arith.constant 0 : i32
      %dma_start3A_132 = tpu.memref_slice %arg2[%dma_start3A_130, %dma_start3A_131] : memref<1024x512xf32, #tpu.memory_space<hbm>> -> memref<1024x512xf32, #tpu.memory_space<hbm>>
      tpu.enqueue_indirect_dma source(%dma_start3A_132 : memref<1024x512xf32, #tpu.memory_space<hbm>>) target(%arg9 : memref<32x512xf32, #tpu.memory_space<vmem>>) offsets(%dma_start3A_129 : memref<32xi32, #tpu.memory_space<vmem>>) semaphore(%arg12 : memref<!tpu.dma_semaphore, #tpu.memory_space<semaphore_mem>>)
    } else {
    }
    %add3A_71 = arith.constant 2 : i32
    %add3A_72 = arith.addi %add3A_58, %add3A_71 : i32
    %sub3A_73 = arith.constant 1 : i32
    %sub3A_74 = arith.subi %add3A_72, %sub3A_73 : i32
    %lt3A_75 = arith.constant 2 : i32
    %lt3A_76 = arith.cmpi slt, %sub3A_74, %lt3A_75 : i32
    %eq3A_77 = arith.constant 0 : i32
    %eq3A_78 = arith.cmpi eq, %add3A_58, %eq3A_77 : i32
    %and3A_79 = arith.andi %lt3A_76, %eq3A_78 : i1
    %convert_element_type3A_80 = arith.extui %and3A_79 : i1 to i32
    %cond3A_81 = arith.constant 0 : i32
    %cond3A_82 = arith.cmpi ne, %convert_element_type3A_80, %cond3A_81 : i32
    scf.if %cond3A_82 {
      %add3A_115 = arith.constant 2 : i32
      %add3A_116 = arith.addi %add3A_58, %add3A_115 : i32
      %sub3A_117 = arith.constant 1 : i32
      %sub3A_118 = arith.subi %add3A_116, %sub3A_117 : i32
      %dma_start3A_119 = arith.constant 0 : i32
      %dma_start3A_120 = tpu.memref_slice %arg7[%sub3A_118, %dma_start3A_119] : memref<2x32xi32, #tpu.memory_space<vmem>> -> memref<1x32xi32, #tpu.memory_space<vmem>>
      %dma_start3A_121 = tpu.memref_squeeze %dma_start3A_120 : memref<1x32xi32, #tpu.memory_space<vmem>> -> memref<32xi32, #tpu.memory_space<vmem>>
      %dma_start3A_122 = arith.constant 0 : i32
      %dma_start3A_123 = arith.constant 0 : i32
      %dma_start3A_124 = tpu.memref_slice %arg2[%dma_start3A_122, %dma_start3A_123] : memref<1024x512xf32, #tpu.memory_space<hbm>> -> memref<1024x512xf32, #tpu.memory_space<hbm>>
      tpu.enqueue_indirect_dma source(%dma_start3A_124 : memref<1024x512xf32, #tpu.memory_space<hbm>>) target(%arg9 : memref<32x512xf32, #tpu.memory_space<vmem>>) offsets(%dma_start3A_121 : memref<32xi32, #tpu.memory_space<vmem>>) semaphore(%arg12 : memref<!tpu.dma_semaphore, #tpu.memory_space<semaphore_mem>>)
    } else {
    }
    %dma_wait3A_83 = arith.constant 0 : i32
    %dma_wait3A_84 = tpu.memref_slice %arg7[%add3A_58, %dma_wait3A_83] : memref<2x32xi32, #tpu.memory_space<vmem>> -> memref<1x32xi32, #tpu.memory_space<vmem>>
    %dma_wait3A_85 = tpu.memref_squeeze %dma_wait3A_84 : memref<1x32xi32, #tpu.memory_space<vmem>> -> memref<32xi32, #tpu.memory_space<vmem>>
    %dma_wait3A_86 = arith.constant 0 : i32
    %dma_wait3A_87 = arith.constant 0 : i32
    %dma_wait3A_88 = tpu.memref_slice %arg2[%dma_wait3A_86, %dma_wait3A_87] : memref<1024x512xf32, #tpu.memory_space<hbm>> -> memref<1024x512xf32, #tpu.memory_space<hbm>>
    tpu.wait_indirect_dma semaphore(%arg13 : memref<!tpu.dma_semaphore, #tpu.memory_space<semaphore_mem>>) src(%dma_wait3A_88 : memref<1024x512xf32, #tpu.memory_space<hbm>>) dst(%arg10 : memref<32x512xf32, #tpu.memory_space<vmem>>)
    %dma_start3A_89 = arith.constant 0 : i32
    %dma_start3A_90 = tpu.memref_slice %arg8[%add3A_58, %dma_start3A_89] : memref<2x32xi32, #tpu.memory_space<vmem>> -> memref<1x32xi32, #tpu.memory_space<vmem>>
    %dma_start3A_91 = tpu.memref_squeeze %dma_start3A_90 : memref<1x32xi32, #tpu.memory_space<vmem>> -> memref<32xi32, #tpu.memory_space<vmem>>
    %dma_start3A_92 = arith.constant 0 : i32
    %dma_start3A_93 = arith.constant 0 : i32
    %dma_start3A_94 = tpu.memref_slice %arg11[%dma_start3A_92, %dma_start3A_93] : memref<256x512xf32, #tpu.memory_space<vmem_shared>> -> memref<256x512xf32, #tpu.memory_space<vmem_shared>>
    tpu.enqueue_indirect_dma source(%arg10 : memref<32x512xf32, #tpu.memory_space<vmem>>) target(%dma_start3A_94 : memref<256x512xf32, #tpu.memory_space<vmem_shared>>) offsets(%dma_start3A_91 : memref<32xi32, #tpu.memory_space<vmem>>) semaphore(%arg15 : memref<!tpu.dma_semaphore, #tpu.memory_space<semaphore_mem>>) {add = true}
    %scan3A_95 = arith.constant 1 : i32
    %dma_wait3A_96 = arith.constant 0 : i32
    %dma_wait3A_97 = arith.constant 0 : i32
    %dma_wait3A_98 = tpu.memref_slice %arg8[%dma_wait3A_96, %dma_wait3A_97] : memref<2x32xi32, #tpu.memory_space<vmem>> -> memref<1x32xi32, #tpu.memory_space<vmem>>
    %dma_wait3A_99 = tpu.memref_squeeze %dma_wait3A_98 : memref<1x32xi32, #tpu.memory_space<vmem>> -> memref<32xi32, #tpu.memory_space<vmem>>
    %dma_wait3A_100 = arith.constant 0 : i32
    %dma_wait3A_101 = arith.constant 0 : i32
    %dma_wait3A_102 = tpu.memref_slice %arg11[%dma_wait3A_100, %dma_wait3A_101] : memref<256x512xf32, #tpu.memory_space<vmem_shared>> -> memref<256x512xf32, #tpu.memory_space<vmem_shared>>
    tpu.wait_indirect_dma semaphore(%arg14 : memref<!tpu.dma_semaphore, #tpu.memory_space<semaphore_mem>>) src(%arg9 : memref<32x512xf32, #tpu.memory_space<vmem>>) dst(%dma_wait3A_102 : memref<256x512xf32, #tpu.memory_space<vmem_shared>>)
    %dma_wait3A_103 = arith.constant 1 : i32
    %dma_wait3A_104 = arith.constant 0 : i32
    %dma_wait3A_105 = tpu.memref_slice %arg8[%dma_wait3A_103, %dma_wait3A_104] : memref<2x32xi32, #tpu.memory_space<vmem>> -> memref<1x32xi32, #tpu.memory_space<vmem>>
    %dma_wait3A_106 = tpu.memref_squeeze %dma_wait3A_105 : memref<1x32xi32, #tpu.memory_space<vmem>> -> memref<32xi32, #tpu.memory_space<vmem>>
    %dma_wait3A_107 = arith.constant 0 : i32
    %dma_wait3A_108 = arith.constant 0 : i32
    %dma_wait3A_109 = tpu.memref_slice %arg11[%dma_wait3A_107, %dma_wait3A_108] : memref<256x512xf32, #tpu.memory_space<vmem_shared>> -> memref<256x512xf32, #tpu.memory_space<vmem_shared>>
    tpu.wait_indirect_dma semaphore(%arg15 : memref<!tpu.dma_semaphore, #tpu.memory_space<semaphore_mem>>) src(%arg10 : memref<32x512xf32, #tpu.memory_space<vmem>>) dst(%dma_wait3A_109 : memref<256x512xf32, #tpu.memory_space<vmem_shared>>)
    %barrier3A_110 = arith.constant 0 : index
    tpu.barrier barrier_id(%barrier3A_110)
    %mul3A_111 = arith.constant 8 : i32
    %mul3A_112 = arith.muli %arg1, %mul3A_111 : i32
    %mul3A_113 = arith.constant 8 : i32
    %mul3A_114 = arith.muli %arg1, %mul3A_113 : i32
    "tpu.region"() ({
      %run_scoped3A = tpu.sem_alloc : memref<!tpu.dma_semaphore, #tpu.memory_space<semaphore_mem>>
      %dma_start3A_115 = arith.constant 0 : i32
      %dma_start3A_116 = tpu.memref_slice %arg6[%arg0, %mul3A_114, %dma_start3A_115] : memref<2x128x512xf32, #tpu.memory_space<hbm>> -> memref<1x8x512xf32, #tpu.memory_space<hbm>>
      %dma_start3A_117 = tpu.memref_squeeze %dma_start3A_116 : memref<1x8x512xf32, #tpu.memory_space<hbm>> -> memref<8x512xf32, #tpu.memory_space<hbm>>
      %dma_start3A_118 = arith.constant 0 : i32
      %dma_start3A_119 = tpu.memref_slice %arg11[%mul3A_112, %dma_start3A_118] : memref<256x512xf32, #tpu.memory_space<vmem_shared>> -> memref<8x512xf32, #tpu.memory_space<vmem_shared>>
      tpu.enqueue_dma source(%dma_start3A_119 : memref<8x512xf32, #tpu.memory_space<vmem_shared>>) target(%dma_start3A_117 : memref<8x512xf32, #tpu.memory_space<hbm>>) target_semaphore(%run_scoped3A : memref<!tpu.dma_semaphore, #tpu.memory_space<semaphore_mem>>)
      %dma_wait3A_120 = arith.constant 0 : i32
      %dma_wait3A_121 = tpu.memref_slice %arg6[%arg0, %mul3A_114, %dma_wait3A_120] : memref<2x128x512xf32, #tpu.memory_space<hbm>> -> memref<1x8x512xf32, #tpu.memory_space<hbm>>
      %dma_wait3A_122 = tpu.memref_squeeze %dma_wait3A_121 : memref<1x8x512xf32, #tpu.memory_space<hbm>> -> memref<8x512xf32, #tpu.memory_space<hbm>>
      %dma_wait3A_123 = arith.constant 0 : i32
      %dma_wait3A_124 = tpu.memref_slice %arg11[%mul3A_112, %dma_wait3A_123] : memref<256x512xf32, #tpu.memory_space<vmem_shared>> -> memref<8x512xf32, #tpu.memory_space<vmem_shared>>
      tpu.wait_dma2 semaphore(%run_scoped3A : memref<!tpu.dma_semaphore, #tpu.memory_space<semaphore_mem>>) src(%dma_wait3A_124 : memref<8x512xf32, #tpu.memory_space<vmem_shared>>) dst(%dma_wait3A_122 : memref<8x512xf32, #tpu.memory_space<hbm>>)
      tpu.yield
    }) : () -> ()
    return
  }
}

module attributes {stable_mosaic.version = 14 : i64} {
  func.func @body(%arg0: i32, %arg1: memref<2x4096x1x128xf32, #tpu.memory_space<vmem>>, %arg2: memref<128x1024xf32, #tpu.memory_space<vmem>>, %arg3: memref<1x1024xf32, #tpu.memory_space<vmem>>, %arg4: memref<4096x8x128xf32, #tpu.memory_space<vmem>>) attributes {dimension_semantics = [#tpu.dimension_semantics<arbitrary>], iteration_bounds = array<i64: 1>, scalar_prefetch = 0 : i64, scratch_operands = 0 : i64, tpu.core_type = #tpu.core_type<tc>, window_params = [{transform_indices = @transform_0, window_bounds = array<i64: 2, 4096, 1, 128>}, {pipeline_mode = #tpu.pipeline_mode<synchronous>, transform_indices = @transform_1, window_bounds = array<i64: 128, 1024>}, {pipeline_mode = #tpu.pipeline_mode<synchronous>, transform_indices = @transform_2, window_bounds = array<i64: 1, 1024>}, {transform_indices = @transform_3, window_bounds = array<i64: 4096, 8, 128>}]} {
    %get3A = arith.constant 0 : index
    %get3A_0 = arith.constant 0 : index
    %get3A_1 = arith.constant 0 : index
    %get3A_2 = arith.constant 0 : index
    %get3A_3 = vector.load %arg1[%get3A, %get3A_0, %get3A_1, %get3A_2] : memref<2x4096x1x128xf32, #tpu.memory_space<vmem>>, vector<1x4096x1x128xf32>
    %get3A_4 = vector.shape_cast %get3A_3 : vector<1x4096x1x128xf32> to vector<4096x1x128xf32>
    %get3A_5 = arith.constant 1 : index
    %get3A_6 = arith.constant 0 : index
    %get3A_7 = arith.constant 0 : index
    %get3A_8 = arith.constant 0 : index
    %get3A_9 = vector.load %arg1[%get3A_5, %get3A_6, %get3A_7, %get3A_8] : memref<2x4096x1x128xf32, #tpu.memory_space<vmem>>, vector<1x4096x1x128xf32>
    %get3A_10 = vector.shape_cast %get3A_9 : vector<1x4096x1x128xf32> to vector<4096x1x128xf32>
    %add3A = arith.addf %get3A_4, %get3A_10 : vector<4096x1x128xf32>
    %get3A_11 = arith.constant 0 : index
    %get3A_12 = arith.constant 0 : index
    %get3A_13 = vector.load %arg3[%get3A_11, %get3A_12] : memref<1x1024xf32, #tpu.memory_space<vmem>>, vector<1x1024xf32>
    %squeeze3A = vector.shape_cast %add3A : vector<4096x1x128xf32> to vector<4096x128xf32>
    %get3A_14 = arith.constant 0 : index
    %get3A_15 = arith.constant 0 : index
    %get3A_16 = vector.load %arg2[%get3A_14, %get3A_15] : memref<128x1024xf32, #tpu.memory_space<vmem>>, vector<128x1024xf32>
    %dot_general3A = arith.constant dense<0.000000e+00> : vector<4096x1024xf32>
    %dot_general3A_17 = tpu.matmul %squeeze3A, %get3A_16, %dot_general3A {dimension_numbers = #tpu.dot_dimension_numbers<[1], [0], [0], [1], [0, 0, 1, 1], [], []>, transpose_lhs_hint = false} : vector<4096x128xf32>, vector<128x1024xf32>, vector<4096x1024xf32> -> vector<4096x1024xf32>
    %add3A_18 = vector.broadcast %get3A_13 : vector<1x1024xf32> to vector<4096x1024xf32>
    %add3A_19 = arith.addf %add3A_18, %dot_general3A_17 : vector<4096x1024xf32>
    %slice3A = vector.extract_strided_slice %add3A_19 {offsets = [0, 0], sizes = [4096, 128], strides = [1, 1]} : vector<4096x1024xf32> to vector<4096x128xf32>
    %swap3A = arith.constant 0 : index
    %swap3A_20 = arith.constant 0 : index
    %swap3A_21 = arith.constant 0 : index
    %swap3A_22 = vector.load %arg4[%swap3A, %swap3A_20, %swap3A_21] : memref<4096x8x128xf32, #tpu.memory_space<vmem>>, vector<4096x1x128xf32>
    %swap3A_23 = vector.shape_cast %swap3A_22 : vector<4096x1x128xf32> to vector<4096x128xf32>
    %swap3A_24 = vector.shape_cast %slice3A : vector<4096x128xf32> to vector<4096x1x128xf32>
    tpu.vector_store %arg4[%swap3A, %swap3A_20, %swap3A_21], %swap3A_24 {strides = array<i32>} : memref<4096x8x128xf32, #tpu.memory_space<vmem>>, vector<4096x1x128xf32>,
    %slice3A_25 = vector.extract_strided_slice %add3A_19 {offsets = [0, 128], sizes = [4096, 128], strides = [1, 1]} : vector<4096x1024xf32> to vector<4096x128xf32>
    %swap3A_26 = arith.constant 0 : index
    %swap3A_27 = arith.constant 1 : index
    %swap3A_28 = arith.constant 0 : index
    %swap3A_29 = vector.load %arg4[%swap3A_26, %swap3A_27, %swap3A_28] : memref<4096x8x128xf32, #tpu.memory_space<vmem>>, vector<4096x1x128xf32>
    %swap3A_30 = vector.shape_cast %swap3A_29 : vector<4096x1x128xf32> to vector<4096x128xf32>
    %swap3A_31 = vector.shape_cast %slice3A_25 : vector<4096x128xf32> to vector<4096x1x128xf32>
    tpu.vector_store %arg4[%swap3A_26, %swap3A_27, %swap3A_28], %swap3A_31 {strides = array<i32>} : memref<4096x8x128xf32, #tpu.memory_space<vmem>>, vector<4096x1x128xf32>,
    %slice3A_32 = vector.extract_strided_slice %add3A_19 {offsets = [0, 256], sizes = [4096, 128], strides = [1, 1]} : vector<4096x1024xf32> to vector<4096x128xf32>
    %swap3A_33 = arith.constant 0 : index
    %swap3A_34 = arith.constant 2 : index
    %swap3A_35 = arith.constant 0 : index
    %swap3A_36 = vector.load %arg4[%swap3A_33, %swap3A_34, %swap3A_35] : memref<4096x8x128xf32, #tpu.memory_space<vmem>>, vector<4096x1x128xf32>
    %swap3A_37 = vector.shape_cast %swap3A_36 : vector<4096x1x128xf32> to vector<4096x128xf32>
    %swap3A_38 = vector.shape_cast %slice3A_32 : vector<4096x128xf32> to vector<4096x1x128xf32>
    tpu.vector_store %arg4[%swap3A_33, %swap3A_34, %swap3A_35], %swap3A_38 {strides = array<i32>} : memref<4096x8x128xf32, #tpu.memory_space<vmem>>, vector<4096x1x128xf32>,
    %slice3A_39 = vector.extract_strided_slice %add3A_19 {offsets = [0, 384], sizes = [4096, 128], strides = [1, 1]} : vector<4096x1024xf32> to vector<4096x128xf32>
    %swap3A_40 = arith.constant 0 : index
    %swap3A_41 = arith.constant 3 : index
    %swap3A_42 = arith.constant 0 : index
    %swap3A_43 = vector.load %arg4[%swap3A_40, %swap3A_41, %swap3A_42] : memref<4096x8x128xf32, #tpu.memory_space<vmem>>, vector<4096x1x128xf32>
    %swap3A_44 = vector.shape_cast %swap3A_43 : vector<4096x1x128xf32> to vector<4096x128xf32>
    %swap3A_45 = vector.shape_cast %slice3A_39 : vector<4096x128xf32> to vector<4096x1x128xf32>
    tpu.vector_store %arg4[%swap3A_40, %swap3A_41, %swap3A_42], %swap3A_45 {strides = array<i32>} : memref<4096x8x128xf32, #tpu.memory_space<vmem>>, vector<4096x1x128xf32>,
    %slice3A_46 = vector.extract_strided_slice %add3A_19 {offsets = [0, 512], sizes = [4096, 128], strides = [1, 1]} : vector<4096x1024xf32> to vector<4096x128xf32>
    %swap3A_47 = arith.constant 0 : index
    %swap3A_48 = arith.constant 4 : index
    %swap3A_49 = arith.constant 0 : index
    %swap3A_50 = vector.load %arg4[%swap3A_47, %swap3A_48, %swap3A_49] : memref<4096x8x128xf32, #tpu.memory_space<vmem>>, vector<4096x1x128xf32>
    %swap3A_51 = vector.shape_cast %swap3A_50 : vector<4096x1x128xf32> to vector<4096x128xf32>
    %swap3A_52 = vector.shape_cast %slice3A_46 : vector<4096x128xf32> to vector<4096x1x128xf32>
    tpu.vector_store %arg4[%swap3A_47, %swap3A_48, %swap3A_49], %swap3A_52 {strides = array<i32>} : memref<4096x8x128xf32, #tpu.memory_space<vmem>>, vector<4096x1x128xf32>,
    %slice3A_53 = vector.extract_strided_slice %add3A_19 {offsets = [0, 640], sizes = [4096, 128], strides = [1, 1]} : vector<4096x1024xf32> to vector<4096x128xf32>
    %swap3A_54 = arith.constant 0 : index
    %swap3A_55 = arith.constant 5 : index
    %swap3A_56 = arith.constant 0 : index
    %swap3A_57 = vector.load %arg4[%swap3A_54, %swap3A_55, %swap3A_56] : memref<4096x8x128xf32, #tpu.memory_space<vmem>>, vector<4096x1x128xf32>
    %swap3A_58 = vector.shape_cast %swap3A_57 : vector<4096x1x128xf32> to vector<4096x128xf32>
    %swap3A_59 = vector.shape_cast %slice3A_53 : vector<4096x128xf32> to vector<4096x1x128xf32>
    tpu.vector_store %arg4[%swap3A_54, %swap3A_55, %swap3A_56], %swap3A_59 {strides = array<i32>} : memref<4096x8x128xf32, #tpu.memory_space<vmem>>, vector<4096x1x128xf32>,
    %slice3A_60 = vector.extract_strided_slice %add3A_19 {offsets = [0, 768], sizes = [4096, 128], strides = [1, 1]} : vector<4096x1024xf32> to vector<4096x128xf32>
    %swap3A_61 = arith.constant 0 : index
    %swap3A_62 = arith.constant 6 : index
    %swap3A_63 = arith.constant 0 : index
    %swap3A_64 = vector.load %arg4[%swap3A_61, %swap3A_62, %swap3A_63] : memref<4096x8x128xf32, #tpu.memory_space<vmem>>, vector<4096x1x128xf32>
    %swap3A_65 = vector.shape_cast %swap3A_64 : vector<4096x1x128xf32> to vector<4096x128xf32>
    %swap3A_66 = vector.shape_cast %slice3A_60 : vector<4096x128xf32> to vector<4096x1x128xf32>
    tpu.vector_store %arg4[%swap3A_61, %swap3A_62, %swap3A_63], %swap3A_66 {strides = array<i32>} : memref<4096x8x128xf32, #tpu.memory_space<vmem>>, vector<4096x1x128xf32>,
    %slice3A_67 = vector.extract_strided_slice %add3A_19 {offsets = [0, 896], sizes = [4096, 128], strides = [1, 1]} : vector<4096x1024xf32> to vector<4096x128xf32>
    %swap3A_68 = arith.constant 0 : index
    %swap3A_69 = arith.constant 7 : index
    %swap3A_70 = arith.constant 0 : index
    %swap3A_71 = vector.load %arg4[%swap3A_68, %swap3A_69, %swap3A_70] : memref<4096x8x128xf32, #tpu.memory_space<vmem>>, vector<4096x1x128xf32>
    %swap3A_72 = vector.shape_cast %swap3A_71 : vector<4096x1x128xf32> to vector<4096x128xf32>
    %swap3A_73 = vector.shape_cast %slice3A_67 : vector<4096x128xf32> to vector<4096x1x128xf32>
    tpu.vector_store %arg4[%swap3A_68, %swap3A_69, %swap3A_70], %swap3A_73 {strides = array<i32>} : memref<4096x8x128xf32, #tpu.memory_space<vmem>>, vector<4096x1x128xf32>,
    return
  }
  func.func @transform_0(%arg0: i32) -> (i32, i32, i32, i32) {
    %c0_i32 = arith.constant 0 : i32
    %c0_i32_0 = arith.constant 0 : i32
    %c0_i32_1 = arith.constant 0 : i32
    %c0_i32_2 = arith.constant 0 : i32
    return %c0_i32, %arg0, %c0_i32_0, %c0_i32_1 : i32, i32, i32, i32
  }
  func.func @transform_1(%arg0: i32) -> (i32, i32) {
    %c0_i32 = arith.constant 0 : i32
    %c0_i32_0 = arith.constant 0 : i32
    %c0_i32_1 = arith.constant 0 : i32
    return %c0_i32, %c0_i32_0 : i32, i32
  }
  func.func @transform_2(%arg0: i32) -> (i32, i32) {
    %c0_i32 = arith.constant 0 : i32
    %c0_i32_0 = arith.constant 0 : i32
    %c0_i32_1 = arith.constant 0 : i32
    return %c0_i32, %c0_i32_0 : i32, i32
  }
  func.func @transform_3(%arg0: i32) -> (i32, i32, i32) {
    %c0_i32 = arith.constant 0 : i32
    %c0_i32_0 = arith.constant 0 : i32
    %c0_i32_1 = arith.constant 0 : i32
    return %arg0, %c0_i32, %c0_i32_0 : i32, i32, i32
  }
}

module attributes {stable_mosaic.version = 14 : i64} {
  func.func @body(%arg0: i32, %arg1: memref<2x4096x1x128xf32, #tpu.memory_space<vmem>>, %arg2: memref<128x256xf32, #tpu.memory_space<vmem>>, %arg3: memref<1x256xf32, #tpu.memory_space<vmem>>, %arg4: memref<4096x2x128xf32, #tpu.memory_space<vmem>>) attributes {dimension_semantics = [#tpu.dimension_semantics<arbitrary>], iteration_bounds = array<i64: 2>, scalar_prefetch = 0 : i64, scratch_operands = 0 : i64, tpu.core_type = #tpu.core_type<tc>, window_params = [{transform_indices = @transform_0, window_bounds = array<i64: 2, 4096, 1, 128>}, {pipeline_mode = #tpu.pipeline_mode<synchronous>, transform_indices = @transform_1, window_bounds = array<i64: 128, 256>}, {pipeline_mode = #tpu.pipeline_mode<synchronous>, transform_indices = @transform_2, window_bounds = array<i64: 1, 256>}, {transform_indices = @transform_3, window_bounds = array<i64: 4096, 2, 128>}]} {
    %get3A = arith.constant 0 : index
    %get3A_0 = arith.constant 0 : index
    %get3A_1 = arith.constant 0 : index
    %get3A_2 = arith.constant 0 : index
    %get3A_3 = vector.load %arg1[%get3A, %get3A_0, %get3A_1, %get3A_2] : memref<2x4096x1x128xf32, #tpu.memory_space<vmem>>, vector<1x4096x1x128xf32>
    %get3A_4 = vector.shape_cast %get3A_3 : vector<1x4096x1x128xf32> to vector<4096x1x128xf32>
    %get3A_5 = arith.constant 1 : index
    %get3A_6 = arith.constant 0 : index
    %get3A_7 = arith.constant 0 : index
    %get3A_8 = arith.constant 0 : index
    %get3A_9 = vector.load %arg1[%get3A_5, %get3A_6, %get3A_7, %get3A_8] : memref<2x4096x1x128xf32, #tpu.memory_space<vmem>>, vector<1x4096x1x128xf32>
    %get3A_10 = vector.shape_cast %get3A_9 : vector<1x4096x1x128xf32> to vector<4096x1x128xf32>
    %add3A = arith.addf %get3A_4, %get3A_10 : vector<4096x1x128xf32>
    %get3A_11 = arith.constant 0 : index
    %get3A_12 = arith.constant 0 : index
    %get3A_13 = vector.load %arg3[%get3A_11, %get3A_12] : memref<1x256xf32, #tpu.memory_space<vmem>>, vector<1x256xf32>
    %squeeze3A = vector.shape_cast %add3A : vector<4096x1x128xf32> to vector<4096x128xf32>
    %get3A_14 = arith.constant 0 : index
    %get3A_15 = arith.constant 0 : index
    %get3A_16 = vector.load %arg2[%get3A_14, %get3A_15] : memref<128x256xf32, #tpu.memory_space<vmem>>, vector<128x256xf32>
    %dot_general3A = arith.constant dense<0.000000e+00> : vector<4096x256xf32>
    %dot_general3A_17 = tpu.matmul %squeeze3A, %get3A_16, %dot_general3A {dimension_numbers = #tpu.dot_dimension_numbers<[1], [0], [0], [1], [0, 0, 1, 1], [], []>, transpose_lhs_hint = false} : vector<4096x128xf32>, vector<128x256xf32>, vector<4096x256xf32> -> vector<4096x256xf32>
    %add3A_18 = vector.broadcast %get3A_13 : vector<1x256xf32> to vector<4096x256xf32>
    %add3A_19 = arith.addf %add3A_18, %dot_general3A_17 : vector<4096x256xf32>
    %slice3A = vector.extract_strided_slice %add3A_19 {offsets = [0, 0], sizes = [4096, 128], strides = [1, 1]} : vector<4096x256xf32> to vector<4096x128xf32>
    %swap3A = arith.constant 0 : index
    %swap3A_20 = arith.constant 0 : index
    %swap3A_21 = arith.constant 0 : index
    %swap3A_22 = vector.load %arg4[%swap3A, %swap3A_20, %swap3A_21] : memref<4096x2x128xf32, #tpu.memory_space<vmem>>, vector<4096x1x128xf32>
    %swap3A_23 = vector.shape_cast %swap3A_22 : vector<4096x1x128xf32> to vector<4096x128xf32>
    %swap3A_24 = vector.shape_cast %slice3A : vector<4096x128xf32> to vector<4096x1x128xf32>
    tpu.vector_store %arg4[%swap3A, %swap3A_20, %swap3A_21], %swap3A_24 {strides = array<i32>} : memref<4096x2x128xf32, #tpu.memory_space<vmem>>, vector<4096x1x128xf32>,
    %slice3A_25 = vector.extract_strided_slice %add3A_19 {offsets = [0, 128], sizes = [4096, 128], strides = [1, 1]} : vector<4096x256xf32> to vector<4096x128xf32>
    %swap3A_26 = arith.constant 0 : index
    %swap3A_27 = arith.constant 1 : index
    %swap3A_28 = arith.constant 0 : index
    %swap3A_29 = vector.load %arg4[%swap3A_26, %swap3A_27, %swap3A_28] : memref<4096x2x128xf32, #tpu.memory_space<vmem>>, vector<4096x1x128xf32>
    %swap3A_30 = vector.shape_cast %swap3A_29 : vector<4096x1x128xf32> to vector<4096x128xf32>
    %swap3A_31 = vector.shape_cast %slice3A_25 : vector<4096x128xf32> to vector<4096x1x128xf32>
    tpu.vector_store %arg4[%swap3A_26, %swap3A_27, %swap3A_28], %swap3A_31 {strides = array<i32>} : memref<4096x2x128xf32, #tpu.memory_space<vmem>>, vector<4096x1x128xf32>,
    return
  }
  func.func @transform_0(%arg0: i32) -> (i32, i32, i32, i32) {
    %c0_i32 = arith.constant 0 : i32
    %c0_i32_0 = arith.constant 0 : i32
    %c0_i32_1 = arith.constant 0 : i32
    %c0_i32_2 = arith.constant 0 : i32
    return %c0_i32, %arg0, %c0_i32_0, %c0_i32_1 : i32, i32, i32, i32
  }
  func.func @transform_1(%arg0: i32) -> (i32, i32) {
    %c0_i32 = arith.constant 0 : i32
    %c0_i32_0 = arith.constant 0 : i32
    %c0_i32_1 = arith.constant 0 : i32
    return %c0_i32, %c0_i32_0 : i32, i32
  }
  func.func @transform_2(%arg0: i32) -> (i32, i32) {
    %c0_i32 = arith.constant 0 : i32
    %c0_i32_0 = arith.constant 0 : i32
    %c0_i32_1 = arith.constant 0 : i32
    return %c0_i32, %c0_i32_0 : i32, i32
  }
  func.func @transform_3(%arg0: i32) -> (i32, i32, i32) {
    %c0_i32 = arith.constant 0 : i32
    %c0_i32_0 = arith.constant 0 : i32
    %c0_i32_1 = arith.constant 0 : i32
    return %arg0, %c0_i32, %c0_i32_0 : i32, i32, i32
  }
}

module attributes {stable_mosaic.version = 14 : i64} {
  func.func @body(%arg0: i32, %arg1: memref<2x4096x1x128xf32, #tpu.memory_space<vmem>>, %arg2: memref<128x256xf32, #tpu.memory_space<vmem>>, %arg3: memref<1x256xf32, #tpu.memory_space<vmem>>, %arg4: memref<4096x2x128xf32, #tpu.memory_space<vmem>>) attributes {dimension_semantics = [#tpu.dimension_semantics<arbitrary>], iteration_bounds = array<i64: 1>, scalar_prefetch = 0 : i64, scratch_operands = 0 : i64, tpu.core_type = #tpu.core_type<tc>, window_params = [{transform_indices = @transform_0, window_bounds = array<i64: 2, 4096, 1, 128>}, {pipeline_mode = #tpu.pipeline_mode<synchronous>, transform_indices = @transform_1, window_bounds = array<i64: 128, 256>}, {pipeline_mode = #tpu.pipeline_mode<synchronous>, transform_indices = @transform_2, window_bounds = array<i64: 1, 256>}, {transform_indices = @transform_3, window_bounds = array<i64: 4096, 2, 128>}]} {
    %get3A = arith.constant 0 : index
    %get3A_0 = arith.constant 0 : index
    %get3A_1 = arith.constant 0 : index
    %get3A_2 = arith.constant 0 : index
    %get3A_3 = vector.load %arg1[%get3A, %get3A_0, %get3A_1, %get3A_2] : memref<2x4096x1x128xf32, #tpu.memory_space<vmem>>, vector<1x4096x1x128xf32>
    %get3A_4 = vector.shape_cast %get3A_3 : vector<1x4096x1x128xf32> to vector<4096x1x128xf32>
    %get3A_5 = arith.constant 1 : index
    %get3A_6 = arith.constant 0 : index
    %get3A_7 = arith.constant 0 : index
    %get3A_8 = arith.constant 0 : index
    %get3A_9 = vector.load %arg1[%get3A_5, %get3A_6, %get3A_7, %get3A_8] : memref<2x4096x1x128xf32, #tpu.memory_space<vmem>>, vector<1x4096x1x128xf32>
    %get3A_10 = vector.shape_cast %get3A_9 : vector<1x4096x1x128xf32> to vector<4096x1x128xf32>
    %add3A = arith.addf %get3A_4, %get3A_10 : vector<4096x1x128xf32>
    %get3A_11 = arith.constant 0 : index
    %get3A_12 = arith.constant 0 : index
    %get3A_13 = vector.load %arg3[%get3A_11, %get3A_12] : memref<1x256xf32, #tpu.memory_space<vmem>>, vector<1x256xf32>
    %squeeze3A = vector.shape_cast %add3A : vector<4096x1x128xf32> to vector<4096x128xf32>
    %get3A_14 = arith.constant 0 : index
    %get3A_15 = arith.constant 0 : index
    %get3A_16 = vector.load %arg2[%get3A_14, %get3A_15] : memref<128x256xf32, #tpu.memory_space<vmem>>, vector<128x256xf32>
    %dot_general3A = arith.constant dense<0.000000e+00> : vector<4096x256xf32>
    %dot_general3A_17 = tpu.matmul %squeeze3A, %get3A_16, %dot_general3A {dimension_numbers = #tpu.dot_dimension_numbers<[1], [0], [0], [1], [0, 0, 1, 1], [], []>, transpose_lhs_hint = false} : vector<4096x128xf32>, vector<128x256xf32>, vector<4096x256xf32> -> vector<4096x256xf32>
    %add3A_18 = vector.broadcast %get3A_13 : vector<1x256xf32> to vector<4096x256xf32>
    %add3A_19 = arith.addf %add3A_18, %dot_general3A_17 : vector<4096x256xf32>
    %slice3A = vector.extract_strided_slice %add3A_19 {offsets = [0, 0], sizes = [4096, 128], strides = [1, 1]} : vector<4096x256xf32> to vector<4096x128xf32>
    %swap3A = arith.constant 0 : index
    %swap3A_20 = arith.constant 0 : index
    %swap3A_21 = arith.constant 0 : index
    %swap3A_22 = vector.load %arg4[%swap3A, %swap3A_20, %swap3A_21] : memref<4096x2x128xf32, #tpu.memory_space<vmem>>, vector<4096x1x128xf32>
    %swap3A_23 = vector.shape_cast %swap3A_22 : vector<4096x1x128xf32> to vector<4096x128xf32>
    %swap3A_24 = vector.shape_cast %slice3A : vector<4096x128xf32> to vector<4096x1x128xf32>
    tpu.vector_store %arg4[%swap3A, %swap3A_20, %swap3A_21], %swap3A_24 {strides = array<i32>} : memref<4096x2x128xf32, #tpu.memory_space<vmem>>, vector<4096x1x128xf32>,
    %slice3A_25 = vector.extract_strided_slice %add3A_19 {offsets = [0, 128], sizes = [4096, 128], strides = [1, 1]} : vector<4096x256xf32> to vector<4096x128xf32>
    %swap3A_26 = arith.constant 0 : index
    %swap3A_27 = arith.constant 1 : index
    %swap3A_28 = arith.constant 0 : index
    %swap3A_29 = vector.load %arg4[%swap3A_26, %swap3A_27, %swap3A_28] : memref<4096x2x128xf32, #tpu.memory_space<vmem>>, vector<4096x1x128xf32>
    %swap3A_30 = vector.shape_cast %swap3A_29 : vector<4096x1x128xf32> to vector<4096x128xf32>
    %swap3A_31 = vector.shape_cast %slice3A_25 : vector<4096x128xf32> to vector<4096x1x128xf32>
    tpu.vector_store %arg4[%swap3A_26, %swap3A_27, %swap3A_28], %swap3A_31 {strides = array<i32>} : memref<4096x2x128xf32, #tpu.memory_space<vmem>>, vector<4096x1x128xf32>,
    return
  }
  func.func @transform_0(%arg0: i32) -> (i32, i32, i32, i32) {
    %c0_i32 = arith.constant 0 : i32
    %c0_i32_0 = arith.constant 0 : i32
    %c0_i32_1 = arith.constant 0 : i32
    %c0_i32_2 = arith.constant 0 : i32
    return %c0_i32, %arg0, %c0_i32_0, %c0_i32_1 : i32, i32, i32, i32
  }
  func.func @transform_1(%arg0: i32) -> (i32, i32) {
    %c0_i32 = arith.constant 0 : i32
    %c0_i32_0 = arith.constant 0 : i32
    %c0_i32_1 = arith.constant 0 : i32
    return %c0_i32, %c0_i32_0 : i32, i32
  }
  func.func @transform_2(%arg0: i32) -> (i32, i32) {
    %c0_i32 = arith.constant 0 : i32
    %c0_i32_0 = arith.constant 0 : i32
    %c0_i32_1 = arith.constant 0 : i32
    return %c0_i32, %c0_i32_0 : i32, i32
  }
  func.func @transform_3(%arg0: i32) -> (i32, i32, i32) {
    %c0_i32 = arith.constant 0 : i32
    %c0_i32_0 = arith.constant 0 : i32
    %c0_i32_1 = arith.constant 0 : i32
    return %arg0, %c0_i32, %c0_i32_0 : i32, i32, i32
  }
}

module attributes {stable_mosaic.version = 14 : i64} {
  func.func @body(%arg0: i32, %arg1: memref<2x1024x2x128xf32, #tpu.memory_space<vmem>>, %arg2: memref<256x512xf32, #tpu.memory_space<vmem>>, %arg3: memref<1x512xf32, #tpu.memory_space<vmem>>, %arg4: memref<1024x4x128xf32, #tpu.memory_space<vmem>>) attributes {dimension_semantics = [#tpu.dimension_semantics<arbitrary>], iteration_bounds = array<i64: 1>, scalar_prefetch = 0 : i64, scratch_operands = 0 : i64, tpu.core_type = #tpu.core_type<tc>, window_params = [{transform_indices = @transform_0, window_bounds = array<i64: 2, 1024, 2, 128>}, {pipeline_mode = #tpu.pipeline_mode<synchronous>, transform_indices = @transform_1, window_bounds = array<i64: 256, 512>}, {pipeline_mode = #tpu.pipeline_mode<synchronous>, transform_indices = @transform_2, window_bounds = array<i64: 1, 512>}, {transform_indices = @transform_3, window_bounds = array<i64: 1024, 4, 128>}]} {
    %get3A = arith.constant 0 : index
    %get3A_0 = arith.constant 0 : index
    %get3A_1 = arith.constant 0 : index
    %get3A_2 = arith.constant 0 : index
    %get3A_3 = vector.load %arg1[%get3A, %get3A_0, %get3A_1, %get3A_2] : memref<2x1024x2x128xf32, #tpu.memory_space<vmem>>, vector<1x1024x2x128xf32>
    %get3A_4 = vector.shape_cast %get3A_3 : vector<1x1024x2x128xf32> to vector<1024x2x128xf32>
    %get3A_5 = arith.constant 1 : index
    %get3A_6 = arith.constant 0 : index
    %get3A_7 = arith.constant 0 : index
    %get3A_8 = arith.constant 0 : index
    %get3A_9 = vector.load %arg1[%get3A_5, %get3A_6, %get3A_7, %get3A_8] : memref<2x1024x2x128xf32, #tpu.memory_space<vmem>>, vector<1x1024x2x128xf32>
    %get3A_10 = vector.shape_cast %get3A_9 : vector<1x1024x2x128xf32> to vector<1024x2x128xf32>
    %add3A = arith.addf %get3A_4, %get3A_10 : vector<1024x2x128xf32>
    %get3A_11 = arith.constant 0 : index
    %get3A_12 = arith.constant 0 : index
    %get3A_13 = vector.load %arg3[%get3A_11, %get3A_12] : memref<1x512xf32, #tpu.memory_space<vmem>>, vector<1x512xf32>
    %slice3A = vector.extract_strided_slice %add3A {offsets = [0, 0, 0], sizes = [1024, 1, 128], strides = [1, 1, 1]} : vector<1024x2x128xf32> to vector<1024x1x128xf32>
    %squeeze3A = vector.shape_cast %slice3A : vector<1024x1x128xf32> to vector<1024x128xf32>
    %get3A_14 = arith.constant 0 : index
    %get3A_15 = arith.constant 0 : index
    %get3A_16 = vector.load %arg2[%get3A_14, %get3A_15] : memref<256x512xf32, #tpu.memory_space<vmem>>, vector<128x512xf32>
    %dot_general3A = arith.constant dense<0.000000e+00> : vector<1024x512xf32>
    %dot_general3A_17 = tpu.matmul %squeeze3A, %get3A_16, %dot_general3A {dimension_numbers = #tpu.dot_dimension_numbers<[1], [0], [0], [1], [0, 0, 1, 1], [], []>, transpose_lhs_hint = false} : vector<1024x128xf32>, vector<128x512xf32>, vector<1024x512xf32> -> vector<1024x512xf32>
    %add3A_18 = vector.broadcast %get3A_13 : vector<1x512xf32> to vector<1024x512xf32>
    %add3A_19 = arith.addf %add3A_18, %dot_general3A_17 : vector<1024x512xf32>
    %slice3A_20 = vector.extract_strided_slice %add3A {offsets = [0, 1, 0], sizes = [1024, 1, 128], strides = [1, 1, 1]} : vector<1024x2x128xf32> to vector<1024x1x128xf32>
    %squeeze3A_21 = vector.shape_cast %slice3A_20 : vector<1024x1x128xf32> to vector<1024x128xf32>
    %get3A_22 = arith.constant 128 : index
    %get3A_23 = arith.constant 0 : index
    %get3A_24 = vector.load %arg2[%get3A_22, %get3A_23] : memref<256x512xf32, #tpu.memory_space<vmem>>, vector<128x512xf32>
    %dot_general3A_25 = arith.constant dense<0.000000e+00> : vector<1024x512xf32>
    %dot_general3A_26 = tpu.matmul %squeeze3A_21, %get3A_24, %dot_general3A_25 {dimension_numbers = #tpu.dot_dimension_numbers<[1], [0], [0], [1], [0, 0, 1, 1], [], []>, transpose_lhs_hint = false} : vector<1024x128xf32>, vector<128x512xf32>, vector<1024x512xf32> -> vector<1024x512xf32>
    %add3A_27 = arith.addf %add3A_19, %dot_general3A_26 : vector<1024x512xf32>
    %slice3A_28 = vector.extract_strided_slice %add3A_27 {offsets = [0, 0], sizes = [1024, 128], strides = [1, 1]} : vector<1024x512xf32> to vector<1024x128xf32>
    %swap3A = arith.constant 0 : index
    %swap3A_29 = arith.constant 0 : index
    %swap3A_30 = arith.constant 0 : index
    %swap3A_31 = vector.load %arg4[%swap3A, %swap3A_29, %swap3A_30] : memref<1024x4x128xf32, #tpu.memory_space<vmem>>, vector<1024x1x128xf32>
    %swap3A_32 = vector.shape_cast %swap3A_31 : vector<1024x1x128xf32> to vector<1024x128xf32>
    %swap3A_33 = vector.shape_cast %slice3A_28 : vector<1024x128xf32> to vector<1024x1x128xf32>
    tpu.vector_store %arg4[%swap3A, %swap3A_29, %swap3A_30], %swap3A_33 {strides = array<i32>} : memref<1024x4x128xf32, #tpu.memory_space<vmem>>, vector<1024x1x128xf32>,
    %slice3A_34 = vector.extract_strided_slice %add3A_27 {offsets = [0, 128], sizes = [1024, 128], strides = [1, 1]} : vector<1024x512xf32> to vector<1024x128xf32>
    %swap3A_35 = arith.constant 0 : index
    %swap3A_36 = arith.constant 1 : index
    %swap3A_37 = arith.constant 0 : index
    %swap3A_38 = vector.load %arg4[%swap3A_35, %swap3A_36, %swap3A_37] : memref<1024x4x128xf32, #tpu.memory_space<vmem>>, vector<1024x1x128xf32>
    %swap3A_39 = vector.shape_cast %swap3A_38 : vector<1024x1x128xf32> to vector<1024x128xf32>
    %swap3A_40 = vector.shape_cast %slice3A_34 : vector<1024x128xf32> to vector<1024x1x128xf32>
    tpu.vector_store %arg4[%swap3A_35, %swap3A_36, %swap3A_37], %swap3A_40 {strides = array<i32>} : memref<1024x4x128xf32, #tpu.memory_space<vmem>>, vector<1024x1x128xf32>,
    %slice3A_41 = vector.extract_strided_slice %add3A_27 {offsets = [0, 256], sizes = [1024, 128], strides = [1, 1]} : vector<1024x512xf32> to vector<1024x128xf32>
    %swap3A_42 = arith.constant 0 : index
    %swap3A_43 = arith.constant 2 : index
    %swap3A_44 = arith.constant 0 : index
    %swap3A_45 = vector.load %arg4[%swap3A_42, %swap3A_43, %swap3A_44] : memref<1024x4x128xf32, #tpu.memory_space<vmem>>, vector<1024x1x128xf32>
    %swap3A_46 = vector.shape_cast %swap3A_45 : vector<1024x1x128xf32> to vector<1024x128xf32>
    %swap3A_47 = vector.shape_cast %slice3A_41 : vector<1024x128xf32> to vector<1024x1x128xf32>
    tpu.vector_store %arg4[%swap3A_42, %swap3A_43, %swap3A_44], %swap3A_47 {strides = array<i32>} : memref<1024x4x128xf32, #tpu.memory_space<vmem>>, vector<1024x1x128xf32>,
    %slice3A_48 = vector.extract_strided_slice %add3A_27 {offsets = [0, 384], sizes = [1024, 128], strides = [1, 1]} : vector<1024x512xf32> to vector<1024x128xf32>
    %swap3A_49 = arith.constant 0 : index
    %swap3A_50 = arith.constant 3 : index
    %swap3A_51 = arith.constant 0 : index
    %swap3A_52 = vector.load %arg4[%swap3A_49, %swap3A_50, %swap3A_51] : memref<1024x4x128xf32, #tpu.memory_space<vmem>>, vector<1024x1x128xf32>
    %swap3A_53 = vector.shape_cast %swap3A_52 : vector<1024x1x128xf32> to vector<1024x128xf32>
    %swap3A_54 = vector.shape_cast %slice3A_48 : vector<1024x128xf32> to vector<1024x1x128xf32>
    tpu.vector_store %arg4[%swap3A_49, %swap3A_50, %swap3A_51], %swap3A_54 {strides = array<i32>} : memref<1024x4x128xf32, #tpu.memory_space<vmem>>, vector<1024x1x128xf32>,
    return
  }
  func.func @transform_0(%arg0: i32) -> (i32, i32, i32, i32) {
    %c0_i32 = arith.constant 0 : i32
    %c0_i32_0 = arith.constant 0 : i32
    %c0_i32_1 = arith.constant 0 : i32
    %c0_i32_2 = arith.constant 0 : i32
    return %c0_i32, %arg0, %c0_i32_0, %c0_i32_1 : i32, i32, i32, i32
  }
  func.func @transform_1(%arg0: i32) -> (i32, i32) {
    %c0_i32 = arith.constant 0 : i32
    %c0_i32_0 = arith.constant 0 : i32
    %c0_i32_1 = arith.constant 0 : i32
    return %c0_i32, %c0_i32_0 : i32, i32
  }
  func.func @transform_2(%arg0: i32) -> (i32, i32) {
    %c0_i32 = arith.constant 0 : i32
    %c0_i32_0 = arith.constant 0 : i32
    %c0_i32_1 = arith.constant 0 : i32
    return %c0_i32, %c0_i32_0 : i32, i32
  }
  func.func @transform_3(%arg0: i32) -> (i32, i32, i32) {
    %c0_i32 = arith.constant 0 : i32
    %c0_i32_0 = arith.constant 0 : i32
    %c0_i32_1 = arith.constant 0 : i32
    return %arg0, %c0_i32, %c0_i32_0 : i32, i32, i32
  }
}

module attributes {stable_mosaic.version = 14 : i64} {
  func.func @body(%arg0: memref<2x128x4x128xf32, #tpu.memory_space<vmem>>, %arg1: memref<512x1024xf32, #tpu.memory_space<vmem>>, %arg2: memref<1x1024xf32, #tpu.memory_space<vmem>>, %arg3: memref<16384x128xf32, #tpu.memory_space<vmem>>, %arg4: memref<1x128xf32, #tpu.memory_space<vmem>>, %arg5: memref<128x10xf32, #tpu.memory_space<vmem>>, %arg6: memref<1x10xf32, #tpu.memory_space<vmem>>, %arg7: memref<8x10xf32, #tpu.memory_space<vmem>>) attributes {dimension_semantics = [], scalar_prefetch = 0 : i64, scratch_operands = 0 : i64, tpu.core_type = #tpu.core_type<tc>} {
    %get3A = arith.constant 0 : index
    %get3A_0 = arith.constant 0 : index
    %get3A_1 = arith.constant 0 : index
    %get3A_2 = arith.constant 0 : index
    %get3A_3 = vector.load %arg0[%get3A, %get3A_0, %get3A_1, %get3A_2] : memref<2x128x4x128xf32, #tpu.memory_space<vmem>>, vector<1x128x4x128xf32>
    %get3A_4 = vector.shape_cast %get3A_3 : vector<1x128x4x128xf32> to vector<128x4x128xf32>
    %get3A_5 = arith.constant 1 : index
    %get3A_6 = arith.constant 0 : index
    %get3A_7 = arith.constant 0 : index
    %get3A_8 = arith.constant 0 : index
    %get3A_9 = vector.load %arg0[%get3A_5, %get3A_6, %get3A_7, %get3A_8] : memref<2x128x4x128xf32, #tpu.memory_space<vmem>>, vector<1x128x4x128xf32>
    %get3A_10 = vector.shape_cast %get3A_9 : vector<1x128x4x128xf32> to vector<128x4x128xf32>
    %add3A = arith.addf %get3A_4, %get3A_10 : vector<128x4x128xf32>
    %get3A_11 = arith.constant 0 : index
    %get3A_12 = arith.constant 0 : index
    %get3A_13 = vector.load %arg2[%get3A_11, %get3A_12] : memref<1x1024xf32, #tpu.memory_space<vmem>>, vector<1x1024xf32>
    %slice3A = vector.extract_strided_slice %add3A {offsets = [0, 0, 0], sizes = [128, 1, 128], strides = [1, 1, 1]} : vector<128x4x128xf32> to vector<128x1x128xf32>
    %squeeze3A = vector.shape_cast %slice3A : vector<128x1x128xf32> to vector<128x128xf32>
    %get3A_14 = arith.constant 0 : index
    %get3A_15 = arith.constant 0 : index
    %get3A_16 = vector.load %arg1[%get3A_14, %get3A_15] : memref<512x1024xf32, #tpu.memory_space<vmem>>, vector<128x1024xf32>
    %dot_general3A = arith.constant dense<0.000000e+00> : vector<128x1024xf32>
    %dot_general3A_17 = tpu.matmul %squeeze3A, %get3A_16, %dot_general3A {dimension_numbers = #tpu.dot_dimension_numbers<[1], [0], [0], [1], [0, 0, 1, 1], [], []>, transpose_lhs_hint = false} : vector<128x128xf32>, vector<128x1024xf32>, vector<128x1024xf32> -> vector<128x1024xf32>
    %add3A_18 = vector.broadcast %get3A_13 : vector<1x1024xf32> to vector<128x1024xf32>
    %add3A_19 = arith.addf %add3A_18, %dot_general3A_17 : vector<128x1024xf32>
    %slice3A_20 = vector.extract_strided_slice %add3A {offsets = [0, 1, 0], sizes = [128, 1, 128], strides = [1, 1, 1]} : vector<128x4x128xf32> to vector<128x1x128xf32>
    %squeeze3A_21 = vector.shape_cast %slice3A_20 : vector<128x1x128xf32> to vector<128x128xf32>
    %get3A_22 = arith.constant 128 : index
    %get3A_23 = arith.constant 0 : index
    %get3A_24 = vector.load %arg1[%get3A_22, %get3A_23] : memref<512x1024xf32, #tpu.memory_space<vmem>>, vector<128x1024xf32>
    %dot_general3A_25 = arith.constant dense<0.000000e+00> : vector<128x1024xf32>
    %dot_general3A_26 = tpu.matmul %squeeze3A_21, %get3A_24, %dot_general3A_25 {dimension_numbers = #tpu.dot_dimension_numbers<[1], [0], [0], [1], [0, 0, 1, 1], [], []>, transpose_lhs_hint = false} : vector<128x128xf32>, vector<128x1024xf32>, vector<128x1024xf32> -> vector<128x1024xf32>
    %add3A_27 = arith.addf %add3A_19, %dot_general3A_26 : vector<128x1024xf32>
    %slice3A_28 = vector.extract_strided_slice %add3A {offsets = [0, 2, 0], sizes = [128, 1, 128], strides = [1, 1, 1]} : vector<128x4x128xf32> to vector<128x1x128xf32>
    %squeeze3A_29 = vector.shape_cast %slice3A_28 : vector<128x1x128xf32> to vector<128x128xf32>
    %get3A_30 = arith.constant 256 : index
    %get3A_31 = arith.constant 0 : index
    %get3A_32 = vector.load %arg1[%get3A_30, %get3A_31] : memref<512x1024xf32, #tpu.memory_space<vmem>>, vector<128x1024xf32>
    %dot_general3A_33 = arith.constant dense<0.000000e+00> : vector<128x1024xf32>
    %dot_general3A_34 = tpu.matmul %squeeze3A_29, %get3A_32, %dot_general3A_33 {dimension_numbers = #tpu.dot_dimension_numbers<[1], [0], [0], [1], [0, 0, 1, 1], [], []>, transpose_lhs_hint = false} : vector<128x128xf32>, vector<128x1024xf32>, vector<128x1024xf32> -> vector<128x1024xf32>
    %add3A_35 = arith.addf %add3A_27, %dot_general3A_34 : vector<128x1024xf32>
    %slice3A_36 = vector.extract_strided_slice %add3A {offsets = [0, 3, 0], sizes = [128, 1, 128], strides = [1, 1, 1]} : vector<128x4x128xf32> to vector<128x1x128xf32>
    %squeeze3A_37 = vector.shape_cast %slice3A_36 : vector<128x1x128xf32> to vector<128x128xf32>
    %get3A_38 = arith.constant 384 : index
    %get3A_39 = arith.constant 0 : index
    %get3A_40 = vector.load %arg1[%get3A_38, %get3A_39] : memref<512x1024xf32, #tpu.memory_space<vmem>>, vector<128x1024xf32>
    %dot_general3A_41 = arith.constant dense<0.000000e+00> : vector<128x1024xf32>
    %dot_general3A_42 = tpu.matmul %squeeze3A_37, %get3A_40, %dot_general3A_41 {dimension_numbers = #tpu.dot_dimension_numbers<[1], [0], [0], [1], [0, 0, 1, 1], [], []>, transpose_lhs_hint = false} : vector<128x128xf32>, vector<128x1024xf32>, vector<128x1024xf32> -> vector<128x1024xf32>
    %add3A_43 = arith.addf %add3A_35, %dot_general3A_42 : vector<128x1024xf32>
    %transpose3A = tpu.transpose %add3A_43, [1, 0] : vector<128x1024xf32> -> vector<1024x128xf32>
    %reshape3A = vector.shape_cast %transpose3A : vector<1024x128xf32> to vector<8x16384xf32>
    %get3A_44 = arith.constant 0 : index
    %get3A_45 = arith.constant 0 : index
    %get3A_46 = vector.load %arg3[%get3A_44, %get3A_45] : memref<16384x128xf32, #tpu.memory_space<vmem>>, vector<16384x128xf32>
    %dot_general3A_47 = arith.constant dense<0.000000e+00> : vector<8x128xf32>
    %dot_general3A_48 = tpu.matmul %reshape3A, %get3A_46, %dot_general3A_47 {dimension_numbers = #tpu.dot_dimension_numbers<[1], [0], [0], [1], [0, 0, 1, 1], [], []>, transpose_lhs_hint = false} : vector<8x16384xf32>, vector<16384x128xf32>, vector<8x128xf32> -> vector<8x128xf32>
    %get3A_49 = arith.constant 0 : index
    %get3A_50 = arith.constant 0 : index
    %get3A_51 = vector.load %arg4[%get3A_49, %get3A_50] : memref<1x128xf32, #tpu.memory_space<vmem>>, vector<1x128xf32>
    %add3A_52 = vector.broadcast %get3A_51 : vector<1x128xf32> to vector<8x128xf32>
    %add3A_53 = arith.addf %dot_general3A_48, %add3A_52 : vector<8x128xf32>
    %get3A_54 = arith.constant 0 : index
    %get3A_55 = arith.constant 0 : index
    %get3A_56 = vector.load %arg5[%get3A_54, %get3A_55] : memref<128x10xf32, #tpu.memory_space<vmem>>, vector<128x10xf32>
    %dot_general3A_57 = arith.constant dense<0.000000e+00> : vector<8x10xf32>
    %dot_general3A_58 = tpu.matmul %add3A_53, %get3A_56, %dot_general3A_57 {dimension_numbers = #tpu.dot_dimension_numbers<[1], [0], [0], [1], [0, 0, 1, 1], [], []>, transpose_lhs_hint = false} : vector<8x128xf32>, vector<128x10xf32>, vector<8x10xf32> -> vector<8x10xf32>
    %get3A_59 = arith.constant 0 : index
    %get3A_60 = arith.constant 0 : index
    %get3A_61 = vector.load %arg6[%get3A_59, %get3A_60] : memref<1x10xf32, #tpu.memory_space<vmem>>, vector<1x10xf32>
    %add3A_62 = vector.broadcast %get3A_61 : vector<1x10xf32> to vector<8x10xf32>
    %add3A_63 = arith.addf %dot_general3A_58, %add3A_62 : vector<8x10xf32>
    %swap3A = arith.constant 0 : index
    %swap3A_64 = arith.constant 0 : index
    %swap3A_65 = vector.load %arg7[%swap3A, %swap3A_64] : memref<8x10xf32, #tpu.memory_space<vmem>>, vector<8x10xf32>
    tpu.vector_store %arg7[%swap3A, %swap3A_64], %add3A_63 {strides = array<i32>} : memref<8x10xf32, #tpu.memory_space<vmem>>, vector<8x10xf32>,
    return
  }
}

</mosaic_0001>

<sc_bundles>
// kernel: kernel.13.cloned.1.call-start
scs
__scs_entry_jumppad:
0x0: {  	(pc) =	sbr.rel $0x88, $3  }
0x1: {  	(tag) =	ssettag $0x0;
	lr =	simm.s32 $0x1  }
0x2: {  	[smem:$0x3F88] =	sst lr;
	_ =	strace $0xD0000000  }
0x3: {  	_ = 	snop  }
0x4: {  	_ = 	snop  }
0x5: {  	_ = 	snop  }
0x6: {  	_ = 	snop  }
0x7: {  	_ = 	snop  }
__scs_overlays_trampoline_lowered:
0x8: {  	[smem:$0x3F97] =	sst s0  }
0x9: {  	[smem:$0x3F98] =	sst s1  }
0xa: {  	[smem:$0x3F99] =	sst s2  }
0xb: {  	[smem:$0x3F9A] =	sst s3  }
0xc: {  	[smem:$0x3F9B] =	sst s4  }
0xd: {  	[smem:$0x3F9C] =	sst s5  }
0xe: {  	[smem:$0x3F9D] =	sst s6  }
0xf: {  	[smem:$0x3F9E] =	sst s7  }
0x10: {  	[smem:$0x3F9F] =	sst s8  }
0x11: {  	[smem:$0x3FA0] =	sst s9;
	s0 =	simm.s32 @!p0 $0x0  }
0x12: {  	s1 =	sld [smem:$0x3F86];
	s0 =	simm.s32 @p0 $0x1  }
0x13: {  	[smem:$0x3FA1] =	sst s0;
	s0 =	simm.s32 @!p1 $0x0  }
0x14: {  	s2 =	sld [smem:$0x3F85];
	s0 =	simm.s32 @p1 $0x1  }
0x15: {  	[smem:$0x3FA2] =	sst s0;
	s0 =	simm.s32 @!p2 $0x0  }
0x16: {  	s3 =	sld [smem:$0x3FDB];
	s0 =	simm.s32 @p2 $0x1  }
0x17: {  	s4 =	simm.s32 $0x1BF5;
	[smem:$0x3FA4] =	sst s0  }
0x18: {  	s0 =	sld [smem:$0x3F87];
	_ =	swait.ge [sflag:s4], $0x0  }
0x19: {  	s7 =	sld [smem:$0x3F88]  }
0x1a: {  	s8 =	sadd.s32 $0xFFFFE003, lr  }
0x1b: {  	s9 =	sadd.s32 $0xFFFFFEF7, lr;
	s5 =	simm.s32 $0xFFFFFFFF;
	p2 =	slt.u32 s8, $0xFFFFF086  }
0x1c: {  	p1 =	slt.u32 s9, $0xF7A;
	s5 =	simm.s32 @!p2 $0x0  }
0x1d: {  	s5 =	simm.s32 @p1 $0x1;
	p0 =	seq.s32 s7, s2  }
0x1e: {  	s7 =	smul.u32 @!p0 $0xF7A, s2;
	p2 =	seq.s32 @!p0 s5, $0x0  }
0x1f: {  	s9 =	smul.u32 $0xF7A, s1;
	s8 =	simm.s32 @!p0 $0x1BF5;
	p2 =	por !p2, p0  }
0x20: {  	[sflag:s8] =	ssyncset.s32 @!p0 $0xFFFFF086;
	s6 =	sadd.s32 @!p0 s3, s7;
	s7 =	simm.s32 @!p0 $0x108  }
0x21: {  	s3 =	sadd.s32 s3, s9;
	s6 =	sadd.s32 @!p0 $0x88, s6;
	s7 =	simm.s32 @p2 $0x1082  }
0x22: {  	[simem:s7], [sflag:s8] =	dma.local @!p0 [hbm:s6], $0xF7A  }
0x23: {  	s9 =	sor.u32 $0xD0000000, s2;
	s6 =	simm.s32 $0x108;
	_ =	swait.ge @!p0 [sflag:s8], $0x0  }
0x24: {  	s3 =	sadd.s32 $0x88, s3;
	s6 =	simm.s32 @!p1 $0x1082;
	[sflag:s4] =	ssyncset.s32 $0xFFFFF086  }
0x25: {  	[simem:s6], [sflag:s4] =	dma.local [hbm:s3], $0xF7A  }
0x26: {  	[smem:$0x3F88] =	sst s1;
	(tag) =	ssettag s2;
	_ =	strace s9  }
0x27: {  	s1 =	sld [smem:$0x3F98]  }
0x28: {  	s2 =	sld [smem:$0x3F99]  }
0x29: {  	s4 =	sld [smem:$0x3F9B]  }
0x2a: {  	p0 =	seq.s32 s5, $0x0;
	s5 =	sld [smem:$0x3F9C]  }
0x2b: {  	s6 =	sld [smem:$0x3F9D]  }
0x2c: {  	s7 =	sld [smem:$0x3F9E]  }
0x2d: {  	s3 =	simm.s32 $0x108;
	s8 =	sld [smem:$0x3F9F]  }
0x2e: {  	s3 =	simm.s32 @!p0 $0x1082;
	s9 =	sld [smem:$0x3FA0]  }
0x2f: {  	lr =	sadd.s32 s0, s3;
	s0 =	sld [smem:$0x3F97]  }
0x30: {  	s3 =	sld [smem:$0x3F9A]  }
0x31: {  	[smem:$0x3FA3] =	sst s10  }
0x32: {  	s10 =	sld [smem:$0x3FA1];
	_ =	sdelay $0x3  }
0x33: {  	p0 =	seq.s32 s10, $0x1;
	s10 =	sld [smem:$0x3FA3];
	_ =	sdelay $0x3  }
0x34: {  	[smem:$0x3FA3] =	sst s10  }
0x35: {  	s10 =	sld [smem:$0x3FA2];
	_ =	sdelay $0x3  }
0x36: {  	p1 =	seq.s32 s10, $0x1;
	s10 =	sld [smem:$0x3FA3];
	_ =	sdelay $0x3  }
0x37: {  	[smem:$0x3FA3] =	sst s10  }
0x38: {  	s10 =	sld [smem:$0x3FA4]  }
0x39: {  	_ = 	snop;
	(pc) =	sbr.ind lr, $3  }
0x3a: {  	_ = 	snop  }
0x3b: {  	_ = 	snop  }
0x3c: {  	p2 =	seq.s32 s10, $0x1;
	s10 =	sld [smem:$0x3FA3]  }
0x3d: {  	_ =	shalt  }
0x3e: {  	_ =	shalt  }
0x3f: {  	_ =	shalt  }
0x40: {  	_ =	shalt  }
0x41: {  	_ =	shalt  }
0x42: {  	_ =	shalt  }
0x43: {  	_ =	shalt  }
0x44: {  	_ =	shalt  }
0x45: {  	_ =	shalt  }
0x46: {  	_ =	shalt  }
0x47: {  	_ =	shalt  }
0x48: {  	_ =	shalt  }
0x49: {  	_ =	shalt  }
0x4a: {  	_ =	shalt  }
0x4b: {  	_ =	shalt  }
0x4c: {  	_ =	shalt  }
0x4d: {  	_ =	shalt  }
0x4e: {  	_ =	shalt  }
0x4f: {  	_ =	shalt  }
0x50: {  	_ =	shalt  }
0x51: {  	_ =	shalt  }
0x52: {  	_ =	shalt  }
0x53: {  	_ =	shalt  }
0x54: {  	_ =	shalt  }
0x55: {  	_ =	shalt  }
0x56: {  	_ =	shalt  }
0x57: {  	_ =	shalt  }
0x58: {  	_ =	shalt  }
0x59: {  	_ =	shalt  }
0x5a: {  	_ =	shalt  }
0x5b: {  	_ =	shalt  }
0x5c: {  	_ =	shalt  }
0x5d: {  	_ =	shalt  }
0x5e: {  	_ =	shalt  }
0x5f: {  	_ =	shalt  }
0x60: {  	_ =	shalt  }
0x61: {  	_ =	shalt  }
0x62: {  	_ =	shalt  }
0x63: {  	_ =	shalt  }
0x64: {  	_ =	shalt  }
0x65: {  	_ =	shalt  }
0x66: {  	_ =	shalt  }
0x67: {  	_ =	shalt  }
0x68: {  	_ =	shalt  }
0x69: {  	_ =	shalt  }
0x6a: {  	_ =	shalt  }
0x6b: {  	_ =	shalt  }
0x6c: {  	_ =	shalt  }
0x6d: {  	_ =	shalt  }
0x6e: {  	_ =	shalt  }
0x6f: {  	_ =	shalt  }
0x70: {  	_ =	shalt  }
0x71: {  	_ =	shalt  }
0x72: {  	_ =	shalt  }
0x73: {  	_ =	shalt  }
0x74: {  	_ =	shalt  }
0x75: {  	_ =	shalt  }
0x76: {  	_ =	shalt  }
0x77: {  	_ =	shalt  }
0x78: {  	_ =	shalt  }
0x79: {  	_ =	shalt  }
0x7a: {  	_ =	shalt  }
0x7b: {  	_ =	shalt  }
0x7c: {  	_ =	shalt  }
0x7d: {  	_ =	shalt  }
0x7e: {  	_ =	shalt  }
0x7f: {  	_ =	shalt  }
0x80: {  	_ =	shalt  }
0x81: {  	_ =	shalt  }
0x82: {  	_ =	shalt  }
0x83: {  	_ =	shalt  }
0x84: {  	_ =	shalt  }
0x85: {  	_ =	shalt  }
0x86: {  	_ =	shalt  }
0x87: {  	_ =	shalt  }
.Lfunc_end0:
.L_simem_size_0:
called_computation_lowered:
.L_overlay_start_0:
0x88: {  	s2 =	sld [smem:$0x3FD9]  }
0x89: {  	s3 =	sld [smem:$0x3FFE];
	_ =	sdelay $0x1  }
0x8a: {  	s1 =	srdreg.scid  }
0x8b: {  	s0 =	sand.u32 $0x1, s1  }
0x8c: {  	s16 =	sshll.u32 s0, $0xA;
	s2 =	sadd.s32 s3, s2  }
0x8d: {  	s2 =	sadd.s32 s2, s16  }
0x8e: {  	[smem:$0x3FAF] =	sst s2  }
0x8f: {  	_ = 	snop  }
0x90: {  	(tm) =	ssettm $0x1  }
0x91: {  	s17 =	sld [smem:$0x3FFB];
	_ =	sdelay $0x3  }
0x92: {  	_ =	strace s17  }
0x93: {  	s2 =	sld [smem:$0x3FFC];
	_ =	sdelay $0x3  }
0x94: {  	_ =	strace s2  }
0x95: {  	s2 =	sld [smem:$0x3FFD];
	_ =	sdelay $0x3  }
0x96: {  	_ =	strace s2  }
0x97: {  	_ =	strace $0x8FFFFFFF  }
0x98: {  	s18 =	sld [smem:$0x3FDB];
	_ =	sdelay $0x1  }
0x99: {  	s19 =	simm.s32 $_scs_section_size  }
0x9a: {  	s4 =	simm.s32 $_size__tile_overlayer_lowered;
	s5 =	simm.s32 $_tile_overlayer_lowered  }
0x9b: {  	s22 =	simm.s32 $0x1BFF;
	s21 =	sshll.u32 s5, $0x1;
	s2 =	sadd.s32 s19, s18  }
0x9c: {  	s6 =	simm.s32 $0x0;
	s20 =	sshll.u32 s4, $0x1;
	s4 =	sadd.s32 s21, s2  }
0x9d: {  	[timem:s6], [sflag:s22] =	dma.local [hbm:s4], s20  }
0x9e: {  	_ =	swait.ge [sflag:s22], s20  }
0x9f: {  	s3 =	ssub.s32 $0x0, s20;
	[sflag:s22] =	ssyncset.done $0x0  }
0xa0: {  	[sflag:s22] =	ssyncadd.s32 s3;
	_ =	sdelay $0x1  }
0xa1: {  	s23 =	simm.s32 $0x1B8B  }
0xa2: {  	_ =	swait.ge [sflag:s23], $0x1  }
0xa3: {  	[sflag:s23] =	ssyncset.done $0x0  }
0xa4: {  	s25 =	simm.s32 $0x1B8E;
	s24 =	sld [smem:$0x3FFE];
	[sflag:s23] =	ssyncadd.s32 $0xFFFFFFFF  }
0xa5: {  	s26 =	simm.s32 $execute0_lowered;
	[smem:$0x3FD2] =	sst s25  }
0xa6: {  	s4 =	sshll.u32 s26, $0x1;
	_ =	strace $0x80000046;
	[dreg:$0x1] =	wrdreg $0xFFFFFFFF  }
0xa7: {  	s28 =	simm.s32 $_size_execute0_lowered;
	s2 =	sadd.s32 s2, s4;
	[dreg:$0x0] =	wrdreg $0x0  }
0xa8: {  	s4 =	sshll.u32 s28, $0x1;
	[dreg:$0x2] =	wrdreg s2  }
0xa9: {  	[dreg:$0x3] =	wrdreg s4  }
0xaa: {  	[dreg:$0x4] =	wrdreg $0xC0  }
0xab: {  	_ =	task [dreg:s6], $0x5FFFF  }
0xac: {  	[dreg:$0x1] =	wrdreg $0xFFFFFFFF  }
0xad: {  	[dreg:$0x0] =	wrdreg $0x60  }
0xae: {  	[dreg:$0x2] =	wrdreg s24  }
0xaf: {  	[dreg:$0x3] =	wrdreg $0x9  }
0xb0: {  	_ =	task.clear_ibuf [dreg:s6], $0x4FFFF;
	_ =	strace $0x90000046  }
0xb1: {  	s29 =	simm.s32 $0x9;
	_ =	strace $0x80000048  }
0xb2: {  	_ =	swait.ge [sflag:s29], $0x1  }
0xb3: {  	[sflag:s29] =	ssyncadd.s32 $0xFFFFFFFF  }
0xb4: {  	_ =	strace $0x90000048  }
0xb5: {  	_ =	sfence  }
0xb6: {  	s30 =	sld [smem:$0x0];
	_ =	sdelay $0x2  }
0xb7: {  	s31 =	sshll.u32 s1, $0xD;
	s1 =	sshrl.u32 s1, $0x2  }
0xb8: {  	s3 =	sand.u32 $0x4000, s31;
	s1 =	sadd.s32 s1, s30  }
0xb9: {  	s0 =	sor.u32 s3, s0;
	s1 =	sshll.u32 s1, $0x11  }
0xba: {  	s0 =	sor.u32 s1, s0  }
0xbb: {  	s0 =	sadd.s32 $0x8F2B, s0  }
0xbc: {  	[sflag:s0] =	ssyncadd.remote.s32 $0x1  }
0xbd: {  	_ =	sfence.sel $0xFFFF  }
0xbe: {  	[dreg:$0x0] =	wrdreg $0xFFFFFFFF;
	(pc) =	sbr.abs _section_cstart, $3  }
0xbf: {  	[dreg:$0x1] =	wrdreg $0xFFFFFFFF  }
0xc0: {  	_ =	task.clear_ibuf [dreg:s6], $0x2FFFF;
	_ =	strace $0x9FFFFFFF  }
0xc1: {  	(tm) =	ssettm $0x7FFFFFFF  }
tec
execute0_lowered:
.L_overlay_start_1:
0x0: {  	(tag) =	ssettag $0x1  }
0x1: {  	s0 =	srdreg.scid  }
0x2: {  	s4 =	rddreg [dreg:$0x0];
	s2 =	simm.s32 $0x0;
	s3 =	sand.u32 $0x1, s0  }
0x3: {  	s7 =	simm.s32 $0x18800;
	s0 =	stileid.u32;
	s1 =	sshll.u32 s3, $0x4  }
0x4: {  	s8 =	simm.s32 $0x1;
	s9 =	simm.s32 $0x6200;
	s5 =	sor.u32 s0, s1  }
0x5: {  	s10 =	simm.s32 $0x0;
	[smem:$0x7FF] =	sst s2;
	s6 =	smul.u32 $0x188, s5  }
0x6: {  	s3 =	ssub.s32 $0x2, s3;
	s1 =	rddreg [dreg:$0x1];
	s5 =	smul.u32 $0xC40, s5  }
0x7: {  	_ =	strace $0x80000047;
	s31 =	sshrl.u32 s3, $0x1;
	s6 =	sadd.s32 s6, s4  }
0x8: {  	v0 =	vlaneseq.u32;
	s4 =	sadd.s32 s5, s4;
	s5 =	ssub.s32 s3, s31;
	s3 =	sadd.s32 $0x5000, s6  }
0x9: {  	v0 =	vmul.u32 $0x8, v0;
	s4 =	sadd.s32 $0x1D800, s4;
	s5 =	smax.u32 s5, $0x1;
	s6 =	simm.s32 $0xC40  }
.LBB2_1:
0xa: {  	[tilespmem:s2], [sflag:$0x1] =	stream.strided.gather [hbm4b:s3+s6], $0x6200, s7, s6, $0x38;
	[tilespmem:$0xC400] =	vst v63  }
0xb: {  	_ =	swait.ge [sflag:s8], $0x6200  }
0xc: {  	v1 =	vmov s2;
	[sflag:s8] =	ssyncset.done $0x0  }
0xd: {  	v1 =	vshll.u32 v1, $0x3;
	[sflag:s8] =	ssyncadd.s32 $0xFFFF9E00  }
0xe: {  	v3 =	vor.u32 v0, v1;
	v2 =	vld [tilespmem:s2+$0x0];
	_ =	sdelay $0x4  }
0xf: {  	[tilespmem:v3+s9+$0x0] =	vst.idx.msk $0xffff, v2  }
0x10: {  	v2 =	vor.u32 $0x1, v3;
	v1 =	vld [tilespmem:s2+$0xC40];
	_ =	sdelay $0x4  }
0x11: {  	[tilespmem:v2+s9+$0x0] =	vst.idx.msk $0xffff, v1  }
0x12: {  	v2 =	vor.u32 $0x2, v3;
	v1 =	vld [tilespmem:s2+$0x1880];
	_ =	sdelay $0x4  }
0x13: {  	[tilespmem:v2+s9+$0x0] =	vst.idx.msk $0xffff, v1  }
0x14: {  	v2 =	vor.u32 $0x3, v3;
	v1 =	vld [tilespmem:s2+$0x24C0];
	_ =	sdelay $0x4  }
0x15: {  	[tilespmem:v2+s9+$0x0] =	vst.idx.msk $0xffff, v1  }
0x16: {  	v2 =	vor.u32 $0x4, v3;
	v1 =	vld [tilespmem:s2+$0x3100];
	_ =	sdelay $0x4  }
0x17: {  	[tilespmem:v2+s9+$0x0] =	vst.idx.msk $0xffff, v1  }
0x18: {  	v2 =	vor.u32 $0x5, v3;
	v1 =	vld [tilespmem:s2+$0x3D40];
	_ =	sdelay $0x4  }
0x19: {  	[tilespmem:v2+s9+$0x0] =	vst.idx.msk $0xffff, v1  }
0x1a: {  	v2 =	vor.u32 $0x6, v3;
	v1 =	vld [tilespmem:s2+$0x4980];
	_ =	sdelay $0x4  }
0x1b: {  	[tilespmem:v2+s9+$0x0] =	vst.idx.msk $0xffff, v1  }
0x1c: {  	v2 =	vor.u32 $0x7, v3;
	v1 =	vld [tilespmem:s2+$0x55C0];
	_ =	sdelay $0x2  }
0x1d: {  	s11 =	simm.s32 $0x10  }
0x1e: {  	s12 =	simm.s32 $0x20;
	v3 =	vmov s11;
	s11 =	simm.s32 $0x0  }
.LBB2_2:
0x1f: {  	p0 =	sne.s32 s12, $0xC30;
	v3 =	vshll.u32 v3, $0x3;
	[tilespmem:v2+s9+$0x0] =	vst.idx.msk $0xffff, v1;
	s11 =	sadd.s32 $0x10, s11  }
0x20: {  	v1 =	vld [tilespmem:s11+$0x0];
	v2 =	vor.u32 v0, v3;
	_ =	sdelay $0x4  }
0x21: {  	[tilespmem:v2+s9+$0x0] =	vst.idx.msk $0xffff, v1  }
0x22: {  	v3 =	vor.u32 $0x1, v2;
	v1 =	vld [tilespmem:s11+$0xC40];
	_ =	sdelay $0x4  }
0x23: {  	[tilespmem:v3+s9+$0x0] =	vst.idx.msk $0xffff, v1  }
0x24: {  	v3 =	vor.u32 $0x2, v2;
	v1 =	vld [tilespmem:s11+$0x1880];
	_ =	sdelay $0x4  }
0x25: {  	[tilespmem:v3+s9+$0x0] =	vst.idx.msk $0xffff, v1  }
0x26: {  	v3 =	vor.u32 $0x3, v2;
	v1 =	vld [tilespmem:s11+$0x24C0];
	_ =	sdelay $0x4  }
0x27: {  	[tilespmem:v3+s9+$0x0] =	vst.idx.msk $0xffff, v1  }
0x28: {  	v3 =	vor.u32 $0x4, v2;
	v1 =	vld [tilespmem:s11+$0x3100];
	_ =	sdelay $0x4  }
0x29: {  	[tilespmem:v3+s9+$0x0] =	vst.idx.msk $0xffff, v1  }
0x2a: {  	v3 =	vor.u32 $0x5, v2;
	v1 =	vld [tilespmem:s11+$0x3D40];
	_ =	sdelay $0x4  }
0x2b: {  	[tilespmem:v3+s9+$0x0] =	vst.idx.msk $0xffff, v1  }
0x2c: {  	v3 =	vor.u32 $0x6, v2;
	v1 =	vld [tilespmem:s11+$0x4980];
	_ =	sdelay $0x4  }
0x2d: {  	[tilespmem:v3+s9+$0x0] =	vst.idx.msk $0xffff, v1  }
.Ltmp0:
0x2e: {  	v2 =	vor.u32 $0x7, v2;
	v1 =	vld [tilespmem:s11+$0x55C0];
	(pc) =	sbr.rel @p0 .LBB2_2-.Ltmp0, $2  }
0x2f: {  	_ =	sdelay $0x2  }
0x30: {  	v3 =	vmov s12;
	s12 =	sadd.s32 $0x10, s12  }
0x31: {  	_ =	sdelay $0x3  }
0x32: {  	v3 =	vshll.u32 v3, $0x3;
	[tilespmem:v2+s9+$0x0] =	vst.idx.msk $0xffff, v1;
	s11 =	sadd.s32 $0x10, s11  }
0x33: {  	v1 =	vld [tilespmem:s11+$0x0];
	v2 =	vor.u32 v0, v3;
	_ =	sdelay $0x4  }
0x34: {  	[tilespmem:v2+s9+$0x0] =	vst.idx.msk $0xffff, v1  }
0x35: {  	v3 =	vor.u32 $0x1, v2;
	v1 =	vld [tilespmem:s11+$0xC40];
	_ =	sdelay $0x4  }
0x36: {  	[tilespmem:v3+s9+$0x0] =	vst.idx.msk $0xffff, v1  }
0x37: {  	v3 =	vor.u32 $0x2, v2;
	v1 =	vld [tilespmem:s11+$0x1880];
	_ =	sdelay $0x4  }
0x38: {  	[tilespmem:v3+s9+$0x0] =	vst.idx.msk $0xffff, v1  }
0x39: {  	v3 =	vor.u32 $0x3, v2;
	v1 =	vld [tilespmem:s11+$0x24C0];
	_ =	sdelay $0x4  }
0x3a: {  	[tilespmem:v3+s9+$0x0] =	vst.idx.msk $0xffff, v1  }
0x3b: {  	v3 =	vor.u32 $0x4, v2;
	v1 =	vld [tilespmem:s11+$0x3100];
	_ =	sdelay $0x4  }
0x3c: {  	[tilespmem:v3+s9+$0x0] =	vst.idx.msk $0xffff, v1  }
0x3d: {  	v3 =	vor.u32 $0x5, v2;
	v1 =	vld [tilespmem:s11+$0x3D40];
	_ =	sdelay $0x4  }
0x3e: {  	[tilespmem:v3+s9+$0x0] =	vst.idx.msk $0xffff, v1  }
0x3f: {  	v3 =	vor.u32 $0x6, v2;
	v1 =	vld [tilespmem:s11+$0x4980];
	_ =	sdelay $0x4  }
0x40: {  	[tilespmem:v3+s9+$0x0] =	vst.idx.msk $0xffff, v1  }
0x41: {  	v2 =	vor.u32 $0x7, v2;
	v1 =	vld [tilespmem:s11+$0x55C0];
	_ =	sdelay $0x2  }
0x42: {  	s10 =	sadd.s32 $0x1, s10  }
0x43: {  	p0 =	sne.s32 s10, s5  }
.Ltmp1:
0x44: {  	[tilespmem:v2+s9+$0x0] =	vst.idx.msk $0xffff, v1;
	(pc) =	sbr.rel @p0 .LBB2_1-.Ltmp1, $4  }
0x45: {  	[hbm4b:s4+s2] =	stream.linear.scatter [tilespmem:s9], [sflag:$0x1], $0x6200, $0x38;
	[tilespmem:$0xC400] =	vst v63  }
0x46: {  	_ =	swait.ge [sflag:s8], $0x6200  }
0x47: {  	[sflag:s8] =	ssyncset.done $0x0  }
0x48: {  	[sflag:s8] =	ssyncadd.s32 $0xFFFF9E00  }
0x49: {  	_ =	sfence.sel $0x180000  }
0x4a: {  	[bflag:$0x0] =	sbarrier.arrive $0xFFFF  }
0x4b: {  	p0 =	sne.s32 s0, $0x0;
	_ =	strace $0x90000047  }
0x4c: {  	s0 =	sadd.s32 @!p0 $0x100000, s1;
	[bflag:$0x2] =	sbarrier.arrive $0xFFFF  }
0x4d: {  	[sflag:s0] =	ssyncadd.tile.s32 @!p0 $0x1;
	_ =	shalt  }
.Lfunc_end2:
_tile_overlayer_lowered:
.L_overlay_start_2:
0x4e: {  	(tag) =	ssettag $0x2  }
0x4f: {  	s0 =	rddreg [dreg:$0x0];
	s2 =	stileid.u32  }
0x50: {  	s1 =	rddreg [dreg:$0x1];
	p0 =	sne.s32 s2, $0x0  }
0x51: {  	s3 =	rddreg [dreg:$0x2];
	[bflag:$0x3] =	sbarrier.arrive $0xFFFF;
	s2 =	simm.s32 @!p0 $0x1C01  }
0x52: {  	[timem:s3], [sflag:s2] =	dma.local @!p0 [hbm:s0], s1  }
0x53: {  	s0 =	simm.s32 @!p0 $0x1  }
0x54: {  	_ =	swait.ge @!p0 [sflag:s0], s1  }
0x55: {  	s1 =	ssub.s32 @!p0 $0x0, s1;
	[sflag:s0] =	ssyncset.done @!p0 $0x0  }
0x56: {  	[sflag:s0] =	ssyncadd.s32 @!p0 s1  }
0x57: {  	[bflag:$0x3] =	sbarrier.arrive $0xFFFF  }
0x58: {  	_ =	shalt  }

// kernel: kernel.16.cloned.1.call-start
scs
__scs_entry_jumppad:
0x0: {  	(pc) =	sbr.rel $0x88, $3  }
0x1: {  	(tag) =	ssettag $0x0;
	lr =	simm.s32 $0x1  }
0x2: {  	[smem:$0x3F88] =	sst lr;
	_ =	strace $0xD0000000  }
0x3: {  	_ = 	snop  }
0x4: {  	_ = 	snop  }
0x5: {  	_ = 	snop  }
0x6: {  	_ = 	snop  }
0x7: {  	_ = 	snop  }
__scs_overlays_trampoline_lowered:
0x8: {  	[smem:$0x3F97] =	sst s0  }
0x9: {  	[smem:$0x3F98] =	sst s1  }
0xa: {  	[smem:$0x3F99] =	sst s2  }
0xb: {  	[smem:$0x3F9A] =	sst s3  }
0xc: {  	[smem:$0x3F9B] =	sst s4  }
0xd: {  	[smem:$0x3F9C] =	sst s5  }
0xe: {  	[smem:$0x3F9D] =	sst s6  }
0xf: {  	[smem:$0x3F9E] =	sst s7  }
0x10: {  	[smem:$0x3F9F] =	sst s8  }
0x11: {  	[smem:$0x3FA0] =	sst s9;
	s0 =	simm.s32 @!p0 $0x0  }
0x12: {  	s1 =	sld [smem:$0x3F86];
	s0 =	simm.s32 @p0 $0x1  }
0x13: {  	[smem:$0x3FA1] =	sst s0;
	s0 =	simm.s32 @!p1 $0x0  }
0x14: {  	s2 =	sld [smem:$0x3F85];
	s0 =	simm.s32 @p1 $0x1  }
0x15: {  	[smem:$0x3FA2] =	sst s0;
	s0 =	simm.s32 @!p2 $0x0  }
0x16: {  	s3 =	sld [smem:$0x3FDB];
	s0 =	simm.s32 @p2 $0x1  }
0x17: {  	s4 =	simm.s32 $0x1BF5;
	[smem:$0x3FA4] =	sst s0  }
0x18: {  	s0 =	sld [smem:$0x3F87];
	_ =	swait.ge [sflag:s4], $0x0  }
0x19: {  	s7 =	sld [smem:$0x3F88]  }
0x1a: {  	s8 =	sadd.s32 $0xFFFFE003, lr  }
0x1b: {  	s9 =	sadd.s32 $0xFFFFFEF7, lr;
	s5 =	simm.s32 $0xFFFFFFFF;
	p2 =	slt.u32 s8, $0xFFFFF086  }
0x1c: {  	p1 =	slt.u32 s9, $0xF7A;
	s5 =	simm.s32 @!p2 $0x0  }
0x1d: {  	s5 =	simm.s32 @p1 $0x1;
	p0 =	seq.s32 s7, s2  }
0x1e: {  	s7 =	smul.u32 @!p0 $0xF7A, s2;
	p2 =	seq.s32 @!p0 s5, $0x0  }
0x1f: {  	s9 =	smul.u32 $0xF7A, s1;
	s8 =	simm.s32 @!p0 $0x1BF5;
	p2 =	por !p2, p0  }
0x20: {  	[sflag:s8] =	ssyncset.s32 @!p0 $0xFFFFF086;
	s6 =	sadd.s32 @!p0 s3, s7;
	s7 =	simm.s32 @!p0 $0x108  }
0x21: {  	s3 =	sadd.s32 s3, s9;
	s6 =	sadd.s32 @!p0 $0x88, s6;
	s7 =	simm.s32 @p2 $0x1082  }
0x22: {  	[simem:s7], [sflag:s8] =	dma.local @!p0 [hbm:s6], $0xF7A  }
0x23: {  	s9 =	sor.u32 $0xD0000000, s2;
	s6 =	simm.s32 $0x108;
	_ =	swait.ge @!p0 [sflag:s8], $0x0  }
0x24: {  	s3 =	sadd.s32 $0x88, s3;
	s6 =	simm.s32 @!p1 $0x1082;
	[sflag:s4] =	ssyncset.s32 $0xFFFFF086  }
0x25: {  	[simem:s6], [sflag:s4] =	dma.local [hbm:s3], $0xF7A  }
0x26: {  	[smem:$0x3F88] =	sst s1;
	(tag) =	ssettag s2;
	_ =	strace s9  }
0x27: {  	s1 =	sld [smem:$0x3F98]  }
0x28: {  	s2 =	sld [smem:$0x3F99]  }
0x29: {  	s4 =	sld [smem:$0x3F9B]  }
0x2a: {  	p0 =	seq.s32 s5, $0x0;
	s5 =	sld [smem:$0x3F9C]  }
0x2b: {  	s6 =	sld [smem:$0x3F9D]  }
0x2c: {  	s7 =	sld [smem:$0x3F9E]  }
0x2d: {  	s3 =	simm.s32 $0x108;
	s8 =	sld [smem:$0x3F9F]  }
0x2e: {  	s3 =	simm.s32 @!p0 $0x1082;
	s9 =	sld [smem:$0x3FA0]  }
0x2f: {  	lr =	sadd.s32 s0, s3;
	s0 =	sld [smem:$0x3F97]  }
0x30: {  	s3 =	sld [smem:$0x3F9A]  }
0x31: {  	[smem:$0x3FA3] =	sst s10  }
0x32: {  	s10 =	sld [smem:$0x3FA1];
	_ =	sdelay $0x3  }
0x33: {  	p0 =	seq.s32 s10, $0x1;
	s10 =	sld [smem:$0x3FA3];
	_ =	sdelay $0x3  }
0x34: {  	[smem:$0x3FA3] =	sst s10  }
0x35: {  	s10 =	sld [smem:$0x3FA2];
	_ =	sdelay $0x3  }
0x36: {  	p1 =	seq.s32 s10, $0x1;
	s10 =	sld [smem:$0x3FA3];
	_ =	sdelay $0x3  }
0x37: {  	[smem:$0x3FA3] =	sst s10  }
0x38: {  	s10 =	sld [smem:$0x3FA4]  }
0x39: {  	_ = 	snop;
	(pc) =	sbr.ind lr, $3  }
0x3a: {  	_ = 	snop  }
0x3b: {  	_ = 	snop  }
0x3c: {  	p2 =	seq.s32 s10, $0x1;
	s10 =	sld [smem:$0x3FA3]  }
0x3d: {  	_ =	shalt  }
0x3e: {  	_ =	shalt  }
0x3f: {  	_ =	shalt  }
0x40: {  	_ =	shalt  }
0x41: {  	_ =	shalt  }
0x42: {  	_ =	shalt  }
0x43: {  	_ =	shalt  }
0x44: {  	_ =	shalt  }
0x45: {  	_ =	shalt  }
0x46: {  	_ =	shalt  }
0x47: {  	_ =	shalt  }
0x48: {  	_ =	shalt  }
0x49: {  	_ =	shalt  }
0x4a: {  	_ =	shalt  }
0x4b: {  	_ =	shalt  }
0x4c: {  	_ =	shalt  }
0x4d: {  	_ =	shalt  }
0x4e: {  	_ =	shalt  }
0x4f: {  	_ =	shalt  }
0x50: {  	_ =	shalt  }
0x51: {  	_ =	shalt  }
0x52: {  	_ =	shalt  }
0x53: {  	_ =	shalt  }
0x54: {  	_ =	shalt  }
0x55: {  	_ =	shalt  }
0x56: {  	_ =	shalt  }
0x57: {  	_ =	shalt  }
0x58: {  	_ =	shalt  }
0x59: {  	_ =	shalt  }
0x5a: {  	_ =	shalt  }
0x5b: {  	_ =	shalt  }
0x5c: {  	_ =	shalt  }
0x5d: {  	_ =	shalt  }
0x5e: {  	_ =	shalt  }
0x5f: {  	_ =	shalt  }
0x60: {  	_ =	shalt  }
0x61: {  	_ =	shalt  }
0x62: {  	_ =	shalt  }
0x63: {  	_ =	shalt  }
0x64: {  	_ =	shalt  }
0x65: {  	_ =	shalt  }
0x66: {  	_ =	shalt  }
0x67: {  	_ =	shalt  }
0x68: {  	_ =	shalt  }
0x69: {  	_ =	shalt  }
0x6a: {  	_ =	shalt  }
0x6b: {  	_ =	shalt  }
0x6c: {  	_ =	shalt  }
0x6d: {  	_ =	shalt  }
0x6e: {  	_ =	shalt  }
0x6f: {  	_ =	shalt  }
0x70: {  	_ =	shalt  }
0x71: {  	_ =	shalt  }
0x72: {  	_ =	shalt  }
0x73: {  	_ =	shalt  }
0x74: {  	_ =	shalt  }
0x75: {  	_ =	shalt  }
0x76: {  	_ =	shalt  }
0x77: {  	_ =	shalt  }
0x78: {  	_ =	shalt  }
0x79: {  	_ =	shalt  }
0x7a: {  	_ =	shalt  }
0x7b: {  	_ =	shalt  }
0x7c: {  	_ =	shalt  }
0x7d: {  	_ =	shalt  }
0x7e: {  	_ =	shalt  }
0x7f: {  	_ =	shalt  }
0x80: {  	_ =	shalt  }
0x81: {  	_ =	shalt  }
0x82: {  	_ =	shalt  }
0x83: {  	_ =	shalt  }
0x84: {  	_ =	shalt  }
0x85: {  	_ =	shalt  }
0x86: {  	_ =	shalt  }
0x87: {  	_ =	shalt  }
.Lfunc_end0:
.L_simem_size_0:
called_computation.1_lowered:
.L_overlay_start_0:
0x88: {  	s2 =	sld [smem:$0x3FD9]  }
0x89: {  	s3 =	sld [smem:$0x3FFE];
	_ =	sdelay $0x1  }
0x8a: {  	s1 =	srdreg.scid  }
0x8b: {  	s0 =	sand.u32 $0x1, s1  }
0x8c: {  	s16 =	sshll.u32 s0, $0xA;
	s2 =	sadd.s32 s3, s2  }
0x8d: {  	s2 =	sadd.s32 s2, s16  }
0x8e: {  	[smem:$0x3FAF] =	sst s2  }
0x8f: {  	_ = 	snop  }
0x90: {  	(tm) =	ssettm $0x1  }
0x91: {  	s17 =	sld [smem:$0x3FFB];
	_ =	sdelay $0x3  }
0x92: {  	_ =	strace s17  }
0x93: {  	s2 =	sld [smem:$0x3FFC];
	_ =	sdelay $0x3  }
0x94: {  	_ =	strace s2  }
0x95: {  	s2 =	sld [smem:$0x3FFD];
	_ =	sdelay $0x3  }
0x96: {  	_ =	strace s2  }
0x97: {  	_ =	strace $0x8FFFFFFF  }
0x98: {  	s18 =	sld [smem:$0x3FDB];
	_ =	sdelay $0x1  }
0x99: {  	s19 =	simm.s32 $_scs_section_size  }
0x9a: {  	s4 =	simm.s32 $_size__tile_overlayer_lowered;
	s5 =	simm.s32 $_tile_overlayer_lowered  }
0x9b: {  	s22 =	simm.s32 $0x1BFF;
	s21 =	sshll.u32 s5, $0x1;
	s2 =	sadd.s32 s19, s18  }
0x9c: {  	s6 =	simm.s32 $0x0;
	s20 =	sshll.u32 s4, $0x1;
	s4 =	sadd.s32 s21, s2  }
0x9d: {  	[timem:s6], [sflag:s22] =	dma.local [hbm:s4], s20  }
0x9e: {  	_ =	swait.ge [sflag:s22], s20  }
0x9f: {  	s3 =	ssub.s32 $0x0, s20;
	[sflag:s22] =	ssyncset.done $0x0  }
0xa0: {  	[sflag:s22] =	ssyncadd.s32 s3;
	_ =	sdelay $0x1  }
0xa1: {  	s23 =	simm.s32 $0x1B8B  }
0xa2: {  	_ =	swait.ge [sflag:s23], $0x1  }
0xa3: {  	[sflag:s23] =	ssyncset.done $0x0  }
0xa4: {  	s25 =	simm.s32 $0x1B8E;
	s24 =	sld [smem:$0x3FFE];
	[sflag:s23] =	ssyncadd.s32 $0xFFFFFFFF  }
0xa5: {  	s26 =	simm.s32 $execute0_lowered;
	[smem:$0x3FD2] =	sst s25  }
0xa6: {  	s4 =	sshll.u32 s26, $0x1;
	_ =	strace $0x80000049;
	[dreg:$0x1] =	wrdreg $0xFFFFFFFF  }
0xa7: {  	s28 =	simm.s32 $_size_execute0_lowered;
	s2 =	sadd.s32 s2, s4;
	[dreg:$0x0] =	wrdreg $0x0  }
0xa8: {  	s4 =	sshll.u32 s28, $0x1;
	[dreg:$0x2] =	wrdreg s2  }
0xa9: {  	[dreg:$0x3] =	wrdreg s4  }
0xaa: {  	[dreg:$0x4] =	wrdreg $0xC0  }
0xab: {  	_ =	task [dreg:s6], $0x5FFFF  }
0xac: {  	[dreg:$0x1] =	wrdreg $0xFFFFFFFF  }
0xad: {  	[dreg:$0x0] =	wrdreg $0x60  }
0xae: {  	[dreg:$0x2] =	wrdreg s24  }
0xaf: {  	[dreg:$0x3] =	wrdreg $0x3A000  }
0xb0: {  	[dreg:$0x4] =	wrdreg $0xBA400  }
0xb1: {  	[dreg:$0x5] =	wrdreg $0x9  }
0xb2: {  	_ =	task.clear_ibuf [dreg:s6], $0x6FFFF;
	_ =	strace $0x90000049  }
0xb3: {  	s29 =	simm.s32 $0x9;
	_ =	strace $0x8000004B  }
0xb4: {  	_ =	swait.ge [sflag:s29], $0x1  }
0xb5: {  	[sflag:s29] =	ssyncadd.s32 $0xFFFFFFFF  }
0xb6: {  	_ =	strace $0x9000004B  }
0xb7: {  	_ =	sfence  }
0xb8: {  	s30 =	sld [smem:$0x0];
	_ =	sdelay $0x2  }
0xb9: {  	s31 =	sshll.u32 s1, $0xD;
	s1 =	sshrl.u32 s1, $0x2  }
0xba: {  	s3 =	sand.u32 $0x4000, s31;
	s1 =	sadd.s32 s1, s30  }
0xbb: {  	s0 =	sor.u32 s3, s0;
	s1 =	sshll.u32 s1, $0x11  }
0xbc: {  	s0 =	sor.u32 s1, s0  }
0xbd: {  	s0 =	sadd.s32 $0x8F2B, s0  }
0xbe: {  	[sflag:s0] =	ssyncadd.remote.s32 $0x1  }
0xbf: {  	_ =	sfence.sel $0xFFFF  }
0xc0: {  	[dreg:$0x0] =	wrdreg $0xFFFFFFFF;
	(pc) =	sbr.abs _section_cstart, $3  }
0xc1: {  	[dreg:$0x1] =	wrdreg $0xFFFFFFFF  }
0xc2: {  	_ =	task.clear_ibuf [dreg:s6], $0x2FFFF;
	_ =	strace $0x9FFFFFFF  }
0xc3: {  	(tm) =	ssettm $0x7FFFFFFF  }
tec
execute0_lowered:
.L_overlay_start_1:
0x0: {  	(tag) =	ssettag $0x1  }
0x1: {  	s0 =	rddreg [dreg:$0x0]  }
0x2: {  	s1 =	srdreg.scid;
	s2 =	rddreg [dreg:$0x1]  }
0x3: {  	s13 =	stileid.u32;
	s3 =	rddreg [dreg:$0x2]  }
0x4: {  	s4 =	simm.s32 $0x0;
	s14 =	simm.s32 $0x1900;
	s17 =	simm.s32 $0x5  }
0x5: {  	s18 =	simm.s32 $0x80;
	s19 =	simm.s32 $0x3200;
	s20 =	simm.s32 $0x3600  }
0x6: {  	s21 =	simm.s32 $0x1;
	s22 =	simm.s32 $0x3;
	s28 =	simm.s32 $0x4  }
0x7: {  	s29 =	simm.s32 $0x1880;
	s30 =	simm.s32 $0x3100;
	s31 =	simm.s32 $0x3180  }
0x8: {  	s1 =	sand.u32 $0x1, s1;
	s9 =	smul.u32 $0xC350, s13;
	[smem:$0x7FF] =	sst s4  }
0x9: {  	s23 =	smul.u32 $0x8040, s13;
	s11 =	sshll.u32 s13, $0xF;
	s15 =	sshll.u32 s13, $0x6  }
0xa: {  	s5 =	sshll.u32 s1, $0x4;
	_ =	strace $0x8000004A;
	s24 =	sshll.u32 s1, $0x13  }
0xb: {  	s1 =	ssub.s32 $0x2, s1;
	s26 =	sadd.s32 s11, s2;
	s5 =	sor.u32 s13, s5  }
0xc: {  	s6 =	sshrl.u32 s9, $0x3;
	s7 =	sshrl.u32 s23, $0x3;
	s12 =	sshrl.u32 s1, $0x1  }
0xd: {  	s25 =	sadd.s32 s23, s2;
	s16 =	sadd.s32 s9, s3;
	s13 =	simm.s32 $0x6  }
0xe: {  	s5 =	smul.u32 $0x320, s5;
	s10 =	sadd.s32 s6, s0;
	s7 =	sadd.s32 s7, s0  }
0xf: {  	s1 =	ssub.s32 s1, s12;
	s6 =	sor.u32 $0x1C05, s15;
	s12 =	sshrl.u32 s25, $0x3  }
0x10: {  	s15 =	sor.u32 $0x1C06, s15;
	s16 =	sshrl.u32 s16, $0x3;
	s25 =	sshrl.u32 s26, $0x3  }
0x11: {  	s9 =	sadd.s32 $0x1D800, s10;
	s8 =	sadd.s32 s5, s0;
	s5 =	sor.u32 s11, s24  }
0x12: {  	s11 =	smax.u32 s1, $0x1;
	s24 =	simm.s32 $0x2;
	s5 =	sshrl.u32 s5, $0x3  }
0x13: {  	s1 =	simm.s32 $0x0;
	s0 =	sadd.s32 s5, s0;
	s5 =	sadd.s32 $0x5000, s7  }
0x14: {  	s7 =	sadd.s32 $0x3C400, s8;
	s8 =	sadd.s32 $0x36000, s8;
	s10 =	sadd.s32 $0x42800, s0  }
.LBB2_1:
0x15: {  	[spmem:s12], [sflag:s6] =	dma.local [hbm:s5], $0x1008  }
0x16: {  	[tilespmem:s4], [sflag:$0x6] =	stream.linear.gather [hbm4b:s7+s4], $0x1900, $0x38;
	[tilespmem:$0x17D90] =	vst v63  }
0x17: {  	_ =	swait.ge [sflag:s13], $0x1900  }
0x18: {  	[sflag:s13] =	ssyncset.done $0x0  }
0x19: {  	[sflag:s13] =	ssyncadd.s32 $0xFFFFE700  }
0x1a: {  	[tilespmem:s14], [sflag:$0x6] =	stream.linear.gather [hbm4b:s8+s4], $0x1900, $0x38;
	[tilespmem:$0x17D90] =	vst v63  }
0x1b: {  	_ =	swait.ge [sflag:s13], $0x1900  }
0x1c: {  	[sflag:s13] =	ssyncset.done $0x0  }
0x1d: {  	[sflag:s13] =	ssyncadd.s32 $0xFFFFE700  }
0x1e: {  	[spmem:s16], [sflag:s15] =	dma.local [hbm:s9], $0x186A  }
0x1f: {  	_ =	swait.ge [sflag:s13], $0x186A  }
0x20: {  	[sflag:s13] =	ssyncset.done $0x0  }
0x21: {  	[sflag:s13] =	ssyncadd.s32 $0xFFFFE796  }
0x22: {  	_ =	swait.ge [sflag:s17], $0x1008  }
0x23: {  	[sflag:s17] =	ssyncset.done $0x0  }
0x24: {  	[sflag:s17] =	ssyncadd.s32 $0xFFFFEFF8  }
0x25: {  	[bflag:$0x0] =	sbarrier.arrive $0xFFFF  }
0x26: {  	[tilespmem:s19], [sflag:$0x1] =	stream.indirect.gather [spmem:s3], $0x8, s4, s18, $0xb8;
	[tilespmem:$0x17D90] =	vst v63  }
0x27: {  	_ = 	snop  }
0x28: {  	[tilespmem:s20], [sflag:$0x2] =	stream.indirect.gather [spmem:s3], $0x8, s18, s18, $0xb8;
	[tilespmem:$0x17D90] =	vst v63  }
0x29: {  	_ =	swait.ge [sflag:s21], $0x400  }
0x2a: {  	[sflag:s21] =	ssyncset.done $0x0  }
0x2b: {  	[sflag:s21] =	ssyncadd.s32 $0xFFFFFC00  }
0x2c: {  	[spmem:s2] =	stream.indirect.scatter.add.f32 [tilespmem:s19], [sflag:$0x3], $0x8, s14, s18, $0xb8;
	[tilespmem:$0x17D90] =	vst v63  }
0x2d: {  	_ =	swait.ge [sflag:s22], $0x400  }
0x2e: {  	[sflag:s22] =	ssyncset.done $0x0  }
0x2f: {  	s0 =	simm.s32 $0x100;
	[sflag:s22] =	ssyncadd.s32 $0xFFFFFC00  }
0x30: {  	[tilespmem:s19], [sflag:$0x1] =	stream.indirect.gather [spmem:s3], $0x8, s0, s18, $0xb8;
	[tilespmem:$0x17D90] =	vst v63  }
0x31: {  	_ =	swait.ge [sflag:s24], $0x400  }
0x32: {  	[sflag:s24] =	ssyncset.done $0x0  }
0x33: {  	s23 =	simm.s32 $0x1980;
	[sflag:s24] =	ssyncadd.s32 $0xFFFFFC00  }
0x34: {  	[spmem:s2] =	stream.indirect.scatter.add.f32 [tilespmem:s20], [sflag:$0x4], $0x8, s23, s18, $0xb8;
	[tilespmem:$0x17D90] =	vst v63  }
0x35: {  	_ =	swait.ge [sflag:s28], $0x400  }
0x36: {  	[sflag:s28] =	ssyncset.done $0x0  }
0x37: {  	s26 =	simm.s32 $0x180;
	[sflag:s28] =	ssyncadd.s32 $0xFFFFFC00  }
0x38: {  	[tilespmem:s20], [sflag:$0x2] =	stream.indirect.gather [spmem:s3], $0x8, s26, s18, $0xb8;
	[tilespmem:$0x17D90] =	vst v63  }
0x39: {  	_ =	swait.ge [sflag:s21], $0x400  }
0x3a: {  	[sflag:s21] =	ssyncset.done $0x0  }
0x3b: {  	s23 =	simm.s32 $0x1A00;
	[sflag:s21] =	ssyncadd.s32 $0xFFFFFC00  }
0x3c: {  	[spmem:s2] =	stream.indirect.scatter.add.f32 [tilespmem:s19], [sflag:$0x3], $0x8, s23, s18, $0xb8;
	[tilespmem:$0x17D90] =	vst v63  }
0x3d: {  	_ =	swait.ge [sflag:s22], $0x400  }
0x3e: {  	[sflag:s22] =	ssyncset.done $0x0  }
0x3f: {  	s26 =	simm.s32 $0x200;
	[sflag:s22] =	ssyncadd.s32 $0xFFFFFC00  }
0x40: {  	[tilespmem:s19], [sflag:$0x1] =	stream.indirect.gather [spmem:s3], $0x8, s26, s18, $0xb8;
	[tilespmem:$0x17D90] =	vst v63  }
0x41: {  	_ =	swait.ge [sflag:s24], $0x400  }
0x42: {  	[sflag:s24] =	ssyncset.done $0x0  }
0x43: {  	s0 =	simm.s32 $0xFFFFA800;
	s23 =	simm.s32 $0x1A80;
	[sflag:s24] =	ssyncadd.s32 $0xFFFFFC00  }
.LBB2_2:
0x44: {  	[spmem:s2] =	stream.indirect.scatter.add.f32 [tilespmem:s20], [sflag:$0x4], $0x8, s23, s18, $0xb8;
	[tilespmem:$0x17D90] =	vst v63  }
0x45: {  	s23 =	smov.u32 s0  }
0x46: {  	p0 =	sne.s32 s0, $0xFFFFFC00;
	s0 =	sadd.s32 $0x400, s0;
	_ =	swait.ge [sflag:s28], $0x400  }
0x47: {  	s23 =	sshra.s32 s23, $0x2;
	[sflag:s28] =	ssyncset.done $0x0  }
0x48: {  	s26 =	sadd.s32 $0x1880, s23;
	[sflag:s28] =	ssyncadd.s32 $0xFFFFFC00  }
0x49: {  	[tilespmem:s20], [sflag:$0x2] =	stream.indirect.gather [spmem:s3], $0x8, s26, s18, $0xb8;
	[tilespmem:$0x17D90] =	vst v63  }
0x4a: {  	_ =	swait.ge [sflag:s21], $0x400  }
0x4b: {  	[sflag:s21] =	ssyncset.done $0x0  }
0x4c: {  	s26 =	sadd.s32 $0x3100, s23;
	[sflag:s21] =	ssyncadd.s32 $0xFFFFFC00  }
0x4d: {  	[spmem:s2] =	stream.indirect.scatter.add.f32 [tilespmem:s19], [sflag:$0x3], $0x8, s26, s18, $0xb8;
	[tilespmem:$0x17D90] =	vst v63  }
0x4e: {  	_ =	swait.ge [sflag:s22], $0x400  }
0x4f: {  	[sflag:s22] =	ssyncset.done $0x0  }
.Ltmp0:
0x50: {  	s26 =	sadd.s32 $0x1900, s23;
	[sflag:s22] =	ssyncadd.s32 $0xFFFFFC00;
	(pc) =	sbr.rel @p0 .LBB2_2-.Ltmp0, $4  }
0x51: {  	[tilespmem:s19], [sflag:$0x1] =	stream.indirect.gather [spmem:s3], $0x8, s26, s18, $0xb8;
	[tilespmem:$0x17D90] =	vst v63  }
0x52: {  	_ =	swait.ge [sflag:s24], $0x400  }
0x53: {  	[sflag:s24] =	ssyncset.done $0x0  }
0x54: {  	s23 =	sadd.s32 $0x3180, s23;
	[sflag:s24] =	ssyncadd.s32 $0xFFFFFC00  }
0x55: {  	[spmem:s2] =	stream.indirect.scatter.add.f32 [tilespmem:s20], [sflag:$0x4], $0x8, s23, s18, $0xb8;
	[tilespmem:$0x17D90] =	vst v63  }
0x56: {  	_ =	swait.ge [sflag:s28], $0x400  }
0x57: {  	[sflag:s28] =	ssyncset.done $0x0  }
0x58: {  	[sflag:s28] =	ssyncadd.s32 $0xFFFFFC00  }
0x59: {  	[tilespmem:s20], [sflag:$0x2] =	stream.indirect.gather [spmem:s3], $0x8, s29, s18, $0xb8;
	[tilespmem:$0x17D90] =	vst v63  }
0x5a: {  	_ =	swait.ge [sflag:s21], $0x400  }
0x5b: {  	[sflag:s21] =	ssyncset.done $0x0  }
0x5c: {  	[sflag:s21] =	ssyncadd.s32 $0xFFFFFC00  }
0x5d: {  	[spmem:s2] =	stream.indirect.scatter.add.f32 [tilespmem:s19], [sflag:$0x3], $0x8, s30, s18, $0xb8;
	[tilespmem:$0x17D90] =	vst v63  }
0x5e: {  	_ =	swait.ge [sflag:s24], $0x400  }
0x5f: {  	[sflag:s24] =	ssyncset.done $0x0  }
0x60: {  	[sflag:s24] =	ssyncadd.s32 $0xFFFFFC00  }
0x61: {  	[spmem:s2] =	stream.indirect.scatter.add.f32 [tilespmem:s20], [sflag:$0x4], $0x8, s31, s18, $0xb8;
	[tilespmem:$0x17D90] =	vst v63  }
0x62: {  	_ =	swait.ge [sflag:s22], $0x400  }
0x63: {  	[sflag:s22] =	ssyncset.done $0x0  }
0x64: {  	[sflag:s22] =	ssyncadd.s32 $0xFFFFFC00  }
0x65: {  	_ =	swait.ge [sflag:s28], $0x400  }
0x66: {  	s1 =	sadd.s32 $0x1, s1;
	[sflag:s28] =	ssyncset.done $0x0  }
0x67: {  	p0 =	sne.s32 s1, s11;
	[sflag:s28] =	ssyncadd.s32 $0xFFFFFC00  }
.Ltmp1:
0x68: {  	[bflag:$0x0] =	sbarrier.arrive $0xFFFF;
	(pc) =	sbr.rel @p0 .LBB2_1-.Ltmp1, $4  }
0x69: {  	[hbm:s10], [sflag:s15] =	dma.local [spmem:s25], $0x1000  }
0x6a: {  	_ =	swait.ge [sflag:s13], $0x1000  }
0x6b: {  	[sflag:s13] =	ssyncset.done $0x0  }
0x6c: {  	[sflag:s13] =	ssyncadd.s32 $0xFFFFF000  }
0x6d: {  	_ =	sfence.sel $0x180000  }
0x6e: {  	[bflag:$0x0] =	sbarrier.arrive $0xFFFF  }
0x6f: {  	_ =	strace $0x9000004A  }
0x70: {  	s0 =	stileid.u32;
	[bflag:$0x2] =	sbarrier.arrive $0xFFFF  }
0x71: {  	p0 =	sne.s32 s0, $0x0;
	s0 =	rddreg [dreg:$0x3]  }
0x72: {  	s0 =	sadd.s32 @!p0 $0x100000, s0  }
0x73: {  	[sflag:s0] =	ssyncadd.tile.s32 @!p0 $0x1;
	_ =	shalt  }
.Lfunc_end2:
_tile_overlayer_lowered:
.L_overlay_start_2:
0x74: {  	(tag) =	ssettag $0x2  }
0x75: {  	s0 =	rddreg [dreg:$0x0];
	s2 =	stileid.u32  }
0x76: {  	s1 =	rddreg [dreg:$0x1];
	p0 =	sne.s32 s2, $0x0  }
0x77: {  	s3 =	rddreg [dreg:$0x2];
	[bflag:$0x3] =	sbarrier.arrive $0xFFFF;
	s2 =	simm.s32 @!p0 $0x1C06  }
0x78: {  	[timem:s3], [sflag:s2] =	dma.local @!p0 [hbm:s0], s1  }
0x79: {  	s0 =	simm.s32 @!p0 $0x6  }
0x7a: {  	_ =	swait.ge @!p0 [sflag:s0], s1  }
0x7b: {  	s1 =	ssub.s32 @!p0 $0x0, s1;
	[sflag:s0] =	ssyncset.done @!p0 $0x0  }
0x7c: {  	[sflag:s0] =	ssyncadd.s32 @!p0 s1  }
0x7d: {  	[bflag:$0x3] =	sbarrier.arrive $0xFFFF  }
0x7e: {  	_ =	shalt  }

// kernel: kernel.19.cloned.1.call-start
scs
__scs_entry_jumppad:
0x0: {  	(pc) =	sbr.rel $0x88, $3  }
0x1: {  	(tag) =	ssettag $0x0;
	lr =	simm.s32 $0x1  }
0x2: {  	[smem:$0x3F88] =	sst lr;
	_ =	strace $0xD0000000  }
0x3: {  	_ = 	snop  }
0x4: {  	_ = 	snop  }
0x5: {  	_ = 	snop  }
0x6: {  	_ = 	snop  }
0x7: {  	_ = 	snop  }
__scs_overlays_trampoline_lowered:
0x8: {  	[smem:$0x3F97] =	sst s0  }
0x9: {  	[smem:$0x3F98] =	sst s1  }
0xa: {  	[smem:$0x3F99] =	sst s2  }
0xb: {  	[smem:$0x3F9A] =	sst s3  }
0xc: {  	[smem:$0x3F9B] =	sst s4  }
0xd: {  	[smem:$0x3F9C] =	sst s5  }
0xe: {  	[smem:$0x3F9D] =	sst s6  }
0xf: {  	[smem:$0x3F9E] =	sst s7  }
0x10: {  	[smem:$0x3F9F] =	sst s8  }
0x11: {  	[smem:$0x3FA0] =	sst s9;
	s0 =	simm.s32 @!p0 $0x0  }
0x12: {  	s1 =	sld [smem:$0x3F86];
	s0 =	simm.s32 @p0 $0x1  }
0x13: {  	[smem:$0x3FA1] =	sst s0;
	s0 =	simm.s32 @!p1 $0x0  }
0x14: {  	s2 =	sld [smem:$0x3F85];
	s0 =	simm.s32 @p1 $0x1  }
0x15: {  	[smem:$0x3FA2] =	sst s0;
	s0 =	simm.s32 @!p2 $0x0  }
0x16: {  	s3 =	sld [smem:$0x3FDB];
	s0 =	simm.s32 @p2 $0x1  }
0x17: {  	s4 =	simm.s32 $0x1BF5;
	[smem:$0x3FA4] =	sst s0  }
0x18: {  	s0 =	sld [smem:$0x3F87];
	_ =	swait.ge [sflag:s4], $0x0  }
0x19: {  	s7 =	sld [smem:$0x3F88]  }
0x1a: {  	s8 =	sadd.s32 $0xFFFFE003, lr  }
0x1b: {  	s9 =	sadd.s32 $0xFFFFFEF7, lr;
	s5 =	simm.s32 $0xFFFFFFFF;
	p2 =	slt.u32 s8, $0xFFFFF086  }
0x1c: {  	p1 =	slt.u32 s9, $0xF7A;
	s5 =	simm.s32 @!p2 $0x0  }
0x1d: {  	s5 =	simm.s32 @p1 $0x1;
	p0 =	seq.s32 s7, s2  }
0x1e: {  	s7 =	smul.u32 @!p0 $0xF7A, s2;
	p2 =	seq.s32 @!p0 s5, $0x0  }
0x1f: {  	s9 =	smul.u32 $0xF7A, s1;
	s8 =	simm.s32 @!p0 $0x1BF5;
	p2 =	por !p2, p0  }
0x20: {  	[sflag:s8] =	ssyncset.s32 @!p0 $0xFFFFF086;
	s6 =	sadd.s32 @!p0 s3, s7;
	s7 =	simm.s32 @!p0 $0x108  }
0x21: {  	s3 =	sadd.s32 s3, s9;
	s6 =	sadd.s32 @!p0 $0x88, s6;
	s7 =	simm.s32 @p2 $0x1082  }
0x22: {  	[simem:s7], [sflag:s8] =	dma.local @!p0 [hbm:s6], $0xF7A  }
0x23: {  	s9 =	sor.u32 $0xD0000000, s2;
	s6 =	simm.s32 $0x108;
	_ =	swait.ge @!p0 [sflag:s8], $0x0  }
0x24: {  	s3 =	sadd.s32 $0x88, s3;
	s6 =	simm.s32 @!p1 $0x1082;
	[sflag:s4] =	ssyncset.s32 $0xFFFFF086  }
0x25: {  	[simem:s6], [sflag:s4] =	dma.local [hbm:s3], $0xF7A  }
0x26: {  	[smem:$0x3F88] =	sst s1;
	(tag) =	ssettag s2;
	_ =	strace s9  }
0x27: {  	s1 =	sld [smem:$0x3F98]  }
0x28: {  	s2 =	sld [smem:$0x3F99]  }
0x29: {  	s4 =	sld [smem:$0x3F9B]  }
0x2a: {  	p0 =	seq.s32 s5, $0x0;
	s5 =	sld [smem:$0x3F9C]  }
0x2b: {  	s6 =	sld [smem:$0x3F9D]  }
0x2c: {  	s7 =	sld [smem:$0x3F9E]  }
0x2d: {  	s3 =	simm.s32 $0x108;
	s8 =	sld [smem:$0x3F9F]  }
0x2e: {  	s3 =	simm.s32 @!p0 $0x1082;
	s9 =	sld [smem:$0x3FA0]  }
0x2f: {  	lr =	sadd.s32 s0, s3;
	s0 =	sld [smem:$0x3F97]  }
0x30: {  	s3 =	sld [smem:$0x3F9A]  }
0x31: {  	[smem:$0x3FA3] =	sst s10  }
0x32: {  	s10 =	sld [smem:$0x3FA1];
	_ =	sdelay $0x3  }
0x33: {  	p0 =	seq.s32 s10, $0x1;
	s10 =	sld [smem:$0x3FA3];
	_ =	sdelay $0x3  }
0x34: {  	[smem:$0x3FA3] =	sst s10  }
0x35: {  	s10 =	sld [smem:$0x3FA2];
	_ =	sdelay $0x3  }
0x36: {  	p1 =	seq.s32 s10, $0x1;
	s10 =	sld [smem:$0x3FA3];
	_ =	sdelay $0x3  }
0x37: {  	[smem:$0x3FA3] =	sst s10  }
0x38: {  	s10 =	sld [smem:$0x3FA4]  }
0x39: {  	_ = 	snop;
	(pc) =	sbr.ind lr, $3  }
0x3a: {  	_ = 	snop  }
0x3b: {  	_ = 	snop  }
0x3c: {  	p2 =	seq.s32 s10, $0x1;
	s10 =	sld [smem:$0x3FA3]  }
0x3d: {  	_ =	shalt  }
0x3e: {  	_ =	shalt  }
0x3f: {  	_ =	shalt  }
0x40: {  	_ =	shalt  }
0x41: {  	_ =	shalt  }
0x42: {  	_ =	shalt  }
0x43: {  	_ =	shalt  }
0x44: {  	_ =	shalt  }
0x45: {  	_ =	shalt  }
0x46: {  	_ =	shalt  }
0x47: {  	_ =	shalt  }
0x48: {  	_ =	shalt  }
0x49: {  	_ =	shalt  }
0x4a: {  	_ =	shalt  }
0x4b: {  	_ =	shalt  }
0x4c: {  	_ =	shalt  }
0x4d: {  	_ =	shalt  }
0x4e: {  	_ =	shalt  }
0x4f: {  	_ =	shalt  }
0x50: {  	_ =	shalt  }
0x51: {  	_ =	shalt  }
0x52: {  	_ =	shalt  }
0x53: {  	_ =	shalt  }
0x54: {  	_ =	shalt  }
0x55: {  	_ =	shalt  }
0x56: {  	_ =	shalt  }
0x57: {  	_ =	shalt  }
0x58: {  	_ =	shalt  }
0x59: {  	_ =	shalt  }
0x5a: {  	_ =	shalt  }
0x5b: {  	_ =	shalt  }
0x5c: {  	_ =	shalt  }
0x5d: {  	_ =	shalt  }
0x5e: {  	_ =	shalt  }
0x5f: {  	_ =	shalt  }
0x60: {  	_ =	shalt  }
0x61: {  	_ =	shalt  }
0x62: {  	_ =	shalt  }
0x63: {  	_ =	shalt  }
0x64: {  	_ =	shalt  }
0x65: {  	_ =	shalt  }
0x66: {  	_ =	shalt  }
0x67: {  	_ =	shalt  }
0x68: {  	_ =	shalt  }
0x69: {  	_ =	shalt  }
0x6a: {  	_ =	shalt  }
0x6b: {  	_ =	shalt  }
0x6c: {  	_ =	shalt  }
0x6d: {  	_ =	shalt  }
0x6e: {  	_ =	shalt  }
0x6f: {  	_ =	shalt  }
0x70: {  	_ =	shalt  }
0x71: {  	_ =	shalt  }
0x72: {  	_ =	shalt  }
0x73: {  	_ =	shalt  }
0x74: {  	_ =	shalt  }
0x75: {  	_ =	shalt  }
0x76: {  	_ =	shalt  }
0x77: {  	_ =	shalt  }
0x78: {  	_ =	shalt  }
0x79: {  	_ =	shalt  }
0x7a: {  	_ =	shalt  }
0x7b: {  	_ =	shalt  }
0x7c: {  	_ =	shalt  }
0x7d: {  	_ =	shalt  }
0x7e: {  	_ =	shalt  }
0x7f: {  	_ =	shalt  }
0x80: {  	_ =	shalt  }
0x81: {  	_ =	shalt  }
0x82: {  	_ =	shalt  }
0x83: {  	_ =	shalt  }
0x84: {  	_ =	shalt  }
0x85: {  	_ =	shalt  }
0x86: {  	_ =	shalt  }
0x87: {  	_ =	shalt  }
.Lfunc_end0:
.L_simem_size_0:
called_computation.2_lowered:
.L_overlay_start_0:
0x88: {  	s2 =	sld [smem:$0x3FD9]  }
0x89: {  	s3 =	sld [smem:$0x3FFE];
	_ =	sdelay $0x1  }
0x8a: {  	s1 =	srdreg.scid  }
0x8b: {  	s0 =	sand.u32 $0x1, s1  }
0x8c: {  	s17 =	sshll.u32 s0, $0xA;
	s2 =	sadd.s32 s3, s2  }
0x8d: {  	s2 =	sadd.s32 s2, s17  }
0x8e: {  	[smem:$0x3FAF] =	sst s2  }
0x8f: {  	_ = 	snop  }
0x90: {  	s2 =	sld [smem:$0x3FC4]  }
0x91: {  	s18 =	sld [smem:$0x3FC3];
	(tm) =	ssettm $0x1  }
0x92: {  	s4 =	sld [smem:$0x3FFB];
	_ =	sdelay $0x3  }
0x93: {  	_ =	strace s4  }
0x94: {  	s4 =	sld [smem:$0x3FFC];
	_ =	sdelay $0x3  }
0x95: {  	_ =	strace s4  }
0x96: {  	s4 =	sld [smem:$0x3FFD];
	_ =	sdelay $0x3  }
0x97: {  	_ =	strace s4  }
0x98: {  	_ =	strace $0x8FFFFFFF  }
0x99: {  	s19 =	sld [smem:$0x3FDB];
	_ =	sdelay $0x1  }
0x9a: {  	s5 =	simm.s32 $_scs_section_size  }
0x9b: {  	s6 =	simm.s32 $_size__tile_overlayer_lowered;
	s7 =	simm.s32 $_tile_overlayer_lowered  }
0x9c: {  	s22 =	simm.s32 $0x1BFF;
	s21 =	sshll.u32 s7, $0x1;
	s4 =	sadd.s32 s5, s19  }
0x9d: {  	s8 =	simm.s32 $0x0;
	s20 =	sshll.u32 s6, $0x1;
	s6 =	sadd.s32 s21, s4  }
0x9e: {  	[timem:s8], [sflag:s22] =	dma.local [hbm:s6], s20  }
0x9f: {  	_ =	swait.ge [sflag:s22], s20  }
0xa0: {  	s5 =	ssub.s32 $0x0, s20;
	[sflag:s22] =	ssyncset.done $0x0  }
0xa1: {  	[sflag:s22] =	ssyncadd.s32 s5;
	_ =	sdelay $0x1  }
0xa2: {  	s23 =	simm.s32 $0x1B8B  }
0xa3: {  	_ =	swait.ge [sflag:s23], $0x1  }
0xa4: {  	[sflag:s23] =	ssyncset.done $0x0  }
0xa5: {  	s25 =	simm.s32 $0x1B8E;
	s24 =	sld [smem:$0x3FFE];
	[sflag:s23] =	ssyncadd.s32 $0xFFFFFFFF  }
0xa6: {  	s26 =	simm.s32 $execute0_lowered;
	[smem:$0x3FD2] =	sst s25  }
0xa7: {  	s6 =	sshll.u32 s26, $0x1;
	_ =	strace $0x8000004C;
	[dreg:$0x1] =	wrdreg $0xFFFFFFFF  }
0xa8: {  	s28 =	simm.s32 $_size_execute0_lowered;
	s4 =	sadd.s32 s4, s6;
	[dreg:$0x0] =	wrdreg $0x0  }
0xa9: {  	s6 =	sshll.u32 s28, $0x1;
	[dreg:$0x2] =	wrdreg s4  }
0xaa: {  	[dreg:$0x3] =	wrdreg s6  }
0xab: {  	[dreg:$0x4] =	wrdreg $0xC0  }
0xac: {  	_ =	task [dreg:s8], $0x5FFFF  }
0xad: {  	[dreg:$0x1] =	wrdreg $0xFFFFFFFF  }
0xae: {  	[dreg:$0x0] =	wrdreg $0x60  }
0xaf: {  	[dreg:$0x2] =	wrdreg s24  }
0xb0: {  	[dreg:$0x3] =	wrdreg s2  }
0xb1: {  	[dreg:$0x4] =	wrdreg s18  }
0xb2: {  	[dreg:$0x5] =	wrdreg $0xA0000  }
0xb3: {  	[dreg:$0x6] =	wrdreg $0x9  }
0xb4: {  	_ =	task.clear_ibuf [dreg:s8], $0x7FFFF;
	_ =	strace $0x9000004C  }
0xb5: {  	s29 =	simm.s32 $0x9;
	_ =	strace $0x8000004E  }
0xb6: {  	_ =	swait.ge [sflag:s29], $0x1  }
0xb7: {  	[sflag:s29] =	ssyncadd.s32 $0xFFFFFFFF  }
0xb8: {  	_ =	strace $0x9000004E  }
0xb9: {  	_ =	sfence  }
0xba: {  	s30 =	sld [smem:$0x0];
	_ =	sdelay $0x2  }
0xbb: {  	s31 =	sshll.u32 s1, $0xD;
	s1 =	sshrl.u32 s1, $0x2  }
0xbc: {  	s3 =	sand.u32 $0x4000, s31;
	s1 =	sadd.s32 s1, s30  }
0xbd: {  	s0 =	sor.u32 s3, s0;
	s1 =	sshll.u32 s1, $0x11  }
0xbe: {  	s0 =	sor.u32 s1, s0  }
0xbf: {  	s0 =	sadd.s32 $0x8F2B, s0  }
0xc0: {  	[sflag:s0] =	ssyncadd.remote.s32 $0x1  }
0xc1: {  	_ =	sfence.sel $0xFFFF  }
0xc2: {  	[dreg:$0x0] =	wrdreg $0xFFFFFFFF;
	(pc) =	sbr.abs _section_cstart, $3  }
0xc3: {  	[dreg:$0x1] =	wrdreg $0xFFFFFFFF  }
0xc4: {  	_ =	task.clear_ibuf [dreg:s8], $0x2FFFF;
	_ =	strace $0x9FFFFFFF  }
0xc5: {  	(tm) =	ssettm $0x7FFFFFFF  }
tec
execute0_lowered:
.L_overlay_start_1:
0x0: {  	(tag) =	ssettag $0x1  }
0x1: {  	s0 =	rddreg [dreg:$0x0]  }
0x2: {  	s2 =	rddreg [dreg:$0x1]  }
0x3: {  	s9 =	rddreg [dreg:$0x2]  }
0x4: {  	s1 =	rddreg [dreg:$0x3];
	s3 =	simm.s32 $0x0;
	s4 =	srdreg.scid  }
0x5: {  	s14 =	stileid.u32;
	s15 =	simm.s32 $0x9;
	s16 =	simm.s32 $0x80  }
0x6: {  	s17 =	simm.s32 $0x2000;
	s18 =	simm.s32 $0x4000;
	s20 =	simm.s32 $0x6000  }
0x7: {  	s28 =	simm.s32 $0x2;
	s30 =	simm.s32 $0x6;
	s19 =	simm.s32 $0x7  }
0x8: {  	s31 =	simm.s32 $0x8;
	s29 =	simm.s32 $0x0;
	[smem:$0x7FF] =	sst s3  }
0x9: {  	s5 =	sand.u32 $0x1, s4;
	s6 =	smul.u32 $0x10200, s14;
	s11 =	sshll.u32 s14, $0x10  }
0xa: {  	s4 =	sadd.s32 $0x5000, s0;
	s24 =	sshll.u32 s14, $0x9;
	s7 =	sshll.u32 s5, $0x14  }
0xb: {  	_ =	strace $0x8000004D;
	s10 =	ssub.s32 $0x2, s5;
	s23 =	sshll.u32 s5, $0xD  }
0xc: {  	s5 =	sshll.u32 s14, $0x6;
	s26 =	sadd.s32 s11, s1;
	s14 =	simm.s32 $0x1000  }
0xd: {  	s7 =	sor.u32 s11, s7;
	s8 =	sshrl.u32 s6, $0x3;
	s22 =	sshrl.u32 s10, $0x1  }
0xe: {  	s13 =	sadd.s32 s6, s1;
	s7 =	sshrl.u32 s7, $0x3;
	s8 =	sadd.s32 s8, s0  }
0xf: {  	s12 =	ssub.s32 s10, s22;
	s10 =	sor.u32 s24, s23;
	s22 =	simm.s32 $0x8000  }
0x10: {  	s23 =	simm.s32 $0x1;
	s24 =	simm.s32 $0x5;
	s0 =	sadd.s32 s7, s0  }
0x11: {  	s25 =	sadd.s32 $0x85000, s8;
	s7 =	sor.u32 $0x1C09, s5;
	s8 =	sadd.s32 s2, s10  }
0x12: {  	s9 =	sadd.s32 s9, s10;
	s11 =	smax.u32 s12, $0x1;
	s12 =	sshrl.u32 s13, $0x3  }
0x13: {  	s13 =	simm.s32 $0xA;
	[dreg:$0x5] =	wrdreg s25;
	s10 =	sadd.s32 $0xA5400, s0  }
0x14: {  	s25 =	sshrl.u32 s26, $0x3;
	s0 =	simm.s32 $0x3;
	s26 =	simm.s32 $0x4  }
.LBB2_1:
0x15: {  	s2 =	rddreg [dreg:$0x5]  }
0x16: {  	[spmem:s12], [sflag:s7] =	dma.local [hbm:s2], $0x2040  }
0x17: {  	[tilespmem:s3], [sflag:$0xA] =	stream.linear.gather [hbm4b:s8+s3], $0x1000, $0x38;
	[tilespmem:$0x1A200] =	vst v63  }
0x18: {  	_ =	swait.ge [sflag:s13], $0x1000  }
0x19: {  	[sflag:s13] =	ssyncset.done $0x0  }
0x1a: {  	[sflag:s13] =	ssyncadd.s32 $0xFFFFF000  }
0x1b: {  	[tilespmem:s14], [sflag:$0xA] =	stream.linear.gather [hbm4b:s9+s3], $0x1000, $0x38;
	[tilespmem:$0x1A200] =	vst v63  }
0x1c: {  	_ =	swait.ge [sflag:s13], $0x1000  }
0x1d: {  	[sflag:s13] =	ssyncset.done $0x0  }
0x1e: {  	[sflag:s13] =	ssyncadd.s32 $0xFFFFF000  }
0x1f: {  	_ =	swait.ge [sflag:s15], $0x2040  }
0x20: {  	[sflag:s15] =	ssyncset.done $0x0  }
0x21: {  	[sflag:s15] =	ssyncadd.s32 $0xFFFFDFC0  }
0x22: {  	[bflag:$0x0] =	sbarrier.arrive $0xFFFF  }
0x23: {  	[tilespmem:s17], [sflag:$0x1] =	stream.indirect.gather [hbm4b:s4+s16], $0x40, s3, s16, $0xb8;
	[tilespmem:$0x1A200] =	vst v63  }
0x24: {  	_ = 	snop  }
0x25: {  	[tilespmem:s18], [sflag:$0x2] =	stream.indirect.gather [hbm4b:s4+s16], $0x40, s16, s16, $0xb8;
	[tilespmem:$0x1A200] =	vst v63  }
0x26: {  	s21 =	simm.s32 $0x100  }
0x27: {  	[tilespmem:s20], [sflag:$0x3] =	stream.indirect.gather [hbm4b:s4+s16], $0x40, s21, s16, $0xb8;
	[tilespmem:$0x1A200] =	vst v63  }
0x28: {  	s6 =	simm.s32 $0x180  }
0x29: {  	[tilespmem:s22], [sflag:$0x4] =	stream.indirect.gather [hbm4b:s4+s16], $0x40, s6, s16, $0xb8;
	[tilespmem:$0x1A200] =	vst v63  }
0x2a: {  	_ =	swait.ge [sflag:s23], $0x2000  }
0x2b: {  	[sflag:s23] =	ssyncset.done $0x0  }
0x2c: {  	[sflag:s23] =	ssyncadd.s32 $0xFFFFE000  }
0x2d: {  	[spmem:s1] =	stream.indirect.scatter.add.f32 [tilespmem:s17], [sflag:$0x5], $0x40, s14, s16, $0xb8;
	[tilespmem:$0x1A200] =	vst v63  }
0x2e: {  	_ =	swait.ge [sflag:s24], $0x2000  }
0x2f: {  	[sflag:s24] =	ssyncset.done $0x0  }
0x30: {  	s21 =	simm.s32 $0x200;
	[sflag:s24] =	ssyncadd.s32 $0xFFFFE000  }
0x31: {  	[tilespmem:s17], [sflag:$0x1] =	stream.indirect.gather [hbm4b:s4+s16], $0x40, s21, s16, $0xb8;
	[tilespmem:$0x1A200] =	vst v63  }
0x32: {  	_ =	swait.ge [sflag:s28], $0x2000  }
0x33: {  	[sflag:s28] =	ssyncset.done $0x0  }
0x34: {  	s6 =	simm.s32 $0x1080;
	[sflag:s28] =	ssyncadd.s32 $0xFFFFE000  }
0x35: {  	[spmem:s1] =	stream.indirect.scatter.add.f32 [tilespmem:s18], [sflag:$0x6], $0x40, s6, s16, $0xb8;
	[tilespmem:$0x1A200] =	vst v63  }
0x36: {  	_ =	swait.ge [sflag:s30], $0x2000  }
0x37: {  	[sflag:s30] =	ssyncset.done $0x0  }
0x38: {  	s21 =	simm.s32 $0x280;
	[sflag:s30] =	ssyncadd.s32 $0xFFFFE000  }
0x39: {  	[tilespmem:s18], [sflag:$0x2] =	stream.indirect.gather [hbm4b:s4+s16], $0x40, s21, s16, $0xb8;
	[tilespmem:$0x1A200] =	vst v63  }
0x3a: {  	_ =	swait.ge [sflag:s0], $0x2000  }
0x3b: {  	[sflag:s0] =	ssyncset.done $0x0  }
0x3c: {  	s6 =	simm.s32 $0x1100;
	[sflag:s0] =	ssyncadd.s32 $0xFFFFE000  }
0x3d: {  	[spmem:s1] =	stream.indirect.scatter.add.f32 [tilespmem:s20], [sflag:$0x7], $0x40, s6, s16, $0xb8;
	[tilespmem:$0x1A200] =	vst v63  }
0x3e: {  	_ =	swait.ge [sflag:s19], $0x2000  }
0x3f: {  	[sflag:s19] =	ssyncset.done $0x0  }
0x40: {  	s21 =	simm.s32 $0x300;
	[sflag:s19] =	ssyncadd.s32 $0xFFFFE000  }
0x41: {  	[tilespmem:s20], [sflag:$0x3] =	stream.indirect.gather [hbm4b:s4+s16], $0x40, s21, s16, $0xb8;
	[tilespmem:$0x1A200] =	vst v63  }
0x42: {  	_ =	swait.ge [sflag:s26], $0x2000  }
0x43: {  	[sflag:s26] =	ssyncset.done $0x0  }
0x44: {  	s6 =	simm.s32 $0x1180;
	[sflag:s26] =	ssyncadd.s32 $0xFFFFE000  }
0x45: {  	[spmem:s1] =	stream.indirect.scatter.add.f32 [tilespmem:s22], [sflag:$0x8], $0x40, s6, s16, $0xb8;
	[tilespmem:$0x1A200] =	vst v63  }
0x46: {  	_ =	swait.ge [sflag:s31], $0x2000  }
0x47: {  	[sflag:s31] =	ssyncset.done $0x0  }
0x48: {  	s21 =	simm.s32 $0x380;
	[sflag:s31] =	ssyncadd.s32 $0xFFFFE000  }
0x49: {  	[tilespmem:s22], [sflag:$0x4] =	stream.indirect.gather [hbm4b:s4+s16], $0x40, s21, s16, $0xb8;
	[tilespmem:$0x1A200] =	vst v63  }
0x4a: {  	_ =	swait.ge [sflag:s23], $0x2000  }
0x4b: {  	[sflag:s23] =	ssyncset.done $0x0  }
0x4c: {  	s6 =	simm.s32 $0x1200;
	[sflag:s23] =	ssyncadd.s32 $0xFFFFE000  }
0x4d: {  	[spmem:s1] =	stream.indirect.scatter.add.f32 [tilespmem:s17], [sflag:$0x5], $0x40, s6, s16, $0xb8;
	[tilespmem:$0x1A200] =	vst v63  }
0x4e: {  	_ =	swait.ge [sflag:s24], $0x2000  }
0x4f: {  	[sflag:s24] =	ssyncset.done $0x0  }
0x50: {  	s21 =	simm.s32 $0x400;
	[sflag:s24] =	ssyncadd.s32 $0xFFFFE000  }
0x51: {  	[tilespmem:s17], [sflag:$0x1] =	stream.indirect.gather [hbm4b:s4+s16], $0x40, s21, s16, $0xb8;
	[tilespmem:$0x1A200] =	vst v63  }
0x52: {  	_ =	swait.ge [sflag:s28], $0x2000  }
0x53: {  	[sflag:s28] =	ssyncset.done $0x0  }
0x54: {  	s6 =	simm.s32 $0x1280;
	[sflag:s28] =	ssyncadd.s32 $0xFFFFE000  }
0x55: {  	[spmem:s1] =	stream.indirect.scatter.add.f32 [tilespmem:s18], [sflag:$0x6], $0x40, s6, s16, $0xb8;
	[tilespmem:$0x1A200] =	vst v63  }
0x56: {  	_ =	swait.ge [sflag:s30], $0x2000  }
0x57: {  	[sflag:s30] =	ssyncset.done $0x0  }
0x58: {  	s21 =	simm.s32 $0x480;
	[sflag:s30] =	ssyncadd.s32 $0xFFFFE000  }
0x59: {  	[tilespmem:s18], [sflag:$0x2] =	stream.indirect.gather [hbm4b:s4+s16], $0x40, s21, s16, $0xb8;
	[tilespmem:$0x1A200] =	vst v63  }
0x5a: {  	_ =	swait.ge [sflag:s0], $0x2000  }
0x5b: {  	[sflag:s0] =	ssyncset.done $0x0  }
0x5c: {  	s6 =	simm.s32 $0x1300;
	[sflag:s0] =	ssyncadd.s32 $0xFFFFE000  }
0x5d: {  	[spmem:s1] =	stream.indirect.scatter.add.f32 [tilespmem:s20], [sflag:$0x7], $0x40, s6, s16, $0xb8;
	[tilespmem:$0x1A200] =	vst v63  }
0x5e: {  	_ =	swait.ge [sflag:s19], $0x2000  }
0x5f: {  	[sflag:s19] =	ssyncset.done $0x0  }
0x60: {  	s21 =	simm.s32 $0x500;
	[sflag:s19] =	ssyncadd.s32 $0xFFFFE000  }
0x61: {  	[tilespmem:s20], [sflag:$0x3] =	stream.indirect.gather [hbm4b:s4+s16], $0x40, s21, s16, $0xb8;
	[tilespmem:$0x1A200] =	vst v63  }
0x62: {  	_ =	swait.ge [sflag:s26], $0x2000  }
0x63: {  	[sflag:s26] =	ssyncset.done $0x0  }
0x64: {  	s2 =	simm.s32 $0x800;
	s21 =	simm.s32 $0x1380;
	[sflag:s26] =	ssyncadd.s32 $0xFFFFE000  }
.LBB2_2:
0x65: {  	[spmem:s1] =	stream.indirect.scatter.add.f32 [tilespmem:s22], [sflag:$0x8], $0x40, s21, s16, $0xb8;
	[tilespmem:$0x1A200] =	vst v63  }
0x66: {  	s21 =	smov.u32 s2  }
0x67: {  	p0 =	sne.s32 s2, $0x2800;
	s2 =	sadd.s32 $0x800, s2;
	_ =	swait.ge [sflag:s31], $0x2000  }
0x68: {  	s21 =	sshra.s32 s21, $0x2;
	[sflag:s31] =	ssyncset.done $0x0  }
0x69: {  	s6 =	sadd.s32 $0x380, s21;
	[sflag:s31] =	ssyncadd.s32 $0xFFFFE000  }
0x6a: {  	[tilespmem:s22], [sflag:$0x4] =	stream.indirect.gather [hbm4b:s4+s16], $0x40, s6, s16, $0xb8;
	[tilespmem:$0x1A200] =	vst v63  }
0x6b: {  	_ =	swait.ge [sflag:s23], $0x2000  }
0x6c: {  	[sflag:s23] =	ssyncset.done $0x0  }
0x6d: {  	s6 =	sadd.s32 $0x1200, s21;
	[sflag:s23] =	ssyncadd.s32 $0xFFFFE000  }
0x6e: {  	[spmem:s1] =	stream.indirect.scatter.add.f32 [tilespmem:s17], [sflag:$0x5], $0x40, s6, s16, $0xb8;
	[tilespmem:$0x1A200] =	vst v63  }
0x6f: {  	_ =	swait.ge [sflag:s24], $0x2000  }
0x70: {  	[sflag:s24] =	ssyncset.done $0x0  }
0x71: {  	s6 =	sadd.s32 $0x400, s21;
	[sflag:s24] =	ssyncadd.s32 $0xFFFFE000  }
0x72: {  	[tilespmem:s17], [sflag:$0x1] =	stream.indirect.gather [hbm4b:s4+s16], $0x40, s6, s16, $0xb8;
	[tilespmem:$0x1A200] =	vst v63  }
0x73: {  	_ =	swait.ge [sflag:s28], $0x2000  }
0x74: {  	[sflag:s28] =	ssyncset.done $0x0  }
0x75: {  	s6 =	sadd.s32 $0x1280, s21;
	[sflag:s28] =	ssyncadd.s32 $0xFFFFE000  }
0x76: {  	[spmem:s1] =	stream.indirect.scatter.add.f32 [tilespmem:s18], [sflag:$0x6], $0x40, s6, s16, $0xb8;
	[tilespmem:$0x1A200] =	vst v63  }
0x77: {  	_ =	swait.ge [sflag:s30], $0x2000  }
0x78: {  	[sflag:s30] =	ssyncset.done $0x0  }
0x79: {  	s6 =	sadd.s32 $0x480, s21;
	[sflag:s30] =	ssyncadd.s32 $0xFFFFE000  }
0x7a: {  	[tilespmem:s18], [sflag:$0x2] =	stream.indirect.gather [hbm4b:s4+s16], $0x40, s6, s16, $0xb8;
	[tilespmem:$0x1A200] =	vst v63  }
0x7b: {  	_ =	swait.ge [sflag:s0], $0x2000  }
0x7c: {  	[sflag:s0] =	ssyncset.done $0x0  }
0x7d: {  	s6 =	sadd.s32 $0x1300, s21;
	[sflag:s0] =	ssyncadd.s32 $0xFFFFE000  }
0x7e: {  	[spmem:s1] =	stream.indirect.scatter.add.f32 [tilespmem:s20], [sflag:$0x7], $0x40, s6, s16, $0xb8;
	[tilespmem:$0x1A200] =	vst v63  }
0x7f: {  	_ =	swait.ge [sflag:s19], $0x2000  }
0x80: {  	[sflag:s19] =	ssyncset.done $0x0  }
.Ltmp0:
0x81: {  	s6 =	sadd.s32 $0x500, s21;
	[sflag:s19] =	ssyncadd.s32 $0xFFFFE000;
	(pc) =	sbr.rel @p0 .LBB2_2-.Ltmp0, $4  }
0x82: {  	[tilespmem:s20], [sflag:$0x3] =	stream.indirect.gather [hbm4b:s4+s16], $0x40, s6, s16, $0xb8;
	[tilespmem:$0x1A200] =	vst v63  }
0x83: {  	_ =	swait.ge [sflag:s26], $0x2000  }
0x84: {  	[sflag:s26] =	ssyncset.done $0x0  }
0x85: {  	s21 =	sadd.s32 $0x1380, s21;
	[sflag:s26] =	ssyncadd.s32 $0xFFFFE000  }
0x86: {  	[spmem:s1] =	stream.indirect.scatter.add.f32 [tilespmem:s22], [sflag:$0x8], $0x40, s21, s16, $0xb8;
	[tilespmem:$0x1A200] =	vst v63  }
0x87: {  	_ =	swait.ge [sflag:s31], $0x2000  }
0x88: {  	[sflag:s31] =	ssyncset.done $0x0  }
0x89: {  	s2 =	simm.s32 $0xF80;
	[sflag:s31] =	ssyncadd.s32 $0xFFFFE000  }
0x8a: {  	[tilespmem:s22], [sflag:$0x4] =	stream.indirect.gather [hbm4b:s4+s16], $0x40, s2, s16, $0xb8;
	[tilespmem:$0x1A200] =	vst v63  }
0x8b: {  	_ =	swait.ge [sflag:s23], $0x2000  }
0x8c: {  	[sflag:s23] =	ssyncset.done $0x0  }
0x8d: {  	s21 =	simm.s32 $0x1E00;
	[sflag:s23] =	ssyncadd.s32 $0xFFFFE000  }
0x8e: {  	[spmem:s1] =	stream.indirect.scatter.add.f32 [tilespmem:s17], [sflag:$0x5], $0x40, s21, s16, $0xb8;
	[tilespmem:$0x1A200] =	vst v63  }
0x8f: {  	_ =	swait.ge [sflag:s28], $0x2000  }
0x90: {  	[sflag:s28] =	ssyncset.done $0x0  }
0x91: {  	s6 =	simm.s32 $0x1E80;
	[sflag:s28] =	ssyncadd.s32 $0xFFFFE000  }
0x92: {  	[spmem:s1] =	stream.indirect.scatter.add.f32 [tilespmem:s18], [sflag:$0x6], $0x40, s6, s16, $0xb8;
	[tilespmem:$0x1A200] =	vst v63  }
0x93: {  	_ =	swait.ge [sflag:s0], $0x2000  }
0x94: {  	[sflag:s0] =	ssyncset.done $0x0  }
0x95: {  	s21 =	simm.s32 $0x1F00;
	[sflag:s0] =	ssyncadd.s32 $0xFFFFE000  }
0x96: {  	[spmem:s1] =	stream.indirect.scatter.add.f32 [tilespmem:s20], [sflag:$0x7], $0x40, s21, s16, $0xb8;
	[tilespmem:$0x1A200] =	vst v63  }
0x97: {  	_ =	swait.ge [sflag:s26], $0x2000  }
0x98: {  	[sflag:s26] =	ssyncset.done $0x0  }
0x99: {  	s6 =	simm.s32 $0x1F80;
	[sflag:s26] =	ssyncadd.s32 $0xFFFFE000  }
0x9a: {  	[spmem:s1] =	stream.indirect.scatter.add.f32 [tilespmem:s22], [sflag:$0x8], $0x40, s6, s16, $0xb8;
	[tilespmem:$0x1A200] =	vst v63  }
0x9b: {  	_ =	swait.ge [sflag:s24], $0x2000  }
0x9c: {  	[sflag:s24] =	ssyncset.done $0x0  }
0x9d: {  	[sflag:s24] =	ssyncadd.s32 $0xFFFFE000  }
0x9e: {  	_ =	swait.ge [sflag:s30], $0x2000  }
0x9f: {  	[sflag:s30] =	ssyncset.done $0x0  }
0xa0: {  	[sflag:s30] =	ssyncadd.s32 $0xFFFFE000  }
0xa1: {  	_ =	swait.ge [sflag:s19], $0x2000  }
0xa2: {  	[sflag:s19] =	ssyncset.done $0x0  }
0xa3: {  	[sflag:s19] =	ssyncadd.s32 $0xFFFFE000  }
0xa4: {  	_ =	swait.ge [sflag:s31], $0x2000  }
0xa5: {  	s29 =	sadd.s32 $0x1, s29;
	[sflag:s31] =	ssyncset.done $0x0  }
0xa6: {  	p0 =	sne.s32 s29, s11;
	[sflag:s31] =	ssyncadd.s32 $0xFFFFE000  }
.Ltmp1:
0xa7: {  	s21 =	sor.u32 $0x1C0A, s5;
	[bflag:$0x0] =	sbarrier.arrive $0xFFFF;
	(pc) =	sbr.rel @p0 .LBB2_1-.Ltmp1, $4  }
0xa8: {  	[hbm:s10], [sflag:s21] =	dma.local [spmem:s25], $0x2000  }
0xa9: {  	_ =	swait.ge [sflag:s13], $0x2000  }
0xaa: {  	[sflag:s13] =	ssyncset.done $0x0  }
0xab: {  	[sflag:s13] =	ssyncadd.s32 $0xFFFFE000  }
0xac: {  	_ =	sfence.sel $0x180000  }
0xad: {  	[bflag:$0x0] =	sbarrier.arrive $0xFFFF  }
0xae: {  	_ =	strace $0x9000004D  }
0xaf: {  	s0 =	stileid.u32;
	[bflag:$0x2] =	sbarrier.arrive $0xFFFF  }
0xb0: {  	p0 =	sne.s32 s0, $0x0;
	s0 =	rddreg [dreg:$0x4]  }
0xb1: {  	s0 =	sadd.s32 @!p0 $0x100000, s0  }
0xb2: {  	[sflag:s0] =	ssyncadd.tile.s32 @!p0 $0x1;
	_ =	shalt  }
.Lfunc_end2:
_tile_overlayer_lowered:
.L_overlay_start_2:
0xb3: {  	(tag) =	ssettag $0x2  }
0xb4: {  	s0 =	rddreg [dreg:$0x0];
	s2 =	stileid.u32  }
0xb5: {  	s1 =	rddreg [dreg:$0x1];
	p0 =	sne.s32 s2, $0x0  }
0xb6: {  	s3 =	rddreg [dreg:$0x2];
	[bflag:$0x3] =	sbarrier.arrive $0xFFFF;
	s2 =	simm.s32 @!p0 $0x1C0A  }
0xb7: {  	[timem:s3], [sflag:s2] =	dma.local @!p0 [hbm:s0], s1  }
0xb8: {  	s0 =	simm.s32 @!p0 $0xA  }
0xb9: {  	_ =	swait.ge @!p0 [sflag:s0], s1  }
0xba: {  	s1 =	ssub.s32 @!p0 $0x0, s1;
	[sflag:s0] =	ssyncset.done @!p0 $0x0  }
0xbb: {  	[sflag:s0] =	ssyncadd.s32 @!p0 s1  }
0xbc: {  	[bflag:$0x3] =	sbarrier.arrive $0xFFFF  }
0xbd: {  	_ =	shalt  }

// kernel: kernel.22.cloned.1.call-start
scs
__scs_entry_jumppad:
0x0: {  	(pc) =	sbr.rel $0x88, $3  }
0x1: {  	(tag) =	ssettag $0x0;
	lr =	simm.s32 $0x1  }
0x2: {  	[smem:$0x3F88] =	sst lr;
	_ =	strace $0xD0000000  }
0x3: {  	_ = 	snop  }
0x4: {  	_ = 	snop  }
0x5: {  	_ = 	snop  }
0x6: {  	_ = 	snop  }
0x7: {  	_ = 	snop  }
__scs_overlays_trampoline_lowered:
0x8: {  	[smem:$0x3F97] =	sst s0  }
0x9: {  	[smem:$0x3F98] =	sst s1  }
0xa: {  	[smem:$0x3F99] =	sst s2  }
0xb: {  	[smem:$0x3F9A] =	sst s3  }
0xc: {  	[smem:$0x3F9B] =	sst s4  }
0xd: {  	[smem:$0x3F9C] =	sst s5  }
0xe: {  	[smem:$0x3F9D] =	sst s6  }
0xf: {  	[smem:$0x3F9E] =	sst s7  }
0x10: {  	[smem:$0x3F9F] =	sst s8  }
0x11: {  	[smem:$0x3FA0] =	sst s9;
	s0 =	simm.s32 @!p0 $0x0  }
0x12: {  	s1 =	sld [smem:$0x3F86];
	s0 =	simm.s32 @p0 $0x1  }
0x13: {  	[smem:$0x3FA1] =	sst s0;
	s0 =	simm.s32 @!p1 $0x0  }
0x14: {  	s2 =	sld [smem:$0x3F85];
	s0 =	simm.s32 @p1 $0x1  }
0x15: {  	[smem:$0x3FA2] =	sst s0;
	s0 =	simm.s32 @!p2 $0x0  }
0x16: {  	s3 =	sld [smem:$0x3FDB];
	s0 =	simm.s32 @p2 $0x1  }
0x17: {  	s4 =	simm.s32 $0x1BF5;
	[smem:$0x3FA4] =	sst s0  }
0x18: {  	s0 =	sld [smem:$0x3F87];
	_ =	swait.ge [sflag:s4], $0x0  }
0x19: {  	s7 =	sld [smem:$0x3F88]  }
0x1a: {  	s8 =	sadd.s32 $0xFFFFE003, lr  }
0x1b: {  	s9 =	sadd.s32 $0xFFFFFEF7, lr;
	s5 =	simm.s32 $0xFFFFFFFF;
	p2 =	slt.u32 s8, $0xFFFFF086  }
0x1c: {  	p1 =	slt.u32 s9, $0xF7A;
	s5 =	simm.s32 @!p2 $0x0  }
0x1d: {  	s5 =	simm.s32 @p1 $0x1;
	p0 =	seq.s32 s7, s2  }
0x1e: {  	s7 =	smul.u32 @!p0 $0xF7A, s2;
	p2 =	seq.s32 @!p0 s5, $0x0  }
0x1f: {  	s9 =	smul.u32 $0xF7A, s1;
	s8 =	simm.s32 @!p0 $0x1BF5;
	p2 =	por !p2, p0  }
0x20: {  	[sflag:s8] =	ssyncset.s32 @!p0 $0xFFFFF086;
	s6 =	sadd.s32 @!p0 s3, s7;
	s7 =	simm.s32 @!p0 $0x108  }
0x21: {  	s3 =	sadd.s32 s3, s9;
	s6 =	sadd.s32 @!p0 $0x88, s6;
	s7 =	simm.s32 @p2 $0x1082  }
0x22: {  	[simem:s7], [sflag:s8] =	dma.local @!p0 [hbm:s6], $0xF7A  }
0x23: {  	s9 =	sor.u32 $0xD0000000, s2;
	s6 =	simm.s32 $0x108;
	_ =	swait.ge @!p0 [sflag:s8], $0x0  }
0x24: {  	s3 =	sadd.s32 $0x88, s3;
	s6 =	simm.s32 @!p1 $0x1082;
	[sflag:s4] =	ssyncset.s32 $0xFFFFF086  }
0x25: {  	[simem:s6], [sflag:s4] =	dma.local [hbm:s3], $0xF7A  }
0x26: {  	[smem:$0x3F88] =	sst s1;
	(tag) =	ssettag s2;
	_ =	strace s9  }
0x27: {  	s1 =	sld [smem:$0x3F98]  }
0x28: {  	s2 =	sld [smem:$0x3F99]  }
0x29: {  	s4 =	sld [smem:$0x3F9B]  }
0x2a: {  	p0 =	seq.s32 s5, $0x0;
	s5 =	sld [smem:$0x3F9C]  }
0x2b: {  	s6 =	sld [smem:$0x3F9D]  }
0x2c: {  	s7 =	sld [smem:$0x3F9E]  }
0x2d: {  	s3 =	simm.s32 $0x108;
	s8 =	sld [smem:$0x3F9F]  }
0x2e: {  	s3 =	simm.s32 @!p0 $0x1082;
	s9 =	sld [smem:$0x3FA0]  }
0x2f: {  	lr =	sadd.s32 s0, s3;
	s0 =	sld [smem:$0x3F97]  }
0x30: {  	s3 =	sld [smem:$0x3F9A]  }
0x31: {  	[smem:$0x3FA3] =	sst s10  }
0x32: {  	s10 =	sld [smem:$0x3FA1];
	_ =	sdelay $0x3  }
0x33: {  	p0 =	seq.s32 s10, $0x1;
	s10 =	sld [smem:$0x3FA3];
	_ =	sdelay $0x3  }
0x34: {  	[smem:$0x3FA3] =	sst s10  }
0x35: {  	s10 =	sld [smem:$0x3FA2];
	_ =	sdelay $0x3  }
0x36: {  	p1 =	seq.s32 s10, $0x1;
	s10 =	sld [smem:$0x3FA3];
	_ =	sdelay $0x3  }
0x37: {  	[smem:$0x3FA3] =	sst s10  }
0x38: {  	s10 =	sld [smem:$0x3FA4]  }
0x39: {  	_ = 	snop;
	(pc) =	sbr.ind lr, $3  }
0x3a: {  	_ = 	snop  }
0x3b: {  	_ = 	snop  }
0x3c: {  	p2 =	seq.s32 s10, $0x1;
	s10 =	sld [smem:$0x3FA3]  }
0x3d: {  	_ =	shalt  }
0x3e: {  	_ =	shalt  }
0x3f: {  	_ =	shalt  }
0x40: {  	_ =	shalt  }
0x41: {  	_ =	shalt  }
0x42: {  	_ =	shalt  }
0x43: {  	_ =	shalt  }
0x44: {  	_ =	shalt  }
0x45: {  	_ =	shalt  }
0x46: {  	_ =	shalt  }
0x47: {  	_ =	shalt  }
0x48: {  	_ =	shalt  }
0x49: {  	_ =	shalt  }
0x4a: {  	_ =	shalt  }
0x4b: {  	_ =	shalt  }
0x4c: {  	_ =	shalt  }
0x4d: {  	_ =	shalt  }
0x4e: {  	_ =	shalt  }
0x4f: {  	_ =	shalt  }
0x50: {  	_ =	shalt  }
0x51: {  	_ =	shalt  }
0x52: {  	_ =	shalt  }
0x53: {  	_ =	shalt  }
0x54: {  	_ =	shalt  }
0x55: {  	_ =	shalt  }
0x56: {  	_ =	shalt  }
0x57: {  	_ =	shalt  }
0x58: {  	_ =	shalt  }
0x59: {  	_ =	shalt  }
0x5a: {  	_ =	shalt  }
0x5b: {  	_ =	shalt  }
0x5c: {  	_ =	shalt  }
0x5d: {  	_ =	shalt  }
0x5e: {  	_ =	shalt  }
0x5f: {  	_ =	shalt  }
0x60: {  	_ =	shalt  }
0x61: {  	_ =	shalt  }
0x62: {  	_ =	shalt  }
0x63: {  	_ =	shalt  }
0x64: {  	_ =	shalt  }
0x65: {  	_ =	shalt  }
0x66: {  	_ =	shalt  }
0x67: {  	_ =	shalt  }
0x68: {  	_ =	shalt  }
0x69: {  	_ =	shalt  }
0x6a: {  	_ =	shalt  }
0x6b: {  	_ =	shalt  }
0x6c: {  	_ =	shalt  }
0x6d: {  	_ =	shalt  }
0x6e: {  	_ =	shalt  }
0x6f: {  	_ =	shalt  }
0x70: {  	_ =	shalt  }
0x71: {  	_ =	shalt  }
0x72: {  	_ =	shalt  }
0x73: {  	_ =	shalt  }
0x74: {  	_ =	shalt  }
0x75: {  	_ =	shalt  }
0x76: {  	_ =	shalt  }
0x77: {  	_ =	shalt  }
0x78: {  	_ =	shalt  }
0x79: {  	_ =	shalt  }
0x7a: {  	_ =	shalt  }
0x7b: {  	_ =	shalt  }
0x7c: {  	_ =	shalt  }
0x7d: {  	_ =	shalt  }
0x7e: {  	_ =	shalt  }
0x7f: {  	_ =	shalt  }
0x80: {  	_ =	shalt  }
0x81: {  	_ =	shalt  }
0x82: {  	_ =	shalt  }
0x83: {  	_ =	shalt  }
0x84: {  	_ =	shalt  }
0x85: {  	_ =	shalt  }
0x86: {  	_ =	shalt  }
0x87: {  	_ =	shalt  }
.Lfunc_end0:
.L_simem_size_0:
called_computation.3_lowered:
.L_overlay_start_0:
0x88: {  	s2 =	sld [smem:$0x3FD9]  }
0x89: {  	s3 =	sld [smem:$0x3FFE];
	_ =	sdelay $0x1  }
0x8a: {  	s1 =	srdreg.scid  }
0x8b: {  	s0 =	sand.u32 $0x1, s1  }
0x8c: {  	s17 =	sshll.u32 s0, $0xA;
	s2 =	sadd.s32 s3, s2  }
0x8d: {  	s2 =	sadd.s32 s2, s17  }
0x8e: {  	[smem:$0x3FAF] =	sst s2  }
0x8f: {  	_ = 	snop  }
0x90: {  	s2 =	sld [smem:$0x3FC0]  }
0x91: {  	s18 =	sld [smem:$0x3FBF];
	(tm) =	ssettm $0x1  }
0x92: {  	s4 =	sld [smem:$0x3FFB];
	_ =	sdelay $0x3  }
0x93: {  	_ =	strace s4  }
0x94: {  	s4 =	sld [smem:$0x3FFC];
	_ =	sdelay $0x3  }
0x95: {  	_ =	strace s4  }
0x96: {  	s4 =	sld [smem:$0x3FFD];
	_ =	sdelay $0x3  }
0x97: {  	_ =	strace s4  }
0x98: {  	_ =	strace $0x8FFFFFFF  }
0x99: {  	s19 =	sld [smem:$0x3FDB];
	_ =	sdelay $0x1  }
0x9a: {  	s5 =	simm.s32 $_scs_section_size  }
0x9b: {  	s6 =	simm.s32 $_size__tile_overlayer_lowered;
	s7 =	simm.s32 $_tile_overlayer_lowered  }
0x9c: {  	s22 =	simm.s32 $0x1BFF;
	s21 =	sshll.u32 s7, $0x1;
	s4 =	sadd.s32 s5, s19  }
0x9d: {  	s8 =	simm.s32 $0x0;
	s20 =	sshll.u32 s6, $0x1;
	s6 =	sadd.s32 s21, s4  }
0x9e: {  	[timem:s8], [sflag:s22] =	dma.local [hbm:s6], s20  }
0x9f: {  	_ =	swait.ge [sflag:s22], s20  }
0xa0: {  	s5 =	ssub.s32 $0x0, s20;
	[sflag:s22] =	ssyncset.done $0x0  }
0xa1: {  	[sflag:s22] =	ssyncadd.s32 s5;
	_ =	sdelay $0x1  }
0xa2: {  	s23 =	simm.s32 $0x1B8B  }
0xa3: {  	_ =	swait.ge [sflag:s23], $0x1  }
0xa4: {  	[sflag:s23] =	ssyncset.done $0x0  }
0xa5: {  	s25 =	simm.s32 $0x1B8E;
	s24 =	sld [smem:$0x3FFE];
	[sflag:s23] =	ssyncadd.s32 $0xFFFFFFFF  }
0xa6: {  	s26 =	simm.s32 $execute0_lowered;
	[smem:$0x3FD2] =	sst s25  }
0xa7: {  	s6 =	sshll.u32 s26, $0x1;
	_ =	strace $0x8000004F;
	[dreg:$0x1] =	wrdreg $0xFFFFFFFF  }
0xa8: {  	s28 =	simm.s32 $_size_execute0_lowered;
	s4 =	sadd.s32 s4, s6;
	[dreg:$0x0] =	wrdreg $0x0  }
0xa9: {  	s6 =	sshll.u32 s28, $0x1;
	[dreg:$0x2] =	wrdreg s4  }
0xaa: {  	[dreg:$0x3] =	wrdreg s6  }
0xab: {  	[dreg:$0x4] =	wrdreg $0xC0  }
0xac: {  	_ =	task [dreg:s8], $0x5FFFF  }
0xad: {  	[dreg:$0x1] =	wrdreg $0xFFFFFFFF  }
0xae: {  	[dreg:$0x0] =	wrdreg $0x60  }
0xaf: {  	[dreg:$0x2] =	wrdreg s24  }
0xb0: {  	[dreg:$0x3] =	wrdreg s2  }
0xb1: {  	[dreg:$0x4] =	wrdreg s18  }
0xb2: {  	[dreg:$0x5] =	wrdreg $0x108000  }
0xb3: {  	[dreg:$0x6] =	wrdreg $0x9  }
0xb4: {  	_ =	task.clear_ibuf [dreg:s8], $0x7FFFF;
	_ =	strace $0x9000004F  }
0xb5: {  	s29 =	simm.s32 $0x9;
	_ =	strace $0x80000051  }
0xb6: {  	_ =	swait.ge [sflag:s29], $0x1  }
0xb7: {  	[sflag:s29] =	ssyncadd.s32 $0xFFFFFFFF  }
0xb8: {  	_ =	strace $0x90000051  }
0xb9: {  	_ =	sfence  }
0xba: {  	s30 =	sld [smem:$0x0];
	_ =	sdelay $0x2  }
0xbb: {  	s31 =	sshll.u32 s1, $0xD;
	s1 =	sshrl.u32 s1, $0x2  }
0xbc: {  	s3 =	sand.u32 $0x4000, s31;
	s1 =	sadd.s32 s1, s30  }
0xbd: {  	s0 =	sor.u32 s3, s0;
	s1 =	sshll.u32 s1, $0x11  }
0xbe: {  	s0 =	sor.u32 s1, s0  }
0xbf: {  	s0 =	sadd.s32 $0x8F2B, s0  }
0xc0: {  	[sflag:s0] =	ssyncadd.remote.s32 $0x1  }
0xc1: {  	_ =	sfence.sel $0xFFFF  }
0xc2: {  	[dreg:$0x0] =	wrdreg $0xFFFFFFFF;
	(pc) =	sbr.abs _section_cstart, $3  }
0xc3: {  	[dreg:$0x1] =	wrdreg $0xFFFFFFFF  }
0xc4: {  	_ =	task.clear_ibuf [dreg:s8], $0x2FFFF;
	_ =	strace $0x9FFFFFFF  }
0xc5: {  	(tm) =	ssettm $0x7FFFFFFF  }
tec
execute0_lowered:
.L_overlay_start_1:
0x0: {  	(tag) =	ssettag $0x1  }
0x1: {  	s7 =	rddreg [dreg:$0x0]  }
0x2: {  	s4 =	rddreg [dreg:$0x1]  }
0x3: {  	s5 =	rddreg [dreg:$0x2]  }
0x4: {  	s0 =	stileid.u32;
	s2 =	rddreg [dreg:$0x3];
	s3 =	simm.s32 $0x0  }
0x5: {  	s8 =	srdreg.scid;
	s18 =	simm.s32 $0x100;
	[smem:$0x7FF] =	sst s3  }
0x6: {  	s19 =	simm.s32 $0x180;
	_ =	strace $0x80000050;
	[dreg:$0xb] =	wrdreg s18  }
0x7: {  	s20 =	simm.s32 $0x200;
	s21 =	simm.s32 $0x480;
	[dreg:$0xc] =	wrdreg s19  }
0x8: {  	s24 =	simm.s32 $0x280;
	s26 =	simm.s32 $0x500;
	[dreg:$0xd] =	wrdreg s20  }
0x9: {  	s6 =	smul.u32 $0x8400, s0;
	s29 =	sand.u32 $0x1, s8;
	[dreg:$0xe] =	wrdreg s21  }
0xa: {  	s30 =	sshll.u32 s0, $0xF;
	s31 =	sshll.u32 s0, $0x6;
	[dreg:$0xf] =	wrdreg s24  }
0xb: {  	s11 =	sshll.u32 s29, $0x13;
	s12 =	sor.u32 $0x1C09, s31;
	[dreg:$0x10] =	wrdreg s26  }
0xc: {  	s9 =	sshrl.u32 s6, $0x3;
	[dreg:$0x6] =	wrdreg s12;
	s15 =	sadd.s32 s6, s2  }
0xd: {  	s10 =	sadd.s32 s9, s7;
	s17 =	sshrl.u32 s15, $0x3;
	s23 =	rddreg [dreg:$0x6]  }
0xe: {  	s9 =	sor.u32 s30, s11;
	s8 =	sadd.s32 $0x45000, s10;
	[dreg:$0xa] =	wrdreg s17  }
0xf: {  	s11 =	sshll.u32 s0, $0x7;
	s10 =	sshll.u32 s29, $0xB;
	[dreg:$0x5] =	wrdreg s8  }
0x10: {  	s10 =	sor.u32 s11, s10;
	s22 =	rddreg [dreg:$0xa]  }
0x11: {  	s9 =	sshrl.u32 s9, $0x3;
	s4 =	sadd.s32 s4, s10;
	s25 =	rddreg [dreg:$0x5]  }
0x12: {  	s13 =	sadd.s32 s9, s7;
	s14 =	sadd.s32 s5, s10;
	[dreg:$0x7] =	wrdreg s4  }
0x13: {  	s16 =	sadd.s32 $0x55800, s13;
	[dreg:$0x8] =	wrdreg s14  }
0x14: {  	[dreg:$0x9] =	wrdreg s16  }
0x15: {  	[spmem:s22], [sflag:s23] =	dma.local [hbm:s25], $0x1080  }
0x16: {  	s4 =	simm.s32 $0xA;
	s5 =	rddreg [dreg:$0x7]  }
0x17: {  	[tilespmem:s3], [sflag:$0xA] =	stream.linear.gather [hbm4b:s5+s3], $0x400, $0x38;
	[tilespmem:$0x18C00] =	vst v63  }
0x18: {  	_ =	swait.ge [sflag:s4], $0x400  }
0x19: {  	[sflag:s4] =	ssyncset.done $0x0  }
0x1a: {  	s5 =	simm.s32 $0x400;
	s0 =	rddreg [dreg:$0x8];
	[sflag:s4] =	ssyncadd.s32 $0xFFFFFC00  }
0x1b: {  	[tilespmem:s5], [sflag:$0xA] =	stream.linear.gather [hbm4b:s0+s3], $0x400, $0x38;
	[tilespmem:$0x18C00] =	vst v63  }
0x1c: {  	_ =	swait.ge [sflag:s4], $0x400  }
0x1d: {  	[sflag:s4] =	ssyncset.done $0x0  }
0x1e: {  	s6 =	simm.s32 $0x9;
	[sflag:s4] =	ssyncadd.s32 $0xFFFFFC00  }
0x1f: {  	_ =	swait.ge [sflag:s6], $0x1080  }
0x20: {  	[sflag:s6] =	ssyncset.done $0x0  }
0x21: {  	s7 =	sadd.s32 $0x5000, s7;
	[sflag:s6] =	ssyncadd.s32 $0xFFFFEF80  }
0x22: {  	s8 =	simm.s32 $0x80;
	s9 =	simm.s32 $0x800;
	[bflag:$0x0] =	sbarrier.arrive $0xFFFF  }
0x23: {  	[tilespmem:s9], [sflag:$0x1] =	stream.indirect.gather [hbm4b:s7+s8], $0x80, s3, s8, $0xb8;
	[tilespmem:$0x18C00] =	vst v63  }
0x24: {  	s10 =	simm.s32 $0x4800  }
0x25: {  	[tilespmem:s10], [sflag:$0x2] =	stream.indirect.gather [hbm4b:s7+s8], $0x80, s8, s8, $0xb8;
	[tilespmem:$0x18C00] =	vst v63  }
0x26: {  	s11 =	simm.s32 $0x8800;
	s12 =	rddreg [dreg:$0xb]  }
0x27: {  	[tilespmem:s11], [sflag:$0x3] =	stream.indirect.gather [hbm4b:s7+s8], $0x80, s12, s8, $0xb8;
	[tilespmem:$0x18C00] =	vst v63  }
0x28: {  	s13 =	simm.s32 $0x1;
	s14 =	rddreg [dreg:$0xc];
	s12 =	simm.s32 $0xC800  }
0x29: {  	[tilespmem:s12], [sflag:$0x4] =	stream.indirect.gather [hbm4b:s7+s8], $0x80, s14, s8, $0xb8;
	[tilespmem:$0x18C00] =	vst v63  }
0x2a: {  	_ =	swait.ge [sflag:s13], $0x4000  }
0x2b: {  	[sflag:s13] =	ssyncset.done $0x0  }
0x2c: {  	s14 =	simm.s32 $0x5;
	[sflag:s13] =	ssyncadd.s32 $0xFFFFC000  }
0x2d: {  	[spmem:s2] =	stream.indirect.scatter.add.f32 [tilespmem:s9], [sflag:$0x5], $0x80, s5, s8, $0xb8;
	[tilespmem:$0x18C00] =	vst v63  }
0x2e: {  	_ =	swait.ge [sflag:s14], $0x4000  }
0x2f: {  	[sflag:s14] =	ssyncset.done $0x0  }
0x30: {  	s15 =	simm.s32 $0x2;
	s16 =	rddreg [dreg:$0xd];
	[sflag:s14] =	ssyncadd.s32 $0xFFFFC000  }
0x31: {  	[tilespmem:s9], [sflag:$0x1] =	stream.indirect.gather [hbm4b:s7+s8], $0x80, s16, s8, $0xb8;
	[tilespmem:$0x18C00] =	vst v63  }
0x32: {  	_ =	swait.ge [sflag:s15], $0x4000  }
0x33: {  	[sflag:s15] =	ssyncset.done $0x0  }
0x34: {  	s16 =	simm.s32 $0x6;
	s17 =	rddreg [dreg:$0xe];
	[sflag:s15] =	ssyncadd.s32 $0xFFFFC000  }
0x35: {  	[spmem:s2] =	stream.indirect.scatter.add.f32 [tilespmem:s10], [sflag:$0x6], $0x80, s17, s8, $0xb8;
	[tilespmem:$0x18C00] =	vst v63  }
0x36: {  	_ =	swait.ge [sflag:s16], $0x4000  }
0x37: {  	[sflag:s16] =	ssyncset.done $0x0  }
0x38: {  	s17 =	simm.s32 $0x3;
	s18 =	rddreg [dreg:$0xf];
	[sflag:s16] =	ssyncadd.s32 $0xFFFFC000  }
0x39: {  	[tilespmem:s10], [sflag:$0x2] =	stream.indirect.gather [hbm4b:s7+s8], $0x80, s18, s8, $0xb8;
	[tilespmem:$0x18C00] =	vst v63  }
0x3a: {  	_ =	swait.ge [sflag:s17], $0x4000  }
0x3b: {  	[sflag:s17] =	ssyncset.done $0x0  }
0x3c: {  	s18 =	simm.s32 $0x7;
	s19 =	rddreg [dreg:$0x10];
	[sflag:s17] =	ssyncadd.s32 $0xFFFFC000  }
0x3d: {  	[spmem:s2] =	stream.indirect.scatter.add.f32 [tilespmem:s11], [sflag:$0x7], $0x80, s19, s8, $0xb8;
	[tilespmem:$0x18C00] =	vst v63  }
0x3e: {  	_ =	swait.ge [sflag:s18], $0x4000  }
0x3f: {  	[sflag:s18] =	ssyncset.done $0x0  }
0x40: {  	s1 =	simm.s32 $0x300;
	s20 =	simm.s32 $0x4;
	[sflag:s18] =	ssyncadd.s32 $0xFFFFC000  }
0x41: {  	[tilespmem:s11], [sflag:$0x3] =	stream.indirect.gather [hbm4b:s7+s8], $0x80, s1, s8, $0xb8;
	[tilespmem:$0x18C00] =	vst v63  }
0x42: {  	_ =	swait.ge [sflag:s20], $0x4000  }
0x43: {  	[sflag:s20] =	ssyncset.done $0x0  }
0x44: {  	s21 =	simm.s32 $0x580;
	s22 =	simm.s32 $0x8;
	[sflag:s20] =	ssyncadd.s32 $0xFFFFC000  }
0x45: {  	[spmem:s2] =	stream.indirect.scatter.add.f32 [tilespmem:s12], [sflag:$0x8], $0x80, s21, s8, $0xb8;
	[tilespmem:$0x18C00] =	vst v63  }
0x46: {  	_ =	swait.ge [sflag:s22], $0x4000  }
0x47: {  	[sflag:s22] =	ssyncset.done $0x0  }
0x48: {  	s23 =	simm.s32 $0x380;
	[sflag:s22] =	ssyncadd.s32 $0xFFFFC000  }
0x49: {  	[tilespmem:s12], [sflag:$0x4] =	stream.indirect.gather [hbm4b:s7+s8], $0x80, s23, s8, $0xb8;
	[tilespmem:$0x18C00] =	vst v63  }
0x4a: {  	_ =	swait.ge [sflag:s13], $0x4000  }
0x4b: {  	[sflag:s13] =	ssyncset.done $0x0  }
0x4c: {  	s24 =	simm.s32 $0x600;
	[sflag:s13] =	ssyncadd.s32 $0xFFFFC000  }
0x4d: {  	[spmem:s2] =	stream.indirect.scatter.add.f32 [tilespmem:s9], [sflag:$0x5], $0x80, s24, s8, $0xb8;
	[tilespmem:$0x18C00] =	vst v63  }
0x4e: {  	_ =	swait.ge [sflag:s15], $0x4000  }
0x4f: {  	[sflag:s15] =	ssyncset.done $0x0  }
0x50: {  	s25 =	simm.s32 $0x680;
	[sflag:s15] =	ssyncadd.s32 $0xFFFFC000  }
0x51: {  	[spmem:s2] =	stream.indirect.scatter.add.f32 [tilespmem:s10], [sflag:$0x6], $0x80, s25, s8, $0xb8;
	[tilespmem:$0x18C00] =	vst v63  }
0x52: {  	_ =	swait.ge [sflag:s17], $0x4000  }
0x53: {  	[sflag:s17] =	ssyncset.done $0x0  }
0x54: {  	s26 =	simm.s32 $0x700;
	[sflag:s17] =	ssyncadd.s32 $0xFFFFC000  }
0x55: {  	[spmem:s2] =	stream.indirect.scatter.add.f32 [tilespmem:s11], [sflag:$0x7], $0x80, s26, s8, $0xb8;
	[tilespmem:$0x18C00] =	vst v63  }
0x56: {  	_ =	swait.ge [sflag:s20], $0x4000  }
0x57: {  	[sflag:s20] =	ssyncset.done $0x0  }
0x58: {  	s28 =	simm.s32 $0x780;
	[sflag:s20] =	ssyncadd.s32 $0xFFFFC000  }
0x59: {  	[spmem:s2] =	stream.indirect.scatter.add.f32 [tilespmem:s12], [sflag:$0x8], $0x80, s28, s8, $0xb8;
	[tilespmem:$0x18C00] =	vst v63  }
0x5a: {  	_ =	swait.ge [sflag:s14], $0x4000  }
0x5b: {  	[sflag:s14] =	ssyncset.done $0x0  }
0x5c: {  	[sflag:s14] =	ssyncadd.s32 $0xFFFFC000  }
0x5d: {  	_ =	swait.ge [sflag:s16], $0x4000  }
0x5e: {  	[sflag:s16] =	ssyncset.done $0x0  }
0x5f: {  	s29 =	ssub.s32 $0x2, s29;
	[sflag:s16] =	ssyncadd.s32 $0xFFFFC000  }
0x60: {  	s19 =	sshrl.u32 s29, $0x1;
	_ =	swait.ge [sflag:s18], $0x4000  }
0x61: {  	s0 =	ssub.s32 s29, s19;
	[sflag:s18] =	ssyncset.done $0x0  }
0x62: {  	s0 =	smax.u32 s0, $0x1;
	[sflag:s18] =	ssyncadd.s32 $0xFFFFC000  }
0x63: {  	p0 =	sne.s32 s0, $0x1;
	_ =	swait.ge [sflag:s22], $0x4000  }
.Ltmp0:
0x64: {  	[sflag:s22] =	ssyncset.done $0x0;
	(pc) =	sbr.rel @!p0 .LBB2_2-.Ltmp0, $4  }
0x65: {  	s30 =	sadd.s32 s30, s2;
	[sflag:s22] =	ssyncadd.s32 $0xFFFFC000  }
0x66: {  	s29 =	sshrl.u32 s30, $0x3;
	[bflag:$0x0] =	sbarrier.arrive $0xFFFF  }
0x67: {  	s30 =	sor.u32 $0x1C0A, s31;
	s31 =	sadd.s32 $0xFFFFFFFF, s0;
	s1 =	rddreg [dreg:$0x9]  }
0x68: {  	[hbm:s1], [sflag:s30] =	dma.local [spmem:s29], $0x1000  }
.LBB2_1:
0x69: {  	_ =	swait.ge [sflag:s4], $0x1000  }
0x6a: {  	s0 =	rddreg [dreg:$0xa]  }
0x6b: {  	[sflag:s4] =	ssyncset.done $0x0;
	s1 =	rddreg [dreg:$0x6]  }
0x6c: {  	s19 =	rddreg [dreg:$0x5];
	[sflag:s4] =	ssyncadd.s32 $0xFFFFF000  }
0x6d: {  	[spmem:s0], [sflag:s1] =	dma.local [hbm:s19], $0x1080  }
0x6e: {  	s0 =	rddreg [dreg:$0x7]  }
0x6f: {  	[tilespmem:s3], [sflag:$0xA] =	stream.linear.gather [hbm4b:s0+s3], $0x400, $0x38;
	[tilespmem:$0x18C00] =	vst v63  }
0x70: {  	_ =	swait.ge [sflag:s4], $0x400  }
0x71: {  	[sflag:s4] =	ssyncset.done $0x0  }
0x72: {  	s19 =	rddreg [dreg:$0x8];
	[sflag:s4] =	ssyncadd.s32 $0xFFFFFC00  }
0x73: {  	[tilespmem:s5], [sflag:$0xA] =	stream.linear.gather [hbm4b:s19+s3], $0x400, $0x38;
	[tilespmem:$0x18C00] =	vst v63  }
0x74: {  	_ =	swait.ge [sflag:s4], $0x400  }
0x75: {  	[sflag:s4] =	ssyncset.done $0x0  }
0x76: {  	[sflag:s4] =	ssyncadd.s32 $0xFFFFFC00  }
0x77: {  	_ =	swait.ge [sflag:s6], $0x1080  }
0x78: {  	[sflag:s6] =	ssyncset.done $0x0  }
0x79: {  	[sflag:s6] =	ssyncadd.s32 $0xFFFFEF80  }
0x7a: {  	[bflag:$0x0] =	sbarrier.arrive $0xFFFF  }
0x7b: {  	[tilespmem:s9], [sflag:$0x1] =	stream.indirect.gather [hbm4b:s7+s8], $0x80, s3, s8, $0xb8;
	[tilespmem:$0x18C00] =	vst v63  }
0x7c: {  	_ = 	snop  }
0x7d: {  	[tilespmem:s10], [sflag:$0x2] =	stream.indirect.gather [hbm4b:s7+s8], $0x80, s8, s8, $0xb8;
	[tilespmem:$0x18C00] =	vst v63  }
0x7e: {  	s1 =	rddreg [dreg:$0xb]  }
0x7f: {  	[tilespmem:s11], [sflag:$0x3] =	stream.indirect.gather [hbm4b:s7+s8], $0x80, s1, s8, $0xb8;
	[tilespmem:$0x18C00] =	vst v63  }
0x80: {  	s19 =	rddreg [dreg:$0xc]  }
0x81: {  	[tilespmem:s12], [sflag:$0x4] =	stream.indirect.gather [hbm4b:s7+s8], $0x80, s19, s8, $0xb8;
	[tilespmem:$0x18C00] =	vst v63  }
0x82: {  	_ =	swait.ge [sflag:s13], $0x4000  }
0x83: {  	[sflag:s13] =	ssyncset.done $0x0  }
0x84: {  	[sflag:s13] =	ssyncadd.s32 $0xFFFFC000  }
0x85: {  	[spmem:s2] =	stream.indirect.scatter.add.f32 [tilespmem:s9], [sflag:$0x5], $0x80, s5, s8, $0xb8;
	[tilespmem:$0x18C00] =	vst v63  }
0x86: {  	_ =	swait.ge [sflag:s14], $0x4000  }
0x87: {  	[sflag:s14] =	ssyncset.done $0x0  }
0x88: {  	s1 =	rddreg [dreg:$0xd];
	[sflag:s14] =	ssyncadd.s32 $0xFFFFC000  }
0x89: {  	[tilespmem:s9], [sflag:$0x1] =	stream.indirect.gather [hbm4b:s7+s8], $0x80, s1, s8, $0xb8;
	[tilespmem:$0x18C00] =	vst v63  }
0x8a: {  	_ =	swait.ge [sflag:s15], $0x4000  }
0x8b: {  	[sflag:s15] =	ssyncset.done $0x0  }
0x8c: {  	s19 =	rddreg [dreg:$0xe];
	[sflag:s15] =	ssyncadd.s32 $0xFFFFC000  }
0x8d: {  	[spmem:s2] =	stream.indirect.scatter.add.f32 [tilespmem:s10], [sflag:$0x6], $0x80, s19, s8, $0xb8;
	[tilespmem:$0x18C00] =	vst v63  }
0x8e: {  	_ =	swait.ge [sflag:s16], $0x4000  }
0x8f: {  	[sflag:s16] =	ssyncset.done $0x0  }
0x90: {  	s1 =	rddreg [dreg:$0xf];
	[sflag:s16] =	ssyncadd.s32 $0xFFFFC000  }
0x91: {  	[tilespmem:s10], [sflag:$0x2] =	stream.indirect.gather [hbm4b:s7+s8], $0x80, s1, s8, $0xb8;
	[tilespmem:$0x18C00] =	vst v63  }
0x92: {  	_ =	swait.ge [sflag:s17], $0x4000  }
0x93: {  	[sflag:s17] =	ssyncset.done $0x0  }
0x94: {  	s19 =	rddreg [dreg:$0x10];
	[sflag:s17] =	ssyncadd.s32 $0xFFFFC000  }
0x95: {  	[spmem:s2] =	stream.indirect.scatter.add.f32 [tilespmem:s11], [sflag:$0x7], $0x80, s19, s8, $0xb8;
	[tilespmem:$0x18C00] =	vst v63  }
0x96: {  	_ =	swait.ge [sflag:s18], $0x4000  }
0x97: {  	[sflag:s18] =	ssyncset.done $0x0  }
0x98: {  	s1 =	simm.s32 $0x300;
	[sflag:s18] =	ssyncadd.s32 $0xFFFFC000  }
0x99: {  	[tilespmem:s11], [sflag:$0x3] =	stream.indirect.gather [hbm4b:s7+s8], $0x80, s1, s8, $0xb8;
	[tilespmem:$0x18C00] =	vst v63  }
0x9a: {  	_ =	swait.ge [sflag:s20], $0x4000  }
0x9b: {  	[sflag:s20] =	ssyncset.done $0x0  }
0x9c: {  	[sflag:s20] =	ssyncadd.s32 $0xFFFFC000  }
0x9d: {  	[spmem:s2] =	stream.indirect.scatter.add.f32 [tilespmem:s12], [sflag:$0x8], $0x80, s21, s8, $0xb8;
	[tilespmem:$0x18C00] =	vst v63  }
0x9e: {  	_ =	swait.ge [sflag:s22], $0x4000  }
0x9f: {  	[sflag:s22] =	ssyncset.done $0x0  }
0xa0: {  	[sflag:s22] =	ssyncadd.s32 $0xFFFFC000  }
0xa1: {  	[tilespmem:s12], [sflag:$0x4] =	stream.indirect.gather [hbm4b:s7+s8], $0x80, s23, s8, $0xb8;
	[tilespmem:$0x18C00] =	vst v63  }
0xa2: {  	_ =	swait.ge [sflag:s13], $0x4000  }
0xa3: {  	[sflag:s13] =	ssyncset.done $0x0  }
0xa4: {  	[sflag:s13] =	ssyncadd.s32 $0xFFFFC000  }
0xa5: {  	[spmem:s2] =	stream.indirect.scatter.add.f32 [tilespmem:s9], [sflag:$0x5], $0x80, s24, s8, $0xb8;
	[tilespmem:$0x18C00] =	vst v63  }
0xa6: {  	_ =	swait.ge [sflag:s15], $0x4000  }
0xa7: {  	[sflag:s15] =	ssyncset.done $0x0  }
0xa8: {  	[sflag:s15] =	ssyncadd.s32 $0xFFFFC000  }
0xa9: {  	[spmem:s2] =	stream.indirect.scatter.add.f32 [tilespmem:s10], [sflag:$0x6], $0x80, s25, s8, $0xb8;
	[tilespmem:$0x18C00] =	vst v63  }
0xaa: {  	_ =	swait.ge [sflag:s17], $0x4000  }
0xab: {  	[sflag:s17] =	ssyncset.done $0x0  }
0xac: {  	[sflag:s17] =	ssyncadd.s32 $0xFFFFC000  }
0xad: {  	[spmem:s2] =	stream.indirect.scatter.add.f32 [tilespmem:s11], [sflag:$0x7], $0x80, s26, s8, $0xb8;
	[tilespmem:$0x18C00] =	vst v63  }
0xae: {  	_ =	swait.ge [sflag:s20], $0x4000  }
0xaf: {  	[sflag:s20] =	ssyncset.done $0x0  }
0xb0: {  	[sflag:s20] =	ssyncadd.s32 $0xFFFFC000  }
0xb1: {  	[spmem:s2] =	stream.indirect.scatter.add.f32 [tilespmem:s12], [sflag:$0x8], $0x80, s28, s8, $0xb8;
	[tilespmem:$0x18C00] =	vst v63  }
0xb2: {  	_ =	swait.ge [sflag:s14], $0x4000  }
0xb3: {  	[sflag:s14] =	ssyncset.done $0x0  }
0xb4: {  	[sflag:s14] =	ssyncadd.s32 $0xFFFFC000  }
0xb5: {  	_ =	swait.ge [sflag:s16], $0x4000  }
0xb6: {  	[sflag:s16] =	ssyncset.done $0x0  }
0xb7: {  	[sflag:s16] =	ssyncadd.s32 $0xFFFFC000  }
0xb8: {  	_ =	swait.ge [sflag:s18], $0x4000  }
0xb9: {  	[sflag:s18] =	ssyncset.done $0x0  }
0xba: {  	[sflag:s18] =	ssyncadd.s32 $0xFFFFC000  }
0xbb: {  	p0 =	sne.s32 s31, $0x1;
	_ =	swait.ge [sflag:s22], $0x4000  }
.Ltmp1:
0xbc: {  	[sflag:s22] =	ssyncset.done $0x0;
	(pc) =	sbr.rel @p0 .LBB2_1-.Ltmp1, $4  }
0xbd: {  	[sflag:s22] =	ssyncadd.s32 $0xFFFFC000  }
0xbe: {  	[bflag:$0x0] =	sbarrier.arrive $0xFFFF  }
0xbf: {  	s31 =	sadd.s32 $0xFFFFFFFF, s31;
	s19 =	rddreg [dreg:$0x9]  }
0xc0: {  	[hbm:s19], [sflag:s30] =	dma.local [spmem:s29], $0x1000  }
.LBB2_2:
0xc1: {  	_ =	swait.ge [sflag:s4], $0x1000  }
0xc2: {  	[sflag:s4] =	ssyncset.done $0x0  }
0xc3: {  	[sflag:s4] =	ssyncadd.s32 $0xFFFFF000  }
0xc4: {  	_ =	sfence.sel $0x180000  }
0xc5: {  	[bflag:$0x0] =	sbarrier.arrive $0xFFFF  }
0xc6: {  	_ =	strace $0x90000050  }
0xc7: {  	s0 =	stileid.u32;
	[bflag:$0x2] =	sbarrier.arrive $0xFFFF  }
0xc8: {  	p0 =	sne.s32 s0, $0x0;
	s0 =	rddreg [dreg:$0x4]  }
0xc9: {  	s0 =	sadd.s32 @!p0 $0x100000, s0  }
0xca: {  	[sflag:s0] =	ssyncadd.tile.s32 @!p0 $0x1;
	_ =	shalt  }
.Lfunc_end2:
_tile_overlayer_lowered:
.L_overlay_start_2:
0xcb: {  	(tag) =	ssettag $0x2  }
0xcc: {  	s0 =	rddreg [dreg:$0x0];
	s2 =	stileid.u32  }
0xcd: {  	s1 =	rddreg [dreg:$0x1];
	p0 =	sne.s32 s2, $0x0  }
0xce: {  	s3 =	rddreg [dreg:$0x2];
	[bflag:$0x3] =	sbarrier.arrive $0xFFFF;
	s2 =	simm.s32 @!p0 $0x1C0A  }
0xcf: {  	[timem:s3], [sflag:s2] =	dma.local @!p0 [hbm:s0], s1  }
0xd0: {  	s0 =	simm.s32 @!p0 $0xA  }
0xd1: {  	_ =	swait.ge @!p0 [sflag:s0], s1  }
0xd2: {  	s1 =	ssub.s32 @!p0 $0x0, s1;
	[sflag:s0] =	ssyncset.done @!p0 $0x0  }
0xd3: {  	[sflag:s0] =	ssyncadd.s32 @!p0 s1  }
0xd4: {  	[bflag:$0x3] =	sbarrier.arrive $0xFFFF  }
0xd5: {  	_ =	shalt  }

// kernel: kernel.25.cloned.1.call-start
scs
__scs_entry_jumppad:
0x0: {  	(pc) =	sbr.rel $0x88, $3  }
0x1: {  	(tag) =	ssettag $0x0;
	lr =	simm.s32 $0x1  }
0x2: {  	[smem:$0x3F88] =	sst lr;
	_ =	strace $0xD0000000  }
0x3: {  	_ = 	snop  }
0x4: {  	_ = 	snop  }
0x5: {  	_ = 	snop  }
0x6: {  	_ = 	snop  }
0x7: {  	_ = 	snop  }
__scs_overlays_trampoline_lowered:
0x8: {  	[smem:$0x3F97] =	sst s0  }
0x9: {  	[smem:$0x3F98] =	sst s1  }
0xa: {  	[smem:$0x3F99] =	sst s2  }
0xb: {  	[smem:$0x3F9A] =	sst s3  }
0xc: {  	[smem:$0x3F9B] =	sst s4  }
0xd: {  	[smem:$0x3F9C] =	sst s5  }
0xe: {  	[smem:$0x3F9D] =	sst s6  }
0xf: {  	[smem:$0x3F9E] =	sst s7  }
0x10: {  	[smem:$0x3F9F] =	sst s8  }
0x11: {  	[smem:$0x3FA0] =	sst s9;
	s0 =	simm.s32 @!p0 $0x0  }
0x12: {  	s1 =	sld [smem:$0x3F86];
	s0 =	simm.s32 @p0 $0x1  }
0x13: {  	[smem:$0x3FA1] =	sst s0;
	s0 =	simm.s32 @!p1 $0x0  }
0x14: {  	s2 =	sld [smem:$0x3F85];
	s0 =	simm.s32 @p1 $0x1  }
0x15: {  	[smem:$0x3FA2] =	sst s0;
	s0 =	simm.s32 @!p2 $0x0  }
0x16: {  	s3 =	sld [smem:$0x3FDB];
	s0 =	simm.s32 @p2 $0x1  }
0x17: {  	s4 =	simm.s32 $0x1BF5;
	[smem:$0x3FA4] =	sst s0  }
0x18: {  	s0 =	sld [smem:$0x3F87];
	_ =	swait.ge [sflag:s4], $0x0  }
0x19: {  	s7 =	sld [smem:$0x3F88]  }
0x1a: {  	s8 =	sadd.s32 $0xFFFFE003, lr  }
0x1b: {  	s9 =	sadd.s32 $0xFFFFFEF7, lr;
	s5 =	simm.s32 $0xFFFFFFFF;
	p2 =	slt.u32 s8, $0xFFFFF086  }
0x1c: {  	p1 =	slt.u32 s9, $0xF7A;
	s5 =	simm.s32 @!p2 $0x0  }
0x1d: {  	s5 =	simm.s32 @p1 $0x1;
	p0 =	seq.s32 s7, s2  }
0x1e: {  	s7 =	smul.u32 @!p0 $0xF7A, s2;
	p2 =	seq.s32 @!p0 s5, $0x0  }
0x1f: {  	s9 =	smul.u32 $0xF7A, s1;
	s8 =	simm.s32 @!p0 $0x1BF5;
	p2 =	por !p2, p0  }
0x20: {  	[sflag:s8] =	ssyncset.s32 @!p0 $0xFFFFF086;
	s6 =	sadd.s32 @!p0 s3, s7;
	s7 =	simm.s32 @!p0 $0x108  }
0x21: {  	s3 =	sadd.s32 s3, s9;
	s6 =	sadd.s32 @!p0 $0x88, s6;
	s7 =	simm.s32 @p2 $0x1082  }
0x22: {  	[simem:s7], [sflag:s8] =	dma.local @!p0 [hbm:s6], $0xF7A  }
0x23: {  	s9 =	sor.u32 $0xD0000000, s2;
	s6 =	simm.s32 $0x108;
	_ =	swait.ge @!p0 [sflag:s8], $0x0  }
0x24: {  	s3 =	sadd.s32 $0x88, s3;
	s6 =	simm.s32 @!p1 $0x1082;
	[sflag:s4] =	ssyncset.s32 $0xFFFFF086  }
0x25: {  	[simem:s6], [sflag:s4] =	dma.local [hbm:s3], $0xF7A  }
0x26: {  	[smem:$0x3F88] =	sst s1;
	(tag) =	ssettag s2;
	_ =	strace s9  }
0x27: {  	s1 =	sld [smem:$0x3F98]  }
0x28: {  	s2 =	sld [smem:$0x3F99]  }
0x29: {  	s4 =	sld [smem:$0x3F9B]  }
0x2a: {  	p0 =	seq.s32 s5, $0x0;
	s5 =	sld [smem:$0x3F9C]  }
0x2b: {  	s6 =	sld [smem:$0x3F9D]  }
0x2c: {  	s7 =	sld [smem:$0x3F9E]  }
0x2d: {  	s3 =	simm.s32 $0x108;
	s8 =	sld [smem:$0x3F9F]  }
0x2e: {  	s3 =	simm.s32 @!p0 $0x1082;
	s9 =	sld [smem:$0x3FA0]  }
0x2f: {  	lr =	sadd.s32 s0, s3;
	s0 =	sld [smem:$0x3F97]  }
0x30: {  	s3 =	sld [smem:$0x3F9A]  }
0x31: {  	[smem:$0x3FA3] =	sst s10  }
0x32: {  	s10 =	sld [smem:$0x3FA1];
	_ =	sdelay $0x3  }
0x33: {  	p0 =	seq.s32 s10, $0x1;
	s10 =	sld [smem:$0x3FA3];
	_ =	sdelay $0x3  }
0x34: {  	[smem:$0x3FA3] =	sst s10  }
0x35: {  	s10 =	sld [smem:$0x3FA2];
	_ =	sdelay $0x3  }
0x36: {  	p1 =	seq.s32 s10, $0x1;
	s10 =	sld [smem:$0x3FA3];
	_ =	sdelay $0x3  }
0x37: {  	[smem:$0x3FA3] =	sst s10  }
0x38: {  	s10 =	sld [smem:$0x3FA4]  }
0x39: {  	_ = 	snop;
	(pc) =	sbr.ind lr, $3  }
0x3a: {  	_ = 	snop  }
0x3b: {  	_ = 	snop  }
0x3c: {  	p2 =	seq.s32 s10, $0x1;
	s10 =	sld [smem:$0x3FA3]  }
0x3d: {  	_ =	shalt  }
0x3e: {  	_ =	shalt  }
0x3f: {  	_ =	shalt  }
0x40: {  	_ =	shalt  }
0x41: {  	_ =	shalt  }
0x42: {  	_ =	shalt  }
0x43: {  	_ =	shalt  }
0x44: {  	_ =	shalt  }
0x45: {  	_ =	shalt  }
0x46: {  	_ =	shalt  }
0x47: {  	_ =	shalt  }
0x48: {  	_ =	shalt  }
0x49: {  	_ =	shalt  }
0x4a: {  	_ =	shalt  }
0x4b: {  	_ =	shalt  }
0x4c: {  	_ =	shalt  }
0x4d: {  	_ =	shalt  }
0x4e: {  	_ =	shalt  }
0x4f: {  	_ =	shalt  }
0x50: {  	_ =	shalt  }
0x51: {  	_ =	shalt  }
0x52: {  	_ =	shalt  }
0x53: {  	_ =	shalt  }
0x54: {  	_ =	shalt  }
0x55: {  	_ =	shalt  }
0x56: {  	_ =	shalt  }
0x57: {  	_ =	shalt  }
0x58: {  	_ =	shalt  }
0x59: {  	_ =	shalt  }
0x5a: {  	_ =	shalt  }
0x5b: {  	_ =	shalt  }
0x5c: {  	_ =	shalt  }
0x5d: {  	_ =	shalt  }
0x5e: {  	_ =	shalt  }
0x5f: {  	_ =	shalt  }
0x60: {  	_ =	shalt  }
0x61: {  	_ =	shalt  }
0x62: {  	_ =	shalt  }
0x63: {  	_ =	shalt  }
0x64: {  	_ =	shalt  }
0x65: {  	_ =	shalt  }
0x66: {  	_ =	shalt  }
0x67: {  	_ =	shalt  }
0x68: {  	_ =	shalt  }
0x69: {  	_ =	shalt  }
0x6a: {  	_ =	shalt  }
0x6b: {  	_ =	shalt  }
0x6c: {  	_ =	shalt  }
0x6d: {  	_ =	shalt  }
0x6e: {  	_ =	shalt  }
0x6f: {  	_ =	shalt  }
0x70: {  	_ =	shalt  }
0x71: {  	_ =	shalt  }
0x72: {  	_ =	shalt  }
0x73: {  	_ =	shalt  }
0x74: {  	_ =	shalt  }
0x75: {  	_ =	shalt  }
0x76: {  	_ =	shalt  }
0x77: {  	_ =	shalt  }
0x78: {  	_ =	shalt  }
0x79: {  	_ =	shalt  }
0x7a: {  	_ =	shalt  }
0x7b: {  	_ =	shalt  }
0x7c: {  	_ =	shalt  }
0x7d: {  	_ =	shalt  }
0x7e: {  	_ =	shalt  }
0x7f: {  	_ =	shalt  }
0x80: {  	_ =	shalt  }
0x81: {  	_ =	shalt  }
0x82: {  	_ =	shalt  }
0x83: {  	_ =	shalt  }
0x84: {  	_ =	shalt  }
0x85: {  	_ =	shalt  }
0x86: {  	_ =	shalt  }
0x87: {  	_ =	shalt  }
.Lfunc_end0:
.L_simem_size_0:
called_computation.4_lowered:
.L_overlay_start_0:
0x88: {  	s2 =	sld [smem:$0x3FD9]  }
0x89: {  	s3 =	sld [smem:$0x3FFE];
	_ =	sdelay $0x1  }
0x8a: {  	s1 =	srdreg.scid  }
0x8b: {  	s0 =	sand.u32 $0x1, s1  }
0x8c: {  	s17 =	sshll.u32 s0, $0xA;
	s2 =	sadd.s32 s3, s2  }
0x8d: {  	s2 =	sadd.s32 s2, s17  }
0x8e: {  	[smem:$0x3FAF] =	sst s2  }
0x8f: {  	_ = 	snop  }
0x90: {  	s2 =	sld [smem:$0x3FBC]  }
0x91: {  	s18 =	sld [smem:$0x3FBB];
	(tm) =	ssettm $0x1  }
0x92: {  	s4 =	sld [smem:$0x3FFB];
	_ =	sdelay $0x3  }
0x93: {  	_ =	strace s4  }
0x94: {  	s4 =	sld [smem:$0x3FFC];
	_ =	sdelay $0x3  }
0x95: {  	_ =	strace s4  }
0x96: {  	s4 =	sld [smem:$0x3FFD];
	_ =	sdelay $0x3  }
0x97: {  	_ =	strace s4  }
0x98: {  	_ =	strace $0x8FFFFFFF  }
0x99: {  	s19 =	sld [smem:$0x3FDB];
	_ =	sdelay $0x1  }
0x9a: {  	s5 =	simm.s32 $_scs_section_size  }
0x9b: {  	s6 =	simm.s32 $_size__tile_overlayer_lowered;
	s7 =	simm.s32 $_tile_overlayer_lowered  }
0x9c: {  	s22 =	simm.s32 $0x1BFF;
	s21 =	sshll.u32 s7, $0x1;
	s4 =	sadd.s32 s5, s19  }
0x9d: {  	s8 =	simm.s32 $0x0;
	s20 =	sshll.u32 s6, $0x1;
	s6 =	sadd.s32 s21, s4  }
0x9e: {  	[timem:s8], [sflag:s22] =	dma.local [hbm:s6], s20  }
0x9f: {  	_ =	swait.ge [sflag:s22], s20  }
0xa0: {  	s5 =	ssub.s32 $0x0, s20;
	[sflag:s22] =	ssyncset.done $0x0  }
0xa1: {  	[sflag:s22] =	ssyncadd.s32 s5;
	_ =	sdelay $0x1  }
0xa2: {  	s23 =	simm.s32 $0x1B8B  }
0xa3: {  	_ =	swait.ge [sflag:s23], $0x1  }
0xa4: {  	[sflag:s23] =	ssyncset.done $0x0  }
0xa5: {  	s25 =	simm.s32 $0x1B8E;
	s24 =	sld [smem:$0x3FFE];
	[sflag:s23] =	ssyncadd.s32 $0xFFFFFFFF  }
0xa6: {  	s26 =	simm.s32 $execute0_lowered;
	[smem:$0x3FD2] =	sst s25  }
0xa7: {  	s6 =	sshll.u32 s26, $0x1;
	_ =	strace $0x80000052;
	[dreg:$0x1] =	wrdreg $0xFFFFFFFF  }
0xa8: {  	s28 =	simm.s32 $_size_execute0_lowered;
	s4 =	sadd.s32 s4, s6;
	[dreg:$0x0] =	wrdreg $0x0  }
0xa9: {  	s6 =	sshll.u32 s28, $0x1;
	[dreg:$0x2] =	wrdreg s4  }
0xaa: {  	[dreg:$0x3] =	wrdreg s6  }
0xab: {  	[dreg:$0x4] =	wrdreg $0xC0  }
0xac: {  	_ =	task [dreg:s8], $0x5FFFF  }
0xad: {  	[dreg:$0x1] =	wrdreg $0xFFFFFFFF  }
0xae: {  	[dreg:$0x0] =	wrdreg $0x60  }
0xaf: {  	[dreg:$0x2] =	wrdreg s24  }
0xb0: {  	[dreg:$0x3] =	wrdreg s2  }
0xb1: {  	[dreg:$0x4] =	wrdreg s18  }
0xb2: {  	[dreg:$0x5] =	wrdreg $0x102000  }
0xb3: {  	[dreg:$0x6] =	wrdreg $0x9  }
0xb4: {  	_ =	task.clear_ibuf [dreg:s8], $0x7FFFF;
	_ =	strace $0x90000052  }
0xb5: {  	s29 =	simm.s32 $0x9;
	_ =	strace $0x80000054  }
0xb6: {  	_ =	swait.ge [sflag:s29], $0x1  }
0xb7: {  	[sflag:s29] =	ssyncadd.s32 $0xFFFFFFFF  }
0xb8: {  	_ =	strace $0x90000054  }
0xb9: {  	_ =	sfence  }
0xba: {  	s30 =	sld [smem:$0x0];
	_ =	sdelay $0x2  }
0xbb: {  	s31 =	sshll.u32 s1, $0xD;
	s1 =	sshrl.u32 s1, $0x2  }
0xbc: {  	s3 =	sand.u32 $0x4000, s31;
	s1 =	sadd.s32 s1, s30  }
0xbd: {  	s0 =	sor.u32 s3, s0;
	s1 =	sshll.u32 s1, $0x11  }
0xbe: {  	s0 =	sor.u32 s1, s0  }
0xbf: {  	s0 =	sadd.s32 $0x8F2B, s0  }
0xc0: {  	[sflag:s0] =	ssyncadd.remote.s32 $0x1  }
0xc1: {  	_ =	sfence.sel $0xFFFF  }
0xc2: {  	[dreg:$0x0] =	wrdreg $0xFFFFFFFF;
	(pc) =	sbr.abs _section_cstart, $3  }
0xc3: {  	[dreg:$0x1] =	wrdreg $0xFFFFFFFF  }
0xc4: {  	_ =	task.clear_ibuf [dreg:s8], $0x2FFFF;
	_ =	strace $0x9FFFFFFF  }
0xc5: {  	(tm) =	ssettm $0x7FFFFFFF  }
tec
execute0_lowered:
.L_overlay_start_1:
0x0: {  	(tag) =	ssettag $0x1  }
0x1: {  	s0 =	rddreg [dreg:$0x0]  }
0x2: {  	s1 =	rddreg [dreg:$0x1]  }
0x3: {  	s4 =	rddreg [dreg:$0x2]  }
0x4: {  	s2 =	rddreg [dreg:$0x3];
	s12 =	stileid.u32  }
0x5: {  	s3 =	srdreg.scid;
	s31 =	rddreg [dreg:$0x4]  }
0x6: {  	s6 =	simm.s32 $0x0;
	s13 =	simm.s32 $0x100;
	s25 =	simm.s32 $0x9  }
0x7: {  	s16 =	simm.s32 $0x200;
	s14 =	simm.s32 $0x4200;
	s26 =	simm.s32 $0x80  }
0x8: {  	s29 =	simm.s32 $0xC0;
	s28 =	simm.s32 $0x1;
	s22 =	simm.s32 $0x2  }
0x9: {  	s23 =	simm.s32 $0x140;
	s17 =	simm.s32 $0x4;
	p0 =	por $0x0, $0x0  }
0xa: {  	s15 =	simm.s32 $0x7;
	s5 =	smul.u32 $0x4800, s12;
	s8 =	sand.u32 $0x1, s3  }
0xb: {  	s9 =	sshll.u32 s12, $0xE;
	[smem:$0x7FF] =	sst s6;
	s3 =	sshll.u32 s8, $0x12  }
0xc: {  	_ =	strace $0x80000053;
	s11 =	sshll.u32 s8, $0x9;
	s8 =	ssub.s32 $0x2, s8  }
0xd: {  	s21 =	sadd.s32 s9, s2;
	s7 =	sshrl.u32 s5, $0x3;
	s3 =	sor.u32 s9, s3  }
0xe: {  	s19 =	sshrl.u32 s8, $0x1;
	s5 =	sadd.s32 s5, s2;
	s9 =	simm.s32 $0x40  }
0xf: {  	s10 =	sadd.s32 s7, s0;
	s3 =	sshrl.u32 s3, $0x3;
	s7 =	sadd.s32 $0x5000, s0  }
0x10: {  	s8 =	ssub.s32 s8, s19;
	s30 =	sshrl.u32 s5, $0x3;
	s5 =	simm.s32 $0xA  }
0x11: {  	s19 =	simm.s32 $0x3;
	s0 =	sadd.s32 s3, s0;
	s10 =	sadd.s32 $0x25000, s10  }
0x12: {  	s3 =	sshll.u32 s12, $0x6;
	s12 =	sshll.u32 s12, $0x5;
	s24 =	smax.u32 s8, $0x1  }
0x13: {  	s8 =	sshrl.u32 s21, $0x3;
	s21 =	simm.s32 $0x5;
	[dreg:$0x5] =	wrdreg s10  }
0x14: {  	s18 =	sor.u32 $0x1C09, s3;
	s11 =	sor.u32 s12, s11;
	p1 =	sne.s32 s24, $0x1  }
.Ltmp0:
0x15: {  	s10 =	simm.s32 $0xC200;
	s12 =	simm.s32 $0x8;
	(pc) =	sbr.rel @!p1 .LBB2_5-.Ltmp0, $4  }
0x16: {  	[dreg:$0x6] =	wrdreg s18;
	s1 =	sadd.s32 s1, s11;
	s20 =	sadd.s32 s4, s11  }
0x17: {  	s4 =	sadd.s32 $0x2E000, s0;
	s11 =	simm.s32 $0x8200;
	[dreg:$0x7] =	wrdreg s1  }
0x18: {  	s0 =	sadd.s32 $0xFFFFFFFF, s24;
	s24 =	simm.s32 $0x1C0;
	[dreg:$0x8] =	wrdreg s20  }
0x19: {  	s18 =	simm.s32 $0x6;
	s20 =	simm.s32 $0x180;
	s1 =	rddreg [dreg:$0x5]  }
0x1a: {  	s31 =	rddreg [dreg:$0x6]  }
0x1b: {  	[spmem:s30], [sflag:s31] =	dma.local [hbm:s1], $0x900  }
0x1c: {  	s1 =	rddreg [dreg:$0x7]  }
0x1d: {  	[tilespmem:s6], [sflag:$0xA] =	stream.linear.gather [hbm4b:s1+s6], $0x100, $0x38;
	[tilespmem:$0x14A00] =	vst v63  }
0x1e: {  	_ =	swait.ge [sflag:s5], $0x100  }
0x1f: {  	[sflag:s5] =	ssyncset.done $0x0  }
0x20: {  	s1 =	rddreg [dreg:$0x8];
	[sflag:s5] =	ssyncadd.s32 $0xFFFFFF00  }
0x21: {  	[tilespmem:s13], [sflag:$0xA] =	stream.linear.gather [hbm4b:s1+s6], $0x100, $0x38;
	[tilespmem:$0x14A00] =	vst v63  }
0x22: {  	_ =	swait.ge [sflag:s5], $0x100  }
0x23: {  	[sflag:s5] =	ssyncset.done $0x0  }
0x24: {  	[sflag:s5] =	ssyncadd.s32 $0xFFFFFF00  }
0x25: {  	_ =	swait.ge [sflag:s25], $0x900  }
0x26: {  	[sflag:s25] =	ssyncset.done $0x0  }
0x27: {  	[sflag:s25] =	ssyncadd.s32 $0xFFFFF700  }
0x28: {  	[bflag:$0x0] =	sbarrier.arrive $0xFFFF  }
0x29: {  	[tilespmem:s16], [sflag:$0x1] =	stream.indirect.gather [hbm4b:s7+s9], $0x100, s6, s9, $0xb8;
	[tilespmem:$0x14A00] =	vst v63  }
0x2a: {  	_ = 	snop  }
0x2b: {  	[tilespmem:s14], [sflag:$0x2] =	stream.indirect.gather [hbm4b:s7+s9], $0x100, s9, s9, $0xb8;
	[tilespmem:$0x14A00] =	vst v63  }
0x2c: {  	_ = 	snop  }
0x2d: {  	[tilespmem:s11], [sflag:$0x3] =	stream.indirect.gather [hbm4b:s7+s9], $0x100, s26, s9, $0xb8;
	[tilespmem:$0x14A00] =	vst v63  }
0x2e: {  	_ = 	snop  }
0x2f: {  	[tilespmem:s10], [sflag:$0x4] =	stream.indirect.gather [hbm4b:s7+s9], $0x100, s29, s9, $0xb8;
	[tilespmem:$0x14A00] =	vst v63  }
0x30: {  	_ =	swait.ge [sflag:s28], $0x4000  }
0x31: {  	[sflag:s28] =	ssyncset.done $0x0  }
0x32: {  	[sflag:s28] =	ssyncadd.s32 $0xFFFFC000  }
0x33: {  	[spmem:s2] =	stream.indirect.scatter.add.f32 [tilespmem:s16], [sflag:$0x5], $0x100, s13, s9, $0xb8;
	[tilespmem:$0x14A00] =	vst v63  }
0x34: {  	_ =	swait.ge [sflag:s22], $0x4000  }
0x35: {  	[sflag:s22] =	ssyncset.done $0x0  }
0x36: {  	[sflag:s22] =	ssyncadd.s32 $0xFFFFC000  }
0x37: {  	[spmem:s2] =	stream.indirect.scatter.add.f32 [tilespmem:s14], [sflag:$0x6], $0x100, s23, s9, $0xb8;
	[tilespmem:$0x14A00] =	vst v63  }
0x38: {  	_ =	swait.ge [sflag:s19], $0x4000  }
0x39: {  	[sflag:s19] =	ssyncset.done $0x0  }
0x3a: {  	[sflag:s19] =	ssyncadd.s32 $0xFFFFC000  }
0x3b: {  	[spmem:s2] =	stream.indirect.scatter.add.f32 [tilespmem:s11], [sflag:$0x7], $0x100, s20, s9, $0xb8;
	[tilespmem:$0x14A00] =	vst v63  }
0x3c: {  	_ =	swait.ge [sflag:s17], $0x4000  }
0x3d: {  	[sflag:s17] =	ssyncset.done $0x0  }
0x3e: {  	[sflag:s17] =	ssyncadd.s32 $0xFFFFC000  }
0x3f: {  	[spmem:s2] =	stream.indirect.scatter.add.f32 [tilespmem:s10], [sflag:$0x8], $0x100, s24, s9, $0xb8;
	[tilespmem:$0x14A00] =	vst v63  }
0x40: {  	_ =	swait.ge [sflag:s21], $0x4000  }
0x41: {  	[sflag:s21] =	ssyncset.done $0x0  }
0x42: {  	[sflag:s21] =	ssyncadd.s32 $0xFFFFC000  }
0x43: {  	_ =	swait.ge [sflag:s18], $0x4000  }
0x44: {  	[sflag:s18] =	ssyncset.done $0x0  }
0x45: {  	[sflag:s18] =	ssyncadd.s32 $0xFFFFC000  }
0x46: {  	_ =	swait.ge [sflag:s15], $0x4000  }
0x47: {  	[sflag:s15] =	ssyncset.done $0x0  }
0x48: {  	[sflag:s15] =	ssyncadd.s32 $0xFFFFC000  }
0x49: {  	_ =	swait.ge [sflag:s12], $0x4000  }
0x4a: {  	[sflag:s12] =	ssyncset.done $0x0  }
0x4b: {  	p1 =	sne.s32 s0, $0x1;
	[sflag:s12] =	ssyncadd.s32 $0xFFFFC000  }
.Ltmp1:
0x4c: {  	[bflag:$0x0] =	sbarrier.arrive $0xFFFF;
	(pc) =	sbr.rel @!p1 .LBB2_2-.Ltmp1, $4  }
0x4d: {  	s31 =	sor.u32 $0x1C0A, s3;
	[dreg:$0x9] =	wrdreg s3  }
0x4e: {  	[hbm:s4], [sflag:s31] =	dma.local [spmem:s8], $0x800  }
0x4f: {  	s0 =	sadd.s32 $0xFFFFFFFF, s0;
	_ =	swait.ge [sflag:s5], $0x800  }
0x50: {  	p0 =	por $0x1, $0x1;
	s1 =	rddreg [dreg:$0x5];
	[sflag:s5] =	ssyncset.done $0x0  }
.LBB2_3:
0x51: {  	s3 =	rddreg [dreg:$0x6];
	[sflag:s5] =	ssyncadd.s32 $0xFFFFF800  }
0x52: {  	[spmem:s30], [sflag:s3] =	dma.local [hbm:s1], $0x900  }
0x53: {  	s1 =	rddreg [dreg:$0x7]  }
0x54: {  	[tilespmem:s6], [sflag:$0xA] =	stream.linear.gather [hbm4b:s1+s6], $0x100, $0x38;
	[tilespmem:$0x14A00] =	vst v63  }
0x55: {  	_ =	swait.ge [sflag:s5], $0x100  }
0x56: {  	[sflag:s5] =	ssyncset.done $0x0  }
0x57: {  	s3 =	rddreg [dreg:$0x8];
	[sflag:s5] =	ssyncadd.s32 $0xFFFFFF00  }
0x58: {  	[tilespmem:s13], [sflag:$0xA] =	stream.linear.gather [hbm4b:s3+s6], $0x100, $0x38;
	[tilespmem:$0x14A00] =	vst v63  }
0x59: {  	_ =	swait.ge [sflag:s5], $0x100  }
0x5a: {  	[sflag:s5] =	ssyncset.done $0x0  }
0x5b: {  	[sflag:s5] =	ssyncadd.s32 $0xFFFFFF00  }
0x5c: {  	_ =	swait.ge [sflag:s25], $0x900  }
0x5d: {  	[sflag:s25] =	ssyncset.done $0x0  }
0x5e: {  	[sflag:s25] =	ssyncadd.s32 $0xFFFFF700  }
0x5f: {  	[bflag:$0x0] =	sbarrier.arrive $0xFFFF  }
0x60: {  	[tilespmem:s16], [sflag:$0x1] =	stream.indirect.gather [hbm4b:s7+s9], $0x100, s6, s9, $0xb8;
	[tilespmem:$0x14A00] =	vst v63  }
0x61: {  	_ = 	snop  }
0x62: {  	[tilespmem:s14], [sflag:$0x2] =	stream.indirect.gather [hbm4b:s7+s9], $0x100, s9, s9, $0xb8;
	[tilespmem:$0x14A00] =	vst v63  }
0x63: {  	_ = 	snop  }
0x64: {  	[tilespmem:s11], [sflag:$0x3] =	stream.indirect.gather [hbm4b:s7+s9], $0x100, s26, s9, $0xb8;
	[tilespmem:$0x14A00] =	vst v63  }
0x65: {  	_ = 	snop  }
0x66: {  	[tilespmem:s10], [sflag:$0x4] =	stream.indirect.gather [hbm4b:s7+s9], $0x100, s29, s9, $0xb8;
	[tilespmem:$0x14A00] =	vst v63  }
0x67: {  	_ =	swait.ge [sflag:s28], $0x4000  }
0x68: {  	[sflag:s28] =	ssyncset.done $0x0  }
0x69: {  	[sflag:s28] =	ssyncadd.s32 $0xFFFFC000  }
0x6a: {  	[spmem:s2] =	stream.indirect.scatter.add.f32 [tilespmem:s16], [sflag:$0x5], $0x100, s13, s9, $0xb8;
	[tilespmem:$0x14A00] =	vst v63  }
0x6b: {  	_ =	swait.ge [sflag:s22], $0x4000  }
0x6c: {  	[sflag:s22] =	ssyncset.done $0x0  }
0x6d: {  	[sflag:s22] =	ssyncadd.s32 $0xFFFFC000  }
0x6e: {  	[spmem:s2] =	stream.indirect.scatter.add.f32 [tilespmem:s14], [sflag:$0x6], $0x100, s23, s9, $0xb8;
	[tilespmem:$0x14A00] =	vst v63  }
0x6f: {  	_ =	swait.ge [sflag:s19], $0x4000  }
0x70: {  	[sflag:s19] =	ssyncset.done $0x0  }
0x71: {  	[sflag:s19] =	ssyncadd.s32 $0xFFFFC000  }
0x72: {  	[spmem:s2] =	stream.indirect.scatter.add.f32 [tilespmem:s11], [sflag:$0x7], $0x100, s20, s9, $0xb8;
	[tilespmem:$0x14A00] =	vst v63  }
0x73: {  	_ =	swait.ge [sflag:s17], $0x4000  }
0x74: {  	[sflag:s17] =	ssyncset.done $0x0  }
0x75: {  	[sflag:s17] =	ssyncadd.s32 $0xFFFFC000  }
0x76: {  	[spmem:s2] =	stream.indirect.scatter.add.f32 [tilespmem:s10], [sflag:$0x8], $0x100, s24, s9, $0xb8;
	[tilespmem:$0x14A00] =	vst v63  }
0x77: {  	_ =	swait.ge [sflag:s21], $0x4000  }
0x78: {  	[sflag:s21] =	ssyncset.done $0x0  }
0x79: {  	[sflag:s21] =	ssyncadd.s32 $0xFFFFC000  }
0x7a: {  	_ =	swait.ge [sflag:s18], $0x4000  }
0x7b: {  	[sflag:s18] =	ssyncset.done $0x0  }
0x7c: {  	[sflag:s18] =	ssyncadd.s32 $0xFFFFC000  }
0x7d: {  	_ =	swait.ge [sflag:s15], $0x4000  }
0x7e: {  	[sflag:s15] =	ssyncset.done $0x0  }
0x7f: {  	[sflag:s15] =	ssyncadd.s32 $0xFFFFC000  }
0x80: {  	_ =	swait.ge [sflag:s12], $0x4000  }
0x81: {  	p1 =	sne.s32 s0, $0x1;
	[sflag:s12] =	ssyncset.done $0x0  }
.Ltmp2:
0x82: {  	[sflag:s12] =	ssyncadd.s32 $0xFFFFC000;
	(pc) =	sbr.rel @p1 .LBB2_3-.Ltmp2, $4  }
0x83: {  	[bflag:$0x0] =	sbarrier.arrive $0xFFFF  }
0x84: {  	[hbm:s4], [sflag:s31] =	dma.local [spmem:s8], $0x800  }
0x85: {  	_ =	swait.ge [sflag:s5], $0x800  }
0x86: {  	s0 =	sadd.s32 $0xFFFFFFFF, s0;
	s1 =	rddreg [dreg:$0x5];
	[sflag:s5] =	ssyncset.done $0x0  }
0x87: {  	s31 =	rddreg [dreg:$0x4]  }
0x88: {  	s3 =	rddreg [dreg:$0x9]  }
.LBB2_5:
0x89: {  	s0 =	rddreg [dreg:$0x6];
	[sflag:s5] =	ssyncadd.s32 @p0 $0xFFFFF800  }
0x8a: {  	[spmem:s30], [sflag:s0] =	dma.local [hbm:s1], $0x900  }
0x8b: {  	s0 =	rddreg [dreg:$0x7]  }
0x8c: {  	[tilespmem:s6], [sflag:$0xA] =	stream.linear.gather [hbm4b:s0+s6], $0x100, $0x38;
	[tilespmem:$0x14A00] =	vst v63  }
0x8d: {  	_ =	swait.ge [sflag:s5], $0x100  }
0x8e: {  	[sflag:s5] =	ssyncset.done $0x0  }
0x8f: {  	s1 =	rddreg [dreg:$0x8];
	[sflag:s5] =	ssyncadd.s32 $0xFFFFFF00  }
0x90: {  	[tilespmem:s13], [sflag:$0xA] =	stream.linear.gather [hbm4b:s1+s6], $0x100, $0x38;
	[tilespmem:$0x14A00] =	vst v63  }
0x91: {  	_ =	swait.ge [sflag:s5], $0x100  }
0x92: {  	[sflag:s5] =	ssyncset.done $0x0  }
0x93: {  	[sflag:s5] =	ssyncadd.s32 $0xFFFFFF00  }
0x94: {  	_ =	swait.ge [sflag:s25], $0x900  }
0x95: {  	[sflag:s25] =	ssyncset.done $0x0  }
0x96: {  	[sflag:s25] =	ssyncadd.s32 $0xFFFFF700  }
0x97: {  	[bflag:$0x0] =	sbarrier.arrive $0xFFFF  }
0x98: {  	[tilespmem:s16], [sflag:$0x1] =	stream.indirect.gather [hbm4b:s7+s9], $0x100, s6, s9, $0xb8;
	[tilespmem:$0x14A00] =	vst v63  }
0x99: {  	_ = 	snop  }
0x9a: {  	[tilespmem:s14], [sflag:$0x2] =	stream.indirect.gather [hbm4b:s7+s9], $0x100, s9, s9, $0xb8;
	[tilespmem:$0x14A00] =	vst v63  }
0x9b: {  	_ = 	snop  }
0x9c: {  	[tilespmem:s11], [sflag:$0x3] =	stream.indirect.gather [hbm4b:s7+s9], $0x100, s26, s9, $0xb8;
	[tilespmem:$0x14A00] =	vst v63  }
0x9d: {  	_ = 	snop  }
0x9e: {  	[tilespmem:s10], [sflag:$0x4] =	stream.indirect.gather [hbm4b:s7+s9], $0x100, s29, s9, $0xb8;
	[tilespmem:$0x14A00] =	vst v63  }
0x9f: {  	_ =	swait.ge [sflag:s28], $0x4000  }
0xa0: {  	[sflag:s28] =	ssyncset.done $0x0  }
0xa1: {  	[sflag:s28] =	ssyncadd.s32 $0xFFFFC000  }
0xa2: {  	[spmem:s2] =	stream.indirect.scatter.add.f32 [tilespmem:s16], [sflag:$0x5], $0x100, s13, s9, $0xb8;
	[tilespmem:$0x14A00] =	vst v63  }
0xa3: {  	_ =	swait.ge [sflag:s22], $0x4000  }
0xa4: {  	[sflag:s22] =	ssyncset.done $0x0  }
0xa5: {  	[sflag:s22] =	ssyncadd.s32 $0xFFFFC000  }
0xa6: {  	[spmem:s2] =	stream.indirect.scatter.add.f32 [tilespmem:s14], [sflag:$0x6], $0x100, s23, s9, $0xb8;
	[tilespmem:$0x14A00] =	vst v63  }
0xa7: {  	_ =	swait.ge [sflag:s19], $0x4000  }
0xa8: {  	[sflag:s19] =	ssyncset.done $0x0  }
0xa9: {  	[sflag:s19] =	ssyncadd.s32 $0xFFFFC000  }
0xaa: {  	[spmem:s2] =	stream.indirect.scatter.add.f32 [tilespmem:s11], [sflag:$0x7], $0x100, s20, s9, $0xb8;
	[tilespmem:$0x14A00] =	vst v63  }
0xab: {  	_ =	swait.ge [sflag:s17], $0x4000  }
0xac: {  	[sflag:s17] =	ssyncset.done $0x0  }
0xad: {  	[sflag:s17] =	ssyncadd.s32 $0xFFFFC000  }
0xae: {  	[spmem:s2] =	stream.indirect.scatter.add.f32 [tilespmem:s10], [sflag:$0x8], $0x100, s24, s9, $0xb8;
	[tilespmem:$0x14A00] =	vst v63  }
0xaf: {  	_ =	swait.ge [sflag:s21], $0x4000  }
0xb0: {  	[sflag:s21] =	ssyncset.done $0x0  }
0xb1: {  	[sflag:s21] =	ssyncadd.s32 $0xFFFFC000  }
0xb2: {  	_ =	swait.ge [sflag:s18], $0x4000  }
0xb3: {  	[sflag:s18] =	ssyncset.done $0x0  }
0xb4: {  	[sflag:s18] =	ssyncadd.s32 $0xFFFFC000  }
0xb5: {  	_ =	swait.ge [sflag:s15], $0x4000  }
0xb6: {  	[sflag:s15] =	ssyncset.done $0x0  }
0xb7: {  	[sflag:s15] =	ssyncadd.s32 $0xFFFFC000  }
0xb8: {  	_ =	swait.ge [sflag:s12], $0x4000  }
0xb9: {  	[sflag:s12] =	ssyncset.done $0x0  }
0xba: {  	[sflag:s12] =	ssyncadd.s32 $0xFFFFC000  }
0xbb: {  	s29 =	sor.u32 $0x1C0A, s3;
	[bflag:$0x0] =	sbarrier.arrive $0xFFFF  }
0xbc: {  	[hbm:s4], [sflag:s29] =	dma.local [spmem:s8], $0x800  }
0xbd: {  	_ =	swait.ge [sflag:s5], $0x800  }
0xbe: {  	[sflag:s5] =	ssyncset.done $0x0  }
0xbf: {  	[sflag:s5] =	ssyncadd.s32 $0xFFFFF800  }
0xc0: {  	_ =	sfence.sel $0x180000  }
0xc1: {  	s30 =	stileid.u32;
	[bflag:$0x0] =	sbarrier.arrive $0xFFFF  }
0xc2: {  	p0 =	sne.s32 s30, $0x0;
	_ =	strace $0x90000053  }
0xc3: {  	s0 =	sadd.s32 @!p0 $0x100000, s31;
	[bflag:$0x2] =	sbarrier.arrive $0xFFFF  }
0xc4: {  	[sflag:s0] =	ssyncadd.tile.s32 @!p0 $0x1;
	_ =	shalt  }
.LBB2_2:
.Ltmp3:
0xc5: {  	(pc) =	sbr.rel .LBB2_5-.Ltmp3, $3  }
0xc6: {  	_ =	sdelay $0x1  }
0xc7: {  	s31 =	rddreg [dreg:$0x4]  }
0xc8: {  	s3 =	rddreg [dreg:$0x9]  }
.Lfunc_end2:
_tile_overlayer_lowered:
.L_overlay_start_2:
0xc9: {  	(tag) =	ssettag $0x2  }
0xca: {  	s0 =	rddreg [dreg:$0x0];
	s2 =	stileid.u32  }
0xcb: {  	s1 =	rddreg [dreg:$0x1];
	p0 =	sne.s32 s2, $0x0  }
0xcc: {  	s3 =	rddreg [dreg:$0x2];
	[bflag:$0x3] =	sbarrier.arrive $0xFFFF;
	s2 =	simm.s32 @!p0 $0x1C0A  }
0xcd: {  	[timem:s3], [sflag:s2] =	dma.local @!p0 [hbm:s0], s1  }
0xce: {  	s0 =	simm.s32 @!p0 $0xA  }
0xcf: {  	_ =	swait.ge @!p0 [sflag:s0], s1  }
0xd0: {  	s1 =	ssub.s32 @!p0 $0x0, s1;
	[sflag:s0] =	ssyncset.done @!p0 $0x0  }
0xd1: {  	[sflag:s0] =	ssyncadd.s32 @!p0 s1  }
0xd2: {  	[bflag:$0x3] =	sbarrier.arrive $0xFFFF  }
0xd3: {  	_ =	shalt  }

// kernel: kernel.28.cloned.1.call-start
scs
__scs_entry_jumppad:
0x0: {  	(pc) =	sbr.rel $0x88, $3  }
0x1: {  	(tag) =	ssettag $0x0;
	lr =	simm.s32 $0x1  }
0x2: {  	[smem:$0x3F88] =	sst lr;
	_ =	strace $0xD0000000  }
0x3: {  	_ = 	snop  }
0x4: {  	_ = 	snop  }
0x5: {  	_ = 	snop  }
0x6: {  	_ = 	snop  }
0x7: {  	_ = 	snop  }
__scs_overlays_trampoline_lowered:
0x8: {  	[smem:$0x3F97] =	sst s0  }
0x9: {  	[smem:$0x3F98] =	sst s1  }
0xa: {  	[smem:$0x3F99] =	sst s2  }
0xb: {  	[smem:$0x3F9A] =	sst s3  }
0xc: {  	[smem:$0x3F9B] =	sst s4  }
0xd: {  	[smem:$0x3F9C] =	sst s5  }
0xe: {  	[smem:$0x3F9D] =	sst s6  }
0xf: {  	[smem:$0x3F9E] =	sst s7  }
0x10: {  	[smem:$0x3F9F] =	sst s8  }
0x11: {  	[smem:$0x3FA0] =	sst s9;
	s0 =	simm.s32 @!p0 $0x0  }
0x12: {  	s1 =	sld [smem:$0x3F86];
	s0 =	simm.s32 @p0 $0x1  }
0x13: {  	[smem:$0x3FA1] =	sst s0;
	s0 =	simm.s32 @!p1 $0x0  }
0x14: {  	s2 =	sld [smem:$0x3F85];
	s0 =	simm.s32 @p1 $0x1  }
0x15: {  	[smem:$0x3FA2] =	sst s0;
	s0 =	simm.s32 @!p2 $0x0  }
0x16: {  	s3 =	sld [smem:$0x3FDB];
	s0 =	simm.s32 @p2 $0x1  }
0x17: {  	s4 =	simm.s32 $0x1BF5;
	[smem:$0x3FA4] =	sst s0  }
0x18: {  	s0 =	sld [smem:$0x3F87];
	_ =	swait.ge [sflag:s4], $0x0  }
0x19: {  	s7 =	sld [smem:$0x3F88]  }
0x1a: {  	s8 =	sadd.s32 $0xFFFFE003, lr  }
0x1b: {  	s9 =	sadd.s32 $0xFFFFFEF7, lr;
	s5 =	simm.s32 $0xFFFFFFFF;
	p2 =	slt.u32 s8, $0xFFFFF086  }
0x1c: {  	p1 =	slt.u32 s9, $0xF7A;
	s5 =	simm.s32 @!p2 $0x0  }
0x1d: {  	s5 =	simm.s32 @p1 $0x1;
	p0 =	seq.s32 s7, s2  }
0x1e: {  	s7 =	smul.u32 @!p0 $0xF7A, s2;
	p2 =	seq.s32 @!p0 s5, $0x0  }
0x1f: {  	s9 =	smul.u32 $0xF7A, s1;
	s8 =	simm.s32 @!p0 $0x1BF5;
	p2 =	por !p2, p0  }
0x20: {  	[sflag:s8] =	ssyncset.s32 @!p0 $0xFFFFF086;
	s6 =	sadd.s32 @!p0 s3, s7;
	s7 =	simm.s32 @!p0 $0x108  }
0x21: {  	s3 =	sadd.s32 s3, s9;
	s6 =	sadd.s32 @!p0 $0x88, s6;
	s7 =	simm.s32 @p2 $0x1082  }
0x22: {  	[simem:s7], [sflag:s8] =	dma.local @!p0 [hbm:s6], $0xF7A  }
0x23: {  	s9 =	sor.u32 $0xD0000000, s2;
	s6 =	simm.s32 $0x108;
	_ =	swait.ge @!p0 [sflag:s8], $0x0  }
0x24: {  	s3 =	sadd.s32 $0x88, s3;
	s6 =	simm.s32 @!p1 $0x1082;
	[sflag:s4] =	ssyncset.s32 $0xFFFFF086  }
0x25: {  	[simem:s6], [sflag:s4] =	dma.local [hbm:s3], $0xF7A  }
0x26: {  	[smem:$0x3F88] =	sst s1;
	(tag) =	ssettag s2;
	_ =	strace s9  }
0x27: {  	s1 =	sld [smem:$0x3F98]  }
0x28: {  	s2 =	sld [smem:$0x3F99]  }
0x29: {  	s4 =	sld [smem:$0x3F9B]  }
0x2a: {  	p0 =	seq.s32 s5, $0x0;
	s5 =	sld [smem:$0x3F9C]  }
0x2b: {  	s6 =	sld [smem:$0x3F9D]  }
0x2c: {  	s7 =	sld [smem:$0x3F9E]  }
0x2d: {  	s3 =	simm.s32 $0x108;
	s8 =	sld [smem:$0x3F9F]  }
0x2e: {  	s3 =	simm.s32 @!p0 $0x1082;
	s9 =	sld [smem:$0x3FA0]  }
0x2f: {  	lr =	sadd.s32 s0, s3;
	s0 =	sld [smem:$0x3F97]  }
0x30: {  	s3 =	sld [smem:$0x3F9A]  }
0x31: {  	[smem:$0x3FA3] =	sst s10  }
0x32: {  	s10 =	sld [smem:$0x3FA1];
	_ =	sdelay $0x3  }
0x33: {  	p0 =	seq.s32 s10, $0x1;
	s10 =	sld [smem:$0x3FA3];
	_ =	sdelay $0x3  }
0x34: {  	[smem:$0x3FA3] =	sst s10  }
0x35: {  	s10 =	sld [smem:$0x3FA2];
	_ =	sdelay $0x3  }
0x36: {  	p1 =	seq.s32 s10, $0x1;
	s10 =	sld [smem:$0x3FA3];
	_ =	sdelay $0x3  }
0x37: {  	[smem:$0x3FA3] =	sst s10  }
0x38: {  	s10 =	sld [smem:$0x3FA4]  }
0x39: {  	_ = 	snop;
	(pc) =	sbr.ind lr, $3  }
0x3a: {  	_ = 	snop  }
0x3b: {  	_ = 	snop  }
0x3c: {  	p2 =	seq.s32 s10, $0x1;
	s10 =	sld [smem:$0x3FA3]  }
0x3d: {  	_ =	shalt  }
0x3e: {  	_ =	shalt  }
0x3f: {  	_ =	shalt  }
0x40: {  	_ =	shalt  }
0x41: {  	_ =	shalt  }
0x42: {  	_ =	shalt  }
0x43: {  	_ =	shalt  }
0x44: {  	_ =	shalt  }
0x45: {  	_ =	shalt  }
0x46: {  	_ =	shalt  }
0x47: {  	_ =	shalt  }
0x48: {  	_ =	shalt  }
0x49: {  	_ =	shalt  }
0x4a: {  	_ =	shalt  }
0x4b: {  	_ =	shalt  }
0x4c: {  	_ =	shalt  }
0x4d: {  	_ =	shalt  }
0x4e: {  	_ =	shalt  }
0x4f: {  	_ =	shalt  }
0x50: {  	_ =	shalt  }
0x51: {  	_ =	shalt  }
0x52: {  	_ =	shalt  }
0x53: {  	_ =	shalt  }
0x54: {  	_ =	shalt  }
0x55: {  	_ =	shalt  }
0x56: {  	_ =	shalt  }
0x57: {  	_ =	shalt  }
0x58: {  	_ =	shalt  }
0x59: {  	_ =	shalt  }
0x5a: {  	_ =	shalt  }
0x5b: {  	_ =	shalt  }
0x5c: {  	_ =	shalt  }
0x5d: {  	_ =	shalt  }
0x5e: {  	_ =	shalt  }
0x5f: {  	_ =	shalt  }
0x60: {  	_ =	shalt  }
0x61: {  	_ =	shalt  }
0x62: {  	_ =	shalt  }
0x63: {  	_ =	shalt  }
0x64: {  	_ =	shalt  }
0x65: {  	_ =	shalt  }
0x66: {  	_ =	shalt  }
0x67: {  	_ =	shalt  }
0x68: {  	_ =	shalt  }
0x69: {  	_ =	shalt  }
0x6a: {  	_ =	shalt  }
0x6b: {  	_ =	shalt  }
0x6c: {  	_ =	shalt  }
0x6d: {  	_ =	shalt  }
0x6e: {  	_ =	shalt  }
0x6f: {  	_ =	shalt  }
0x70: {  	_ =	shalt  }
0x71: {  	_ =	shalt  }
0x72: {  	_ =	shalt  }
0x73: {  	_ =	shalt  }
0x74: {  	_ =	shalt  }
0x75: {  	_ =	shalt  }
0x76: {  	_ =	shalt  }
0x77: {  	_ =	shalt  }
0x78: {  	_ =	shalt  }
0x79: {  	_ =	shalt  }
0x7a: {  	_ =	shalt  }
0x7b: {  	_ =	shalt  }
0x7c: {  	_ =	shalt  }
0x7d: {  	_ =	shalt  }
0x7e: {  	_ =	shalt  }
0x7f: {  	_ =	shalt  }
0x80: {  	_ =	shalt  }
0x81: {  	_ =	shalt  }
0x82: {  	_ =	shalt  }
0x83: {  	_ =	shalt  }
0x84: {  	_ =	shalt  }
0x85: {  	_ =	shalt  }
0x86: {  	_ =	shalt  }
0x87: {  	_ =	shalt  }
.Lfunc_end0:
.L_simem_size_0:
called_computation.5_lowered:
.L_overlay_start_0:
0x88: {  	s2 =	sld [smem:$0x3FD9]  }
0x89: {  	s3 =	sld [smem:$0x3FFE];
	_ =	sdelay $0x1  }
0x8a: {  	s1 =	srdreg.scid  }
0x8b: {  	s0 =	sand.u32 $0x1, s1  }
0x8c: {  	s17 =	sshll.u32 s0, $0xA;
	s2 =	sadd.s32 s3, s2  }
0x8d: {  	s2 =	sadd.s32 s2, s17  }
0x8e: {  	[smem:$0x3FAF] =	sst s2  }
0x8f: {  	_ = 	snop  }
0x90: {  	s2 =	sld [smem:$0x3FB8]  }
0x91: {  	s18 =	sld [smem:$0x3FB7];
	(tm) =	ssettm $0x1  }
0x92: {  	s4 =	sld [smem:$0x3FFB];
	_ =	sdelay $0x3  }
0x93: {  	_ =	strace s4  }
0x94: {  	s4 =	sld [smem:$0x3FFC];
	_ =	sdelay $0x3  }
0x95: {  	_ =	strace s4  }
0x96: {  	s4 =	sld [smem:$0x3FFD];
	_ =	sdelay $0x3  }
0x97: {  	_ =	strace s4  }
0x98: {  	_ =	strace $0x8FFFFFFF  }
0x99: {  	s19 =	sld [smem:$0x3FDB];
	_ =	sdelay $0x1  }
0x9a: {  	s5 =	simm.s32 $_scs_section_size  }
0x9b: {  	s6 =	simm.s32 $_size__tile_overlayer_lowered;
	s7 =	simm.s32 $_tile_overlayer_lowered  }
0x9c: {  	s22 =	simm.s32 $0x1BFF;
	s21 =	sshll.u32 s7, $0x1;
	s4 =	sadd.s32 s5, s19  }
0x9d: {  	s8 =	simm.s32 $0x0;
	s20 =	sshll.u32 s6, $0x1;
	s6 =	sadd.s32 s21, s4  }
0x9e: {  	[timem:s8], [sflag:s22] =	dma.local [hbm:s6], s20  }
0x9f: {  	_ =	swait.ge [sflag:s22], s20  }
0xa0: {  	s5 =	ssub.s32 $0x0, s20;
	[sflag:s22] =	ssyncset.done $0x0  }
0xa1: {  	[sflag:s22] =	ssyncadd.s32 s5;
	_ =	sdelay $0x1  }
0xa2: {  	s23 =	simm.s32 $0x1B8B  }
0xa3: {  	_ =	swait.ge [sflag:s23], $0x1  }
0xa4: {  	[sflag:s23] =	ssyncset.done $0x0  }
0xa5: {  	s25 =	simm.s32 $0x1B8E;
	s24 =	sld [smem:$0x3FFE];
	[sflag:s23] =	ssyncadd.s32 $0xFFFFFFFF  }
0xa6: {  	s26 =	simm.s32 $execute0_lowered;
	[smem:$0x3FD2] =	sst s25  }
0xa7: {  	s6 =	sshll.u32 s26, $0x1;
	_ =	strace $0x80000055;
	[dreg:$0x1] =	wrdreg $0xFFFFFFFF  }
0xa8: {  	s28 =	simm.s32 $_size_execute0_lowered;
	s4 =	sadd.s32 s4, s6;
	[dreg:$0x0] =	wrdreg $0x0  }
0xa9: {  	s6 =	sshll.u32 s28, $0x1;
	[dreg:$0x2] =	wrdreg s4  }
0xaa: {  	[dreg:$0x3] =	wrdreg s6  }
0xab: {  	[dreg:$0x4] =	wrdreg $0xC0  }
0xac: {  	_ =	task [dreg:s8], $0x5FFFF  }
0xad: {  	[dreg:$0x1] =	wrdreg $0xFFFFFFFF  }
0xae: {  	[dreg:$0x0] =	wrdreg $0x60  }
0xaf: {  	[dreg:$0x2] =	wrdreg s24  }
0xb0: {  	[dreg:$0x3] =	wrdreg s2  }
0xb1: {  	[dreg:$0x4] =	wrdreg s18  }
0xb2: {  	[dreg:$0x5] =	wrdreg $0x80800  }
0xb3: {  	[dreg:$0x6] =	wrdreg $0x9  }
0xb4: {  	_ =	task.clear_ibuf [dreg:s8], $0x7FFFF;
	_ =	strace $0x90000055  }
0xb5: {  	s29 =	simm.s32 $0x9;
	_ =	strace $0x80000057  }
0xb6: {  	_ =	swait.ge [sflag:s29], $0x1  }
0xb7: {  	[sflag:s29] =	ssyncadd.s32 $0xFFFFFFFF  }
0xb8: {  	_ =	strace $0x90000057  }
0xb9: {  	_ =	sfence  }
0xba: {  	s30 =	sld [smem:$0x0];
	_ =	sdelay $0x2  }
0xbb: {  	s31 =	sshll.u32 s1, $0xD;
	s1 =	sshrl.u32 s1, $0x2  }
0xbc: {  	s3 =	sand.u32 $0x4000, s31;
	s1 =	sadd.s32 s1, s30  }
0xbd: {  	s0 =	sor.u32 s3, s0;
	s1 =	sshll.u32 s1, $0x11  }
0xbe: {  	s0 =	sor.u32 s1, s0  }
0xbf: {  	s0 =	sadd.s32 $0x8F2B, s0  }
0xc0: {  	[sflag:s0] =	ssyncadd.remote.s32 $0x1  }
0xc1: {  	_ =	sfence.sel $0xFFFF  }
0xc2: {  	[dreg:$0x0] =	wrdreg $0xFFFFFFFF;
	(pc) =	sbr.abs _section_cstart, $3  }
0xc3: {  	[dreg:$0x1] =	wrdreg $0xFFFFFFFF  }
0xc4: {  	_ =	task.clear_ibuf [dreg:s8], $0x2FFFF;
	_ =	strace $0x9FFFFFFF  }
0xc5: {  	(tm) =	ssettm $0x7FFFFFFF  }
tec
execute0_lowered:
.L_overlay_start_1:
0x0: {  	(tag) =	ssettag $0x1  }
0x1: {  	s21 =	rddreg [dreg:$0x0]  }
0x2: {  	s6 =	rddreg [dreg:$0x1]  }
0x3: {  	s9 =	rddreg [dreg:$0x2]  }
0x4: {  	s2 =	rddreg [dreg:$0x3]  }
0x5: {  	s0 =	rddreg [dreg:$0x4];
	s3 =	simm.s32 $0x0;
	s1 =	stileid.u32  }
0x6: {  	s5 =	srdreg.scid;
	[smem:$0x7FF] =	sst s3  }
0x7: {  	s4 =	sshll.u32 s1, $0xA;
	s7 =	sshll.u32 s1, $0xD;
	s20 =	sand.u32 $0x1, s5  }
0x8: {  	s22 =	sshll.u32 s1, $0x6;
	s10 =	sshll.u32 s1, $0x3;
	_ =	strace $0x80000056  }
0x9: {  	s4 =	sadd.s32 s4, s21;
	s7 =	sadd.s32 s7, s2;
	s8 =	sshll.u32 s20, $0x7  }
0xa: {  	s5 =	sor.u32 $0x1C05, s22;
	s4 =	sadd.s32 $0x15000, s4;
	s10 =	sor.u32 s10, s8  }
0xb: {  	s8 =	sshrl.u32 s7, $0x3;
	s7 =	simm.s32 $0x6;
	s6 =	sadd.s32 s6, s10  }
0xc: {  	[spmem:s8], [sflag:s5] =	dma.local [hbm:s4], $0x400  }
0xd: {  	[tilespmem:s3], [sflag:$0x6] =	stream.linear.gather [hbm4b:s6+s3], $0x40, $0x38;
	[tilespmem:$0xA080] =	vst v63  }
0xe: {  	_ =	swait.ge [sflag:s7], $0x40  }
0xf: {  	[sflag:s7] =	ssyncset.done $0x0  }
0x10: {  	s9 =	sadd.s32 s9, s10;
	s10 =	simm.s32 $0x40;
	[sflag:s7] =	ssyncadd.s32 $0xFFFFFFC0  }
0x11: {  	[tilespmem:s10], [sflag:$0x6] =	stream.linear.gather [hbm4b:s9+s3], $0x40, $0x38;
	[tilespmem:$0xA080] =	vst v63  }
0x12: {  	_ =	swait.ge [sflag:s7], $0x40  }
0x13: {  	[sflag:s7] =	ssyncset.done $0x0  }
0x14: {  	s11 =	simm.s32 $0x5;
	[sflag:s7] =	ssyncadd.s32 $0xFFFFFFC0  }
0x15: {  	_ =	swait.ge [sflag:s11], $0x400  }
0x16: {  	[sflag:s11] =	ssyncset.done $0x0  }
0x17: {  	s13 =	simm.s32 $0x20;
	[sflag:s11] =	ssyncadd.s32 $0xFFFFFC00  }
0x18: {  	s14 =	simm.s32 $0x80;
	s12 =	sadd.s32 $0x5000, s21;
	[bflag:$0x0] =	sbarrier.arrive $0xFFFF  }
0x19: {  	[tilespmem:s14], [sflag:$0x1] =	stream.indirect.gather [hbm4b:s12+s13], $0x200, s3, s13, $0xb8;
	[tilespmem:$0xA080] =	vst v63  }
0x1a: {  	s15 =	simm.s32 $0x4080;
	s16 =	simm.s32 $0x1  }
0x1b: {  	[tilespmem:s15], [sflag:$0x2] =	stream.indirect.gather [hbm4b:s12+s13], $0x200, s13, s13, $0xb8;
	[tilespmem:$0xA080] =	vst v63  }
0x1c: {  	_ =	swait.ge [sflag:s16], $0x4000  }
0x1d: {  	[sflag:s16] =	ssyncset.done $0x0  }
0x1e: {  	s17 =	simm.s32 $0x2;
	[sflag:s16] =	ssyncadd.s32 $0xFFFFC000  }
0x1f: {  	[spmem:s2] =	stream.indirect.scatter.add.f32 [tilespmem:s14], [sflag:$0x3], $0x200, s10, s13, $0xb8;
	[tilespmem:$0xA080] =	vst v63  }
0x20: {  	s18 =	simm.s32 $0x60;
	_ =	swait.ge [sflag:s17], $0x4000  }
0x21: {  	s19 =	simm.s32 $0x3;
	s24 =	sshll.u32 s1, $0xC;
	[sflag:s17] =	ssyncset.done $0x0  }
0x22: {  	s23 =	sshll.u32 s20, $0x10;
	s25 =	ssub.s32 $0x2, s20;
	[sflag:s17] =	ssyncadd.s32 $0xFFFFC000  }
0x23: {  	[spmem:s2] =	stream.indirect.scatter.add.f32 [tilespmem:s15], [sflag:$0x4], $0x200, s18, s13, $0xb8;
	[tilespmem:$0xA080] =	vst v63  }
0x24: {  	s20 =	simm.s32 $0x4;
	s23 =	sor.u32 s24, s23;
	_ =	swait.ge [sflag:s19], $0x4000  }
0x25: {  	s31 =	sshrl.u32 s25, $0x1;
	s23 =	sshrl.u32 s23, $0x3;
	[sflag:s19] =	ssyncset.done $0x0  }
0x26: {  	s21 =	sadd.s32 s23, s21;
	s23 =	ssub.s32 s25, s31;
	[sflag:s19] =	ssyncadd.s32 $0xFFFFC000  }
0x27: {  	s25 =	smax.u32 s23, $0x1;
	_ =	swait.ge [sflag:s20], $0x4000  }
0x28: {  	s22 =	sor.u32 $0x1C06, s22;
	p0 =	sne.s32 s25, $0x1;
	[sflag:s20] =	ssyncset.done $0x0  }
.Ltmp0:
0x29: {  	s24 =	sadd.s32 s24, s2;
	[sflag:s20] =	ssyncadd.s32 $0xFFFFC000;
	(pc) =	sbr.rel @!p0 .LBB2_2-.Ltmp0, $4  }
0x2a: {  	s21 =	sadd.s32 $0x19000, s21;
	s23 =	sshrl.u32 s24, $0x3;
	[bflag:$0x0] =	sbarrier.arrive $0xFFFF  }
0x2b: {  	[hbm:s21], [sflag:s22] =	dma.local [spmem:s23], $0x200  }
0x2c: {  	_ =	swait.ge [sflag:s7], $0x200  }
0x2d: {  	s24 =	sadd.s32 $0xFFFFFFFF, s25;
	[sflag:s7] =	ssyncset.done $0x0  }
.LBB2_1:
0x2e: {  	p0 =	sne.s32 s24, $0x1;
	s24 =	sadd.s32 $0xFFFFFFFF, s24;
	[sflag:s7] =	ssyncadd.s32 $0xFFFFFE00  }
0x2f: {  	[spmem:s8], [sflag:s5] =	dma.local [hbm:s4], $0x400  }
0x30: {  	[tilespmem:s3], [sflag:$0x6] =	stream.linear.gather [hbm4b:s6+s3], $0x40, $0x38;
	[tilespmem:$0xA080] =	vst v63  }
0x31: {  	_ =	swait.ge [sflag:s7], $0x40  }
0x32: {  	[sflag:s7] =	ssyncset.done $0x0  }
0x33: {  	[sflag:s7] =	ssyncadd.s32 $0xFFFFFFC0  }
0x34: {  	[tilespmem:s10], [sflag:$0x6] =	stream.linear.gather [hbm4b:s9+s3], $0x40, $0x38;
	[tilespmem:$0xA080] =	vst v63  }
0x35: {  	_ =	swait.ge [sflag:s7], $0x40  }
0x36: {  	[sflag:s7] =	ssyncset.done $0x0  }
0x37: {  	[sflag:s7] =	ssyncadd.s32 $0xFFFFFFC0  }
0x38: {  	_ =	swait.ge [sflag:s11], $0x400  }
0x39: {  	[sflag:s11] =	ssyncset.done $0x0  }
0x3a: {  	[sflag:s11] =	ssyncadd.s32 $0xFFFFFC00  }
0x3b: {  	[bflag:$0x0] =	sbarrier.arrive $0xFFFF  }
0x3c: {  	[tilespmem:s14], [sflag:$0x1] =	stream.indirect.gather [hbm4b:s12+s13], $0x200, s3, s13, $0xb8;
	[tilespmem:$0xA080] =	vst v63  }
0x3d: {  	_ = 	snop  }
0x3e: {  	[tilespmem:s15], [sflag:$0x2] =	stream.indirect.gather [hbm4b:s12+s13], $0x200, s13, s13, $0xb8;
	[tilespmem:$0xA080] =	vst v63  }
0x3f: {  	_ =	swait.ge [sflag:s16], $0x4000  }
0x40: {  	[sflag:s16] =	ssyncset.done $0x0  }
0x41: {  	[sflag:s16] =	ssyncadd.s32 $0xFFFFC000  }
0x42: {  	[spmem:s2] =	stream.indirect.scatter.add.f32 [tilespmem:s14], [sflag:$0x3], $0x200, s10, s13, $0xb8;
	[tilespmem:$0xA080] =	vst v63  }
0x43: {  	_ =	swait.ge [sflag:s17], $0x4000  }
0x44: {  	[sflag:s17] =	ssyncset.done $0x0  }
0x45: {  	[sflag:s17] =	ssyncadd.s32 $0xFFFFC000  }
0x46: {  	[spmem:s2] =	stream.indirect.scatter.add.f32 [tilespmem:s15], [sflag:$0x4], $0x200, s18, s13, $0xb8;
	[tilespmem:$0xA080] =	vst v63  }
0x47: {  	_ =	swait.ge [sflag:s19], $0x4000  }
0x48: {  	[sflag:s19] =	ssyncset.done $0x0  }
0x49: {  	[sflag:s19] =	ssyncadd.s32 $0xFFFFC000  }
0x4a: {  	_ =	swait.ge [sflag:s20], $0x4000  }
0x4b: {  	[sflag:s20] =	ssyncset.done $0x0  }
.Ltmp1:
0x4c: {  	[sflag:s20] =	ssyncadd.s32 $0xFFFFC000;
	(pc) =	sbr.rel @p0 .LBB2_1-.Ltmp1, $4  }
0x4d: {  	[bflag:$0x0] =	sbarrier.arrive $0xFFFF  }
0x4e: {  	[hbm:s21], [sflag:s22] =	dma.local [spmem:s23], $0x200  }
0x4f: {  	_ =	swait.ge [sflag:s7], $0x200  }
0x50: {  	[sflag:s7] =	ssyncset.done $0x0  }
.LBB2_2:
0x51: {  	[sflag:s7] =	ssyncadd.s32 $0xFFFFFE00  }
0x52: {  	_ =	sfence.sel $0x180000  }
0x53: {  	[bflag:$0x0] =	sbarrier.arrive $0xFFFF  }
0x54: {  	p0 =	sne.s32 s1, $0x0;
	_ =	strace $0x90000056  }
0x55: {  	s0 =	sadd.s32 @!p0 $0x100000, s0;
	[bflag:$0x2] =	sbarrier.arrive $0xFFFF  }
0x56: {  	[sflag:s0] =	ssyncadd.tile.s32 @!p0 $0x1;
	_ =	shalt  }
.Lfunc_end2:
_tile_overlayer_lowered:
.L_overlay_start_2:
0x57: {  	(tag) =	ssettag $0x2  }
0x58: {  	s0 =	rddreg [dreg:$0x0];
	s2 =	stileid.u32  }
0x59: {  	s1 =	rddreg [dreg:$0x1];
	p0 =	sne.s32 s2, $0x0  }
0x5a: {  	s3 =	rddreg [dreg:$0x2];
	[bflag:$0x3] =	sbarrier.arrive $0xFFFF;
	s2 =	simm.s32 @!p0 $0x1C06  }
0x5b: {  	[timem:s3], [sflag:s2] =	dma.local @!p0 [hbm:s0], s1  }
0x5c: {  	s0 =	simm.s32 @!p0 $0x6  }
0x5d: {  	_ =	swait.ge @!p0 [sflag:s0], s1  }
0x5e: {  	s1 =	ssub.s32 @!p0 $0x0, s1;
	[sflag:s0] =	ssyncset.done @!p0 $0x0  }
0x5f: {  	[sflag:s0] =	ssyncadd.s32 @!p0 s1  }
0x60: {  	[bflag:$0x3] =	sbarrier.arrive $0xFFFF  }
0x61: {  	_ =	shalt  }

</sc_bundles>
